<compile_context>
chip_gen: v7x
topology: tpu7x:2x2x1
jax: 0.10.2.dev20260603
libtpu: 0.0.44.dev20260713+nightly
codegen_flags: <defaults>
</compile_context>

<pallas_src>
import functools

import jax
import jax.numpy as jnp
from jax import lax
from jax.experimental import pallas as pl
from jax.experimental.pallas import tpu as pltpu
from jax.experimental.pallas import tpu_sc as plsc

N_NODES = 10000
D = 128
L = 16
NC, NS = 2, 16
NW = NC * NS
N_PAD = 10240
NROW = N_PAD // L
DROW = N_PAD // D
E_CHUNK = 128
E_PAD = NW * E_CHUNK * 80
PAD_NODE = 10200
TH0, TH1, TH2 = 0.6, -0.4, 0.2

f32 = jnp.float32
i32 = jnp.int32

_mesh = lambda: plsc.VectorSubcoreMesh(
    core_axis_name="c", subcore_axis_name="s", num_cores=NC, num_subcores=NS)
_params = pltpu.CompilerParams(needs_layout_passes=False)


def _zero16():
    return jnp.zeros((L,), f32)


def _splat(v):
    return jnp.full((L,), v, i32)


def _newton_rsqrt(d):
    bits = plsc.bitcast(d, i32)
    seed = 0x5F3759DF - (bits >> 1)
    y = plsc.bitcast(seed, f32)
    for _ in range(3):
        y = y * (1.5 - 0.5 * d * y * y)
    return y


def _deg_dinv_h(feat_hbm, src_hbm, dinv_hbm, h_hbm,
                deg_v, srcbuf, idxv, zrows, dinv_v, fbuf, hbuf, spm_deg):
    c = lax.axis_index("c")
    s = lax.axis_index("s")
    w = c * NS + s

    def zrow(i, _):
        for k in range(8):
            deg_v[i, pl.ds(k * L, L)] = _zero16()
        return _

    lax.fori_loop(0, DROW, zrow, None)
    for i in range(8):
        for k in range(8):
            zrows[i, pl.ds(k * L, L)] = _zero16()

    @pl.when(s < 10)
    def _():
        pltpu.sync_copy(zrows, spm_deg.at[pl.ds(s * 8, 8)])

    plsc.subcore_barrier()

    ones = jnp.full((L,), 1.0, f32)
    epw = E_PAD // NS

    def deg_chunk(ci, _):
        base = s * epw + ci * E_CHUNK
        pltpu.sync_copy(src_hbm.at[pl.ds(base, E_CHUNK)], srcbuf)
        for j in range(8):
            idx = srcbuf[pl.ds(j * L, L)]
            plsc.addupdate_scatter(deg_v, [idx >> 7, idx & 127], ones)
        return _

    lax.fori_loop(0, epw // E_CHUNK, deg_chunk, None)

    for j in range(5):
        idxv[pl.ds(j * L, L)] = lax.iota(i32, L) + j * L
    pltpu.sync_copy(deg_v, spm_deg.at[idxv], add=True)

    plsc.subcore_barrier()

    @pl.when(s < 10)
    def _():
        pltpu.sync_copy(spm_deg.at[pl.ds(s * 8, 8)], zrows)

        def dinv_row(j, _):
            for k in range(8):
                sl = pl.ds(k * L, L)
                zrows[j, sl] = _newton_rsqrt(jnp.maximum(zrows[j, sl], 1.0))
            return _

        lax.fori_loop(0, 8, dinv_row, None)
        pltpu.sync_copy(zrows, spm_deg.at[pl.ds(s * 8, 8)])

        @pl.when(c == 0)
        def _():
            pltpu.sync_copy(zrows, dinv_hbm.at[pl.ds(s * 8, 8)])

    plsc.subcore_barrier()

    wb = w * 320
    pltpu.sync_copy(spm_deg, dinv_v)

    def scale_block(blk, _):
        rb = wb + blk * 64
        pltpu.sync_copy(feat_hbm.at[pl.ds(rb, 64)], fbuf)

        def scale_row(r, __):
            g = rb + r
            dval = plsc.load_gather(dinv_v, [_splat(g >> 7), _splat(g & 127)])
            for k in range(8):
                hbuf[r, pl.ds(k * L, L)] = fbuf[r, pl.ds(k * L, L)] * dval
            return __

        lax.fori_loop(0, 64, scale_row, None)
        pltpu.sync_copy(hbuf, h_hbm.at[pl.ds(rb, 64)])
        return _

    lax.fori_loop(0, 5, scale_block, None)


def _edge_pass(h_hbm, src_hbm, dst_hbm, aggs_out,
               zbuf, srcv, dstv, rows, gsem, spm_agg):
    c = lax.axis_index("c")
    s = lax.axis_index("s")
    w = c * NS + s

    def zrow(i, _):
        for k in range(8):
            zbuf[i, pl.ds(k * L, L)] = _zero16()
        return _

    lax.fori_loop(0, 64, zrow, None)
    for b in range(10):
        pltpu.sync_copy(zbuf, spm_agg.at[pl.ds(s * 640 + b * 64, 64)])

    plsc.subcore_barrier()

    ebase = w * (E_PAD // NW)

    def chunk(i, _):
        base = ebase + i * E_CHUNK
        pltpu.sync_copy(src_hbm.at[pl.ds(base, E_CHUNK)], srcv)
        pltpu.sync_copy(dst_hbm.at[pl.ds(base, E_CHUNK)], dstv)
        pltpu.async_copy(h_hbm.at[srcv], rows, gsem).wait()
        pltpu.sync_copy(rows, spm_agg.at[dstv], add=True)
        return _

    lax.fori_loop(0, 80, chunk, None)

    plsc.subcore_barrier()

    for b in range(10):
        rb = s * 640 + b * 64
        pltpu.sync_copy(spm_agg.at[pl.ds(rb, 64)], zbuf)
        pltpu.sync_copy(zbuf, aggs_out.at[c, pl.ds(rb, 64)])


def _combine1(feat_hbm, aggs_hbm, dinv_hbm, f1_hbm, h1_hbm, o01_hbm,
              fbuf, a0, a1, f1b, h1b, ob, dread):
    c = lax.axis_index("c")
    s = lax.axis_index("s")
    w = c * NS + s
    wb = w * 320
    pltpu.sync_copy(dinv_hbm, dread)

    def block(blk, _):
        rb = wb + blk * 64
        pltpu.sync_copy(feat_hbm.at[pl.ds(rb, 64)], fbuf)
        pltpu.sync_copy(aggs_hbm.at[0, pl.ds(rb, 64)], a0)
        pltpu.sync_copy(aggs_hbm.at[1, pl.ds(rb, 64)], a1)

        def row(r, __):
            g = rb + r
            dval = plsc.load_gather(dread, [_splat(g >> 7), _splat(g & 127)])
            for k in range(8):
                sl = pl.ds(k * L, L)
                agg = a0[r, sl] + a1[r, sl]
                f = fbuf[r, sl]
                f1 = f - agg * dval
                f1b[r, sl] = f1
                h1b[r, sl] = f1 * dval
                ob[r, sl] = TH0 * f + TH1 * f1
            return __

        lax.fori_loop(0, 64, row, None)
        pltpu.sync_copy(f1b, f1_hbm.at[pl.ds(rb, 64)])
        pltpu.sync_copy(h1b, h1_hbm.at[pl.ds(rb, 64)])
        pltpu.sync_copy(ob, o01_hbm.at[pl.ds(rb, 64)])
        return _

    lax.fori_loop(0, 5, block, None)


def _combine2(f1_hbm, aggs_hbm, dinv_hbm, o01_hbm, out_hbm,
              fbuf, a0, a1, ob, dread):
    c = lax.axis_index("c")
    s = lax.axis_index("s")
    w = c * NS + s
    wb = w * 320
    pltpu.sync_copy(dinv_hbm, dread)

    def block(blk, _):
        rb = wb + blk * 64
        pltpu.sync_copy(f1_hbm.at[pl.ds(rb, 64)], fbuf)
        pltpu.sync_copy(aggs_hbm.at[0, pl.ds(rb, 64)], a0)
        pltpu.sync_copy(aggs_hbm.at[1, pl.ds(rb, 64)], a1)
        pltpu.sync_copy(o01_hbm.at[pl.ds(rb, 64)], ob)

        def row(r, __):
            g = rb + r
            dval = plsc.load_gather(dread, [_splat(g >> 7), _splat(g & 127)])
            for k in range(8):
                sl = pl.ds(k * L, L)
                agg = a0[r, sl] + a1[r, sl]
                f2 = fbuf[r, sl] - agg * dval
                ob[r, sl] = ob[r, sl] + TH2 * f2
            return __

        lax.fori_loop(0, 64, row, None)
        pltpu.sync_copy(ob, out_hbm.at[pl.ds(rb, 64)])
        return _

    lax.fori_loop(0, 5, block, None)


def kernel(feat, edge_index):
    feat_p = jnp.pad(feat, ((0, N_PAD - N_NODES), (0, 0)))
    src = edge_index[0]
    dst = edge_index[1]
    npad = E_PAD - src.shape[0]
    pad = jnp.full((npad,), PAD_NODE, i32)
    src_p = jnp.concatenate([src.astype(i32), pad])
    dst_p = jnp.concatenate([dst.astype(i32), pad])

    deg_call = functools.partial(
        pl.kernel, mesh=_mesh(), compiler_params=_params,
        out_type=[jax.ShapeDtypeStruct((DROW, D), f32),
                  jax.ShapeDtypeStruct((N_PAD, D), f32)],
        scratch_types=[
            pltpu.VMEM((DROW, D), f32),
            pltpu.VMEM((E_CHUNK,), i32),
            pltpu.VMEM((DROW,), i32),
            pltpu.VMEM((8, D), f32),
            pltpu.VMEM((DROW, D), f32),
            pltpu.VMEM((64, D), f32),
            pltpu.VMEM((64, D), f32),
            pltpu.VMEM_SHARED((DROW, D), f32),
        ])(_deg_dinv_h)

    edge_call = functools.partial(
        pl.kernel, mesh=_mesh(), compiler_params=_params,
        out_type=[jax.ShapeDtypeStruct((NC, N_PAD, D), f32)],
        scratch_types=[
            pltpu.VMEM((64, D), f32),
            pltpu.VMEM((E_CHUNK,), i32),
            pltpu.VMEM((E_CHUNK,), i32),
            pltpu.VMEM((E_CHUNK, D), f32),
            pltpu.SemaphoreType.DMA,
            pltpu.VMEM_SHARED((N_PAD, D), f32),
        ])(_edge_pass)

    comb1_call = functools.partial(
        pl.kernel, mesh=_mesh(), compiler_params=_params,
        out_type=[jax.ShapeDtypeStruct((N_PAD, D), f32),
                  jax.ShapeDtypeStruct((N_PAD, D), f32),
                  jax.ShapeDtypeStruct((N_PAD, D), f32)],
        scratch_types=[pltpu.VMEM((64, D), f32)] * 6 +
                      [pltpu.VMEM((DROW, D), f32)])(_combine1)

    comb2_call = functools.partial(
        pl.kernel, mesh=_mesh(), compiler_params=_params,
        out_type=[jax.ShapeDtypeStruct((N_PAD, D), f32)],
        scratch_types=[pltpu.VMEM((64, D), f32)] * 4 +
                      [pltpu.VMEM((DROW, D), f32)])(_combine2)

    USE_JNP_DEG = False
    if USE_JNP_DEG:
        deg = jnp.zeros((N_PAD,), f32).at[src_p].add(1.0)
        dinv_flat = jnp.power(jnp.clip(deg, 1.0), -0.5)
        dinv = dinv_flat.reshape(DROW, D)
        h0 = feat_p * dinv_flat[:, None]
    else:
        dinv, h0 = deg_call(feat_p, src_p)
    aggs1, = edge_call(h0, src_p, dst_p)
    f1, h1, o01 = comb1_call(feat_p, aggs1, dinv)
    aggs2, = edge_call(h1, src_p, dst_p)
    out, = comb2_call(f1, aggs2, dinv, o01)
    return out[:N_NODES]

# --- scband reference (transcript-rebuilt; emitter-appended) ---
"""Pipeline reference for scband-poly-conv-4544075399684 (READ-ONLY COPY).

The authoritative reference and input builder live on the scoring server;
editing this copy changes nothing except your own understanding.
"""

import jax, jax.numpy as jnp
import numpy as np

N_NODES = 10000
N_EDGES = 320000
D_FEAT = 128
THETA = jnp.array([0.6, -0.4, 0.2], dtype=jnp.float32)


def setup_inputs(seed: int = 0) -> dict:
    key = jax.random.key(seed)
    k1, k2 = jax.random.split(key)
    feat = jax.random.normal(k1, (N_NODES, D_FEAT), dtype=jnp.float32)
    edge_index = jax.random.randint(k2, (2, N_EDGES), 0, N_NODES, dtype=jnp.int32)
    return {"feat": feat, "edge_index": edge_index}


def reference(feat, edge_index):
    src = edge_index[0]
    dst = edge_index[1]
    # out_degrees of each node (number of edges with that node as source)
    deg = jnp.zeros((N_NODES,), dtype=feat.dtype).at[src].add(1.0)
    d_invsqrt = jnp.power(jnp.clip(deg, 1.0), -0.5)[:, None]

    def unn_laplacian(f):
        h = f * d_invsqrt
        # copy_u -> sum aggregation: agg[dst] += h[src]
        agg = jax.ops.segment_sum(h[src], dst, num_segments=N_NODES)
        return f - agg * d_invsqrt

    out = THETA[0] * feat
    f = feat
    for k in range(1, THETA.shape[0]):
        f = unn_laplacian(f)
        out = out + THETA[k] * f
    return out

if __name__ == "__main__":
    import jax
    _d = setup_inputs()
    print(jax.jit(kernel)(*tuple(_d.values())))

</pallas_src>

<mosaic_0001>
#map = affine_map<(d0, d1) -> (0, 0)>
#map1 = affine_map<(d0, d1) -> (0)>
module attributes {stable_mosaic.version = 14 : i64} {
  func.func @_deg_dinv_h(%arg0: i32, %arg1: i32, %arg2: memref<10240x128xf32, #tpu.memory_space<hbm>>, %arg3: memref<327680xi32, #tpu.memory_space<hbm>>, %arg4: memref<80x128xf32, #tpu.memory_space<hbm>>, %arg5: memref<10240x128xf32, #tpu.memory_space<hbm>>, %arg6: memref<80x128xf32, #tpu.memory_space<vmem>>, %arg7: memref<128xi32, #tpu.memory_space<vmem>>, %arg8: memref<80xi32, #tpu.memory_space<vmem>>, %arg9: memref<8x128xf32, #tpu.memory_space<vmem>>, %arg10: memref<80x128xf32, #tpu.memory_space<vmem>>, %arg11: memref<64x128xf32, #tpu.memory_space<vmem>>, %arg12: memref<64x128xf32, #tpu.memory_space<vmem>>, %arg13: memref<80x128xf32, #tpu.memory_space<vmem_shared>>) attributes {dimension_semantics = [#tpu.dimension_semantics<core_parallel>, #tpu.dimension_semantics<subcore_parallel>], iteration_bounds = array<i64: 2, 16>, scalar_prefetch = 0 : i64, scratch_operands = 8 : i64, tpu.core_type = #tpu.core_type<sc_vector_subcore>, window_params = [{transform_indices = #map}, {transform_indices = #map1}, {transform_indices = #map}, {transform_indices = #map}]} {
    %mul3A = arith.constant 16 : i32
    %mul3A_0 = arith.muli %arg0, %mul3A : i32
    %add3A = arith.addi %mul3A_0, %arg1 : i32
    %scan3A = arith.constant 0 : i32
    %scan3A_1 = arith.constant 80 : i32
    %scan3A_2 = arith.addi %scan3A, %scan3A_1 : i32
    %scan3A_3 = arith.constant 1 : i32
    scf.for %scan3A_439 = %scan3A to %scan3A_2 step %scan3A_3  : i32 {
      %broadcast_in_dim3A_440 = arith.constant 0.000000e+00 : f32
      %broadcast_in_dim3A_441 = vector.broadcast %broadcast_in_dim3A_440 : f32 to vector<16xf32>
      %swap3A_442 = arith.index_cast %scan3A_439 : i32 to index
      %swap3A_443 = arith.constant 0 : index
      %swap3A_444 = tpu.vector_load %arg6[%swap3A_442, %swap3A_443] {strides = array<i32>} : memref<80x128xf32, #tpu.memory_space<vmem>>, vector<16xf32>,
      tpu.vector_store %arg6[%swap3A_442, %swap3A_443], %broadcast_in_dim3A_441 {strides = array<i32>} : memref<80x128xf32, #tpu.memory_space<vmem>>, vector<16xf32>,
      %broadcast_in_dim3A_445 = arith.constant 0.000000e+00 : f32
      %broadcast_in_dim3A_446 = vector.broadcast %broadcast_in_dim3A_445 : f32 to vector<16xf32>
      %swap3A_447 = arith.index_cast %scan3A_439 : i32 to index
      %swap3A_448 = arith.constant 16 : index
      %swap3A_449 = tpu.vector_load %arg6[%swap3A_447, %swap3A_448] {strides = array<i32>} : memref<80x128xf32, #tpu.memory_space<vmem>>, vector<16xf32>,
      tpu.vector_store %arg6[%swap3A_447, %swap3A_448], %broadcast_in_dim3A_446 {strides = array<i32>} : memref<80x128xf32, #tpu.memory_space<vmem>>, vector<16xf32>,
      %broadcast_in_dim3A_450 = arith.constant 0.000000e+00 : f32
      %broadcast_in_dim3A_451 = vector.broadcast %broadcast_in_dim3A_450 : f32 to vector<16xf32>
      %swap3A_452 = arith.index_cast %scan3A_439 : i32 to index
      %swap3A_453 = arith.constant 32 : index
      %swap3A_454 = tpu.vector_load %arg6[%swap3A_452, %swap3A_453] {strides = array<i32>} : memref<80x128xf32, #tpu.memory_space<vmem>>, vector<16xf32>,
      tpu.vector_store %arg6[%swap3A_452, %swap3A_453], %broadcast_in_dim3A_451 {strides = array<i32>} : memref<80x128xf32, #tpu.memory_space<vmem>>, vector<16xf32>,
      %broadcast_in_dim3A_455 = arith.constant 0.000000e+00 : f32
      %broadcast_in_dim3A_456 = vector.broadcast %broadcast_in_dim3A_455 : f32 to vector<16xf32>
      %swap3A_457 = arith.index_cast %scan3A_439 : i32 to index
      %swap3A_458 = arith.constant 48 : index
      %swap3A_459 = tpu.vector_load %arg6[%swap3A_457, %swap3A_458] {strides = array<i32>} : memref<80x128xf32, #tpu.memory_space<vmem>>, vector<16xf32>,
      tpu.vector_store %arg6[%swap3A_457, %swap3A_458], %broadcast_in_dim3A_456 {strides = array<i32>} : memref<80x128xf32, #tpu.memory_space<vmem>>, vector<16xf32>,
      %broadcast_in_dim3A_460 = arith.constant 0.000000e+00 : f32
      %broadcast_in_dim3A_461 = vector.broadcast %broadcast_in_dim3A_460 : f32 to vector<16xf32>
      %swap3A_462 = arith.index_cast %scan3A_439 : i32 to index
      %swap3A_463 = arith.constant 64 : index
      %swap3A_464 = tpu.vector_load %arg6[%swap3A_462, %swap3A_463] {strides = array<i32>} : memref<80x128xf32, #tpu.memory_space<vmem>>, vector<16xf32>,
      tpu.vector_store %arg6[%swap3A_462, %swap3A_463], %broadcast_in_dim3A_461 {strides = array<i32>} : memref<80x128xf32, #tpu.memory_space<vmem>>, vector<16xf32>,
      %broadcast_in_dim3A_465 = arith.constant 0.000000e+00 : f32
      %broadcast_in_dim3A_466 = vector.broadcast %broadcast_in_dim3A_465 : f32 to vector<16xf32>
      %swap3A_467 = arith.index_cast %scan3A_439 : i32 to index
      %swap3A_468 = arith.constant 80 : index
      %swap3A_469 = tpu.vector_load %arg6[%swap3A_467, %swap3A_468] {strides = array<i32>} : memref<80x128xf32, #tpu.memory_space<vmem>>, vector<16xf32>,
      tpu.vector_store %arg6[%swap3A_467, %swap3A_468], %broadcast_in_dim3A_466 {strides = array<i32>} : memref<80x128xf32, #tpu.memory_space<vmem>>, vector<16xf32>,
      %broadcast_in_dim3A_470 = arith.constant 0.000000e+00 : f32
      %broadcast_in_dim3A_471 = vector.broadcast %broadcast_in_dim3A_470 : f32 to vector<16xf32>
      %swap3A_472 = arith.index_cast %scan3A_439 : i32 to index
      %swap3A_473 = arith.constant 96 : index
      %swap3A_474 = tpu.vector_load %arg6[%swap3A_472, %swap3A_473] {strides = array<i32>} : memref<80x128xf32, #tpu.memory_space<vmem>>, vector<16xf32>,
      tpu.vector_store %arg6[%swap3A_472, %swap3A_473], %broadcast_in_dim3A_471 {strides = array<i32>} : memref<80x128xf32, #tpu.memory_space<vmem>>, vector<16xf32>,
      %broadcast_in_dim3A_475 = arith.constant 0.000000e+00 : f32
      %broadcast_in_dim3A_476 = vector.broadcast %broadcast_in_dim3A_475 : f32 to vector<16xf32>
      %swap3A_477 = arith.index_cast %scan3A_439 : i32 to index
      %swap3A_478 = arith.constant 112 : index
      %swap3A_479 = tpu.vector_load %arg6[%swap3A_477, %swap3A_478] {strides = array<i32>} : memref<80x128xf32, #tpu.memory_space<vmem>>, vector<16xf32>,
      tpu.vector_store %arg6[%swap3A_477, %swap3A_478], %broadcast_in_dim3A_476 {strides = array<i32>} : memref<80x128xf32, #tpu.memory_space<vmem>>, vector<16xf32>,
    }
    %scan3A_4 = arith.constant 80 : i32
    %broadcast_in_dim3A = arith.constant 0.000000e+00 : f32
    %broadcast_in_dim3A_5 = vector.broadcast %broadcast_in_dim3A : f32 to vector<16xf32>
    %swap3A = arith.constant 0 : i32
    %swap3A_6 = arith.index_cast %swap3A : i32 to index
    %swap3A_7 = arith.constant 0 : index
    %swap3A_8 = tpu.vector_load %arg9[%swap3A_6, %swap3A_7] {strides = array<i32>} : memref<8x128xf32, #tpu.memory_space<vmem>>, vector<16xf32>,
    tpu.vector_store %arg9[%swap3A_6, %swap3A_7], %broadcast_in_dim3A_5 {strides = array<i32>} : memref<8x128xf32, #tpu.memory_space<vmem>>, vector<16xf32>,
    %broadcast_in_dim3A_9 = arith.constant 0.000000e+00 : f32
    %broadcast_in_dim3A_10 = vector.broadcast %broadcast_in_dim3A_9 : f32 to vector<16xf32>
    %swap3A_11 = arith.constant 0 : i32
    %swap3A_12 = arith.index_cast %swap3A_11 : i32 to index
    %swap3A_13 = arith.constant 16 : index
    %swap3A_14 = tpu.vector_load %arg9[%swap3A_12, %swap3A_13] {strides = array<i32>} : memref<8x128xf32, #tpu.memory_space<vmem>>, vector<16xf32>,
    tpu.vector_store %arg9[%swap3A_12, %swap3A_13], %broadcast_in_dim3A_10 {strides = array<i32>} : memref<8x128xf32, #tpu.memory_space<vmem>>, vector<16xf32>,
    %broadcast_in_dim3A_15 = arith.constant 0.000000e+00 : f32
    %broadcast_in_dim3A_16 = vector.broadcast %broadcast_in_dim3A_15 : f32 to vector<16xf32>
    %swap3A_17 = arith.constant 0 : i32
    %swap3A_18 = arith.index_cast %swap3A_17 : i32 to index
    %swap3A_19 = arith.constant 32 : index
    %swap3A_20 = tpu.vector_load %arg9[%swap3A_18, %swap3A_19] {strides = array<i32>} : memref<8x128xf32, #tpu.memory_space<vmem>>, vector<16xf32>,
    tpu.vector_store %arg9[%swap3A_18, %swap3A_19], %broadcast_in_dim3A_16 {strides = array<i32>} : memref<8x128xf32, #tpu.memory_space<vmem>>, vector<16xf32>,
    %broadcast_in_dim3A_21 = arith.constant 0.000000e+00 : f32
    %broadcast_in_dim3A_22 = vector.broadcast %broadcast_in_dim3A_21 : f32 to vector<16xf32>
    %swap3A_23 = arith.constant 0 : i32
    %swap3A_24 = arith.index_cast %swap3A_23 : i32 to index
    %swap3A_25 = arith.constant 48 : index
    %swap3A_26 = tpu.vector_load %arg9[%swap3A_24, %swap3A_25] {strides = array<i32>} : memref<8x128xf32, #tpu.memory_space<vmem>>, vector<16xf32>,
    tpu.vector_store %arg9[%swap3A_24, %swap3A_25], %broadcast_in_dim3A_22 {strides = array<i32>} : memref<8x128xf32, #tpu.memory_space<vmem>>, vector<16xf32>,
    %broadcast_in_dim3A_27 = arith.constant 0.000000e+00 : f32
    %broadcast_in_dim3A_28 = vector.broadcast %broadcast_in_dim3A_27 : f32 to vector<16xf32>
    %swap3A_29 = arith.constant 0 : i32
    %swap3A_30 = arith.index_cast %swap3A_29 : i32 to index
    %swap3A_31 = arith.constant 64 : index
    %swap3A_32 = tpu.vector_load %arg9[%swap3A_30, %swap3A_31] {strides = array<i32>} : memref<8x128xf32, #tpu.memory_space<vmem>>, vector<16xf32>,
    tpu.vector_store %arg9[%swap3A_30, %swap3A_31], %broadcast_in_dim3A_28 {strides = array<i32>} : memref<8x128xf32, #tpu.memory_space<vmem>>, vector<16xf32>,
    %broadcast_in_dim3A_33 = arith.constant 0.000000e+00 : f32
    %broadcast_in_dim3A_34 = vector.broadcast %broadcast_in_dim3A_33 : f32 to vector<16xf32>
    %swap3A_35 = arith.constant 0 : i32
    %swap3A_36 = arith.index_cast %swap3A_35 : i32 to index
    %swap3A_37 = arith.constant 80 : index
    %swap3A_38 = tpu.vector_load %arg9[%swap3A_36, %swap3A_37] {strides = array<i32>} : memref<8x128xf32, #tpu.memory_space<vmem>>, vector<16xf32>,
    tpu.vector_store %arg9[%swap3A_36, %swap3A_37], %broadcast_in_dim3A_34 {strides = array<i32>} : memref<8x128xf32, #tpu.memory_space<vmem>>, vector<16xf32>,
    %broadcast_in_dim3A_39 = arith.constant 0.000000e+00 : f32
    %broadcast_in_dim3A_40 = vector.broadcast %broadcast_in_dim3A_39 : f32 to vector<16xf32>
    %swap3A_41 = arith.constant 0 : i32
    %swap3A_42 = arith.index_cast %swap3A_41 : i32 to index
    %swap3A_43 = arith.constant 96 : index
    %swap3A_44 = tpu.vector_load %arg9[%swap3A_42, %swap3A_43] {strides = array<i32>} : memref<8x128xf32, #tpu.memory_space<vmem>>, vector<16xf32>,
    tpu.vector_store %arg9[%swap3A_42, %swap3A_43], %broadcast_in_dim3A_40 {strides = array<i32>} : memref<8x128xf32, #tpu.memory_space<vmem>>, vector<16xf32>,
    %broadcast_in_dim3A_45 = arith.constant 0.000000e+00 : f32
    %broadcast_in_dim3A_46 = vector.broadcast %broadcast_in_dim3A_45 : f32 to vector<16xf32>
    %swap3A_47 = arith.constant 0 : i32
    %swap3A_48 = arith.index_cast %swap3A_47 : i32 to index
    %swap3A_49 = arith.constant 112 : index
    %swap3A_50 = tpu.vector_load %arg9[%swap3A_48, %swap3A_49] {strides = array<i32>} : memref<8x128xf32, #tpu.memory_space<vmem>>, vector<16xf32>,
    tpu.vector_store %arg9[%swap3A_48, %swap3A_49], %broadcast_in_dim3A_46 {strides = array<i32>} : memref<8x128xf32, #tpu.memory_space<vmem>>, vector<16xf32>,
    %broadcast_in_dim3A_51 = arith.constant 0.000000e+00 : f32
    %broadcast_in_dim3A_52 = vector.broadcast %broadcast_in_dim3A_51 : f32 to vector<16xf32>
    %swap3A_53 = arith.constant 1 : i32
    %swap3A_54 = arith.index_cast %swap3A_53 : i32 to index
    %swap3A_55 = arith.constant 0 : index
    %swap3A_56 = tpu.vector_load %arg9[%swap3A_54, %swap3A_55] {strides = array<i32>} : memref<8x128xf32, #tpu.memory_space<vmem>>, vector<16xf32>,
    tpu.vector_store %arg9[%swap3A_54, %swap3A_55], %broadcast_in_dim3A_52 {strides = array<i32>} : memref<8x128xf32, #tpu.memory_space<vmem>>, vector<16xf32>,
    %broadcast_in_dim3A_57 = arith.constant 0.000000e+00 : f32
    %broadcast_in_dim3A_58 = vector.broadcast %broadcast_in_dim3A_57 : f32 to vector<16xf32>
    %swap3A_59 = arith.constant 1 : i32
    %swap3A_60 = arith.index_cast %swap3A_59 : i32 to index
    %swap3A_61 = arith.constant 16 : index
    %swap3A_62 = tpu.vector_load %arg9[%swap3A_60, %swap3A_61] {strides = array<i32>} : memref<8x128xf32, #tpu.memory_space<vmem>>, vector<16xf32>,
    tpu.vector_store %arg9[%swap3A_60, %swap3A_61], %broadcast_in_dim3A_58 {strides = array<i32>} : memref<8x128xf32, #tpu.memory_space<vmem>>, vector<16xf32>,
    %broadcast_in_dim3A_63 = arith.constant 0.000000e+00 : f32
    %broadcast_in_dim3A_64 = vector.broadcast %broadcast_in_dim3A_63 : f32 to vector<16xf32>
    %swap3A_65 = arith.constant 1 : i32
    %swap3A_66 = arith.index_cast %swap3A_65 : i32 to index
    %swap3A_67 = arith.constant 32 : index
    %swap3A_68 = tpu.vector_load %arg9[%swap3A_66, %swap3A_67] {strides = array<i32>} : memref<8x128xf32, #tpu.memory_space<vmem>>, vector<16xf32>,
    tpu.vector_store %arg9[%swap3A_66, %swap3A_67], %broadcast_in_dim3A_64 {strides = array<i32>} : memref<8x128xf32, #tpu.memory_space<vmem>>, vector<16xf32>,
    %broadcast_in_dim3A_69 = arith.constant 0.000000e+00 : f32
    %broadcast_in_dim3A_70 = vector.broadcast %broadcast_in_dim3A_69 : f32 to vector<16xf32>
    %swap3A_71 = arith.constant 1 : i32
    %swap3A_72 = arith.index_cast %swap3A_71 : i32 to index
    %swap3A_73 = arith.constant 48 : index
    %swap3A_74 = tpu.vector_load %arg9[%swap3A_72, %swap3A_73] {strides = array<i32>} : memref<8x128xf32, #tpu.memory_space<vmem>>, vector<16xf32>,
    tpu.vector_store %arg9[%swap3A_72, %swap3A_73], %broadcast_in_dim3A_70 {strides = array<i32>} : memref<8x128xf32, #tpu.memory_space<vmem>>, vector<16xf32>,
    %broadcast_in_dim3A_75 = arith.constant 0.000000e+00 : f32
    %broadcast_in_dim3A_76 = vector.broadcast %broadcast_in_dim3A_75 : f32 to vector<16xf32>
    %swap3A_77 = arith.constant 1 : i32
    %swap3A_78 = arith.index_cast %swap3A_77 : i32 to index
    %swap3A_79 = arith.constant 64 : index
    %swap3A_80 = tpu.vector_load %arg9[%swap3A_78, %swap3A_79] {strides = array<i32>} : memref<8x128xf32, #tpu.memory_space<vmem>>, vector<16xf32>,
    tpu.vector_store %arg9[%swap3A_78, %swap3A_79], %broadcast_in_dim3A_76 {strides = array<i32>} : memref<8x128xf32, #tpu.memory_space<vmem>>, vector<16xf32>,
    %broadcast_in_dim3A_81 = arith.constant 0.000000e+00 : f32
    %broadcast_in_dim3A_82 = vector.broadcast %broadcast_in_dim3A_81 : f32 to vector<16xf32>
    %swap3A_83 = arith.constant 1 : i32
    %swap3A_84 = arith.index_cast %swap3A_83 : i32 to index
    %swap3A_85 = arith.constant 80 : index
    %swap3A_86 = tpu.vector_load %arg9[%swap3A_84, %swap3A_85] {strides = array<i32>} : memref<8x128xf32, #tpu.memory_space<vmem>>, vector<16xf32>,
    tpu.vector_store %arg9[%swap3A_84, %swap3A_85], %broadcast_in_dim3A_82 {strides = array<i32>} : memref<8x128xf32, #tpu.memory_space<vmem>>, vector<16xf32>,
    %broadcast_in_dim3A_87 = arith.constant 0.000000e+00 : f32
    %broadcast_in_dim3A_88 = vector.broadcast %broadcast_in_dim3A_87 : f32 to vector<16xf32>
    %swap3A_89 = arith.constant 1 : i32
    %swap3A_90 = arith.index_cast %swap3A_89 : i32 to index
    %swap3A_91 = arith.constant 96 : index
    %swap3A_92 = tpu.vector_load %arg9[%swap3A_90, %swap3A_91] {strides = array<i32>} : memref<8x128xf32, #tpu.memory_space<vmem>>, vector<16xf32>,
    tpu.vector_store %arg9[%swap3A_90, %swap3A_91], %broadcast_in_dim3A_88 {strides = array<i32>} : memref<8x128xf32, #tpu.memory_space<vmem>>, vector<16xf32>,
    %broadcast_in_dim3A_93 = arith.constant 0.000000e+00 : f32
    %broadcast_in_dim3A_94 = vector.broadcast %broadcast_in_dim3A_93 : f32 to vector<16xf32>
    %swap3A_95 = arith.constant 1 : i32
    %swap3A_96 = arith.index_cast %swap3A_95 : i32 to index
    %swap3A_97 = arith.constant 112 : index
    %swap3A_98 = tpu.vector_load %arg9[%swap3A_96, %swap3A_97] {strides = array<i32>} : memref<8x128xf32, #tpu.memory_space<vmem>>, vector<16xf32>,
    tpu.vector_store %arg9[%swap3A_96, %swap3A_97], %broadcast_in_dim3A_94 {strides = array<i32>} : memref<8x128xf32, #tpu.memory_space<vmem>>, vector<16xf32>,
    %broadcast_in_dim3A_99 = arith.constant 0.000000e+00 : f32
    %broadcast_in_dim3A_100 = vector.broadcast %broadcast_in_dim3A_99 : f32 to vector<16xf32>
    %swap3A_101 = arith.constant 2 : i32
    %swap3A_102 = arith.index_cast %swap3A_101 : i32 to index
    %swap3A_103 = arith.constant 0 : index
    %swap3A_104 = tpu.vector_load %arg9[%swap3A_102, %swap3A_103] {strides = array<i32>} : memref<8x128xf32, #tpu.memory_space<vmem>>, vector<16xf32>,
    tpu.vector_store %arg9[%swap3A_102, %swap3A_103], %broadcast_in_dim3A_100 {strides = array<i32>} : memref<8x128xf32, #tpu.memory_space<vmem>>, vector<16xf32>,
    %broadcast_in_dim3A_105 = arith.constant 0.000000e+00 : f32
    %broadcast_in_dim3A_106 = vector.broadcast %broadcast_in_dim3A_105 : f32 to vector<16xf32>
    %swap3A_107 = arith.constant 2 : i32
    %swap3A_108 = arith.index_cast %swap3A_107 : i32 to index
    %swap3A_109 = arith.constant 16 : index
    %swap3A_110 = tpu.vector_load %arg9[%swap3A_108, %swap3A_109] {strides = array<i32>} : memref<8x128xf32, #tpu.memory_space<vmem>>, vector<16xf32>,
    tpu.vector_store %arg9[%swap3A_108, %swap3A_109], %broadcast_in_dim3A_106 {strides = array<i32>} : memref<8x128xf32, #tpu.memory_space<vmem>>, vector<16xf32>,
    %broadcast_in_dim3A_111 = arith.constant 0.000000e+00 : f32
    %broadcast_in_dim3A_112 = vector.broadcast %broadcast_in_dim3A_111 : f32 to vector<16xf32>
    %swap3A_113 = arith.constant 2 : i32
    %swap3A_114 = arith.index_cast %swap3A_113 : i32 to index
    %swap3A_115 = arith.constant 32 : index
    %swap3A_116 = tpu.vector_load %arg9[%swap3A_114, %swap3A_115] {strides = array<i32>} : memref<8x128xf32, #tpu.memory_space<vmem>>, vector<16xf32>,
    tpu.vector_store %arg9[%swap3A_114, %swap3A_115], %broadcast_in_dim3A_112 {strides = array<i32>} : memref<8x128xf32, #tpu.memory_space<vmem>>, vector<16xf32>,
    %broadcast_in_dim3A_117 = arith.constant 0.000000e+00 : f32
    %broadcast_in_dim3A_118 = vector.broadcast %broadcast_in_dim3A_117 : f32 to vector<16xf32>
    %swap3A_119 = arith.constant 2 : i32
    %swap3A_120 = arith.index_cast %swap3A_119 : i32 to index
    %swap3A_121 = arith.constant 48 : index
    %swap3A_122 = tpu.vector_load %arg9[%swap3A_120, %swap3A_121] {strides = array<i32>} : memref<8x128xf32, #tpu.memory_space<vmem>>, vector<16xf32>,
    tpu.vector_store %arg9[%swap3A_120, %swap3A_121], %broadcast_in_dim3A_118 {strides = array<i32>} : memref<8x128xf32, #tpu.memory_space<vmem>>, vector<16xf32>,
    %broadcast_in_dim3A_123 = arith.constant 0.000000e+00 : f32
    %broadcast_in_dim3A_124 = vector.broadcast %broadcast_in_dim3A_123 : f32 to vector<16xf32>
    %swap3A_125 = arith.constant 2 : i32
    %swap3A_126 = arith.index_cast %swap3A_125 : i32 to index
    %swap3A_127 = arith.constant 64 : index
    %swap3A_128 = tpu.vector_load %arg9[%swap3A_126, %swap3A_127] {strides = array<i32>} : memref<8x128xf32, #tpu.memory_space<vmem>>, vector<16xf32>,
    tpu.vector_store %arg9[%swap3A_126, %swap3A_127], %broadcast_in_dim3A_124 {strides = array<i32>} : memref<8x128xf32, #tpu.memory_space<vmem>>, vector<16xf32>,
    %broadcast_in_dim3A_129 = arith.constant 0.000000e+00 : f32
    %broadcast_in_dim3A_130 = vector.broadcast %broadcast_in_dim3A_129 : f32 to vector<16xf32>
    %swap3A_131 = arith.constant 2 : i32
    %swap3A_132 = arith.index_cast %swap3A_131 : i32 to index
    %swap3A_133 = arith.constant 80 : index
    %swap3A_134 = tpu.vector_load %arg9[%swap3A_132, %swap3A_133] {strides = array<i32>} : memref<8x128xf32, #tpu.memory_space<vmem>>, vector<16xf32>,
    tpu.vector_store %arg9[%swap3A_132, %swap3A_133], %broadcast_in_dim3A_130 {strides = array<i32>} : memref<8x128xf32, #tpu.memory_space<vmem>>, vector<16xf32>,
    %broadcast_in_dim3A_135 = arith.constant 0.000000e+00 : f32
    %broadcast_in_dim3A_136 = vector.broadcast %broadcast_in_dim3A_135 : f32 to vector<16xf32>
    %swap3A_137 = arith.constant 2 : i32
    %swap3A_138 = arith.index_cast %swap3A_137 : i32 to index
    %swap3A_139 = arith.constant 96 : index
    %swap3A_140 = tpu.vector_load %arg9[%swap3A_138, %swap3A_139] {strides = array<i32>} : memref<8x128xf32, #tpu.memory_space<vmem>>, vector<16xf32>,
    tpu.vector_store %arg9[%swap3A_138, %swap3A_139], %broadcast_in_dim3A_136 {strides = array<i32>} : memref<8x128xf32, #tpu.memory_space<vmem>>, vector<16xf32>,
    %broadcast_in_dim3A_141 = arith.constant 0.000000e+00 : f32
    %broadcast_in_dim3A_142 = vector.broadcast %broadcast_in_dim3A_141 : f32 to vector<16xf32>
    %swap3A_143 = arith.constant 2 : i32
    %swap3A_144 = arith.index_cast %swap3A_143 : i32 to index
    %swap3A_145 = arith.constant 112 : index
    %swap3A_146 = tpu.vector_load %arg9[%swap3A_144, %swap3A_145] {strides = array<i32>} : memref<8x128xf32, #tpu.memory_space<vmem>>, vector<16xf32>,
    tpu.vector_store %arg9[%swap3A_144, %swap3A_145], %broadcast_in_dim3A_142 {strides = array<i32>} : memref<8x128xf32, #tpu.memory_space<vmem>>, vector<16xf32>,
    %broadcast_in_dim3A_147 = arith.constant 0.000000e+00 : f32
    %broadcast_in_dim3A_148 = vector.broadcast %broadcast_in_dim3A_147 : f32 to vector<16xf32>
    %swap3A_149 = arith.constant 3 : i32
    %swap3A_150 = arith.index_cast %swap3A_149 : i32 to index
    %swap3A_151 = arith.constant 0 : index
    %swap3A_152 = tpu.vector_load %arg9[%swap3A_150, %swap3A_151] {strides = array<i32>} : memref<8x128xf32, #tpu.memory_space<vmem>>, vector<16xf32>,
    tpu.vector_store %arg9[%swap3A_150, %swap3A_151], %broadcast_in_dim3A_148 {strides = array<i32>} : memref<8x128xf32, #tpu.memory_space<vmem>>, vector<16xf32>,
    %broadcast_in_dim3A_153 = arith.constant 0.000000e+00 : f32
    %broadcast_in_dim3A_154 = vector.broadcast %broadcast_in_dim3A_153 : f32 to vector<16xf32>
    %swap3A_155 = arith.constant 3 : i32
    %swap3A_156 = arith.index_cast %swap3A_155 : i32 to index
    %swap3A_157 = arith.constant 16 : index
    %swap3A_158 = tpu.vector_load %arg9[%swap3A_156, %swap3A_157] {strides = array<i32>} : memref<8x128xf32, #tpu.memory_space<vmem>>, vector<16xf32>,
    tpu.vector_store %arg9[%swap3A_156, %swap3A_157], %broadcast_in_dim3A_154 {strides = array<i32>} : memref<8x128xf32, #tpu.memory_space<vmem>>, vector<16xf32>,
    %broadcast_in_dim3A_159 = arith.constant 0.000000e+00 : f32
    %broadcast_in_dim3A_160 = vector.broadcast %broadcast_in_dim3A_159 : f32 to vector<16xf32>
    %swap3A_161 = arith.constant 3 : i32
    %swap3A_162 = arith.index_cast %swap3A_161 : i32 to index
    %swap3A_163 = arith.constant 32 : index
    %swap3A_164 = tpu.vector_load %arg9[%swap3A_162, %swap3A_163] {strides = array<i32>} : memref<8x128xf32, #tpu.memory_space<vmem>>, vector<16xf32>,
    tpu.vector_store %arg9[%swap3A_162, %swap3A_163], %broadcast_in_dim3A_160 {strides = array<i32>} : memref<8x128xf32, #tpu.memory_space<vmem>>, vector<16xf32>,
    %broadcast_in_dim3A_165 = arith.constant 0.000000e+00 : f32
    %broadcast_in_dim3A_166 = vector.broadcast %broadcast_in_dim3A_165 : f32 to vector<16xf32>
    %swap3A_167 = arith.constant 3 : i32
    %swap3A_168 = arith.index_cast %swap3A_167 : i32 to index
    %swap3A_169 = arith.constant 48 : index
    %swap3A_170 = tpu.vector_load %arg9[%swap3A_168, %swap3A_169] {strides = array<i32>} : memref<8x128xf32, #tpu.memory_space<vmem>>, vector<16xf32>,
    tpu.vector_store %arg9[%swap3A_168, %swap3A_169], %broadcast_in_dim3A_166 {strides = array<i32>} : memref<8x128xf32, #tpu.memory_space<vmem>>, vector<16xf32>,
    %broadcast_in_dim3A_171 = arith.constant 0.000000e+00 : f32
    %broadcast_in_dim3A_172 = vector.broadcast %broadcast_in_dim3A_171 : f32 to vector<16xf32>
    %swap3A_173 = arith.constant 3 : i32
    %swap3A_174 = arith.index_cast %swap3A_173 : i32 to index
    %swap3A_175 = arith.constant 64 : index
    %swap3A_176 = tpu.vector_load %arg9[%swap3A_174, %swap3A_175] {strides = array<i32>} : memref<8x128xf32, #tpu.memory_space<vmem>>, vector<16xf32>,
    tpu.vector_store %arg9[%swap3A_174, %swap3A_175], %broadcast_in_dim3A_172 {strides = array<i32>} : memref<8x128xf32, #tpu.memory_space<vmem>>, vector<16xf32>,
    %broadcast_in_dim3A_177 = arith.constant 0.000000e+00 : f32
    %broadcast_in_dim3A_178 = vector.broadcast %broadcast_in_dim3A_177 : f32 to vector<16xf32>
    %swap3A_179 = arith.constant 3 : i32
    %swap3A_180 = arith.index_cast %swap3A_179 : i32 to index
    %swap3A_181 = arith.constant 80 : index
    %swap3A_182 = tpu.vector_load %arg9[%swap3A_180, %swap3A_181] {strides = array<i32>} : memref<8x128xf32, #tpu.memory_space<vmem>>, vector<16xf32>,
    tpu.vector_store %arg9[%swap3A_180, %swap3A_181], %broadcast_in_dim3A_178 {strides = array<i32>} : memref<8x128xf32, #tpu.memory_space<vmem>>, vector<16xf32>,
    %broadcast_in_dim3A_183 = arith.constant 0.000000e+00 : f32
    %broadcast_in_dim3A_184 = vector.broadcast %broadcast_in_dim3A_183 : f32 to vector<16xf32>
    %swap3A_185 = arith.constant 3 : i32
    %swap3A_186 = arith.index_cast %swap3A_185 : i32 to index
    %swap3A_187 = arith.constant 96 : index
    %swap3A_188 = tpu.vector_load %arg9[%swap3A_186, %swap3A_187] {strides = array<i32>} : memref<8x128xf32, #tpu.memory_space<vmem>>, vector<16xf32>,
    tpu.vector_store %arg9[%swap3A_186, %swap3A_187], %broadcast_in_dim3A_184 {strides = array<i32>} : memref<8x128xf32, #tpu.memory_space<vmem>>, vector<16xf32>,
    %broadcast_in_dim3A_189 = arith.constant 0.000000e+00 : f32
    %broadcast_in_dim3A_190 = vector.broadcast %broadcast_in_dim3A_189 : f32 to vector<16xf32>
    %swap3A_191 = arith.constant 3 : i32
    %swap3A_192 = arith.index_cast %swap3A_191 : i32 to index
    %swap3A_193 = arith.constant 112 : index
    %swap3A_194 = tpu.vector_load %arg9[%swap3A_192, %swap3A_193] {strides = array<i32>} : memref<8x128xf32, #tpu.memory_space<vmem>>, vector<16xf32>,
    tpu.vector_store %arg9[%swap3A_192, %swap3A_193], %broadcast_in_dim3A_190 {strides = array<i32>} : memref<8x128xf32, #tpu.memory_space<vmem>>, vector<16xf32>,
    %broadcast_in_dim3A_195 = arith.constant 0.000000e+00 : f32
    %broadcast_in_dim3A_196 = vector.broadcast %broadcast_in_dim3A_195 : f32 to vector<16xf32>
    %swap3A_197 = arith.constant 4 : i32
    %swap3A_198 = arith.index_cast %swap3A_197 : i32 to index
    %swap3A_199 = arith.constant 0 : index
    %swap3A_200 = tpu.vector_load %arg9[%swap3A_198, %swap3A_199] {strides = array<i32>} : memref<8x128xf32, #tpu.memory_space<vmem>>, vector<16xf32>,
    tpu.vector_store %arg9[%swap3A_198, %swap3A_199], %broadcast_in_dim3A_196 {strides = array<i32>} : memref<8x128xf32, #tpu.memory_space<vmem>>, vector<16xf32>,
    %broadcast_in_dim3A_201 = arith.constant 0.000000e+00 : f32
    %broadcast_in_dim3A_202 = vector.broadcast %broadcast_in_dim3A_201 : f32 to vector<16xf32>
    %swap3A_203 = arith.constant 4 : i32
    %swap3A_204 = arith.index_cast %swap3A_203 : i32 to index
    %swap3A_205 = arith.constant 16 : index
    %swap3A_206 = tpu.vector_load %arg9[%swap3A_204, %swap3A_205] {strides = array<i32>} : memref<8x128xf32, #tpu.memory_space<vmem>>, vector<16xf32>,
    tpu.vector_store %arg9[%swap3A_204, %swap3A_205], %broadcast_in_dim3A_202 {strides = array<i32>} : memref<8x128xf32, #tpu.memory_space<vmem>>, vector<16xf32>,
    %broadcast_in_dim3A_207 = arith.constant 0.000000e+00 : f32
    %broadcast_in_dim3A_208 = vector.broadcast %broadcast_in_dim3A_207 : f32 to vector<16xf32>
    %swap3A_209 = arith.constant 4 : i32
    %swap3A_210 = arith.index_cast %swap3A_209 : i32 to index
    %swap3A_211 = arith.constant 32 : index
    %swap3A_212 = tpu.vector_load %arg9[%swap3A_210, %swap3A_211] {strides = array<i32>} : memref<8x128xf32, #tpu.memory_space<vmem>>, vector<16xf32>,
    tpu.vector_store %arg9[%swap3A_210, %swap3A_211], %broadcast_in_dim3A_208 {strides = array<i32>} : memref<8x128xf32, #tpu.memory_space<vmem>>, vector<16xf32>,
    %broadcast_in_dim3A_213 = arith.constant 0.000000e+00 : f32
    %broadcast_in_dim3A_214 = vector.broadcast %broadcast_in_dim3A_213 : f32 to vector<16xf32>
    %swap3A_215 = arith.constant 4 : i32
    %swap3A_216 = arith.index_cast %swap3A_215 : i32 to index
    %swap3A_217 = arith.constant 48 : index
    %swap3A_218 = tpu.vector_load %arg9[%swap3A_216, %swap3A_217] {strides = array<i32>} : memref<8x128xf32, #tpu.memory_space<vmem>>, vector<16xf32>,
    tpu.vector_store %arg9[%swap3A_216, %swap3A_217], %broadcast_in_dim3A_214 {strides = array<i32>} : memref<8x128xf32, #tpu.memory_space<vmem>>, vector<16xf32>,
    %broadcast_in_dim3A_219 = arith.constant 0.000000e+00 : f32
    %broadcast_in_dim3A_220 = vector.broadcast %broadcast_in_dim3A_219 : f32 to vector<16xf32>
    %swap3A_221 = arith.constant 4 : i32
    %swap3A_222 = arith.index_cast %swap3A_221 : i32 to index
    %swap3A_223 = arith.constant 64 : index
    %swap3A_224 = tpu.vector_load %arg9[%swap3A_222, %swap3A_223] {strides = array<i32>} : memref<8x128xf32, #tpu.memory_space<vmem>>, vector<16xf32>,
    tpu.vector_store %arg9[%swap3A_222, %swap3A_223], %broadcast_in_dim3A_220 {strides = array<i32>} : memref<8x128xf32, #tpu.memory_space<vmem>>, vector<16xf32>,
    %broadcast_in_dim3A_225 = arith.constant 0.000000e+00 : f32
    %broadcast_in_dim3A_226 = vector.broadcast %broadcast_in_dim3A_225 : f32 to vector<16xf32>
    %swap3A_227 = arith.constant 4 : i32
    %swap3A_228 = arith.index_cast %swap3A_227 : i32 to index
    %swap3A_229 = arith.constant 80 : index
    %swap3A_230 = tpu.vector_load %arg9[%swap3A_228, %swap3A_229] {strides = array<i32>} : memref<8x128xf32, #tpu.memory_space<vmem>>, vector<16xf32>,
    tpu.vector_store %arg9[%swap3A_228, %swap3A_229], %broadcast_in_dim3A_226 {strides = array<i32>} : memref<8x128xf32, #tpu.memory_space<vmem>>, vector<16xf32>,
    %broadcast_in_dim3A_231 = arith.constant 0.000000e+00 : f32
    %broadcast_in_dim3A_232 = vector.broadcast %broadcast_in_dim3A_231 : f32 to vector<16xf32>
    %swap3A_233 = arith.constant 4 : i32
    %swap3A_234 = arith.index_cast %swap3A_233 : i32 to index
    %swap3A_235 = arith.constant 96 : index
    %swap3A_236 = tpu.vector_load %arg9[%swap3A_234, %swap3A_235] {strides = array<i32>} : memref<8x128xf32, #tpu.memory_space<vmem>>, vector<16xf32>,
    tpu.vector_store %arg9[%swap3A_234, %swap3A_235], %broadcast_in_dim3A_232 {strides = array<i32>} : memref<8x128xf32, #tpu.memory_space<vmem>>, vector<16xf32>,
    %broadcast_in_dim3A_237 = arith.constant 0.000000e+00 : f32
    %broadcast_in_dim3A_238 = vector.broadcast %broadcast_in_dim3A_237 : f32 to vector<16xf32>
    %swap3A_239 = arith.constant 4 : i32
    %swap3A_240 = arith.index_cast %swap3A_239 : i32 to index
    %swap3A_241 = arith.constant 112 : index
    %swap3A_242 = tpu.vector_load %arg9[%swap3A_240, %swap3A_241] {strides = array<i32>} : memref<8x128xf32, #tpu.memory_space<vmem>>, vector<16xf32>,
    tpu.vector_store %arg9[%swap3A_240, %swap3A_241], %broadcast_in_dim3A_238 {strides = array<i32>} : memref<8x128xf32, #tpu.memory_space<vmem>>, vector<16xf32>,
    %broadcast_in_dim3A_243 = arith.constant 0.000000e+00 : f32
    %broadcast_in_dim3A_244 = vector.broadcast %broadcast_in_dim3A_243 : f32 to vector<16xf32>
    %swap3A_245 = arith.constant 5 : i32
    %swap3A_246 = arith.index_cast %swap3A_245 : i32 to index
    %swap3A_247 = arith.constant 0 : index
    %swap3A_248 = tpu.vector_load %arg9[%swap3A_246, %swap3A_247] {strides = array<i32>} : memref<8x128xf32, #tpu.memory_space<vmem>>, vector<16xf32>,
    tpu.vector_store %arg9[%swap3A_246, %swap3A_247], %broadcast_in_dim3A_244 {strides = array<i32>} : memref<8x128xf32, #tpu.memory_space<vmem>>, vector<16xf32>,
    %broadcast_in_dim3A_249 = arith.constant 0.000000e+00 : f32
    %broadcast_in_dim3A_250 = vector.broadcast %broadcast_in_dim3A_249 : f32 to vector<16xf32>
    %swap3A_251 = arith.constant 5 : i32
    %swap3A_252 = arith.index_cast %swap3A_251 : i32 to index
    %swap3A_253 = arith.constant 16 : index
    %swap3A_254 = tpu.vector_load %arg9[%swap3A_252, %swap3A_253] {strides = array<i32>} : memref<8x128xf32, #tpu.memory_space<vmem>>, vector<16xf32>,
    tpu.vector_store %arg9[%swap3A_252, %swap3A_253], %broadcast_in_dim3A_250 {strides = array<i32>} : memref<8x128xf32, #tpu.memory_space<vmem>>, vector<16xf32>,
    %broadcast_in_dim3A_255 = arith.constant 0.000000e+00 : f32
    %broadcast_in_dim3A_256 = vector.broadcast %broadcast_in_dim3A_255 : f32 to vector<16xf32>
    %swap3A_257 = arith.constant 5 : i32
    %swap3A_258 = arith.index_cast %swap3A_257 : i32 to index
    %swap3A_259 = arith.constant 32 : index
    %swap3A_260 = tpu.vector_load %arg9[%swap3A_258, %swap3A_259] {strides = array<i32>} : memref<8x128xf32, #tpu.memory_space<vmem>>, vector<16xf32>,
    tpu.vector_store %arg9[%swap3A_258, %swap3A_259], %broadcast_in_dim3A_256 {strides = array<i32>} : memref<8x128xf32, #tpu.memory_space<vmem>>, vector<16xf32>,
    %broadcast_in_dim3A_261 = arith.constant 0.000000e+00 : f32
    %broadcast_in_dim3A_262 = vector.broadcast %broadcast_in_dim3A_261 : f32 to vector<16xf32>
    %swap3A_263 = arith.constant 5 : i32
    %swap3A_264 = arith.index_cast %swap3A_263 : i32 to index
    %swap3A_265 = arith.constant 48 : index
    %swap3A_266 = tpu.vector_load %arg9[%swap3A_264, %swap3A_265] {strides = array<i32>} : memref<8x128xf32, #tpu.memory_space<vmem>>, vector<16xf32>,
    tpu.vector_store %arg9[%swap3A_264, %swap3A_265], %broadcast_in_dim3A_262 {strides = array<i32>} : memref<8x128xf32, #tpu.memory_space<vmem>>, vector<16xf32>,
    %broadcast_in_dim3A_267 = arith.constant 0.000000e+00 : f32
    %broadcast_in_dim3A_268 = vector.broadcast %broadcast_in_dim3A_267 : f32 to vector<16xf32>
    %swap3A_269 = arith.constant 5 : i32
    %swap3A_270 = arith.index_cast %swap3A_269 : i32 to index
    %swap3A_271 = arith.constant 64 : index
    %swap3A_272 = tpu.vector_load %arg9[%swap3A_270, %swap3A_271] {strides = array<i32>} : memref<8x128xf32, #tpu.memory_space<vmem>>, vector<16xf32>,
    tpu.vector_store %arg9[%swap3A_270, %swap3A_271], %broadcast_in_dim3A_268 {strides = array<i32>} : memref<8x128xf32, #tpu.memory_space<vmem>>, vector<16xf32>,
    %broadcast_in_dim3A_273 = arith.constant 0.000000e+00 : f32
    %broadcast_in_dim3A_274 = vector.broadcast %broadcast_in_dim3A_273 : f32 to vector<16xf32>
    %swap3A_275 = arith.constant 5 : i32
    %swap3A_276 = arith.index_cast %swap3A_275 : i32 to index
    %swap3A_277 = arith.constant 80 : index
    %swap3A_278 = tpu.vector_load %arg9[%swap3A_276, %swap3A_277] {strides = array<i32>} : memref<8x128xf32, #tpu.memory_space<vmem>>, vector<16xf32>,
    tpu.vector_store %arg9[%swap3A_276, %swap3A_277], %broadcast_in_dim3A_274 {strides = array<i32>} : memref<8x128xf32, #tpu.memory_space<vmem>>, vector<16xf32>,
    %broadcast_in_dim3A_279 = arith.constant 0.000000e+00 : f32
    %broadcast_in_dim3A_280 = vector.broadcast %broadcast_in_dim3A_279 : f32 to vector<16xf32>
    %swap3A_281 = arith.constant 5 : i32
    %swap3A_282 = arith.index_cast %swap3A_281 : i32 to index
    %swap3A_283 = arith.constant 96 : index
    %swap3A_284 = tpu.vector_load %arg9[%swap3A_282, %swap3A_283] {strides = array<i32>} : memref<8x128xf32, #tpu.memory_space<vmem>>, vector<16xf32>,
    tpu.vector_store %arg9[%swap3A_282, %swap3A_283], %broadcast_in_dim3A_280 {strides = array<i32>} : memref<8x128xf32, #tpu.memory_space<vmem>>, vector<16xf32>,
    %broadcast_in_dim3A_285 = arith.constant 0.000000e+00 : f32
    %broadcast_in_dim3A_286 = vector.broadcast %broadcast_in_dim3A_285 : f32 to vector<16xf32>
    %swap3A_287 = arith.constant 5 : i32
    %swap3A_288 = arith.index_cast %swap3A_287 : i32 to index
    %swap3A_289 = arith.constant 112 : index
    %swap3A_290 = tpu.vector_load %arg9[%swap3A_288, %swap3A_289] {strides = array<i32>} : memref<8x128xf32, #tpu.memory_space<vmem>>, vector<16xf32>,
    tpu.vector_store %arg9[%swap3A_288, %swap3A_289], %broadcast_in_dim3A_286 {strides = array<i32>} : memref<8x128xf32, #tpu.memory_space<vmem>>, vector<16xf32>,
    %broadcast_in_dim3A_291 = arith.constant 0.000000e+00 : f32
    %broadcast_in_dim3A_292 = vector.broadcast %broadcast_in_dim3A_291 : f32 to vector<16xf32>
    %swap3A_293 = arith.constant 6 : i32
    %swap3A_294 = arith.index_cast %swap3A_293 : i32 to index
    %swap3A_295 = arith.constant 0 : index
    %swap3A_296 = tpu.vector_load %arg9[%swap3A_294, %swap3A_295] {strides = array<i32>} : memref<8x128xf32, #tpu.memory_space<vmem>>, vector<16xf32>,
    tpu.vector_store %arg9[%swap3A_294, %swap3A_295], %broadcast_in_dim3A_292 {strides = array<i32>} : memref<8x128xf32, #tpu.memory_space<vmem>>, vector<16xf32>,
    %broadcast_in_dim3A_297 = arith.constant 0.000000e+00 : f32
    %broadcast_in_dim3A_298 = vector.broadcast %broadcast_in_dim3A_297 : f32 to vector<16xf32>
    %swap3A_299 = arith.constant 6 : i32
    %swap3A_300 = arith.index_cast %swap3A_299 : i32 to index
    %swap3A_301 = arith.constant 16 : index
    %swap3A_302 = tpu.vector_load %arg9[%swap3A_300, %swap3A_301] {strides = array<i32>} : memref<8x128xf32, #tpu.memory_space<vmem>>, vector<16xf32>,
    tpu.vector_store %arg9[%swap3A_300, %swap3A_301], %broadcast_in_dim3A_298 {strides = array<i32>} : memref<8x128xf32, #tpu.memory_space<vmem>>, vector<16xf32>,
    %broadcast_in_dim3A_303 = arith.constant 0.000000e+00 : f32
    %broadcast_in_dim3A_304 = vector.broadcast %broadcast_in_dim3A_303 : f32 to vector<16xf32>
    %swap3A_305 = arith.constant 6 : i32
    %swap3A_306 = arith.index_cast %swap3A_305 : i32 to index
    %swap3A_307 = arith.constant 32 : index
    %swap3A_308 = tpu.vector_load %arg9[%swap3A_306, %swap3A_307] {strides = array<i32>} : memref<8x128xf32, #tpu.memory_space<vmem>>, vector<16xf32>,
    tpu.vector_store %arg9[%swap3A_306, %swap3A_307], %broadcast_in_dim3A_304 {strides = array<i32>} : memref<8x128xf32, #tpu.memory_space<vmem>>, vector<16xf32>,
    %broadcast_in_dim3A_309 = arith.constant 0.000000e+00 : f32
    %broadcast_in_dim3A_310 = vector.broadcast %broadcast_in_dim3A_309 : f32 to vector<16xf32>
    %swap3A_311 = arith.constant 6 : i32
    %swap3A_312 = arith.index_cast %swap3A_311 : i32 to index
    %swap3A_313 = arith.constant 48 : index
    %swap3A_314 = tpu.vector_load %arg9[%swap3A_312, %swap3A_313] {strides = array<i32>} : memref<8x128xf32, #tpu.memory_space<vmem>>, vector<16xf32>,
    tpu.vector_store %arg9[%swap3A_312, %swap3A_313], %broadcast_in_dim3A_310 {strides = array<i32>} : memref<8x128xf32, #tpu.memory_space<vmem>>, vector<16xf32>,
    %broadcast_in_dim3A_315 = arith.constant 0.000000e+00 : f32
    %broadcast_in_dim3A_316 = vector.broadcast %broadcast_in_dim3A_315 : f32 to vector<16xf32>
    %swap3A_317 = arith.constant 6 : i32
    %swap3A_318 = arith.index_cast %swap3A_317 : i32 to index
    %swap3A_319 = arith.constant 64 : index
    %swap3A_320 = tpu.vector_load %arg9[%swap3A_318, %swap3A_319] {strides = array<i32>} : memref<8x128xf32, #tpu.memory_space<vmem>>, vector<16xf32>,
    tpu.vector_store %arg9[%swap3A_318, %swap3A_319], %broadcast_in_dim3A_316 {strides = array<i32>} : memref<8x128xf32, #tpu.memory_space<vmem>>, vector<16xf32>,
    %broadcast_in_dim3A_321 = arith.constant 0.000000e+00 : f32
    %broadcast_in_dim3A_322 = vector.broadcast %broadcast_in_dim3A_321 : f32 to vector<16xf32>
    %swap3A_323 = arith.constant 6 : i32
    %swap3A_324 = arith.index_cast %swap3A_323 : i32 to index
    %swap3A_325 = arith.constant 80 : index
    %swap3A_326 = tpu.vector_load %arg9[%swap3A_324, %swap3A_325] {strides = array<i32>} : memref<8x128xf32, #tpu.memory_space<vmem>>, vector<16xf32>,
    tpu.vector_store %arg9[%swap3A_324, %swap3A_325], %broadcast_in_dim3A_322 {strides = array<i32>} : memref<8x128xf32, #tpu.memory_space<vmem>>, vector<16xf32>,
    %broadcast_in_dim3A_327 = arith.constant 0.000000e+00 : f32
    %broadcast_in_dim3A_328 = vector.broadcast %broadcast_in_dim3A_327 : f32 to vector<16xf32>
    %swap3A_329 = arith.constant 6 : i32
    %swap3A_330 = arith.index_cast %swap3A_329 : i32 to index
    %swap3A_331 = arith.constant 96 : index
    %swap3A_332 = tpu.vector_load %arg9[%swap3A_330, %swap3A_331] {strides = array<i32>} : memref<8x128xf32, #tpu.memory_space<vmem>>, vector<16xf32>,
    tpu.vector_store %arg9[%swap3A_330, %swap3A_331], %broadcast_in_dim3A_328 {strides = array<i32>} : memref<8x128xf32, #tpu.memory_space<vmem>>, vector<16xf32>,
    %broadcast_in_dim3A_333 = arith.constant 0.000000e+00 : f32
    %broadcast_in_dim3A_334 = vector.broadcast %broadcast_in_dim3A_333 : f32 to vector<16xf32>
    %swap3A_335 = arith.constant 6 : i32
    %swap3A_336 = arith.index_cast %swap3A_335 : i32 to index
    %swap3A_337 = arith.constant 112 : index
    %swap3A_338 = tpu.vector_load %arg9[%swap3A_336, %swap3A_337] {strides = array<i32>} : memref<8x128xf32, #tpu.memory_space<vmem>>, vector<16xf32>,
    tpu.vector_store %arg9[%swap3A_336, %swap3A_337], %broadcast_in_dim3A_334 {strides = array<i32>} : memref<8x128xf32, #tpu.memory_space<vmem>>, vector<16xf32>,
    %broadcast_in_dim3A_339 = arith.constant 0.000000e+00 : f32
    %broadcast_in_dim3A_340 = vector.broadcast %broadcast_in_dim3A_339 : f32 to vector<16xf32>
    %swap3A_341 = arith.constant 7 : i32
    %swap3A_342 = arith.index_cast %swap3A_341 : i32 to index
    %swap3A_343 = arith.constant 0 : index
    %swap3A_344 = tpu.vector_load %arg9[%swap3A_342, %swap3A_343] {strides = array<i32>} : memref<8x128xf32, #tpu.memory_space<vmem>>, vector<16xf32>,
    tpu.vector_store %arg9[%swap3A_342, %swap3A_343], %broadcast_in_dim3A_340 {strides = array<i32>} : memref<8x128xf32, #tpu.memory_space<vmem>>, vector<16xf32>,
    %broadcast_in_dim3A_345 = arith.constant 0.000000e+00 : f32
    %broadcast_in_dim3A_346 = vector.broadcast %broadcast_in_dim3A_345 : f32 to vector<16xf32>
    %swap3A_347 = arith.constant 7 : i32
    %swap3A_348 = arith.index_cast %swap3A_347 : i32 to index
    %swap3A_349 = arith.constant 16 : index
    %swap3A_350 = tpu.vector_load %arg9[%swap3A_348, %swap3A_349] {strides = array<i32>} : memref<8x128xf32, #tpu.memory_space<vmem>>, vector<16xf32>,
    tpu.vector_store %arg9[%swap3A_348, %swap3A_349], %broadcast_in_dim3A_346 {strides = array<i32>} : memref<8x128xf32, #tpu.memory_space<vmem>>, vector<16xf32>,
    %broadcast_in_dim3A_351 = arith.constant 0.000000e+00 : f32
    %broadcast_in_dim3A_352 = vector.broadcast %broadcast_in_dim3A_351 : f32 to vector<16xf32>
    %swap3A_353 = arith.constant 7 : i32
    %swap3A_354 = arith.index_cast %swap3A_353 : i32 to index
    %swap3A_355 = arith.constant 32 : index
    %swap3A_356 = tpu.vector_load %arg9[%swap3A_354, %swap3A_355] {strides = array<i32>} : memref<8x128xf32, #tpu.memory_space<vmem>>, vector<16xf32>,
    tpu.vector_store %arg9[%swap3A_354, %swap3A_355], %broadcast_in_dim3A_352 {strides = array<i32>} : memref<8x128xf32, #tpu.memory_space<vmem>>, vector<16xf32>,
    %broadcast_in_dim3A_357 = arith.constant 0.000000e+00 : f32
    %broadcast_in_dim3A_358 = vector.broadcast %broadcast_in_dim3A_357 : f32 to vector<16xf32>
    %swap3A_359 = arith.constant 7 : i32
    %swap3A_360 = arith.index_cast %swap3A_359 : i32 to index
    %swap3A_361 = arith.constant 48 : index
    %swap3A_362 = tpu.vector_load %arg9[%swap3A_360, %swap3A_361] {strides = array<i32>} : memref<8x128xf32, #tpu.memory_space<vmem>>, vector<16xf32>,
    tpu.vector_store %arg9[%swap3A_360, %swap3A_361], %broadcast_in_dim3A_358 {strides = array<i32>} : memref<8x128xf32, #tpu.memory_space<vmem>>, vector<16xf32>,
    %broadcast_in_dim3A_363 = arith.constant 0.000000e+00 : f32
    %broadcast_in_dim3A_364 = vector.broadcast %broadcast_in_dim3A_363 : f32 to vector<16xf32>
    %swap3A_365 = arith.constant 7 : i32
    %swap3A_366 = arith.index_cast %swap3A_365 : i32 to index
    %swap3A_367 = arith.constant 64 : index
    %swap3A_368 = tpu.vector_load %arg9[%swap3A_366, %swap3A_367] {strides = array<i32>} : memref<8x128xf32, #tpu.memory_space<vmem>>, vector<16xf32>,
    tpu.vector_store %arg9[%swap3A_366, %swap3A_367], %broadcast_in_dim3A_364 {strides = array<i32>} : memref<8x128xf32, #tpu.memory_space<vmem>>, vector<16xf32>,
    %broadcast_in_dim3A_369 = arith.constant 0.000000e+00 : f32
    %broadcast_in_dim3A_370 = vector.broadcast %broadcast_in_dim3A_369 : f32 to vector<16xf32>
    %swap3A_371 = arith.constant 7 : i32
    %swap3A_372 = arith.index_cast %swap3A_371 : i32 to index
    %swap3A_373 = arith.constant 80 : index
    %swap3A_374 = tpu.vector_load %arg9[%swap3A_372, %swap3A_373] {strides = array<i32>} : memref<8x128xf32, #tpu.memory_space<vmem>>, vector<16xf32>,
    tpu.vector_store %arg9[%swap3A_372, %swap3A_373], %broadcast_in_dim3A_370 {strides = array<i32>} : memref<8x128xf32, #tpu.memory_space<vmem>>, vector<16xf32>,
    %broadcast_in_dim3A_375 = arith.constant 0.000000e+00 : f32
    %broadcast_in_dim3A_376 = vector.broadcast %broadcast_in_dim3A_375 : f32 to vector<16xf32>
    %swap3A_377 = arith.constant 7 : i32
    %swap3A_378 = arith.index_cast %swap3A_377 : i32 to index
    %swap3A_379 = arith.constant 96 : index
    %swap3A_380 = tpu.vector_load %arg9[%swap3A_378, %swap3A_379] {strides = array<i32>} : memref<8x128xf32, #tpu.memory_space<vmem>>, vector<16xf32>,
    tpu.vector_store %arg9[%swap3A_378, %swap3A_379], %broadcast_in_dim3A_376 {strides = array<i32>} : memref<8x128xf32, #tpu.memory_space<vmem>>, vector<16xf32>,
    %broadcast_in_dim3A_381 = arith.constant 0.000000e+00 : f32
    %broadcast_in_dim3A_382 = vector.broadcast %broadcast_in_dim3A_381 : f32 to vector<16xf32>
    %swap3A_383 = arith.constant 7 : i32
    %swap3A_384 = arith.index_cast %swap3A_383 : i32 to index
    %swap3A_385 = arith.constant 112 : index
    %swap3A_386 = tpu.vector_load %arg9[%swap3A_384, %swap3A_385] {strides = array<i32>} : memref<8x128xf32, #tpu.memory_space<vmem>>, vector<16xf32>,
    tpu.vector_store %arg9[%swap3A_384, %swap3A_385], %broadcast_in_dim3A_382 {strides = array<i32>} : memref<8x128xf32, #tpu.memory_space<vmem>>, vector<16xf32>,
    %lt3A = arith.constant 10 : i32
    %lt3A_387 = arith.cmpi slt, %arg1, %lt3A : i32
    %convert_element_type3A = arith.extui %lt3A_387 : i1 to i32
    %cond3A = arith.constant 0 : i32
    %cond3A_388 = arith.cmpi ne, %convert_element_type3A, %cond3A : i32
    scf.if %cond3A_388 {
      %mul3A_439 = arith.constant 8 : i32
      %mul3A_440 = arith.muli %arg1, %mul3A_439 : i32
      "tpu.region"() ({
        %run_scoped3A = tpu.sem_alloc : memref<!tpu.dma_semaphore, #tpu.memory_space<semaphore_mem>>
        %dma_start3A = arith.constant 0 : i32
        %dma_start3A_441 = tpu.memref_slice %arg13[%mul3A_440, %dma_start3A] : memref<80x128xf32, #tpu.memory_space<vmem_shared>> -> memref<8x128xf32, #tpu.memory_space<vmem_shared>>
        %dma_start3A_442 = arith.constant 0 : i32
        %dma_start3A_443 = tpu.memref_slice %arg13[%mul3A_440, %dma_start3A_442] : memref<80x128xf32, #tpu.memory_space<vmem_shared>> -> memref<8x128xf32, #tpu.memory_space<vmem_shared>>
        tpu.enqueue_dma source(%arg9 : memref<8x128xf32, #tpu.memory_space<vmem>>) target(%dma_start3A_443 : memref<8x128xf32, #tpu.memory_space<vmem_shared>>) target_semaphore(%run_scoped3A : memref<!tpu.dma_semaphore, #tpu.memory_space<semaphore_mem>>)
        %dma_wait3A = arith.constant 0 : i32
        %dma_wait3A_444 = tpu.memref_slice %arg13[%mul3A_440, %dma_wait3A] : memref<80x128xf32, #tpu.memory_space<vmem_shared>> -> memref<8x128xf32, #tpu.memory_space<vmem_shared>>
        %dma_wait3A_445 = arith.constant 0 : i32
        %dma_wait3A_446 = tpu.memref_slice %arg13[%mul3A_440, %dma_wait3A_445] : memref<80x128xf32, #tpu.memory_space<vmem_shared>> -> memref<8x128xf32, #tpu.memory_space<vmem_shared>>
        tpu.wait_dma2 semaphore(%run_scoped3A : memref<!tpu.dma_semaphore, #tpu.memory_space<semaphore_mem>>) src(%arg9 : memref<8x128xf32, #tpu.memory_space<vmem>>) dst(%dma_wait3A_446 : memref<8x128xf32, #tpu.memory_space<vmem_shared>>)
        tpu.yield
      }) : () -> ()
    } else {
    }
    %barrier3A = arith.constant 0 : index
    tpu.barrier barrier_id(%barrier3A)
    %broadcast_in_dim3A_389 = arith.constant 1.000000e+00 : f32
    %broadcast_in_dim3A_390 = vector.broadcast %broadcast_in_dim3A_389 : f32 to vector<16xf32>
    %scan3A_391 = arith.constant 0 : i32
    %scan3A_392 = arith.constant 160 : i32
    %scan3A_393 = arith.addi %scan3A_391, %scan3A_392 : i32
    %scan3A_394 = arith.constant 1 : i32
    scf.for %scan3A_439 = %scan3A_391 to %scan3A_393 step %scan3A_394  : i32 {
      %mul3A_440 = arith.constant 20480 : i32
      %mul3A_441 = arith.muli %arg1, %mul3A_440 : i32
      %mul3A_442 = arith.constant 128 : i32
      %mul3A_443 = arith.muli %scan3A_439, %mul3A_442 : i32
      %add3A_444 = arith.addi %mul3A_441, %mul3A_443 : i32
      "tpu.region"() ({
        %run_scoped3A = tpu.sem_alloc : memref<!tpu.dma_semaphore, #tpu.memory_space<semaphore_mem>>
        %dma_start3A = tpu.memref_slice %arg3[%add3A_444] : memref<327680xi32, #tpu.memory_space<hbm>> -> memref<128xi32, #tpu.memory_space<hbm>>
        %dma_start3A_506 = tpu.memref_slice %arg3[%add3A_444] : memref<327680xi32, #tpu.memory_space<hbm>> -> memref<128xi32, #tpu.memory_space<hbm>>
        tpu.enqueue_dma source(%dma_start3A_506 : memref<128xi32, #tpu.memory_space<hbm>>) target(%arg7 : memref<128xi32, #tpu.memory_space<vmem>>) target_semaphore(%run_scoped3A : memref<!tpu.dma_semaphore, #tpu.memory_space<semaphore_mem>>)
        %dma_wait3A = tpu.memref_slice %arg3[%add3A_444] : memref<327680xi32, #tpu.memory_space<hbm>> -> memref<128xi32, #tpu.memory_space<hbm>>
        %dma_wait3A_507 = tpu.memref_slice %arg3[%add3A_444] : memref<327680xi32, #tpu.memory_space<hbm>> -> memref<128xi32, #tpu.memory_space<hbm>>
        tpu.wait_dma2 semaphore(%run_scoped3A : memref<!tpu.dma_semaphore, #tpu.memory_space<semaphore_mem>>) src(%dma_wait3A_507 : memref<128xi32, #tpu.memory_space<hbm>>) dst(%arg7 : memref<128xi32, #tpu.memory_space<vmem>>)
        tpu.yield
      }) : () -> ()
      %get3A = arith.constant 0 : index
      %get3A_445 = tpu.vector_load %arg7[%get3A] {strides = array<i32>} : memref<128xi32, #tpu.memory_space<vmem>>, vector<16xi32>,
      %shift_right_arithmetic3A = arith.constant 7 : i32
      %shift_right_arithmetic3A_446 = vector.broadcast %shift_right_arithmetic3A : i32 to vector<16xi32>
      %shift_right_arithmetic3A_447 = arith.shrsi %get3A_445, %shift_right_arithmetic3A_446 : vector<16xi32>
      %and3A = arith.constant 127 : i32
      %and3A_448 = vector.broadcast %and3A : i32 to vector<16xi32>
      %and3A_449 = arith.andi %get3A_445, %and3A_448 : vector<16xi32>
      tpu.vector_store_idx %arg6[%shift_right_arithmetic3A_447, %and3A_449], %broadcast_in_dim3A_390 {add = true} : memref<80x128xf32, #tpu.memory_space<vmem>>[vector<16xi32>, vector<16xi32>], vector<16xf32>,
      %get3A_450 = arith.constant 16 : index
      %get3A_451 = tpu.vector_load %arg7[%get3A_450] {strides = array<i32>} : memref<128xi32, #tpu.memory_space<vmem>>, vector<16xi32>,
      %shift_right_arithmetic3A_452 = arith.constant 7 : i32
      %shift_right_arithmetic3A_453 = vector.broadcast %shift_right_arithmetic3A_452 : i32 to vector<16xi32>
      %shift_right_arithmetic3A_454 = arith.shrsi %get3A_451, %shift_right_arithmetic3A_453 : vector<16xi32>
      %and3A_455 = arith.constant 127 : i32
      %and3A_456 = vector.broadcast %and3A_455 : i32 to vector<16xi32>
      %and3A_457 = arith.andi %get3A_451, %and3A_456 : vector<16xi32>
      tpu.vector_store_idx %arg6[%shift_right_arithmetic3A_454, %and3A_457], %broadcast_in_dim3A_390 {add = true} : memref<80x128xf32, #tpu.memory_space<vmem>>[vector<16xi32>, vector<16xi32>], vector<16xf32>,
      %get3A_458 = arith.constant 32 : index
      %get3A_459 = tpu.vector_load %arg7[%get3A_458] {strides = array<i32>} : memref<128xi32, #tpu.memory_space<vmem>>, vector<16xi32>,
      %shift_right_arithmetic3A_460 = arith.constant 7 : i32
      %shift_right_arithmetic3A_461 = vector.broadcast %shift_right_arithmetic3A_460 : i32 to vector<16xi32>
      %shift_right_arithmetic3A_462 = arith.shrsi %get3A_459, %shift_right_arithmetic3A_461 : vector<16xi32>
      %and3A_463 = arith.constant 127 : i32
      %and3A_464 = vector.broadcast %and3A_463 : i32 to vector<16xi32>
      %and3A_465 = arith.andi %get3A_459, %and3A_464 : vector<16xi32>
      tpu.vector_store_idx %arg6[%shift_right_arithmetic3A_462, %and3A_465], %broadcast_in_dim3A_390 {add = true} : memref<80x128xf32, #tpu.memory_space<vmem>>[vector<16xi32>, vector<16xi32>], vector<16xf32>,
      %get3A_466 = arith.constant 48 : index
      %get3A_467 = tpu.vector_load %arg7[%get3A_466] {strides = array<i32>} : memref<128xi32, #tpu.memory_space<vmem>>, vector<16xi32>,
      %shift_right_arithmetic3A_468 = arith.constant 7 : i32
      %shift_right_arithmetic3A_469 = vector.broadcast %shift_right_arithmetic3A_468 : i32 to vector<16xi32>
      %shift_right_arithmetic3A_470 = arith.shrsi %get3A_467, %shift_right_arithmetic3A_469 : vector<16xi32>
      %and3A_471 = arith.constant 127 : i32
      %and3A_472 = vector.broadcast %and3A_471 : i32 to vector<16xi32>
      %and3A_473 = arith.andi %get3A_467, %and3A_472 : vector<16xi32>
      tpu.vector_store_idx %arg6[%shift_right_arithmetic3A_470, %and3A_473], %broadcast_in_dim3A_390 {add = true} : memref<80x128xf32, #tpu.memory_space<vmem>>[vector<16xi32>, vector<16xi32>], vector<16xf32>,
      %get3A_474 = arith.constant 64 : index
      %get3A_475 = tpu.vector_load %arg7[%get3A_474] {strides = array<i32>} : memref<128xi32, #tpu.memory_space<vmem>>, vector<16xi32>,
      %shift_right_arithmetic3A_476 = arith.constant 7 : i32
      %shift_right_arithmetic3A_477 = vector.broadcast %shift_right_arithmetic3A_476 : i32 to vector<16xi32>
      %shift_right_arithmetic3A_478 = arith.shrsi %get3A_475, %shift_right_arithmetic3A_477 : vector<16xi32>
      %and3A_479 = arith.constant 127 : i32
      %and3A_480 = vector.broadcast %and3A_479 : i32 to vector<16xi32>
      %and3A_481 = arith.andi %get3A_475, %and3A_480 : vector<16xi32>
      tpu.vector_store_idx %arg6[%shift_right_arithmetic3A_478, %and3A_481], %broadcast_in_dim3A_390 {add = true} : memref<80x128xf32, #tpu.memory_space<vmem>>[vector<16xi32>, vector<16xi32>], vector<16xf32>,
      %get3A_482 = arith.constant 80 : index
      %get3A_483 = tpu.vector_load %arg7[%get3A_482] {strides = array<i32>} : memref<128xi32, #tpu.memory_space<vmem>>, vector<16xi32>,
      %shift_right_arithmetic3A_484 = arith.constant 7 : i32
      %shift_right_arithmetic3A_485 = vector.broadcast %shift_right_arithmetic3A_484 : i32 to vector<16xi32>
      %shift_right_arithmetic3A_486 = arith.shrsi %get3A_483, %shift_right_arithmetic3A_485 : vector<16xi32>
      %and3A_487 = arith.constant 127 : i32
      %and3A_488 = vector.broadcast %and3A_487 : i32 to vector<16xi32>
      %and3A_489 = arith.andi %get3A_483, %and3A_488 : vector<16xi32>
      tpu.vector_store_idx %arg6[%shift_right_arithmetic3A_486, %and3A_489], %broadcast_in_dim3A_390 {add = true} : memref<80x128xf32, #tpu.memory_space<vmem>>[vector<16xi32>, vector<16xi32>], vector<16xf32>,
      %get3A_490 = arith.constant 96 : index
      %get3A_491 = tpu.vector_load %arg7[%get3A_490] {strides = array<i32>} : memref<128xi32, #tpu.memory_space<vmem>>, vector<16xi32>,
      %shift_right_arithmetic3A_492 = arith.constant 7 : i32
      %shift_right_arithmetic3A_493 = vector.broadcast %shift_right_arithmetic3A_492 : i32 to vector<16xi32>
      %shift_right_arithmetic3A_494 = arith.shrsi %get3A_491, %shift_right_arithmetic3A_493 : vector<16xi32>
      %and3A_495 = arith.constant 127 : i32
      %and3A_496 = vector.broadcast %and3A_495 : i32 to vector<16xi32>
      %and3A_497 = arith.andi %get3A_491, %and3A_496 : vector<16xi32>
      tpu.vector_store_idx %arg6[%shift_right_arithmetic3A_494, %and3A_497], %broadcast_in_dim3A_390 {add = true} : memref<80x128xf32, #tpu.memory_space<vmem>>[vector<16xi32>, vector<16xi32>], vector<16xf32>,
      %get3A_498 = arith.constant 112 : index
      %get3A_499 = tpu.vector_load %arg7[%get3A_498] {strides = array<i32>} : memref<128xi32, #tpu.memory_space<vmem>>, vector<16xi32>,
      %shift_right_arithmetic3A_500 = arith.constant 7 : i32
      %shift_right_arithmetic3A_501 = vector.broadcast %shift_right_arithmetic3A_500 : i32 to vector<16xi32>
      %shift_right_arithmetic3A_502 = arith.shrsi %get3A_499, %shift_right_arithmetic3A_501 : vector<16xi32>
      %and3A_503 = arith.constant 127 : i32
      %and3A_504 = vector.broadcast %and3A_503 : i32 to vector<16xi32>
      %and3A_505 = arith.andi %get3A_499, %and3A_504 : vector<16xi32>
      tpu.vector_store_idx %arg6[%shift_right_arithmetic3A_502, %and3A_505], %broadcast_in_dim3A_390 {add = true} : memref<80x128xf32, #tpu.memory_space<vmem>>[vector<16xi32>, vector<16xi32>], vector<16xf32>,
    }
    %scan3A_395 = arith.constant 160 : i32
    %iota3A = tpu.iota {dimensions = array<i32: 0>} : vector<16xi32>
    %add3A_396 = arith.constant 0 : i32
    %add3A_397 = vector.broadcast %add3A_396 : i32 to vector<16xi32>
    %add3A_398 = arith.addi %iota3A, %add3A_397 : vector<16xi32>
    %swap3A_399 = arith.constant 0 : index
    %swap3A_400 = tpu.vector_load %arg8[%swap3A_399] {strides = array<i32>} : memref<80xi32, #tpu.memory_space<vmem>>, vector<16xi32>,
    tpu.vector_store %arg8[%swap3A_399], %add3A_398 {strides = array<i32>} : memref<80xi32, #tpu.memory_space<vmem>>, vector<16xi32>,
    %iota3A_401 = tpu.iota {dimensions = array<i32: 0>} : vector<16xi32>
    %add3A_402 = arith.constant 16 : i32
    %add3A_403 = vector.broadcast %add3A_402 : i32 to vector<16xi32>
    %add3A_404 = arith.addi %iota3A_401, %add3A_403 : vector<16xi32>
    %swap3A_405 = arith.constant 16 : index
    %swap3A_406 = tpu.vector_load %arg8[%swap3A_405] {strides = array<i32>} : memref<80xi32, #tpu.memory_space<vmem>>, vector<16xi32>,
    tpu.vector_store %arg8[%swap3A_405], %add3A_404 {strides = array<i32>} : memref<80xi32, #tpu.memory_space<vmem>>, vector<16xi32>,
    %iota3A_407 = tpu.iota {dimensions = array<i32: 0>} : vector<16xi32>
    %add3A_408 = arith.constant 32 : i32
    %add3A_409 = vector.broadcast %add3A_408 : i32 to vector<16xi32>
    %add3A_410 = arith.addi %iota3A_407, %add3A_409 : vector<16xi32>
    %swap3A_411 = arith.constant 32 : index
    %swap3A_412 = tpu.vector_load %arg8[%swap3A_411] {strides = array<i32>} : memref<80xi32, #tpu.memory_space<vmem>>, vector<16xi32>,
    tpu.vector_store %arg8[%swap3A_411], %add3A_410 {strides = array<i32>} : memref<80xi32, #tpu.memory_space<vmem>>, vector<16xi32>,
    %iota3A_413 = tpu.iota {dimensions = array<i32: 0>} : vector<16xi32>
    %add3A_414 = arith.constant 48 : i32
    %add3A_415 = vector.broadcast %add3A_414 : i32 to vector<16xi32>
    %add3A_416 = arith.addi %iota3A_413, %add3A_415 : vector<16xi32>
    %swap3A_417 = arith.constant 48 : index
    %swap3A_418 = tpu.vector_load %arg8[%swap3A_417] {strides = array<i32>} : memref<80xi32, #tpu.memory_space<vmem>>, vector<16xi32>,
    tpu.vector_store %arg8[%swap3A_417], %add3A_416 {strides = array<i32>} : memref<80xi32, #tpu.memory_space<vmem>>, vector<16xi32>,
    %iota3A_419 = tpu.iota {dimensions = array<i32: 0>} : vector<16xi32>
    %add3A_420 = arith.constant 64 : i32
    %add3A_421 = vector.broadcast %add3A_420 : i32 to vector<16xi32>
    %add3A_422 = arith.addi %iota3A_419, %add3A_421 : vector<16xi32>
    %swap3A_423 = arith.constant 64 : index
    %swap3A_424 = tpu.vector_load %arg8[%swap3A_423] {strides = array<i32>} : memref<80xi32, #tpu.memory_space<vmem>>, vector<16xi32>,
    tpu.vector_store %arg8[%swap3A_423], %add3A_422 {strides = array<i32>} : memref<80xi32, #tpu.memory_space<vmem>>, vector<16xi32>,
    "tpu.region"() ({
      %run_scoped3A = tpu.sem_alloc : memref<!tpu.dma_semaphore, #tpu.memory_space<semaphore_mem>>
      %dma_start3A = arith.constant 0 : i32
      %dma_start3A_439 = arith.constant 0 : i32
      %dma_start3A_440 = tpu.memref_slice %arg13[%dma_start3A, %dma_start3A_439] : memref<80x128xf32, #tpu.memory_space<vmem_shared>> -> memref<80x128xf32, #tpu.memory_space<vmem_shared>>
      tpu.enqueue_indirect_dma source(%arg6 : memref<80x128xf32, #tpu.memory_space<vmem>>) target(%dma_start3A_440 : memref<80x128xf32, #tpu.memory_space<vmem_shared>>) offsets(%arg8 : memref<80xi32, #tpu.memory_space<vmem>>) semaphore(%run_scoped3A : memref<!tpu.dma_semaphore, #tpu.memory_space<semaphore_mem>>) {add = true}
      %dma_wait3A = arith.constant 0 : i32
      %dma_wait3A_441 = arith.constant 0 : i32
      %dma_wait3A_442 = tpu.memref_slice %arg13[%dma_wait3A, %dma_wait3A_441] : memref<80x128xf32, #tpu.memory_space<vmem_shared>> -> memref<80x128xf32, #tpu.memory_space<vmem_shared>>
      tpu.wait_indirect_dma semaphore(%run_scoped3A : memref<!tpu.dma_semaphore, #tpu.memory_space<semaphore_mem>>) src(%arg6 : memref<80x128xf32, #tpu.memory_space<vmem>>) dst(%dma_wait3A_442 : memref<80x128xf32, #tpu.memory_space<vmem_shared>>)
      tpu.yield
    }) : () -> ()
    %barrier3A_425 = arith.constant 0 : index
    tpu.barrier barrier_id(%barrier3A_425)
    %lt3A_426 = arith.constant 10 : i32
    %lt3A_427 = arith.cmpi slt, %arg1, %lt3A_426 : i32
    %convert_element_type3A_428 = arith.extui %lt3A_427 : i1 to i32
    %cond3A_429 = arith.constant 0 : i32
    %cond3A_430 = arith.cmpi ne, %convert_element_type3A_428, %cond3A_429 : i32
    scf.if %cond3A_430 {
      %mul3A_439 = arith.constant 8 : i32
      %mul3A_440 = arith.muli %arg1, %mul3A_439 : i32
      "tpu.region"() ({
        %run_scoped3A = tpu.sem_alloc : memref<!tpu.dma_semaphore, #tpu.memory_space<semaphore_mem>>
        %dma_start3A = arith.constant 0 : i32
        %dma_start3A_452 = tpu.memref_slice %arg13[%mul3A_440, %dma_start3A] : memref<80x128xf32, #tpu.memory_space<vmem_shared>> -> memref<8x128xf32, #tpu.memory_space<vmem_shared>>
        %dma_start3A_453 = arith.constant 0 : i32
        %dma_start3A_454 = tpu.memref_slice %arg13[%mul3A_440, %dma_start3A_453] : memref<80x128xf32, #tpu.memory_space<vmem_shared>> -> memref<8x128xf32, #tpu.memory_space<vmem_shared>>
        tpu.enqueue_dma source(%dma_start3A_454 : memref<8x128xf32, #tpu.memory_space<vmem_shared>>) target(%arg9 : memref<8x128xf32, #tpu.memory_space<vmem>>) target_semaphore(%run_scoped3A : memref<!tpu.dma_semaphore, #tpu.memory_space<semaphore_mem>>)
        %dma_wait3A = arith.constant 0 : i32
        %dma_wait3A_455 = tpu.memref_slice %arg13[%mul3A_440, %dma_wait3A] : memref<80x128xf32, #tpu.memory_space<vmem_shared>> -> memref<8x128xf32, #tpu.memory_space<vmem_shared>>
        %dma_wait3A_456 = arith.constant 0 : i32
        %dma_wait3A_457 = tpu.memref_slice %arg13[%mul3A_440, %dma_wait3A_456] : memref<80x128xf32, #tpu.memory_space<vmem_shared>> -> memref<8x128xf32, #tpu.memory_space<vmem_shared>>
        tpu.wait_dma2 semaphore(%run_scoped3A : memref<!tpu.dma_semaphore, #tpu.memory_space<semaphore_mem>>) src(%dma_wait3A_457 : memref<8x128xf32, #tpu.memory_space<vmem_shared>>) dst(%arg9 : memref<8x128xf32, #tpu.memory_space<vmem>>)
        tpu.yield
      }) : () -> ()
      %scan3A_441 = arith.constant 0 : i32
      %scan3A_442 = arith.constant 8 : i32
      %scan3A_443 = arith.addi %scan3A_441, %scan3A_442 : i32
      %scan3A_444 = arith.constant 1 : i32
      scf.for %scan3A_452 = %scan3A_441 to %scan3A_443 step %scan3A_444  : i32 {
        %get3A = arith.index_cast %scan3A_452 : i32 to index
        %get3A_453 = arith.constant 0 : index
        %get3A_454 = tpu.vector_load %arg9[%get3A, %get3A_453] {strides = array<i32>} : memref<8x128xf32, #tpu.memory_space<vmem>>, vector<16xf32>,
        %max3A = arith.constant 1.000000e+00 : f32
        %max3A_455 = vector.broadcast %max3A : f32 to vector<16xf32>
        %max3A_456 = arith.maximumf %get3A_454, %max3A_455 : vector<16xf32>
        %bitcast3A = vector.bitcast %max3A_456 : vector<16xf32> to vector<16xi32>
        %shift_right_arithmetic3A = arith.constant 1 : i32
        %shift_right_arithmetic3A_457 = vector.broadcast %shift_right_arithmetic3A : i32 to vector<16xi32>
        %shift_right_arithmetic3A_458 = arith.shrsi %bitcast3A, %shift_right_arithmetic3A_457 : vector<16xi32>
        %sub3A = arith.constant 1597463007 : i32
        %sub3A_459 = vector.broadcast %sub3A : i32 to vector<16xi32>
        %sub3A_460 = arith.subi %sub3A_459, %shift_right_arithmetic3A_458 : vector<16xi32>
        %bitcast3A_461 = vector.bitcast %sub3A_460 : vector<16xi32> to vector<16xf32>
        %mul3A_462 = arith.constant 5.000000e-01 : f32
        %mul3A_463 = vector.broadcast %mul3A_462 : f32 to vector<16xf32>
        %mul3A_464 = arith.mulf %mul3A_463, %max3A_456 : vector<16xf32>
        %mul3A_465 = arith.mulf %mul3A_464, %bitcast3A_461 : vector<16xf32>
        %mul3A_466 = arith.mulf %mul3A_465, %bitcast3A_461 : vector<16xf32>
        %sub3A_467 = arith.constant 1.500000e+00 : f32
        %sub3A_468 = vector.broadcast %sub3A_467 : f32 to vector<16xf32>
        %sub3A_469 = arith.subf %sub3A_468, %mul3A_466 : vector<16xf32>
        %mul3A_470 = arith.mulf %bitcast3A_461, %sub3A_469 : vector<16xf32>
        %mul3A_471 = arith.constant 5.000000e-01 : f32
        %mul3A_472 = vector.broadcast %mul3A_471 : f32 to vector<16xf32>
        %mul3A_473 = arith.mulf %mul3A_472, %max3A_456 : vector<16xf32>
        %mul3A_474 = arith.mulf %mul3A_473, %mul3A_470 : vector<16xf32>
        %mul3A_475 = arith.mulf %mul3A_474, %mul3A_470 : vector<16xf32>
        %sub3A_476 = arith.constant 1.500000e+00 : f32
        %sub3A_477 = vector.broadcast %sub3A_476 : f32 to vector<16xf32>
        %sub3A_478 = arith.subf %sub3A_477, %mul3A_475 : vector<16xf32>
        %mul3A_479 = arith.mulf %mul3A_470, %sub3A_478 : vector<16xf32>
        %mul3A_480 = arith.constant 5.000000e-01 : f32
        %mul3A_481 = vector.broadcast %mul3A_480 : f32 to vector<16xf32>
        %mul3A_482 = arith.mulf %mul3A_481, %max3A_456 : vector<16xf32>
        %mul3A_483 = arith.mulf %mul3A_482, %mul3A_479 : vector<16xf32>
        %mul3A_484 = arith.mulf %mul3A_483, %mul3A_479 : vector<16xf32>
        %sub3A_485 = arith.constant 1.500000e+00 : f32
        %sub3A_486 = vector.broadcast %sub3A_485 : f32 to vector<16xf32>
        %sub3A_487 = arith.subf %sub3A_486, %mul3A_484 : vector<16xf32>
        %mul3A_488 = arith.mulf %mul3A_479, %sub3A_487 : vector<16xf32>
        %swap3A_489 = arith.index_cast %scan3A_452 : i32 to index
        %swap3A_490 = arith.constant 0 : index
        %swap3A_491 = tpu.vector_load %arg9[%swap3A_489, %swap3A_490] {strides = array<i32>} : memref<8x128xf32, #tpu.memory_space<vmem>>, vector<16xf32>,
        tpu.vector_store %arg9[%swap3A_489, %swap3A_490], %mul3A_488 {strides = array<i32>} : memref<8x128xf32, #tpu.memory_space<vmem>>, vector<16xf32>,
        %get3A_492 = arith.index_cast %scan3A_452 : i32 to index
        %get3A_493 = arith.constant 16 : index
        %get3A_494 = tpu.vector_load %arg9[%get3A_492, %get3A_493] {strides = array<i32>} : memref<8x128xf32, #tpu.memory_space<vmem>>, vector<16xf32>,
        %max3A_495 = arith.constant 1.000000e+00 : f32
        %max3A_496 = vector.broadcast %max3A_495 : f32 to vector<16xf32>
        %max3A_497 = arith.maximumf %get3A_494, %max3A_496 : vector<16xf32>
        %bitcast3A_498 = vector.bitcast %max3A_497 : vector<16xf32> to vector<16xi32>
        %shift_right_arithmetic3A_499 = arith.constant 1 : i32
        %shift_right_arithmetic3A_500 = vector.broadcast %shift_right_arithmetic3A_499 : i32 to vector<16xi32>
        %shift_right_arithmetic3A_501 = arith.shrsi %bitcast3A_498, %shift_right_arithmetic3A_500 : vector<16xi32>
        %sub3A_502 = arith.constant 1597463007 : i32
        %sub3A_503 = vector.broadcast %sub3A_502 : i32 to vector<16xi32>
        %sub3A_504 = arith.subi %sub3A_503, %shift_right_arithmetic3A_501 : vector<16xi32>
        %bitcast3A_505 = vector.bitcast %sub3A_504 : vector<16xi32> to vector<16xf32>
        %mul3A_506 = arith.constant 5.000000e-01 : f32
        %mul3A_507 = vector.broadcast %mul3A_506 : f32 to vector<16xf32>
        %mul3A_508 = arith.mulf %mul3A_507, %max3A_497 : vector<16xf32>
        %mul3A_509 = arith.mulf %mul3A_508, %bitcast3A_505 : vector<16xf32>
        %mul3A_510 = arith.mulf %mul3A_509, %bitcast3A_505 : vector<16xf32>
        %sub3A_511 = arith.constant 1.500000e+00 : f32
        %sub3A_512 = vector.broadcast %sub3A_511 : f32 to vector<16xf32>
        %sub3A_513 = arith.subf %sub3A_512, %mul3A_510 : vector<16xf32>
        %mul3A_514 = arith.mulf %bitcast3A_505, %sub3A_513 : vector<16xf32>
        %mul3A_515 = arith.constant 5.000000e-01 : f32
        %mul3A_516 = vector.broadcast %mul3A_515 : f32 to vector<16xf32>
        %mul3A_517 = arith.mulf %mul3A_516, %max3A_497 : vector<16xf32>
        %mul3A_518 = arith.mulf %mul3A_517, %mul3A_514 : vector<16xf32>
        %mul3A_519 = arith.mulf %mul3A_518, %mul3A_514 : vector<16xf32>
        %sub3A_520 = arith.constant 1.500000e+00 : f32
        %sub3A_521 = vector.broadcast %sub3A_520 : f32 to vector<16xf32>
        %sub3A_522 = arith.subf %sub3A_521, %mul3A_519 : vector<16xf32>
        %mul3A_523 = arith.mulf %mul3A_514, %sub3A_522 : vector<16xf32>
        %mul3A_524 = arith.constant 5.000000e-01 : f32
        %mul3A_525 = vector.broadcast %mul3A_524 : f32 to vector<16xf32>
        %mul3A_526 = arith.mulf %mul3A_525, %max3A_497 : vector<16xf32>
        %mul3A_527 = arith.mulf %mul3A_526, %mul3A_523 : vector<16xf32>
        %mul3A_528 = arith.mulf %mul3A_527, %mul3A_523 : vector<16xf32>
        %sub3A_529 = arith.constant 1.500000e+00 : f32
        %sub3A_530 = vector.broadcast %sub3A_529 : f32 to vector<16xf32>
        %sub3A_531 = arith.subf %sub3A_530, %mul3A_528 : vector<16xf32>
        %mul3A_532 = arith.mulf %mul3A_523, %sub3A_531 : vector<16xf32>
        %swap3A_533 = arith.index_cast %scan3A_452 : i32 to index
        %swap3A_534 = arith.constant 16 : index
        %swap3A_535 = tpu.vector_load %arg9[%swap3A_533, %swap3A_534] {strides = array<i32>} : memref<8x128xf32, #tpu.memory_space<vmem>>, vector<16xf32>,
        tpu.vector_store %arg9[%swap3A_533, %swap3A_534], %mul3A_532 {strides = array<i32>} : memref<8x128xf32, #tpu.memory_space<vmem>>, vector<16xf32>,
        %get3A_536 = arith.index_cast %scan3A_452 : i32 to index
        %get3A_537 = arith.constant 32 : index
        %get3A_538 = tpu.vector_load %arg9[%get3A_536, %get3A_537] {strides = array<i32>} : memref<8x128xf32, #tpu.memory_space<vmem>>, vector<16xf32>,
        %max3A_539 = arith.constant 1.000000e+00 : f32
        %max3A_540 = vector.broadcast %max3A_539 : f32 to vector<16xf32>
        %max3A_541 = arith.maximumf %get3A_538, %max3A_540 : vector<16xf32>
        %bitcast3A_542 = vector.bitcast %max3A_541 : vector<16xf32> to vector<16xi32>
        %shift_right_arithmetic3A_543 = arith.constant 1 : i32
        %shift_right_arithmetic3A_544 = vector.broadcast %shift_right_arithmetic3A_543 : i32 to vector<16xi32>
        %shift_right_arithmetic3A_545 = arith.shrsi %bitcast3A_542, %shift_right_arithmetic3A_544 : vector<16xi32>
        %sub3A_546 = arith.constant 1597463007 : i32
        %sub3A_547 = vector.broadcast %sub3A_546 : i32 to vector<16xi32>
        %sub3A_548 = arith.subi %sub3A_547, %shift_right_arithmetic3A_545 : vector<16xi32>
        %bitcast3A_549 = vector.bitcast %sub3A_548 : vector<16xi32> to vector<16xf32>
        %mul3A_550 = arith.constant 5.000000e-01 : f32
        %mul3A_551 = vector.broadcast %mul3A_550 : f32 to vector<16xf32>
        %mul3A_552 = arith.mulf %mul3A_551, %max3A_541 : vector<16xf32>
        %mul3A_553 = arith.mulf %mul3A_552, %bitcast3A_549 : vector<16xf32>
        %mul3A_554 = arith.mulf %mul3A_553, %bitcast3A_549 : vector<16xf32>
        %sub3A_555 = arith.constant 1.500000e+00 : f32
        %sub3A_556 = vector.broadcast %sub3A_555 : f32 to vector<16xf32>
        %sub3A_557 = arith.subf %sub3A_556, %mul3A_554 : vector<16xf32>
        %mul3A_558 = arith.mulf %bitcast3A_549, %sub3A_557 : vector<16xf32>
        %mul3A_559 = arith.constant 5.000000e-01 : f32
        %mul3A_560 = vector.broadcast %mul3A_559 : f32 to vector<16xf32>
        %mul3A_561 = arith.mulf %mul3A_560, %max3A_541 : vector<16xf32>
        %mul3A_562 = arith.mulf %mul3A_561, %mul3A_558 : vector<16xf32>
        %mul3A_563 = arith.mulf %mul3A_562, %mul3A_558 : vector<16xf32>
        %sub3A_564 = arith.constant 1.500000e+00 : f32
        %sub3A_565 = vector.broadcast %sub3A_564 : f32 to vector<16xf32>
        %sub3A_566 = arith.subf %sub3A_565, %mul3A_563 : vector<16xf32>
        %mul3A_567 = arith.mulf %mul3A_558, %sub3A_566 : vector<16xf32>
        %mul3A_568 = arith.constant 5.000000e-01 : f32
        %mul3A_569 = vector.broadcast %mul3A_568 : f32 to vector<16xf32>
        %mul3A_570 = arith.mulf %mul3A_569, %max3A_541 : vector<16xf32>
        %mul3A_571 = arith.mulf %mul3A_570, %mul3A_567 : vector<16xf32>
        %mul3A_572 = arith.mulf %mul3A_571, %mul3A_567 : vector<16xf32>
        %sub3A_573 = arith.constant 1.500000e+00 : f32
        %sub3A_574 = vector.broadcast %sub3A_573 : f32 to vector<16xf32>
        %sub3A_575 = arith.subf %sub3A_574, %mul3A_572 : vector<16xf32>
        %mul3A_576 = arith.mulf %mul3A_567, %sub3A_575 : vector<16xf32>
        %swap3A_577 = arith.index_cast %scan3A_452 : i32 to index
        %swap3A_578 = arith.constant 32 : index
        %swap3A_579 = tpu.vector_load %arg9[%swap3A_577, %swap3A_578] {strides = array<i32>} : memref<8x128xf32, #tpu.memory_space<vmem>>, vector<16xf32>,
        tpu.vector_store %arg9[%swap3A_577, %swap3A_578], %mul3A_576 {strides = array<i32>} : memref<8x128xf32, #tpu.memory_space<vmem>>, vector<16xf32>,
        %get3A_580 = arith.index_cast %scan3A_452 : i32 to index
        %get3A_581 = arith.constant 48 : index
        %get3A_582 = tpu.vector_load %arg9[%get3A_580, %get3A_581] {strides = array<i32>} : memref<8x128xf32, #tpu.memory_space<vmem>>, vector<16xf32>,
        %max3A_583 = arith.constant 1.000000e+00 : f32
        %max3A_584 = vector.broadcast %max3A_583 : f32 to vector<16xf32>
        %max3A_585 = arith.maximumf %get3A_582, %max3A_584 : vector<16xf32>
        %bitcast3A_586 = vector.bitcast %max3A_585 : vector<16xf32> to vector<16xi32>
        %shift_right_arithmetic3A_587 = arith.constant 1 : i32
        %shift_right_arithmetic3A_588 = vector.broadcast %shift_right_arithmetic3A_587 : i32 to vector<16xi32>
        %shift_right_arithmetic3A_589 = arith.shrsi %bitcast3A_586, %shift_right_arithmetic3A_588 : vector<16xi32>
        %sub3A_590 = arith.constant 1597463007 : i32
        %sub3A_591 = vector.broadcast %sub3A_590 : i32 to vector<16xi32>
        %sub3A_592 = arith.subi %sub3A_591, %shift_right_arithmetic3A_589 : vector<16xi32>
        %bitcast3A_593 = vector.bitcast %sub3A_592 : vector<16xi32> to vector<16xf32>
        %mul3A_594 = arith.constant 5.000000e-01 : f32
        %mul3A_595 = vector.broadcast %mul3A_594 : f32 to vector<16xf32>
        %mul3A_596 = arith.mulf %mul3A_595, %max3A_585 : vector<16xf32>
        %mul3A_597 = arith.mulf %mul3A_596, %bitcast3A_593 : vector<16xf32>
        %mul3A_598 = arith.mulf %mul3A_597, %bitcast3A_593 : vector<16xf32>
        %sub3A_599 = arith.constant 1.500000e+00 : f32
        %sub3A_600 = vector.broadcast %sub3A_599 : f32 to vector<16xf32>
        %sub3A_601 = arith.subf %sub3A_600, %mul3A_598 : vector<16xf32>
        %mul3A_602 = arith.mulf %bitcast3A_593, %sub3A_601 : vector<16xf32>
        %mul3A_603 = arith.constant 5.000000e-01 : f32
        %mul3A_604 = vector.broadcast %mul3A_603 : f32 to vector<16xf32>
        %mul3A_605 = arith.mulf %mul3A_604, %max3A_585 : vector<16xf32>
        %mul3A_606 = arith.mulf %mul3A_605, %mul3A_602 : vector<16xf32>
        %mul3A_607 = arith.mulf %mul3A_606, %mul3A_602 : vector<16xf32>
        %sub3A_608 = arith.constant 1.500000e+00 : f32
        %sub3A_609 = vector.broadcast %sub3A_608 : f32 to vector<16xf32>
        %sub3A_610 = arith.subf %sub3A_609, %mul3A_607 : vector<16xf32>
        %mul3A_611 = arith.mulf %mul3A_602, %sub3A_610 : vector<16xf32>
        %mul3A_612 = arith.constant 5.000000e-01 : f32
        %mul3A_613 = vector.broadcast %mul3A_612 : f32 to vector<16xf32>
        %mul3A_614 = arith.mulf %mul3A_613, %max3A_585 : vector<16xf32>
        %mul3A_615 = arith.mulf %mul3A_614, %mul3A_611 : vector<16xf32>
        %mul3A_616 = arith.mulf %mul3A_615, %mul3A_611 : vector<16xf32>
        %sub3A_617 = arith.constant 1.500000e+00 : f32
        %sub3A_618 = vector.broadcast %sub3A_617 : f32 to vector<16xf32>
        %sub3A_619 = arith.subf %sub3A_618, %mul3A_616 : vector<16xf32>
        %mul3A_620 = arith.mulf %mul3A_611, %sub3A_619 : vector<16xf32>
        %swap3A_621 = arith.index_cast %scan3A_452 : i32 to index
        %swap3A_622 = arith.constant 48 : index
        %swap3A_623 = tpu.vector_load %arg9[%swap3A_621, %swap3A_622] {strides = array<i32>} : memref<8x128xf32, #tpu.memory_space<vmem>>, vector<16xf32>,
        tpu.vector_store %arg9[%swap3A_621, %swap3A_622], %mul3A_620 {strides = array<i32>} : memref<8x128xf32, #tpu.memory_space<vmem>>, vector<16xf32>,
        %get3A_624 = arith.index_cast %scan3A_452 : i32 to index
        %get3A_625 = arith.constant 64 : index
        %get3A_626 = tpu.vector_load %arg9[%get3A_624, %get3A_625] {strides = array<i32>} : memref<8x128xf32, #tpu.memory_space<vmem>>, vector<16xf32>,
        %max3A_627 = arith.constant 1.000000e+00 : f32
        %max3A_628 = vector.broadcast %max3A_627 : f32 to vector<16xf32>
        %max3A_629 = arith.maximumf %get3A_626, %max3A_628 : vector<16xf32>
        %bitcast3A_630 = vector.bitcast %max3A_629 : vector<16xf32> to vector<16xi32>
        %shift_right_arithmetic3A_631 = arith.constant 1 : i32
        %shift_right_arithmetic3A_632 = vector.broadcast %shift_right_arithmetic3A_631 : i32 to vector<16xi32>
        %shift_right_arithmetic3A_633 = arith.shrsi %bitcast3A_630, %shift_right_arithmetic3A_632 : vector<16xi32>
        %sub3A_634 = arith.constant 1597463007 : i32
        %sub3A_635 = vector.broadcast %sub3A_634 : i32 to vector<16xi32>
        %sub3A_636 = arith.subi %sub3A_635, %shift_right_arithmetic3A_633 : vector<16xi32>
        %bitcast3A_637 = vector.bitcast %sub3A_636 : vector<16xi32> to vector<16xf32>
        %mul3A_638 = arith.constant 5.000000e-01 : f32
        %mul3A_639 = vector.broadcast %mul3A_638 : f32 to vector<16xf32>
        %mul3A_640 = arith.mulf %mul3A_639, %max3A_629 : vector<16xf32>
        %mul3A_641 = arith.mulf %mul3A_640, %bitcast3A_637 : vector<16xf32>
        %mul3A_642 = arith.mulf %mul3A_641, %bitcast3A_637 : vector<16xf32>
        %sub3A_643 = arith.constant 1.500000e+00 : f32
        %sub3A_644 = vector.broadcast %sub3A_643 : f32 to vector<16xf32>
        %sub3A_645 = arith.subf %sub3A_644, %mul3A_642 : vector<16xf32>
        %mul3A_646 = arith.mulf %bitcast3A_637, %sub3A_645 : vector<16xf32>
        %mul3A_647 = arith.constant 5.000000e-01 : f32
        %mul3A_648 = vector.broadcast %mul3A_647 : f32 to vector<16xf32>
        %mul3A_649 = arith.mulf %mul3A_648, %max3A_629 : vector<16xf32>
        %mul3A_650 = arith.mulf %mul3A_649, %mul3A_646 : vector<16xf32>
        %mul3A_651 = arith.mulf %mul3A_650, %mul3A_646 : vector<16xf32>
        %sub3A_652 = arith.constant 1.500000e+00 : f32
        %sub3A_653 = vector.broadcast %sub3A_652 : f32 to vector<16xf32>
        %sub3A_654 = arith.subf %sub3A_653, %mul3A_651 : vector<16xf32>
        %mul3A_655 = arith.mulf %mul3A_646, %sub3A_654 : vector<16xf32>
        %mul3A_656 = arith.constant 5.000000e-01 : f32
        %mul3A_657 = vector.broadcast %mul3A_656 : f32 to vector<16xf32>
        %mul3A_658 = arith.mulf %mul3A_657, %max3A_629 : vector<16xf32>
        %mul3A_659 = arith.mulf %mul3A_658, %mul3A_655 : vector<16xf32>
        %mul3A_660 = arith.mulf %mul3A_659, %mul3A_655 : vector<16xf32>
        %sub3A_661 = arith.constant 1.500000e+00 : f32
        %sub3A_662 = vector.broadcast %sub3A_661 : f32 to vector<16xf32>
        %sub3A_663 = arith.subf %sub3A_662, %mul3A_660 : vector<16xf32>
        %mul3A_664 = arith.mulf %mul3A_655, %sub3A_663 : vector<16xf32>
        %swap3A_665 = arith.index_cast %scan3A_452 : i32 to index
        %swap3A_666 = arith.constant 64 : index
        %swap3A_667 = tpu.vector_load %arg9[%swap3A_665, %swap3A_666] {strides = array<i32>} : memref<8x128xf32, #tpu.memory_space<vmem>>, vector<16xf32>,
        tpu.vector_store %arg9[%swap3A_665, %swap3A_666], %mul3A_664 {strides = array<i32>} : memref<8x128xf32, #tpu.memory_space<vmem>>, vector<16xf32>,
        %get3A_668 = arith.index_cast %scan3A_452 : i32 to index
        %get3A_669 = arith.constant 80 : index
        %get3A_670 = tpu.vector_load %arg9[%get3A_668, %get3A_669] {strides = array<i32>} : memref<8x128xf32, #tpu.memory_space<vmem>>, vector<16xf32>,
        %max3A_671 = arith.constant 1.000000e+00 : f32
        %max3A_672 = vector.broadcast %max3A_671 : f32 to vector<16xf32>
        %max3A_673 = arith.maximumf %get3A_670, %max3A_672 : vector<16xf32>
        %bitcast3A_674 = vector.bitcast %max3A_673 : vector<16xf32> to vector<16xi32>
        %shift_right_arithmetic3A_675 = arith.constant 1 : i32
        %shift_right_arithmetic3A_676 = vector.broadcast %shift_right_arithmetic3A_675 : i32 to vector<16xi32>
        %shift_right_arithmetic3A_677 = arith.shrsi %bitcast3A_674, %shift_right_arithmetic3A_676 : vector<16xi32>
        %sub3A_678 = arith.constant 1597463007 : i32
        %sub3A_679 = vector.broadcast %sub3A_678 : i32 to vector<16xi32>
        %sub3A_680 = arith.subi %sub3A_679, %shift_right_arithmetic3A_677 : vector<16xi32>
        %bitcast3A_681 = vector.bitcast %sub3A_680 : vector<16xi32> to vector<16xf32>
        %mul3A_682 = arith.constant 5.000000e-01 : f32
        %mul3A_683 = vector.broadcast %mul3A_682 : f32 to vector<16xf32>
        %mul3A_684 = arith.mulf %mul3A_683, %max3A_673 : vector<16xf32>
        %mul3A_685 = arith.mulf %mul3A_684, %bitcast3A_681 : vector<16xf32>
        %mul3A_686 = arith.mulf %mul3A_685, %bitcast3A_681 : vector<16xf32>
        %sub3A_687 = arith.constant 1.500000e+00 : f32
        %sub3A_688 = vector.broadcast %sub3A_687 : f32 to vector<16xf32>
        %sub3A_689 = arith.subf %sub3A_688, %mul3A_686 : vector<16xf32>
        %mul3A_690 = arith.mulf %bitcast3A_681, %sub3A_689 : vector<16xf32>
        %mul3A_691 = arith.constant 5.000000e-01 : f32
        %mul3A_692 = vector.broadcast %mul3A_691 : f32 to vector<16xf32>
        %mul3A_693 = arith.mulf %mul3A_692, %max3A_673 : vector<16xf32>
        %mul3A_694 = arith.mulf %mul3A_693, %mul3A_690 : vector<16xf32>
        %mul3A_695 = arith.mulf %mul3A_694, %mul3A_690 : vector<16xf32>
        %sub3A_696 = arith.constant 1.500000e+00 : f32
        %sub3A_697 = vector.broadcast %sub3A_696 : f32 to vector<16xf32>
        %sub3A_698 = arith.subf %sub3A_697, %mul3A_695 : vector<16xf32>
        %mul3A_699 = arith.mulf %mul3A_690, %sub3A_698 : vector<16xf32>
        %mul3A_700 = arith.constant 5.000000e-01 : f32
        %mul3A_701 = vector.broadcast %mul3A_700 : f32 to vector<16xf32>
        %mul3A_702 = arith.mulf %mul3A_701, %max3A_673 : vector<16xf32>
        %mul3A_703 = arith.mulf %mul3A_702, %mul3A_699 : vector<16xf32>
        %mul3A_704 = arith.mulf %mul3A_703, %mul3A_699 : vector<16xf32>
        %sub3A_705 = arith.constant 1.500000e+00 : f32
        %sub3A_706 = vector.broadcast %sub3A_705 : f32 to vector<16xf32>
        %sub3A_707 = arith.subf %sub3A_706, %mul3A_704 : vector<16xf32>
        %mul3A_708 = arith.mulf %mul3A_699, %sub3A_707 : vector<16xf32>
        %swap3A_709 = arith.index_cast %scan3A_452 : i32 to index
        %swap3A_710 = arith.constant 80 : index
        %swap3A_711 = tpu.vector_load %arg9[%swap3A_709, %swap3A_710] {strides = array<i32>} : memref<8x128xf32, #tpu.memory_space<vmem>>, vector<16xf32>,
        tpu.vector_store %arg9[%swap3A_709, %swap3A_710], %mul3A_708 {strides = array<i32>} : memref<8x128xf32, #tpu.memory_space<vmem>>, vector<16xf32>,
        %get3A_712 = arith.index_cast %scan3A_452 : i32 to index
        %get3A_713 = arith.constant 96 : index
        %get3A_714 = tpu.vector_load %arg9[%get3A_712, %get3A_713] {strides = array<i32>} : memref<8x128xf32, #tpu.memory_space<vmem>>, vector<16xf32>,
        %max3A_715 = arith.constant 1.000000e+00 : f32
        %max3A_716 = vector.broadcast %max3A_715 : f32 to vector<16xf32>
        %max3A_717 = arith.maximumf %get3A_714, %max3A_716 : vector<16xf32>
        %bitcast3A_718 = vector.bitcast %max3A_717 : vector<16xf32> to vector<16xi32>
        %shift_right_arithmetic3A_719 = arith.constant 1 : i32
        %shift_right_arithmetic3A_720 = vector.broadcast %shift_right_arithmetic3A_719 : i32 to vector<16xi32>
        %shift_right_arithmetic3A_721 = arith.shrsi %bitcast3A_718, %shift_right_arithmetic3A_720 : vector<16xi32>
        %sub3A_722 = arith.constant 1597463007 : i32
        %sub3A_723 = vector.broadcast %sub3A_722 : i32 to vector<16xi32>
        %sub3A_724 = arith.subi %sub3A_723, %shift_right_arithmetic3A_721 : vector<16xi32>
        %bitcast3A_725 = vector.bitcast %sub3A_724 : vector<16xi32> to vector<16xf32>
        %mul3A_726 = arith.constant 5.000000e-01 : f32
        %mul3A_727 = vector.broadcast %mul3A_726 : f32 to vector<16xf32>
        %mul3A_728 = arith.mulf %mul3A_727, %max3A_717 : vector<16xf32>
        %mul3A_729 = arith.mulf %mul3A_728, %bitcast3A_725 : vector<16xf32>
        %mul3A_730 = arith.mulf %mul3A_729, %bitcast3A_725 : vector<16xf32>
        %sub3A_731 = arith.constant 1.500000e+00 : f32
        %sub3A_732 = vector.broadcast %sub3A_731 : f32 to vector<16xf32>
        %sub3A_733 = arith.subf %sub3A_732, %mul3A_730 : vector<16xf32>
        %mul3A_734 = arith.mulf %bitcast3A_725, %sub3A_733 : vector<16xf32>
        %mul3A_735 = arith.constant 5.000000e-01 : f32
        %mul3A_736 = vector.broadcast %mul3A_735 : f32 to vector<16xf32>
        %mul3A_737 = arith.mulf %mul3A_736, %max3A_717 : vector<16xf32>
        %mul3A_738 = arith.mulf %mul3A_737, %mul3A_734 : vector<16xf32>
        %mul3A_739 = arith.mulf %mul3A_738, %mul3A_734 : vector<16xf32>
        %sub3A_740 = arith.constant 1.500000e+00 : f32
        %sub3A_741 = vector.broadcast %sub3A_740 : f32 to vector<16xf32>
        %sub3A_742 = arith.subf %sub3A_741, %mul3A_739 : vector<16xf32>
        %mul3A_743 = arith.mulf %mul3A_734, %sub3A_742 : vector<16xf32>
        %mul3A_744 = arith.constant 5.000000e-01 : f32
        %mul3A_745 = vector.broadcast %mul3A_744 : f32 to vector<16xf32>
        %mul3A_746 = arith.mulf %mul3A_745, %max3A_717 : vector<16xf32>
        %mul3A_747 = arith.mulf %mul3A_746, %mul3A_743 : vector<16xf32>
        %mul3A_748 = arith.mulf %mul3A_747, %mul3A_743 : vector<16xf32>
        %sub3A_749 = arith.constant 1.500000e+00 : f32
        %sub3A_750 = vector.broadcast %sub3A_749 : f32 to vector<16xf32>
        %sub3A_751 = arith.subf %sub3A_750, %mul3A_748 : vector<16xf32>
        %mul3A_752 = arith.mulf %mul3A_743, %sub3A_751 : vector<16xf32>
        %swap3A_753 = arith.index_cast %scan3A_452 : i32 to index
        %swap3A_754 = arith.constant 96 : index
        %swap3A_755 = tpu.vector_load %arg9[%swap3A_753, %swap3A_754] {strides = array<i32>} : memref<8x128xf32, #tpu.memory_space<vmem>>, vector<16xf32>,
        tpu.vector_store %arg9[%swap3A_753, %swap3A_754], %mul3A_752 {strides = array<i32>} : memref<8x128xf32, #tpu.memory_space<vmem>>, vector<16xf32>,
        %get3A_756 = arith.index_cast %scan3A_452 : i32 to index
        %get3A_757 = arith.constant 112 : index
        %get3A_758 = tpu.vector_load %arg9[%get3A_756, %get3A_757] {strides = array<i32>} : memref<8x128xf32, #tpu.memory_space<vmem>>, vector<16xf32>,
        %max3A_759 = arith.constant 1.000000e+00 : f32
        %max3A_760 = vector.broadcast %max3A_759 : f32 to vector<16xf32>
        %max3A_761 = arith.maximumf %get3A_758, %max3A_760 : vector<16xf32>
        %bitcast3A_762 = vector.bitcast %max3A_761 : vector<16xf32> to vector<16xi32>
        %shift_right_arithmetic3A_763 = arith.constant 1 : i32
        %shift_right_arithmetic3A_764 = vector.broadcast %shift_right_arithmetic3A_763 : i32 to vector<16xi32>
        %shift_right_arithmetic3A_765 = arith.shrsi %bitcast3A_762, %shift_right_arithmetic3A_764 : vector<16xi32>
        %sub3A_766 = arith.constant 1597463007 : i32
        %sub3A_767 = vector.broadcast %sub3A_766 : i32 to vector<16xi32>
        %sub3A_768 = arith.subi %sub3A_767, %shift_right_arithmetic3A_765 : vector<16xi32>
        %bitcast3A_769 = vector.bitcast %sub3A_768 : vector<16xi32> to vector<16xf32>
        %mul3A_770 = arith.constant 5.000000e-01 : f32
        %mul3A_771 = vector.broadcast %mul3A_770 : f32 to vector<16xf32>
        %mul3A_772 = arith.mulf %mul3A_771, %max3A_761 : vector<16xf32>
        %mul3A_773 = arith.mulf %mul3A_772, %bitcast3A_769 : vector<16xf32>
        %mul3A_774 = arith.mulf %mul3A_773, %bitcast3A_769 : vector<16xf32>
        %sub3A_775 = arith.constant 1.500000e+00 : f32
        %sub3A_776 = vector.broadcast %sub3A_775 : f32 to vector<16xf32>
        %sub3A_777 = arith.subf %sub3A_776, %mul3A_774 : vector<16xf32>
        %mul3A_778 = arith.mulf %bitcast3A_769, %sub3A_777 : vector<16xf32>
        %mul3A_779 = arith.constant 5.000000e-01 : f32
        %mul3A_780 = vector.broadcast %mul3A_779 : f32 to vector<16xf32>
        %mul3A_781 = arith.mulf %mul3A_780, %max3A_761 : vector<16xf32>
        %mul3A_782 = arith.mulf %mul3A_781, %mul3A_778 : vector<16xf32>
        %mul3A_783 = arith.mulf %mul3A_782, %mul3A_778 : vector<16xf32>
        %sub3A_784 = arith.constant 1.500000e+00 : f32
        %sub3A_785 = vector.broadcast %sub3A_784 : f32 to vector<16xf32>
        %sub3A_786 = arith.subf %sub3A_785, %mul3A_783 : vector<16xf32>
        %mul3A_787 = arith.mulf %mul3A_778, %sub3A_786 : vector<16xf32>
        %mul3A_788 = arith.constant 5.000000e-01 : f32
        %mul3A_789 = vector.broadcast %mul3A_788 : f32 to vector<16xf32>
        %mul3A_790 = arith.mulf %mul3A_789, %max3A_761 : vector<16xf32>
        %mul3A_791 = arith.mulf %mul3A_790, %mul3A_787 : vector<16xf32>
        %mul3A_792 = arith.mulf %mul3A_791, %mul3A_787 : vector<16xf32>
        %sub3A_793 = arith.constant 1.500000e+00 : f32
        %sub3A_794 = vector.broadcast %sub3A_793 : f32 to vector<16xf32>
        %sub3A_795 = arith.subf %sub3A_794, %mul3A_792 : vector<16xf32>
        %mul3A_796 = arith.mulf %mul3A_787, %sub3A_795 : vector<16xf32>
        %swap3A_797 = arith.index_cast %scan3A_452 : i32 to index
        %swap3A_798 = arith.constant 112 : index
        %swap3A_799 = tpu.vector_load %arg9[%swap3A_797, %swap3A_798] {strides = array<i32>} : memref<8x128xf32, #tpu.memory_space<vmem>>, vector<16xf32>,
        tpu.vector_store %arg9[%swap3A_797, %swap3A_798], %mul3A_796 {strides = array<i32>} : memref<8x128xf32, #tpu.memory_space<vmem>>, vector<16xf32>,
      }
      %scan3A_445 = arith.constant 8 : i32
      %mul3A_446 = arith.constant 8 : i32
      %mul3A_447 = arith.muli %arg1, %mul3A_446 : i32
      "tpu.region"() ({
        %run_scoped3A = tpu.sem_alloc : memref<!tpu.dma_semaphore, #tpu.memory_space<semaphore_mem>>
        %dma_start3A = arith.constant 0 : i32
        %dma_start3A_452 = tpu.memref_slice %arg13[%mul3A_447, %dma_start3A] : memref<80x128xf32, #tpu.memory_space<vmem_shared>> -> memref<8x128xf32, #tpu.memory_space<vmem_shared>>
        %dma_start3A_453 = arith.constant 0 : i32
        %dma_start3A_454 = tpu.memref_slice %arg13[%mul3A_447, %dma_start3A_453] : memref<80x128xf32, #tpu.memory_space<vmem_shared>> -> memref<8x128xf32, #tpu.memory_space<vmem_shared>>
        tpu.enqueue_dma source(%arg9 : memref<8x128xf32, #tpu.memory_space<vmem>>) target(%dma_start3A_454 : memref<8x128xf32, #tpu.memory_space<vmem_shared>>) target_semaphore(%run_scoped3A : memref<!tpu.dma_semaphore, #tpu.memory_space<semaphore_mem>>)
        %dma_wait3A = arith.constant 0 : i32
        %dma_wait3A_455 = tpu.memref_slice %arg13[%mul3A_447, %dma_wait3A] : memref<80x128xf32, #tpu.memory_space<vmem_shared>> -> memref<8x128xf32, #tpu.memory_space<vmem_shared>>
        %dma_wait3A_456 = arith.constant 0 : i32
        %dma_wait3A_457 = tpu.memref_slice %arg13[%mul3A_447, %dma_wait3A_456] : memref<80x128xf32, #tpu.memory_space<vmem_shared>> -> memref<8x128xf32, #tpu.memory_space<vmem_shared>>
        tpu.wait_dma2 semaphore(%run_scoped3A : memref<!tpu.dma_semaphore, #tpu.memory_space<semaphore_mem>>) src(%arg9 : memref<8x128xf32, #tpu.memory_space<vmem>>) dst(%dma_wait3A_457 : memref<8x128xf32, #tpu.memory_space<vmem_shared>>)
        tpu.yield
      }) : () -> ()
      %eq3A = arith.constant 0 : i32
      %eq3A_448 = arith.cmpi eq, %arg0, %eq3A : i32
      %convert_element_type3A_449 = arith.extui %eq3A_448 : i1 to i32
      %cond3A_450 = arith.constant 0 : i32
      %cond3A_451 = arith.cmpi ne, %convert_element_type3A_449, %cond3A_450 : i32
      scf.if %cond3A_451 {
        %mul3A_452 = arith.constant 8 : i32
        %mul3A_453 = arith.muli %arg1, %mul3A_452 : i32
        "tpu.region"() ({
          %run_scoped3A = tpu.sem_alloc : memref<!tpu.dma_semaphore, #tpu.memory_space<semaphore_mem>>
          %dma_start3A = arith.constant 0 : i32
          %dma_start3A_454 = tpu.memref_slice %arg4[%mul3A_453, %dma_start3A] : memref<80x128xf32, #tpu.memory_space<hbm>> -> memref<8x128xf32, #tpu.memory_space<hbm>>
          %dma_start3A_455 = arith.constant 0 : i32
          %dma_start3A_456 = tpu.memref_slice %arg4[%mul3A_453, %dma_start3A_455] : memref<80x128xf32, #tpu.memory_space<hbm>> -> memref<8x128xf32, #tpu.memory_space<hbm>>
          tpu.enqueue_dma source(%arg9 : memref<8x128xf32, #tpu.memory_space<vmem>>) target(%dma_start3A_456 : memref<8x128xf32, #tpu.memory_space<hbm>>) target_semaphore(%run_scoped3A : memref<!tpu.dma_semaphore, #tpu.memory_space<semaphore_mem>>)
          %dma_wait3A = arith.constant 0 : i32
          %dma_wait3A_457 = tpu.memref_slice %arg4[%mul3A_453, %dma_wait3A] : memref<80x128xf32, #tpu.memory_space<hbm>> -> memref<8x128xf32, #tpu.memory_space<hbm>>
          %dma_wait3A_458 = arith.constant 0 : i32
          %dma_wait3A_459 = tpu.memref_slice %arg4[%mul3A_453, %dma_wait3A_458] : memref<80x128xf32, #tpu.memory_space<hbm>> -> memref<8x128xf32, #tpu.memory_space<hbm>>
          tpu.wait_dma2 semaphore(%run_scoped3A : memref<!tpu.dma_semaphore, #tpu.memory_space<semaphore_mem>>) src(%arg9 : memref<8x128xf32, #tpu.memory_space<vmem>>) dst(%dma_wait3A_459 : memref<8x128xf32, #tpu.memory_space<hbm>>)
          tpu.yield
        }) : () -> ()
      } else {
      }
    } else {
    }
    %barrier3A_431 = arith.constant 0 : index
    tpu.barrier barrier_id(%barrier3A_431)
    %mul3A_432 = arith.constant 320 : i32
    %mul3A_433 = arith.muli %add3A, %mul3A_432 : i32
    "tpu.region"() ({
      %run_scoped3A = tpu.sem_alloc : memref<!tpu.dma_semaphore, #tpu.memory_space<semaphore_mem>>
      tpu.enqueue_dma source(%arg13 : memref<80x128xf32, #tpu.memory_space<vmem_shared>>) target(%arg10 : memref<80x128xf32, #tpu.memory_space<vmem>>) target_semaphore(%run_scoped3A : memref<!tpu.dma_semaphore, #tpu.memory_space<semaphore_mem>>)
      tpu.wait_dma2 semaphore(%run_scoped3A : memref<!tpu.dma_semaphore, #tpu.memory_space<semaphore_mem>>) src(%arg13 : memref<80x128xf32, #tpu.memory_space<vmem_shared>>) dst(%arg10 : memref<80x128xf32, #tpu.memory_space<vmem>>)
      tpu.yield
    }) : () -> ()
    %scan3A_434 = arith.constant 0 : i32
    %scan3A_435 = arith.constant 5 : i32
    %scan3A_436 = arith.addi %scan3A_434, %scan3A_435 : i32
    %scan3A_437 = arith.constant 1 : i32
    scf.for %scan3A_439 = %scan3A_434 to %scan3A_436 step %scan3A_437  : i32 {
      %mul3A_440 = arith.constant 64 : i32
      %mul3A_441 = arith.muli %scan3A_439, %mul3A_440 : i32
      %add3A_442 = arith.addi %mul3A_433, %mul3A_441 : i32
      "tpu.region"() ({
        %run_scoped3A = tpu.sem_alloc : memref<!tpu.dma_semaphore, #tpu.memory_space<semaphore_mem>>
        %dma_start3A = arith.constant 0 : i32
        %dma_start3A_448 = tpu.memref_slice %arg2[%add3A_442, %dma_start3A] : memref<10240x128xf32, #tpu.memory_space<hbm>> -> memref<64x128xf32, #tpu.memory_space<hbm>>
        %dma_start3A_449 = arith.constant 0 : i32
        %dma_start3A_450 = tpu.memref_slice %arg2[%add3A_442, %dma_start3A_449] : memref<10240x128xf32, #tpu.memory_space<hbm>> -> memref<64x128xf32, #tpu.memory_space<hbm>>
        tpu.enqueue_dma source(%dma_start3A_450 : memref<64x128xf32, #tpu.memory_space<hbm>>) target(%arg11 : memref<64x128xf32, #tpu.memory_space<vmem>>) target_semaphore(%run_scoped3A : memref<!tpu.dma_semaphore, #tpu.memory_space<semaphore_mem>>)
        %dma_wait3A = arith.constant 0 : i32
        %dma_wait3A_451 = tpu.memref_slice %arg2[%add3A_442, %dma_wait3A] : memref<10240x128xf32, #tpu.memory_space<hbm>> -> memref<64x128xf32, #tpu.memory_space<hbm>>
        %dma_wait3A_452 = arith.constant 0 : i32
        %dma_wait3A_453 = tpu.memref_slice %arg2[%add3A_442, %dma_wait3A_452] : memref<10240x128xf32, #tpu.memory_space<hbm>> -> memref<64x128xf32, #tpu.memory_space<hbm>>
        tpu.wait_dma2 semaphore(%run_scoped3A : memref<!tpu.dma_semaphore, #tpu.memory_space<semaphore_mem>>) src(%dma_wait3A_453 : memref<64x128xf32, #tpu.memory_space<hbm>>) dst(%arg11 : memref<64x128xf32, #tpu.memory_space<vmem>>)
        tpu.yield
      }) : () -> ()
      %scan3A_443 = arith.constant 0 : i32
      %scan3A_444 = arith.constant 64 : i32
      %scan3A_445 = arith.addi %scan3A_443, %scan3A_444 : i32
      %scan3A_446 = arith.constant 1 : i32
      scf.for %scan3A_448 = %scan3A_443 to %scan3A_445 step %scan3A_446  : i32 {
        %add3A_449 = arith.addi %add3A_442, %scan3A_448 : i32
        %shift_right_arithmetic3A = arith.constant 7 : i32
        %shift_right_arithmetic3A_450 = arith.shrsi %add3A_449, %shift_right_arithmetic3A : i32
        %broadcast_in_dim3A_451 = vector.broadcast %shift_right_arithmetic3A_450 : i32 to vector<16xi32>
        %and3A = arith.constant 127 : i32
        %and3A_452 = arith.andi %add3A_449, %and3A : i32
        %broadcast_in_dim3A_453 = vector.broadcast %and3A_452 : i32 to vector<16xi32>
        %gather3A = tpu.vector_load_idx %arg10[%broadcast_in_dim3A_451, %broadcast_in_dim3A_453] : memref<80x128xf32, #tpu.memory_space<vmem>>[vector<16xi32>, vector<16xi32>], vector<16xf32>,
        %get3A = arith.index_cast %scan3A_448 : i32 to index
        %get3A_454 = arith.constant 0 : index
        %get3A_455 = tpu.vector_load %arg11[%get3A, %get3A_454] {strides = array<i32>} : memref<64x128xf32, #tpu.memory_space<vmem>>, vector<16xf32>,
        %mul3A_456 = arith.mulf %get3A_455, %gather3A : vector<16xf32>
        %swap3A_457 = arith.index_cast %scan3A_448 : i32 to index
        %swap3A_458 = arith.constant 0 : index
        %swap3A_459 = tpu.vector_load %arg12[%swap3A_457, %swap3A_458] {strides = array<i32>} : memref<64x128xf32, #tpu.memory_space<vmem>>, vector<16xf32>,
        tpu.vector_store %arg12[%swap3A_457, %swap3A_458], %mul3A_456 {strides = array<i32>} : memref<64x128xf32, #tpu.memory_space<vmem>>, vector<16xf32>,
        %get3A_460 = arith.index_cast %scan3A_448 : i32 to index
        %get3A_461 = arith.constant 16 : index
        %get3A_462 = tpu.vector_load %arg11[%get3A_460, %get3A_461] {strides = array<i32>} : memref<64x128xf32, #tpu.memory_space<vmem>>, vector<16xf32>,
        %mul3A_463 = arith.mulf %get3A_462, %gather3A : vector<16xf32>
        %swap3A_464 = arith.index_cast %scan3A_448 : i32 to index
        %swap3A_465 = arith.constant 16 : index
        %swap3A_466 = tpu.vector_load %arg12[%swap3A_464, %swap3A_465] {strides = array<i32>} : memref<64x128xf32, #tpu.memory_space<vmem>>, vector<16xf32>,
        tpu.vector_store %arg12[%swap3A_464, %swap3A_465], %mul3A_463 {strides = array<i32>} : memref<64x128xf32, #tpu.memory_space<vmem>>, vector<16xf32>,
        %get3A_467 = arith.index_cast %scan3A_448 : i32 to index
        %get3A_468 = arith.constant 32 : index
        %get3A_469 = tpu.vector_load %arg11[%get3A_467, %get3A_468] {strides = array<i32>} : memref<64x128xf32, #tpu.memory_space<vmem>>, vector<16xf32>,
        %mul3A_470 = arith.mulf %get3A_469, %gather3A : vector<16xf32>
        %swap3A_471 = arith.index_cast %scan3A_448 : i32 to index
        %swap3A_472 = arith.constant 32 : index
        %swap3A_473 = tpu.vector_load %arg12[%swap3A_471, %swap3A_472] {strides = array<i32>} : memref<64x128xf32, #tpu.memory_space<vmem>>, vector<16xf32>,
        tpu.vector_store %arg12[%swap3A_471, %swap3A_472], %mul3A_470 {strides = array<i32>} : memref<64x128xf32, #tpu.memory_space<vmem>>, vector<16xf32>,
        %get3A_474 = arith.index_cast %scan3A_448 : i32 to index
        %get3A_475 = arith.constant 48 : index
        %get3A_476 = tpu.vector_load %arg11[%get3A_474, %get3A_475] {strides = array<i32>} : memref<64x128xf32, #tpu.memory_space<vmem>>, vector<16xf32>,
        %mul3A_477 = arith.mulf %get3A_476, %gather3A : vector<16xf32>
        %swap3A_478 = arith.index_cast %scan3A_448 : i32 to index
        %swap3A_479 = arith.constant 48 : index
        %swap3A_480 = tpu.vector_load %arg12[%swap3A_478, %swap3A_479] {strides = array<i32>} : memref<64x128xf32, #tpu.memory_space<vmem>>, vector<16xf32>,
        tpu.vector_store %arg12[%swap3A_478, %swap3A_479], %mul3A_477 {strides = array<i32>} : memref<64x128xf32, #tpu.memory_space<vmem>>, vector<16xf32>,
        %get3A_481 = arith.index_cast %scan3A_448 : i32 to index
        %get3A_482 = arith.constant 64 : index
        %get3A_483 = tpu.vector_load %arg11[%get3A_481, %get3A_482] {strides = array<i32>} : memref<64x128xf32, #tpu.memory_space<vmem>>, vector<16xf32>,
        %mul3A_484 = arith.mulf %get3A_483, %gather3A : vector<16xf32>
        %swap3A_485 = arith.index_cast %scan3A_448 : i32 to index
        %swap3A_486 = arith.constant 64 : index
        %swap3A_487 = tpu.vector_load %arg12[%swap3A_485, %swap3A_486] {strides = array<i32>} : memref<64x128xf32, #tpu.memory_space<vmem>>, vector<16xf32>,
        tpu.vector_store %arg12[%swap3A_485, %swap3A_486], %mul3A_484 {strides = array<i32>} : memref<64x128xf32, #tpu.memory_space<vmem>>, vector<16xf32>,
        %get3A_488 = arith.index_cast %scan3A_448 : i32 to index
        %get3A_489 = arith.constant 80 : index
        %get3A_490 = tpu.vector_load %arg11[%get3A_488, %get3A_489] {strides = array<i32>} : memref<64x128xf32, #tpu.memory_space<vmem>>, vector<16xf32>,
        %mul3A_491 = arith.mulf %get3A_490, %gather3A : vector<16xf32>
        %swap3A_492 = arith.index_cast %scan3A_448 : i32 to index
        %swap3A_493 = arith.constant 80 : index
        %swap3A_494 = tpu.vector_load %arg12[%swap3A_492, %swap3A_493] {strides = array<i32>} : memref<64x128xf32, #tpu.memory_space<vmem>>, vector<16xf32>,
        tpu.vector_store %arg12[%swap3A_492, %swap3A_493], %mul3A_491 {strides = array<i32>} : memref<64x128xf32, #tpu.memory_space<vmem>>, vector<16xf32>,
        %get3A_495 = arith.index_cast %scan3A_448 : i32 to index
        %get3A_496 = arith.constant 96 : index
        %get3A_497 = tpu.vector_load %arg11[%get3A_495, %get3A_496] {strides = array<i32>} : memref<64x128xf32, #tpu.memory_space<vmem>>, vector<16xf32>,
        %mul3A_498 = arith.mulf %get3A_497, %gather3A : vector<16xf32>
        %swap3A_499 = arith.index_cast %scan3A_448 : i32 to index
        %swap3A_500 = arith.constant 96 : index
        %swap3A_501 = tpu.vector_load %arg12[%swap3A_499, %swap3A_500] {strides = array<i32>} : memref<64x128xf32, #tpu.memory_space<vmem>>, vector<16xf32>,
        tpu.vector_store %arg12[%swap3A_499, %swap3A_500], %mul3A_498 {strides = array<i32>} : memref<64x128xf32, #tpu.memory_space<vmem>>, vector<16xf32>,
        %get3A_502 = arith.index_cast %scan3A_448 : i32 to index
        %get3A_503 = arith.constant 112 : index
        %get3A_504 = tpu.vector_load %arg11[%get3A_502, %get3A_503] {strides = array<i32>} : memref<64x128xf32, #tpu.memory_space<vmem>>, vector<16xf32>,
        %mul3A_505 = arith.mulf %get3A_504, %gather3A : vector<16xf32>
        %swap3A_506 = arith.index_cast %scan3A_448 : i32 to index
        %swap3A_507 = arith.constant 112 : index
        %swap3A_508 = tpu.vector_load %arg12[%swap3A_506, %swap3A_507] {strides = array<i32>} : memref<64x128xf32, #tpu.memory_space<vmem>>, vector<16xf32>,
        tpu.vector_store %arg12[%swap3A_506, %swap3A_507], %mul3A_505 {strides = array<i32>} : memref<64x128xf32, #tpu.memory_space<vmem>>, vector<16xf32>,
      }
      %scan3A_447 = arith.constant 64 : i32
      "tpu.region"() ({
        %run_scoped3A = tpu.sem_alloc : memref<!tpu.dma_semaphore, #tpu.memory_space<semaphore_mem>>
        %dma_start3A = arith.constant 0 : i32
        %dma_start3A_448 = tpu.memref_slice %arg5[%add3A_442, %dma_start3A] : memref<10240x128xf32, #tpu.memory_space<hbm>> -> memref<64x128xf32, #tpu.memory_space<hbm>>
        %dma_start3A_449 = arith.constant 0 : i32
        %dma_start3A_450 = tpu.memref_slice %arg5[%add3A_442, %dma_start3A_449] : memref<10240x128xf32, #tpu.memory_space<hbm>> -> memref<64x128xf32, #tpu.memory_space<hbm>>
        tpu.enqueue_dma source(%arg12 : memref<64x128xf32, #tpu.memory_space<vmem>>) target(%dma_start3A_450 : memref<64x128xf32, #tpu.memory_space<hbm>>) target_semaphore(%run_scoped3A : memref<!tpu.dma_semaphore, #tpu.memory_space<semaphore_mem>>)
        %dma_wait3A = arith.constant 0 : i32
        %dma_wait3A_451 = tpu.memref_slice %arg5[%add3A_442, %dma_wait3A] : memref<10240x128xf32, #tpu.memory_space<hbm>> -> memref<64x128xf32, #tpu.memory_space<hbm>>
        %dma_wait3A_452 = arith.constant 0 : i32
        %dma_wait3A_453 = tpu.memref_slice %arg5[%add3A_442, %dma_wait3A_452] : memref<10240x128xf32, #tpu.memory_space<hbm>> -> memref<64x128xf32, #tpu.memory_space<hbm>>
        tpu.wait_dma2 semaphore(%run_scoped3A : memref<!tpu.dma_semaphore, #tpu.memory_space<semaphore_mem>>) src(%arg12 : memref<64x128xf32, #tpu.memory_space<vmem>>) dst(%dma_wait3A_453 : memref<64x128xf32, #tpu.memory_space<hbm>>)
        tpu.yield
      }) : () -> ()
    }
    %scan3A_438 = arith.constant 5 : i32
    return
  }
}

#map = affine_map<(d0, d1) -> (0, 0)>
#map1 = affine_map<(d0, d1) -> (0)>
#map2 = affine_map<(d0, d1) -> (0, 0, 0)>
module attributes {stable_mosaic.version = 14 : i64} {
  func.func @_edge_pass(%arg0: i32, %arg1: i32, %arg2: memref<10240x128xf32, #tpu.memory_space<hbm>>, %arg3: memref<327680xi32, #tpu.memory_space<hbm>>, %arg4: memref<327680xi32, #tpu.memory_space<hbm>>, %arg5: memref<2x10240x128xf32, #tpu.memory_space<hbm>>, %arg6: memref<64x128xf32, #tpu.memory_space<vmem>>, %arg7: memref<128xi32, #tpu.memory_space<vmem>>, %arg8: memref<128xi32, #tpu.memory_space<vmem>>, %arg9: memref<128x128xf32, #tpu.memory_space<vmem>>, %arg10: memref<!tpu.dma_semaphore, #tpu.memory_space<semaphore_mem>>, %arg11: memref<10240x128xf32, #tpu.memory_space<vmem_shared>>) attributes {dimension_semantics = [#tpu.dimension_semantics<core_parallel>, #tpu.dimension_semantics<subcore_parallel>], iteration_bounds = array<i64: 2, 16>, scalar_prefetch = 0 : i64, scratch_operands = 6 : i64, tpu.core_type = #tpu.core_type<sc_vector_subcore>, window_params = [{transform_indices = #map}, {transform_indices = #map1}, {transform_indices = #map1}, {transform_indices = #map2}]} {
    %mul3A = arith.constant 16 : i32
    %mul3A_0 = arith.muli %arg0, %mul3A : i32
    %add3A = arith.addi %mul3A_0, %arg1 : i32
    %scan3A = arith.constant 0 : i32
    %scan3A_1 = arith.constant 64 : i32
    %scan3A_2 = arith.addi %scan3A, %scan3A_1 : i32
    %scan3A_3 = arith.constant 1 : i32
    scf.for %scan3A_93 = %scan3A to %scan3A_2 step %scan3A_3  : i32 {
      %broadcast_in_dim3A = arith.constant 0.000000e+00 : f32
      %broadcast_in_dim3A_94 = vector.broadcast %broadcast_in_dim3A : f32 to vector<16xf32>
      %swap3A = arith.index_cast %scan3A_93 : i32 to index
      %swap3A_95 = arith.constant 0 : index
      %swap3A_96 = tpu.vector_load %arg6[%swap3A, %swap3A_95] {strides = array<i32>} : memref<64x128xf32, #tpu.memory_space<vmem>>, vector<16xf32>,
      tpu.vector_store %arg6[%swap3A, %swap3A_95], %broadcast_in_dim3A_94 {strides = array<i32>} : memref<64x128xf32, #tpu.memory_space<vmem>>, vector<16xf32>,
      %broadcast_in_dim3A_97 = arith.constant 0.000000e+00 : f32
      %broadcast_in_dim3A_98 = vector.broadcast %broadcast_in_dim3A_97 : f32 to vector<16xf32>
      %swap3A_99 = arith.index_cast %scan3A_93 : i32 to index
      %swap3A_100 = arith.constant 16 : index
      %swap3A_101 = tpu.vector_load %arg6[%swap3A_99, %swap3A_100] {strides = array<i32>} : memref<64x128xf32, #tpu.memory_space<vmem>>, vector<16xf32>,
      tpu.vector_store %arg6[%swap3A_99, %swap3A_100], %broadcast_in_dim3A_98 {strides = array<i32>} : memref<64x128xf32, #tpu.memory_space<vmem>>, vector<16xf32>,
      %broadcast_in_dim3A_102 = arith.constant 0.000000e+00 : f32
      %broadcast_in_dim3A_103 = vector.broadcast %broadcast_in_dim3A_102 : f32 to vector<16xf32>
      %swap3A_104 = arith.index_cast %scan3A_93 : i32 to index
      %swap3A_105 = arith.constant 32 : index
      %swap3A_106 = tpu.vector_load %arg6[%swap3A_104, %swap3A_105] {strides = array<i32>} : memref<64x128xf32, #tpu.memory_space<vmem>>, vector<16xf32>,
      tpu.vector_store %arg6[%swap3A_104, %swap3A_105], %broadcast_in_dim3A_103 {strides = array<i32>} : memref<64x128xf32, #tpu.memory_space<vmem>>, vector<16xf32>,
      %broadcast_in_dim3A_107 = arith.constant 0.000000e+00 : f32
      %broadcast_in_dim3A_108 = vector.broadcast %broadcast_in_dim3A_107 : f32 to vector<16xf32>
      %swap3A_109 = arith.index_cast %scan3A_93 : i32 to index
      %swap3A_110 = arith.constant 48 : index
      %swap3A_111 = tpu.vector_load %arg6[%swap3A_109, %swap3A_110] {strides = array<i32>} : memref<64x128xf32, #tpu.memory_space<vmem>>, vector<16xf32>,
      tpu.vector_store %arg6[%swap3A_109, %swap3A_110], %broadcast_in_dim3A_108 {strides = array<i32>} : memref<64x128xf32, #tpu.memory_space<vmem>>, vector<16xf32>,
      %broadcast_in_dim3A_112 = arith.constant 0.000000e+00 : f32
      %broadcast_in_dim3A_113 = vector.broadcast %broadcast_in_dim3A_112 : f32 to vector<16xf32>
      %swap3A_114 = arith.index_cast %scan3A_93 : i32 to index
      %swap3A_115 = arith.constant 64 : index
      %swap3A_116 = tpu.vector_load %arg6[%swap3A_114, %swap3A_115] {strides = array<i32>} : memref<64x128xf32, #tpu.memory_space<vmem>>, vector<16xf32>,
      tpu.vector_store %arg6[%swap3A_114, %swap3A_115], %broadcast_in_dim3A_113 {strides = array<i32>} : memref<64x128xf32, #tpu.memory_space<vmem>>, vector<16xf32>,
      %broadcast_in_dim3A_117 = arith.constant 0.000000e+00 : f32
      %broadcast_in_dim3A_118 = vector.broadcast %broadcast_in_dim3A_117 : f32 to vector<16xf32>
      %swap3A_119 = arith.index_cast %scan3A_93 : i32 to index
      %swap3A_120 = arith.constant 80 : index
      %swap3A_121 = tpu.vector_load %arg6[%swap3A_119, %swap3A_120] {strides = array<i32>} : memref<64x128xf32, #tpu.memory_space<vmem>>, vector<16xf32>,
      tpu.vector_store %arg6[%swap3A_119, %swap3A_120], %broadcast_in_dim3A_118 {strides = array<i32>} : memref<64x128xf32, #tpu.memory_space<vmem>>, vector<16xf32>,
      %broadcast_in_dim3A_122 = arith.constant 0.000000e+00 : f32
      %broadcast_in_dim3A_123 = vector.broadcast %broadcast_in_dim3A_122 : f32 to vector<16xf32>
      %swap3A_124 = arith.index_cast %scan3A_93 : i32 to index
      %swap3A_125 = arith.constant 96 : index
      %swap3A_126 = tpu.vector_load %arg6[%swap3A_124, %swap3A_125] {strides = array<i32>} : memref<64x128xf32, #tpu.memory_space<vmem>>, vector<16xf32>,
      tpu.vector_store %arg6[%swap3A_124, %swap3A_125], %broadcast_in_dim3A_123 {strides = array<i32>} : memref<64x128xf32, #tpu.memory_space<vmem>>, vector<16xf32>,
      %broadcast_in_dim3A_127 = arith.constant 0.000000e+00 : f32
      %broadcast_in_dim3A_128 = vector.broadcast %broadcast_in_dim3A_127 : f32 to vector<16xf32>
      %swap3A_129 = arith.index_cast %scan3A_93 : i32 to index
      %swap3A_130 = arith.constant 112 : index
      %swap3A_131 = tpu.vector_load %arg6[%swap3A_129, %swap3A_130] {strides = array<i32>} : memref<64x128xf32, #tpu.memory_space<vmem>>, vector<16xf32>,
      tpu.vector_store %arg6[%swap3A_129, %swap3A_130], %broadcast_in_dim3A_128 {strides = array<i32>} : memref<64x128xf32, #tpu.memory_space<vmem>>, vector<16xf32>,
    }
    %scan3A_4 = arith.constant 64 : i32
    %mul3A_5 = arith.constant 640 : i32
    %mul3A_6 = arith.muli %arg1, %mul3A_5 : i32
    %add3A_7 = arith.constant 0 : i32
    %add3A_8 = arith.addi %mul3A_6, %add3A_7 : i32
    "tpu.region"() ({
      %run_scoped3A = tpu.sem_alloc : memref<!tpu.dma_semaphore, #tpu.memory_space<semaphore_mem>>
      %dma_start3A = arith.constant 0 : i32
      %dma_start3A_93 = tpu.memref_slice %arg11[%add3A_8, %dma_start3A] : memref<10240x128xf32, #tpu.memory_space<vmem_shared>> -> memref<64x128xf32, #tpu.memory_space<vmem_shared>>
      %dma_start3A_94 = arith.constant 0 : i32
      %dma_start3A_95 = tpu.memref_slice %arg11[%add3A_8, %dma_start3A_94] : memref<10240x128xf32, #tpu.memory_space<vmem_shared>> -> memref<64x128xf32, #tpu.memory_space<vmem_shared>>
      tpu.enqueue_dma source(%arg6 : memref<64x128xf32, #tpu.memory_space<vmem>>) target(%dma_start3A_95 : memref<64x128xf32, #tpu.memory_space<vmem_shared>>) target_semaphore(%run_scoped3A : memref<!tpu.dma_semaphore, #tpu.memory_space<semaphore_mem>>)
      %dma_wait3A = arith.constant 0 : i32
      %dma_wait3A_96 = tpu.memref_slice %arg11[%add3A_8, %dma_wait3A] : memref<10240x128xf32, #tpu.memory_space<vmem_shared>> -> memref<64x128xf32, #tpu.memory_space<vmem_shared>>
      %dma_wait3A_97 = arith.constant 0 : i32
      %dma_wait3A_98 = tpu.memref_slice %arg11[%add3A_8, %dma_wait3A_97] : memref<10240x128xf32, #tpu.memory_space<vmem_shared>> -> memref<64x128xf32, #tpu.memory_space<vmem_shared>>
      tpu.wait_dma2 semaphore(%run_scoped3A : memref<!tpu.dma_semaphore, #tpu.memory_space<semaphore_mem>>) src(%arg6 : memref<64x128xf32, #tpu.memory_space<vmem>>) dst(%dma_wait3A_98 : memref<64x128xf32, #tpu.memory_space<vmem_shared>>)
      tpu.yield
    }) : () -> ()
    %mul3A_9 = arith.constant 640 : i32
    %mul3A_10 = arith.muli %arg1, %mul3A_9 : i32
    %add3A_11 = arith.constant 64 : i32
    %add3A_12 = arith.addi %mul3A_10, %add3A_11 : i32
    "tpu.region"() ({
      %run_scoped3A = tpu.sem_alloc : memref<!tpu.dma_semaphore, #tpu.memory_space<semaphore_mem>>
      %dma_start3A = arith.constant 0 : i32
      %dma_start3A_93 = tpu.memref_slice %arg11[%add3A_12, %dma_start3A] : memref<10240x128xf32, #tpu.memory_space<vmem_shared>> -> memref<64x128xf32, #tpu.memory_space<vmem_shared>>
      %dma_start3A_94 = arith.constant 0 : i32
      %dma_start3A_95 = tpu.memref_slice %arg11[%add3A_12, %dma_start3A_94] : memref<10240x128xf32, #tpu.memory_space<vmem_shared>> -> memref<64x128xf32, #tpu.memory_space<vmem_shared>>
      tpu.enqueue_dma source(%arg6 : memref<64x128xf32, #tpu.memory_space<vmem>>) target(%dma_start3A_95 : memref<64x128xf32, #tpu.memory_space<vmem_shared>>) target_semaphore(%run_scoped3A : memref<!tpu.dma_semaphore, #tpu.memory_space<semaphore_mem>>)
      %dma_wait3A = arith.constant 0 : i32
      %dma_wait3A_96 = tpu.memref_slice %arg11[%add3A_12, %dma_wait3A] : memref<10240x128xf32, #tpu.memory_space<vmem_shared>> -> memref<64x128xf32, #tpu.memory_space<vmem_shared>>
      %dma_wait3A_97 = arith.constant 0 : i32
      %dma_wait3A_98 = tpu.memref_slice %arg11[%add3A_12, %dma_wait3A_97] : memref<10240x128xf32, #tpu.memory_space<vmem_shared>> -> memref<64x128xf32, #tpu.memory_space<vmem_shared>>
      tpu.wait_dma2 semaphore(%run_scoped3A : memref<!tpu.dma_semaphore, #tpu.memory_space<semaphore_mem>>) src(%arg6 : memref<64x128xf32, #tpu.memory_space<vmem>>) dst(%dma_wait3A_98 : memref<64x128xf32, #tpu.memory_space<vmem_shared>>)
      tpu.yield
    }) : () -> ()
    %mul3A_13 = arith.constant 640 : i32
    %mul3A_14 = arith.muli %arg1, %mul3A_13 : i32
    %add3A_15 = arith.constant 128 : i32
    %add3A_16 = arith.addi %mul3A_14, %add3A_15 : i32
    "tpu.region"() ({
      %run_scoped3A = tpu.sem_alloc : memref<!tpu.dma_semaphore, #tpu.memory_space<semaphore_mem>>
      %dma_start3A = arith.constant 0 : i32
      %dma_start3A_93 = tpu.memref_slice %arg11[%add3A_16, %dma_start3A] : memref<10240x128xf32, #tpu.memory_space<vmem_shared>> -> memref<64x128xf32, #tpu.memory_space<vmem_shared>>
      %dma_start3A_94 = arith.constant 0 : i32
      %dma_start3A_95 = tpu.memref_slice %arg11[%add3A_16, %dma_start3A_94] : memref<10240x128xf32, #tpu.memory_space<vmem_shared>> -> memref<64x128xf32, #tpu.memory_space<vmem_shared>>
      tpu.enqueue_dma source(%arg6 : memref<64x128xf32, #tpu.memory_space<vmem>>) target(%dma_start3A_95 : memref<64x128xf32, #tpu.memory_space<vmem_shared>>) target_semaphore(%run_scoped3A : memref<!tpu.dma_semaphore, #tpu.memory_space<semaphore_mem>>)
      %dma_wait3A = arith.constant 0 : i32
      %dma_wait3A_96 = tpu.memref_slice %arg11[%add3A_16, %dma_wait3A] : memref<10240x128xf32, #tpu.memory_space<vmem_shared>> -> memref<64x128xf32, #tpu.memory_space<vmem_shared>>
      %dma_wait3A_97 = arith.constant 0 : i32
      %dma_wait3A_98 = tpu.memref_slice %arg11[%add3A_16, %dma_wait3A_97] : memref<10240x128xf32, #tpu.memory_space<vmem_shared>> -> memref<64x128xf32, #tpu.memory_space<vmem_shared>>
      tpu.wait_dma2 semaphore(%run_scoped3A : memref<!tpu.dma_semaphore, #tpu.memory_space<semaphore_mem>>) src(%arg6 : memref<64x128xf32, #tpu.memory_space<vmem>>) dst(%dma_wait3A_98 : memref<64x128xf32, #tpu.memory_space<vmem_shared>>)
      tpu.yield
    }) : () -> ()
    %mul3A_17 = arith.constant 640 : i32
    %mul3A_18 = arith.muli %arg1, %mul3A_17 : i32
    %add3A_19 = arith.constant 192 : i32
    %add3A_20 = arith.addi %mul3A_18, %add3A_19 : i32
    "tpu.region"() ({
      %run_scoped3A = tpu.sem_alloc : memref<!tpu.dma_semaphore, #tpu.memory_space<semaphore_mem>>
      %dma_start3A = arith.constant 0 : i32
      %dma_start3A_93 = tpu.memref_slice %arg11[%add3A_20, %dma_start3A] : memref<10240x128xf32, #tpu.memory_space<vmem_shared>> -> memref<64x128xf32, #tpu.memory_space<vmem_shared>>
      %dma_start3A_94 = arith.constant 0 : i32
      %dma_start3A_95 = tpu.memref_slice %arg11[%add3A_20, %dma_start3A_94] : memref<10240x128xf32, #tpu.memory_space<vmem_shared>> -> memref<64x128xf32, #tpu.memory_space<vmem_shared>>
      tpu.enqueue_dma source(%arg6 : memref<64x128xf32, #tpu.memory_space<vmem>>) target(%dma_start3A_95 : memref<64x128xf32, #tpu.memory_space<vmem_shared>>) target_semaphore(%run_scoped3A : memref<!tpu.dma_semaphore, #tpu.memory_space<semaphore_mem>>)
      %dma_wait3A = arith.constant 0 : i32
      %dma_wait3A_96 = tpu.memref_slice %arg11[%add3A_20, %dma_wait3A] : memref<10240x128xf32, #tpu.memory_space<vmem_shared>> -> memref<64x128xf32, #tpu.memory_space<vmem_shared>>
      %dma_wait3A_97 = arith.constant 0 : i32
      %dma_wait3A_98 = tpu.memref_slice %arg11[%add3A_20, %dma_wait3A_97] : memref<10240x128xf32, #tpu.memory_space<vmem_shared>> -> memref<64x128xf32, #tpu.memory_space<vmem_shared>>
      tpu.wait_dma2 semaphore(%run_scoped3A : memref<!tpu.dma_semaphore, #tpu.memory_space<semaphore_mem>>) src(%arg6 : memref<64x128xf32, #tpu.memory_space<vmem>>) dst(%dma_wait3A_98 : memref<64x128xf32, #tpu.memory_space<vmem_shared>>)
      tpu.yield
    }) : () -> ()
    %mul3A_21 = arith.constant 640 : i32
    %mul3A_22 = arith.muli %arg1, %mul3A_21 : i32
    %add3A_23 = arith.constant 256 : i32
    %add3A_24 = arith.addi %mul3A_22, %add3A_23 : i32
    "tpu.region"() ({
      %run_scoped3A = tpu.sem_alloc : memref<!tpu.dma_semaphore, #tpu.memory_space<semaphore_mem>>
      %dma_start3A = arith.constant 0 : i32
      %dma_start3A_93 = tpu.memref_slice %arg11[%add3A_24, %dma_start3A] : memref<10240x128xf32, #tpu.memory_space<vmem_shared>> -> memref<64x128xf32, #tpu.memory_space<vmem_shared>>
      %dma_start3A_94 = arith.constant 0 : i32
      %dma_start3A_95 = tpu.memref_slice %arg11[%add3A_24, %dma_start3A_94] : memref<10240x128xf32, #tpu.memory_space<vmem_shared>> -> memref<64x128xf32, #tpu.memory_space<vmem_shared>>
      tpu.enqueue_dma source(%arg6 : memref<64x128xf32, #tpu.memory_space<vmem>>) target(%dma_start3A_95 : memref<64x128xf32, #tpu.memory_space<vmem_shared>>) target_semaphore(%run_scoped3A : memref<!tpu.dma_semaphore, #tpu.memory_space<semaphore_mem>>)
      %dma_wait3A = arith.constant 0 : i32
      %dma_wait3A_96 = tpu.memref_slice %arg11[%add3A_24, %dma_wait3A] : memref<10240x128xf32, #tpu.memory_space<vmem_shared>> -> memref<64x128xf32, #tpu.memory_space<vmem_shared>>
      %dma_wait3A_97 = arith.constant 0 : i32
      %dma_wait3A_98 = tpu.memref_slice %arg11[%add3A_24, %dma_wait3A_97] : memref<10240x128xf32, #tpu.memory_space<vmem_shared>> -> memref<64x128xf32, #tpu.memory_space<vmem_shared>>
      tpu.wait_dma2 semaphore(%run_scoped3A : memref<!tpu.dma_semaphore, #tpu.memory_space<semaphore_mem>>) src(%arg6 : memref<64x128xf32, #tpu.memory_space<vmem>>) dst(%dma_wait3A_98 : memref<64x128xf32, #tpu.memory_space<vmem_shared>>)
      tpu.yield
    }) : () -> ()
    %mul3A_25 = arith.constant 640 : i32
    %mul3A_26 = arith.muli %arg1, %mul3A_25 : i32
    %add3A_27 = arith.constant 320 : i32
    %add3A_28 = arith.addi %mul3A_26, %add3A_27 : i32
    "tpu.region"() ({
      %run_scoped3A = tpu.sem_alloc : memref<!tpu.dma_semaphore, #tpu.memory_space<semaphore_mem>>
      %dma_start3A = arith.constant 0 : i32
      %dma_start3A_93 = tpu.memref_slice %arg11[%add3A_28, %dma_start3A] : memref<10240x128xf32, #tpu.memory_space<vmem_shared>> -> memref<64x128xf32, #tpu.memory_space<vmem_shared>>
      %dma_start3A_94 = arith.constant 0 : i32
      %dma_start3A_95 = tpu.memref_slice %arg11[%add3A_28, %dma_start3A_94] : memref<10240x128xf32, #tpu.memory_space<vmem_shared>> -> memref<64x128xf32, #tpu.memory_space<vmem_shared>>
      tpu.enqueue_dma source(%arg6 : memref<64x128xf32, #tpu.memory_space<vmem>>) target(%dma_start3A_95 : memref<64x128xf32, #tpu.memory_space<vmem_shared>>) target_semaphore(%run_scoped3A : memref<!tpu.dma_semaphore, #tpu.memory_space<semaphore_mem>>)
      %dma_wait3A = arith.constant 0 : i32
      %dma_wait3A_96 = tpu.memref_slice %arg11[%add3A_28, %dma_wait3A] : memref<10240x128xf32, #tpu.memory_space<vmem_shared>> -> memref<64x128xf32, #tpu.memory_space<vmem_shared>>
      %dma_wait3A_97 = arith.constant 0 : i32
      %dma_wait3A_98 = tpu.memref_slice %arg11[%add3A_28, %dma_wait3A_97] : memref<10240x128xf32, #tpu.memory_space<vmem_shared>> -> memref<64x128xf32, #tpu.memory_space<vmem_shared>>
      tpu.wait_dma2 semaphore(%run_scoped3A : memref<!tpu.dma_semaphore, #tpu.memory_space<semaphore_mem>>) src(%arg6 : memref<64x128xf32, #tpu.memory_space<vmem>>) dst(%dma_wait3A_98 : memref<64x128xf32, #tpu.memory_space<vmem_shared>>)
      tpu.yield
    }) : () -> ()
    %mul3A_29 = arith.constant 640 : i32
    %mul3A_30 = arith.muli %arg1, %mul3A_29 : i32
    %add3A_31 = arith.constant 384 : i32
    %add3A_32 = arith.addi %mul3A_30, %add3A_31 : i32
    "tpu.region"() ({
      %run_scoped3A = tpu.sem_alloc : memref<!tpu.dma_semaphore, #tpu.memory_space<semaphore_mem>>
      %dma_start3A = arith.constant 0 : i32
      %dma_start3A_93 = tpu.memref_slice %arg11[%add3A_32, %dma_start3A] : memref<10240x128xf32, #tpu.memory_space<vmem_shared>> -> memref<64x128xf32, #tpu.memory_space<vmem_shared>>
      %dma_start3A_94 = arith.constant 0 : i32
      %dma_start3A_95 = tpu.memref_slice %arg11[%add3A_32, %dma_start3A_94] : memref<10240x128xf32, #tpu.memory_space<vmem_shared>> -> memref<64x128xf32, #tpu.memory_space<vmem_shared>>
      tpu.enqueue_dma source(%arg6 : memref<64x128xf32, #tpu.memory_space<vmem>>) target(%dma_start3A_95 : memref<64x128xf32, #tpu.memory_space<vmem_shared>>) target_semaphore(%run_scoped3A : memref<!tpu.dma_semaphore, #tpu.memory_space<semaphore_mem>>)
      %dma_wait3A = arith.constant 0 : i32
      %dma_wait3A_96 = tpu.memref_slice %arg11[%add3A_32, %dma_wait3A] : memref<10240x128xf32, #tpu.memory_space<vmem_shared>> -> memref<64x128xf32, #tpu.memory_space<vmem_shared>>
      %dma_wait3A_97 = arith.constant 0 : i32
      %dma_wait3A_98 = tpu.memref_slice %arg11[%add3A_32, %dma_wait3A_97] : memref<10240x128xf32, #tpu.memory_space<vmem_shared>> -> memref<64x128xf32, #tpu.memory_space<vmem_shared>>
      tpu.wait_dma2 semaphore(%run_scoped3A : memref<!tpu.dma_semaphore, #tpu.memory_space<semaphore_mem>>) src(%arg6 : memref<64x128xf32, #tpu.memory_space<vmem>>) dst(%dma_wait3A_98 : memref<64x128xf32, #tpu.memory_space<vmem_shared>>)
      tpu.yield
    }) : () -> ()
    %mul3A_33 = arith.constant 640 : i32
    %mul3A_34 = arith.muli %arg1, %mul3A_33 : i32
    %add3A_35 = arith.constant 448 : i32
    %add3A_36 = arith.addi %mul3A_34, %add3A_35 : i32
    "tpu.region"() ({
      %run_scoped3A = tpu.sem_alloc : memref<!tpu.dma_semaphore, #tpu.memory_space<semaphore_mem>>
      %dma_start3A = arith.constant 0 : i32
      %dma_start3A_93 = tpu.memref_slice %arg11[%add3A_36, %dma_start3A] : memref<10240x128xf32, #tpu.memory_space<vmem_shared>> -> memref<64x128xf32, #tpu.memory_space<vmem_shared>>
      %dma_start3A_94 = arith.constant 0 : i32
      %dma_start3A_95 = tpu.memref_slice %arg11[%add3A_36, %dma_start3A_94] : memref<10240x128xf32, #tpu.memory_space<vmem_shared>> -> memref<64x128xf32, #tpu.memory_space<vmem_shared>>
      tpu.enqueue_dma source(%arg6 : memref<64x128xf32, #tpu.memory_space<vmem>>) target(%dma_start3A_95 : memref<64x128xf32, #tpu.memory_space<vmem_shared>>) target_semaphore(%run_scoped3A : memref<!tpu.dma_semaphore, #tpu.memory_space<semaphore_mem>>)
      %dma_wait3A = arith.constant 0 : i32
      %dma_wait3A_96 = tpu.memref_slice %arg11[%add3A_36, %dma_wait3A] : memref<10240x128xf32, #tpu.memory_space<vmem_shared>> -> memref<64x128xf32, #tpu.memory_space<vmem_shared>>
      %dma_wait3A_97 = arith.constant 0 : i32
      %dma_wait3A_98 = tpu.memref_slice %arg11[%add3A_36, %dma_wait3A_97] : memref<10240x128xf32, #tpu.memory_space<vmem_shared>> -> memref<64x128xf32, #tpu.memory_space<vmem_shared>>
      tpu.wait_dma2 semaphore(%run_scoped3A : memref<!tpu.dma_semaphore, #tpu.memory_space<semaphore_mem>>) src(%arg6 : memref<64x128xf32, #tpu.memory_space<vmem>>) dst(%dma_wait3A_98 : memref<64x128xf32, #tpu.memory_space<vmem_shared>>)
      tpu.yield
    }) : () -> ()
    %mul3A_37 = arith.constant 640 : i32
    %mul3A_38 = arith.muli %arg1, %mul3A_37 : i32
    %add3A_39 = arith.constant 512 : i32
    %add3A_40 = arith.addi %mul3A_38, %add3A_39 : i32
    "tpu.region"() ({
      %run_scoped3A = tpu.sem_alloc : memref<!tpu.dma_semaphore, #tpu.memory_space<semaphore_mem>>
      %dma_start3A = arith.constant 0 : i32
      %dma_start3A_93 = tpu.memref_slice %arg11[%add3A_40, %dma_start3A] : memref<10240x128xf32, #tpu.memory_space<vmem_shared>> -> memref<64x128xf32, #tpu.memory_space<vmem_shared>>
      %dma_start3A_94 = arith.constant 0 : i32
      %dma_start3A_95 = tpu.memref_slice %arg11[%add3A_40, %dma_start3A_94] : memref<10240x128xf32, #tpu.memory_space<vmem_shared>> -> memref<64x128xf32, #tpu.memory_space<vmem_shared>>
      tpu.enqueue_dma source(%arg6 : memref<64x128xf32, #tpu.memory_space<vmem>>) target(%dma_start3A_95 : memref<64x128xf32, #tpu.memory_space<vmem_shared>>) target_semaphore(%run_scoped3A : memref<!tpu.dma_semaphore, #tpu.memory_space<semaphore_mem>>)
      %dma_wait3A = arith.constant 0 : i32
      %dma_wait3A_96 = tpu.memref_slice %arg11[%add3A_40, %dma_wait3A] : memref<10240x128xf32, #tpu.memory_space<vmem_shared>> -> memref<64x128xf32, #tpu.memory_space<vmem_shared>>
      %dma_wait3A_97 = arith.constant 0 : i32
      %dma_wait3A_98 = tpu.memref_slice %arg11[%add3A_40, %dma_wait3A_97] : memref<10240x128xf32, #tpu.memory_space<vmem_shared>> -> memref<64x128xf32, #tpu.memory_space<vmem_shared>>
      tpu.wait_dma2 semaphore(%run_scoped3A : memref<!tpu.dma_semaphore, #tpu.memory_space<semaphore_mem>>) src(%arg6 : memref<64x128xf32, #tpu.memory_space<vmem>>) dst(%dma_wait3A_98 : memref<64x128xf32, #tpu.memory_space<vmem_shared>>)
      tpu.yield
    }) : () -> ()
    %mul3A_41 = arith.constant 640 : i32
    %mul3A_42 = arith.muli %arg1, %mul3A_41 : i32
    %add3A_43 = arith.constant 576 : i32
    %add3A_44 = arith.addi %mul3A_42, %add3A_43 : i32
    "tpu.region"() ({
      %run_scoped3A = tpu.sem_alloc : memref<!tpu.dma_semaphore, #tpu.memory_space<semaphore_mem>>
      %dma_start3A = arith.constant 0 : i32
      %dma_start3A_93 = tpu.memref_slice %arg11[%add3A_44, %dma_start3A] : memref<10240x128xf32, #tpu.memory_space<vmem_shared>> -> memref<64x128xf32, #tpu.memory_space<vmem_shared>>
      %dma_start3A_94 = arith.constant 0 : i32
      %dma_start3A_95 = tpu.memref_slice %arg11[%add3A_44, %dma_start3A_94] : memref<10240x128xf32, #tpu.memory_space<vmem_shared>> -> memref<64x128xf32, #tpu.memory_space<vmem_shared>>
      tpu.enqueue_dma source(%arg6 : memref<64x128xf32, #tpu.memory_space<vmem>>) target(%dma_start3A_95 : memref<64x128xf32, #tpu.memory_space<vmem_shared>>) target_semaphore(%run_scoped3A : memref<!tpu.dma_semaphore, #tpu.memory_space<semaphore_mem>>)
      %dma_wait3A = arith.constant 0 : i32
      %dma_wait3A_96 = tpu.memref_slice %arg11[%add3A_44, %dma_wait3A] : memref<10240x128xf32, #tpu.memory_space<vmem_shared>> -> memref<64x128xf32, #tpu.memory_space<vmem_shared>>
      %dma_wait3A_97 = arith.constant 0 : i32
      %dma_wait3A_98 = tpu.memref_slice %arg11[%add3A_44, %dma_wait3A_97] : memref<10240x128xf32, #tpu.memory_space<vmem_shared>> -> memref<64x128xf32, #tpu.memory_space<vmem_shared>>
      tpu.wait_dma2 semaphore(%run_scoped3A : memref<!tpu.dma_semaphore, #tpu.memory_space<semaphore_mem>>) src(%arg6 : memref<64x128xf32, #tpu.memory_space<vmem>>) dst(%dma_wait3A_98 : memref<64x128xf32, #tpu.memory_space<vmem_shared>>)
      tpu.yield
    }) : () -> ()
    %barrier3A = arith.constant 0 : index
    tpu.barrier barrier_id(%barrier3A)
    %mul3A_45 = arith.constant 10240 : i32
    %mul3A_46 = arith.muli %add3A, %mul3A_45 : i32
    %scan3A_47 = arith.constant 0 : i32
    %scan3A_48 = arith.constant 80 : i32
    %scan3A_49 = arith.addi %scan3A_47, %scan3A_48 : i32
    %scan3A_50 = arith.constant 1 : i32
    scf.for %scan3A_93 = %scan3A_47 to %scan3A_49 step %scan3A_50  : i32 {
      %mul3A_94 = arith.constant 128 : i32
      %mul3A_95 = arith.muli %scan3A_93, %mul3A_94 : i32
      %add3A_96 = arith.addi %mul3A_46, %mul3A_95 : i32
      "tpu.region"() ({
        %run_scoped3A = tpu.sem_alloc : memref<!tpu.dma_semaphore, #tpu.memory_space<semaphore_mem>>
        %dma_start3A_101 = tpu.memref_slice %arg3[%add3A_96] : memref<327680xi32, #tpu.memory_space<hbm>> -> memref<128xi32, #tpu.memory_space<hbm>>
        %dma_start3A_102 = tpu.memref_slice %arg3[%add3A_96] : memref<327680xi32, #tpu.memory_space<hbm>> -> memref<128xi32, #tpu.memory_space<hbm>>
        tpu.enqueue_dma source(%dma_start3A_102 : memref<128xi32, #tpu.memory_space<hbm>>) target(%arg7 : memref<128xi32, #tpu.memory_space<vmem>>) target_semaphore(%run_scoped3A : memref<!tpu.dma_semaphore, #tpu.memory_space<semaphore_mem>>)
        %dma_wait3A_103 = tpu.memref_slice %arg3[%add3A_96] : memref<327680xi32, #tpu.memory_space<hbm>> -> memref<128xi32, #tpu.memory_space<hbm>>
        %dma_wait3A_104 = tpu.memref_slice %arg3[%add3A_96] : memref<327680xi32, #tpu.memory_space<hbm>> -> memref<128xi32, #tpu.memory_space<hbm>>
        tpu.wait_dma2 semaphore(%run_scoped3A : memref<!tpu.dma_semaphore, #tpu.memory_space<semaphore_mem>>) src(%dma_wait3A_104 : memref<128xi32, #tpu.memory_space<hbm>>) dst(%arg7 : memref<128xi32, #tpu.memory_space<vmem>>)
        tpu.yield
      }) : () -> ()
      "tpu.region"() ({
        %run_scoped3A = tpu.sem_alloc : memref<!tpu.dma_semaphore, #tpu.memory_space<semaphore_mem>>
        %dma_start3A_101 = tpu.memref_slice %arg4[%add3A_96] : memref<327680xi32, #tpu.memory_space<hbm>> -> memref<128xi32, #tpu.memory_space<hbm>>
        %dma_start3A_102 = tpu.memref_slice %arg4[%add3A_96] : memref<327680xi32, #tpu.memory_space<hbm>> -> memref<128xi32, #tpu.memory_space<hbm>>
        tpu.enqueue_dma source(%dma_start3A_102 : memref<128xi32, #tpu.memory_space<hbm>>) target(%arg8 : memref<128xi32, #tpu.memory_space<vmem>>) target_semaphore(%run_scoped3A : memref<!tpu.dma_semaphore, #tpu.memory_space<semaphore_mem>>)
        %dma_wait3A_103 = tpu.memref_slice %arg4[%add3A_96] : memref<327680xi32, #tpu.memory_space<hbm>> -> memref<128xi32, #tpu.memory_space<hbm>>
        %dma_wait3A_104 = tpu.memref_slice %arg4[%add3A_96] : memref<327680xi32, #tpu.memory_space<hbm>> -> memref<128xi32, #tpu.memory_space<hbm>>
        tpu.wait_dma2 semaphore(%run_scoped3A : memref<!tpu.dma_semaphore, #tpu.memory_space<semaphore_mem>>) src(%dma_wait3A_104 : memref<128xi32, #tpu.memory_space<hbm>>) dst(%arg8 : memref<128xi32, #tpu.memory_space<vmem>>)
        tpu.yield
      }) : () -> ()
      %dma_start3A = arith.constant 0 : i32
      %dma_start3A_97 = arith.constant 0 : i32
      %dma_start3A_98 = tpu.memref_slice %arg2[%dma_start3A, %dma_start3A_97] : memref<10240x128xf32, #tpu.memory_space<hbm>> -> memref<10240x128xf32, #tpu.memory_space<hbm>>
      tpu.enqueue_indirect_dma source(%dma_start3A_98 : memref<10240x128xf32, #tpu.memory_space<hbm>>) target(%arg9 : memref<128x128xf32, #tpu.memory_space<vmem>>) offsets(%arg7 : memref<128xi32, #tpu.memory_space<vmem>>) semaphore(%arg10 : memref<!tpu.dma_semaphore, #tpu.memory_space<semaphore_mem>>)
      %dma_wait3A = arith.constant 0 : i32
      %dma_wait3A_99 = arith.constant 0 : i32
      %dma_wait3A_100 = tpu.memref_slice %arg2[%dma_wait3A, %dma_wait3A_99] : memref<10240x128xf32, #tpu.memory_space<hbm>> -> memref<10240x128xf32, #tpu.memory_space<hbm>>
      tpu.wait_indirect_dma semaphore(%arg10 : memref<!tpu.dma_semaphore, #tpu.memory_space<semaphore_mem>>) src(%dma_wait3A_100 : memref<10240x128xf32, #tpu.memory_space<hbm>>) dst(%arg9 : memref<128x128xf32, #tpu.memory_space<vmem>>)
      "tpu.region"() ({
        %run_scoped3A = tpu.sem_alloc : memref<!tpu.dma_semaphore, #tpu.memory_space<semaphore_mem>>
        %dma_start3A_101 = arith.constant 0 : i32
        %dma_start3A_102 = arith.constant 0 : i32
        %dma_start3A_103 = tpu.memref_slice %arg11[%dma_start3A_101, %dma_start3A_102] : memref<10240x128xf32, #tpu.memory_space<vmem_shared>> -> memref<10240x128xf32, #tpu.memory_space<vmem_shared>>
        tpu.enqueue_indirect_dma source(%arg9 : memref<128x128xf32, #tpu.memory_space<vmem>>) target(%dma_start3A_103 : memref<10240x128xf32, #tpu.memory_space<vmem_shared>>) offsets(%arg8 : memref<128xi32, #tpu.memory_space<vmem>>) semaphore(%run_scoped3A : memref<!tpu.dma_semaphore, #tpu.memory_space<semaphore_mem>>) {add = true}
        %dma_wait3A_104 = arith.constant 0 : i32
        %dma_wait3A_105 = arith.constant 0 : i32
        %dma_wait3A_106 = tpu.memref_slice %arg11[%dma_wait3A_104, %dma_wait3A_105] : memref<10240x128xf32, #tpu.memory_space<vmem_shared>> -> memref<10240x128xf32, #tpu.memory_space<vmem_shared>>
        tpu.wait_indirect_dma semaphore(%run_scoped3A : memref<!tpu.dma_semaphore, #tpu.memory_space<semaphore_mem>>) src(%arg9 : memref<128x128xf32, #tpu.memory_space<vmem>>) dst(%dma_wait3A_106 : memref<10240x128xf32, #tpu.memory_space<vmem_shared>>)
        tpu.yield
      }) : () -> ()
    }
    %scan3A_51 = arith.constant 80 : i32
    %barrier3A_52 = arith.constant 0 : index
    tpu.barrier barrier_id(%barrier3A_52)
    %mul3A_53 = arith.constant 640 : i32
    %mul3A_54 = arith.muli %arg1, %mul3A_53 : i32
    %add3A_55 = arith.constant 0 : i32
    %add3A_56 = arith.addi %mul3A_54, %add3A_55 : i32
    "tpu.region"() ({
      %run_scoped3A = tpu.sem_alloc : memref<!tpu.dma_semaphore, #tpu.memory_space<semaphore_mem>>
      %dma_start3A = arith.constant 0 : i32
      %dma_start3A_93 = tpu.memref_slice %arg11[%add3A_56, %dma_start3A] : memref<10240x128xf32, #tpu.memory_space<vmem_shared>> -> memref<64x128xf32, #tpu.memory_space<vmem_shared>>
      %dma_start3A_94 = arith.constant 0 : i32
      %dma_start3A_95 = tpu.memref_slice %arg11[%add3A_56, %dma_start3A_94] : memref<10240x128xf32, #tpu.memory_space<vmem_shared>> -> memref<64x128xf32, #tpu.memory_space<vmem_shared>>
      tpu.enqueue_dma source(%dma_start3A_95 : memref<64x128xf32, #tpu.memory_space<vmem_shared>>) target(%arg6 : memref<64x128xf32, #tpu.memory_space<vmem>>) target_semaphore(%run_scoped3A : memref<!tpu.dma_semaphore, #tpu.memory_space<semaphore_mem>>)
      %dma_wait3A = arith.constant 0 : i32
      %dma_wait3A_96 = tpu.memref_slice %arg11[%add3A_56, %dma_wait3A] : memref<10240x128xf32, #tpu.memory_space<vmem_shared>> -> memref<64x128xf32, #tpu.memory_space<vmem_shared>>
      %dma_wait3A_97 = arith.constant 0 : i32
      %dma_wait3A_98 = tpu.memref_slice %arg11[%add3A_56, %dma_wait3A_97] : memref<10240x128xf32, #tpu.memory_space<vmem_shared>> -> memref<64x128xf32, #tpu.memory_space<vmem_shared>>
      tpu.wait_dma2 semaphore(%run_scoped3A : memref<!tpu.dma_semaphore, #tpu.memory_space<semaphore_mem>>) src(%dma_wait3A_98 : memref<64x128xf32, #tpu.memory_space<vmem_shared>>) dst(%arg6 : memref<64x128xf32, #tpu.memory_space<vmem>>)
      tpu.yield
    }) : () -> ()
    "tpu.region"() ({
      %run_scoped3A = tpu.sem_alloc : memref<!tpu.dma_semaphore, #tpu.memory_space<semaphore_mem>>
      %dma_start3A = arith.constant 0 : i32
      %dma_start3A_93 = tpu.memref_slice %arg5[%arg0, %add3A_56, %dma_start3A] : memref<2x10240x128xf32, #tpu.memory_space<hbm>> -> memref<1x64x128xf32, #tpu.memory_space<hbm>>
      %dma_start3A_94 = tpu.memref_squeeze %dma_start3A_93 : memref<1x64x128xf32, #tpu.memory_space<hbm>> -> memref<64x128xf32, #tpu.memory_space<hbm>>
      %dma_start3A_95 = arith.constant 0 : i32
      %dma_start3A_96 = tpu.memref_slice %arg5[%arg0, %add3A_56, %dma_start3A_95] : memref<2x10240x128xf32, #tpu.memory_space<hbm>> -> memref<1x64x128xf32, #tpu.memory_space<hbm>>
      %dma_start3A_97 = tpu.memref_squeeze %dma_start3A_96 : memref<1x64x128xf32, #tpu.memory_space<hbm>> -> memref<64x128xf32, #tpu.memory_space<hbm>>
      tpu.enqueue_dma source(%arg6 : memref<64x128xf32, #tpu.memory_space<vmem>>) target(%dma_start3A_97 : memref<64x128xf32, #tpu.memory_space<hbm>>) target_semaphore(%run_scoped3A : memref<!tpu.dma_semaphore, #tpu.memory_space<semaphore_mem>>)
      %dma_wait3A = arith.constant 0 : i32
      %dma_wait3A_98 = tpu.memref_slice %arg5[%arg0, %add3A_56, %dma_wait3A] : memref<2x10240x128xf32, #tpu.memory_space<hbm>> -> memref<1x64x128xf32, #tpu.memory_space<hbm>>
      %dma_wait3A_99 = tpu.memref_squeeze %dma_wait3A_98 : memref<1x64x128xf32, #tpu.memory_space<hbm>> -> memref<64x128xf32, #tpu.memory_space<hbm>>
      %dma_wait3A_100 = arith.constant 0 : i32
      %dma_wait3A_101 = tpu.memref_slice %arg5[%arg0, %add3A_56, %dma_wait3A_100] : memref<2x10240x128xf32, #tpu.memory_space<hbm>> -> memref<1x64x128xf32, #tpu.memory_space<hbm>>
      %dma_wait3A_102 = tpu.memref_squeeze %dma_wait3A_101 : memref<1x64x128xf32, #tpu.memory_space<hbm>> -> memref<64x128xf32, #tpu.memory_space<hbm>>
      tpu.wait_dma2 semaphore(%run_scoped3A : memref<!tpu.dma_semaphore, #tpu.memory_space<semaphore_mem>>) src(%arg6 : memref<64x128xf32, #tpu.memory_space<vmem>>) dst(%dma_wait3A_102 : memref<64x128xf32, #tpu.memory_space<hbm>>)
      tpu.yield
    }) : () -> ()
    %mul3A_57 = arith.constant 640 : i32
    %mul3A_58 = arith.muli %arg1, %mul3A_57 : i32
    %add3A_59 = arith.constant 64 : i32
    %add3A_60 = arith.addi %mul3A_58, %add3A_59 : i32
    "tpu.region"() ({
      %run_scoped3A = tpu.sem_alloc : memref<!tpu.dma_semaphore, #tpu.memory_space<semaphore_mem>>
      %dma_start3A = arith.constant 0 : i32
      %dma_start3A_93 = tpu.memref_slice %arg11[%add3A_60, %dma_start3A] : memref<10240x128xf32, #tpu.memory_space<vmem_shared>> -> memref<64x128xf32, #tpu.memory_space<vmem_shared>>
      %dma_start3A_94 = arith.constant 0 : i32
      %dma_start3A_95 = tpu.memref_slice %arg11[%add3A_60, %dma_start3A_94] : memref<10240x128xf32, #tpu.memory_space<vmem_shared>> -> memref<64x128xf32, #tpu.memory_space<vmem_shared>>
      tpu.enqueue_dma source(%dma_start3A_95 : memref<64x128xf32, #tpu.memory_space<vmem_shared>>) target(%arg6 : memref<64x128xf32, #tpu.memory_space<vmem>>) target_semaphore(%run_scoped3A : memref<!tpu.dma_semaphore, #tpu.memory_space<semaphore_mem>>)
      %dma_wait3A = arith.constant 0 : i32
      %dma_wait3A_96 = tpu.memref_slice %arg11[%add3A_60, %dma_wait3A] : memref<10240x128xf32, #tpu.memory_space<vmem_shared>> -> memref<64x128xf32, #tpu.memory_space<vmem_shared>>
      %dma_wait3A_97 = arith.constant 0 : i32
      %dma_wait3A_98 = tpu.memref_slice %arg11[%add3A_60, %dma_wait3A_97] : memref<10240x128xf32, #tpu.memory_space<vmem_shared>> -> memref<64x128xf32, #tpu.memory_space<vmem_shared>>
      tpu.wait_dma2 semaphore(%run_scoped3A : memref<!tpu.dma_semaphore, #tpu.memory_space<semaphore_mem>>) src(%dma_wait3A_98 : memref<64x128xf32, #tpu.memory_space<vmem_shared>>) dst(%arg6 : memref<64x128xf32, #tpu.memory_space<vmem>>)
      tpu.yield
    }) : () -> ()
    "tpu.region"() ({
      %run_scoped3A = tpu.sem_alloc : memref<!tpu.dma_semaphore, #tpu.memory_space<semaphore_mem>>
      %dma_start3A = arith.constant 0 : i32
      %dma_start3A_93 = tpu.memref_slice %arg5[%arg0, %add3A_60, %dma_start3A] : memref<2x10240x128xf32, #tpu.memory_space<hbm>> -> memref<1x64x128xf32, #tpu.memory_space<hbm>>
      %dma_start3A_94 = tpu.memref_squeeze %dma_start3A_93 : memref<1x64x128xf32, #tpu.memory_space<hbm>> -> memref<64x128xf32, #tpu.memory_space<hbm>>
      %dma_start3A_95 = arith.constant 0 : i32
      %dma_start3A_96 = tpu.memref_slice %arg5[%arg0, %add3A_60, %dma_start3A_95] : memref<2x10240x128xf32, #tpu.memory_space<hbm>> -> memref<1x64x128xf32, #tpu.memory_space<hbm>>
      %dma_start3A_97 = tpu.memref_squeeze %dma_start3A_96 : memref<1x64x128xf32, #tpu.memory_space<hbm>> -> memref<64x128xf32, #tpu.memory_space<hbm>>
      tpu.enqueue_dma source(%arg6 : memref<64x128xf32, #tpu.memory_space<vmem>>) target(%dma_start3A_97 : memref<64x128xf32, #tpu.memory_space<hbm>>) target_semaphore(%run_scoped3A : memref<!tpu.dma_semaphore, #tpu.memory_space<semaphore_mem>>)
      %dma_wait3A = arith.constant 0 : i32
      %dma_wait3A_98 = tpu.memref_slice %arg5[%arg0, %add3A_60, %dma_wait3A] : memref<2x10240x128xf32, #tpu.memory_space<hbm>> -> memref<1x64x128xf32, #tpu.memory_space<hbm>>
      %dma_wait3A_99 = tpu.memref_squeeze %dma_wait3A_98 : memref<1x64x128xf32, #tpu.memory_space<hbm>> -> memref<64x128xf32, #tpu.memory_space<hbm>>
      %dma_wait3A_100 = arith.constant 0 : i32
      %dma_wait3A_101 = tpu.memref_slice %arg5[%arg0, %add3A_60, %dma_wait3A_100] : memref<2x10240x128xf32, #tpu.memory_space<hbm>> -> memref<1x64x128xf32, #tpu.memory_space<hbm>>
      %dma_wait3A_102 = tpu.memref_squeeze %dma_wait3A_101 : memref<1x64x128xf32, #tpu.memory_space<hbm>> -> memref<64x128xf32, #tpu.memory_space<hbm>>
      tpu.wait_dma2 semaphore(%run_scoped3A : memref<!tpu.dma_semaphore, #tpu.memory_space<semaphore_mem>>) src(%arg6 : memref<64x128xf32, #tpu.memory_space<vmem>>) dst(%dma_wait3A_102 : memref<64x128xf32, #tpu.memory_space<hbm>>)
      tpu.yield
    }) : () -> ()
    %mul3A_61 = arith.constant 640 : i32
    %mul3A_62 = arith.muli %arg1, %mul3A_61 : i32
    %add3A_63 = arith.constant 128 : i32
    %add3A_64 = arith.addi %mul3A_62, %add3A_63 : i32
    "tpu.region"() ({
      %run_scoped3A = tpu.sem_alloc : memref<!tpu.dma_semaphore, #tpu.memory_space<semaphore_mem>>
      %dma_start3A = arith.constant 0 : i32
      %dma_start3A_93 = tpu.memref_slice %arg11[%add3A_64, %dma_start3A] : memref<10240x128xf32, #tpu.memory_space<vmem_shared>> -> memref<64x128xf32, #tpu.memory_space<vmem_shared>>
      %dma_start3A_94 = arith.constant 0 : i32
      %dma_start3A_95 = tpu.memref_slice %arg11[%add3A_64, %dma_start3A_94] : memref<10240x128xf32, #tpu.memory_space<vmem_shared>> -> memref<64x128xf32, #tpu.memory_space<vmem_shared>>
      tpu.enqueue_dma source(%dma_start3A_95 : memref<64x128xf32, #tpu.memory_space<vmem_shared>>) target(%arg6 : memref<64x128xf32, #tpu.memory_space<vmem>>) target_semaphore(%run_scoped3A : memref<!tpu.dma_semaphore, #tpu.memory_space<semaphore_mem>>)
      %dma_wait3A = arith.constant 0 : i32
      %dma_wait3A_96 = tpu.memref_slice %arg11[%add3A_64, %dma_wait3A] : memref<10240x128xf32, #tpu.memory_space<vmem_shared>> -> memref<64x128xf32, #tpu.memory_space<vmem_shared>>
      %dma_wait3A_97 = arith.constant 0 : i32
      %dma_wait3A_98 = tpu.memref_slice %arg11[%add3A_64, %dma_wait3A_97] : memref<10240x128xf32, #tpu.memory_space<vmem_shared>> -> memref<64x128xf32, #tpu.memory_space<vmem_shared>>
      tpu.wait_dma2 semaphore(%run_scoped3A : memref<!tpu.dma_semaphore, #tpu.memory_space<semaphore_mem>>) src(%dma_wait3A_98 : memref<64x128xf32, #tpu.memory_space<vmem_shared>>) dst(%arg6 : memref<64x128xf32, #tpu.memory_space<vmem>>)
      tpu.yield
    }) : () -> ()
    "tpu.region"() ({
      %run_scoped3A = tpu.sem_alloc : memref<!tpu.dma_semaphore, #tpu.memory_space<semaphore_mem>>
      %dma_start3A = arith.constant 0 : i32
      %dma_start3A_93 = tpu.memref_slice %arg5[%arg0, %add3A_64, %dma_start3A] : memref<2x10240x128xf32, #tpu.memory_space<hbm>> -> memref<1x64x128xf32, #tpu.memory_space<hbm>>
      %dma_start3A_94 = tpu.memref_squeeze %dma_start3A_93 : memref<1x64x128xf32, #tpu.memory_space<hbm>> -> memref<64x128xf32, #tpu.memory_space<hbm>>
      %dma_start3A_95 = arith.constant 0 : i32
      %dma_start3A_96 = tpu.memref_slice %arg5[%arg0, %add3A_64, %dma_start3A_95] : memref<2x10240x128xf32, #tpu.memory_space<hbm>> -> memref<1x64x128xf32, #tpu.memory_space<hbm>>
      %dma_start3A_97 = tpu.memref_squeeze %dma_start3A_96 : memref<1x64x128xf32, #tpu.memory_space<hbm>> -> memref<64x128xf32, #tpu.memory_space<hbm>>
      tpu.enqueue_dma source(%arg6 : memref<64x128xf32, #tpu.memory_space<vmem>>) target(%dma_start3A_97 : memref<64x128xf32, #tpu.memory_space<hbm>>) target_semaphore(%run_scoped3A : memref<!tpu.dma_semaphore, #tpu.memory_space<semaphore_mem>>)
      %dma_wait3A = arith.constant 0 : i32
      %dma_wait3A_98 = tpu.memref_slice %arg5[%arg0, %add3A_64, %dma_wait3A] : memref<2x10240x128xf32, #tpu.memory_space<hbm>> -> memref<1x64x128xf32, #tpu.memory_space<hbm>>
      %dma_wait3A_99 = tpu.memref_squeeze %dma_wait3A_98 : memref<1x64x128xf32, #tpu.memory_space<hbm>> -> memref<64x128xf32, #tpu.memory_space<hbm>>
      %dma_wait3A_100 = arith.constant 0 : i32
      %dma_wait3A_101 = tpu.memref_slice %arg5[%arg0, %add3A_64, %dma_wait3A_100] : memref<2x10240x128xf32, #tpu.memory_space<hbm>> -> memref<1x64x128xf32, #tpu.memory_space<hbm>>
      %dma_wait3A_102 = tpu.memref_squeeze %dma_wait3A_101 : memref<1x64x128xf32, #tpu.memory_space<hbm>> -> memref<64x128xf32, #tpu.memory_space<hbm>>
      tpu.wait_dma2 semaphore(%run_scoped3A : memref<!tpu.dma_semaphore, #tpu.memory_space<semaphore_mem>>) src(%arg6 : memref<64x128xf32, #tpu.memory_space<vmem>>) dst(%dma_wait3A_102 : memref<64x128xf32, #tpu.memory_space<hbm>>)
      tpu.yield
    }) : () -> ()
    %mul3A_65 = arith.constant 640 : i32
    %mul3A_66 = arith.muli %arg1, %mul3A_65 : i32
    %add3A_67 = arith.constant 192 : i32
    %add3A_68 = arith.addi %mul3A_66, %add3A_67 : i32
    "tpu.region"() ({
      %run_scoped3A = tpu.sem_alloc : memref<!tpu.dma_semaphore, #tpu.memory_space<semaphore_mem>>
      %dma_start3A = arith.constant 0 : i32
      %dma_start3A_93 = tpu.memref_slice %arg11[%add3A_68, %dma_start3A] : memref<10240x128xf32, #tpu.memory_space<vmem_shared>> -> memref<64x128xf32, #tpu.memory_space<vmem_shared>>
      %dma_start3A_94 = arith.constant 0 : i32
      %dma_start3A_95 = tpu.memref_slice %arg11[%add3A_68, %dma_start3A_94] : memref<10240x128xf32, #tpu.memory_space<vmem_shared>> -> memref<64x128xf32, #tpu.memory_space<vmem_shared>>
      tpu.enqueue_dma source(%dma_start3A_95 : memref<64x128xf32, #tpu.memory_space<vmem_shared>>) target(%arg6 : memref<64x128xf32, #tpu.memory_space<vmem>>) target_semaphore(%run_scoped3A : memref<!tpu.dma_semaphore, #tpu.memory_space<semaphore_mem>>)
      %dma_wait3A = arith.constant 0 : i32
      %dma_wait3A_96 = tpu.memref_slice %arg11[%add3A_68, %dma_wait3A] : memref<10240x128xf32, #tpu.memory_space<vmem_shared>> -> memref<64x128xf32, #tpu.memory_space<vmem_shared>>
      %dma_wait3A_97 = arith.constant 0 : i32
      %dma_wait3A_98 = tpu.memref_slice %arg11[%add3A_68, %dma_wait3A_97] : memref<10240x128xf32, #tpu.memory_space<vmem_shared>> -> memref<64x128xf32, #tpu.memory_space<vmem_shared>>
      tpu.wait_dma2 semaphore(%run_scoped3A : memref<!tpu.dma_semaphore, #tpu.memory_space<semaphore_mem>>) src(%dma_wait3A_98 : memref<64x128xf32, #tpu.memory_space<vmem_shared>>) dst(%arg6 : memref<64x128xf32, #tpu.memory_space<vmem>>)
      tpu.yield
    }) : () -> ()
    "tpu.region"() ({
      %run_scoped3A = tpu.sem_alloc : memref<!tpu.dma_semaphore, #tpu.memory_space<semaphore_mem>>
      %dma_start3A = arith.constant 0 : i32
      %dma_start3A_93 = tpu.memref_slice %arg5[%arg0, %add3A_68, %dma_start3A] : memref<2x10240x128xf32, #tpu.memory_space<hbm>> -> memref<1x64x128xf32, #tpu.memory_space<hbm>>
      %dma_start3A_94 = tpu.memref_squeeze %dma_start3A_93 : memref<1x64x128xf32, #tpu.memory_space<hbm>> -> memref<64x128xf32, #tpu.memory_space<hbm>>
      %dma_start3A_95 = arith.constant 0 : i32
      %dma_start3A_96 = tpu.memref_slice %arg5[%arg0, %add3A_68, %dma_start3A_95] : memref<2x10240x128xf32, #tpu.memory_space<hbm>> -> memref<1x64x128xf32, #tpu.memory_space<hbm>>
      %dma_start3A_97 = tpu.memref_squeeze %dma_start3A_96 : memref<1x64x128xf32, #tpu.memory_space<hbm>> -> memref<64x128xf32, #tpu.memory_space<hbm>>
      tpu.enqueue_dma source(%arg6 : memref<64x128xf32, #tpu.memory_space<vmem>>) target(%dma_start3A_97 : memref<64x128xf32, #tpu.memory_space<hbm>>) target_semaphore(%run_scoped3A : memref<!tpu.dma_semaphore, #tpu.memory_space<semaphore_mem>>)
      %dma_wait3A = arith.constant 0 : i32
      %dma_wait3A_98 = tpu.memref_slice %arg5[%arg0, %add3A_68, %dma_wait3A] : memref<2x10240x128xf32, #tpu.memory_space<hbm>> -> memref<1x64x128xf32, #tpu.memory_space<hbm>>
      %dma_wait3A_99 = tpu.memref_squeeze %dma_wait3A_98 : memref<1x64x128xf32, #tpu.memory_space<hbm>> -> memref<64x128xf32, #tpu.memory_space<hbm>>
      %dma_wait3A_100 = arith.constant 0 : i32
      %dma_wait3A_101 = tpu.memref_slice %arg5[%arg0, %add3A_68, %dma_wait3A_100] : memref<2x10240x128xf32, #tpu.memory_space<hbm>> -> memref<1x64x128xf32, #tpu.memory_space<hbm>>
      %dma_wait3A_102 = tpu.memref_squeeze %dma_wait3A_101 : memref<1x64x128xf32, #tpu.memory_space<hbm>> -> memref<64x128xf32, #tpu.memory_space<hbm>>
      tpu.wait_dma2 semaphore(%run_scoped3A : memref<!tpu.dma_semaphore, #tpu.memory_space<semaphore_mem>>) src(%arg6 : memref<64x128xf32, #tpu.memory_space<vmem>>) dst(%dma_wait3A_102 : memref<64x128xf32, #tpu.memory_space<hbm>>)
      tpu.yield
    }) : () -> ()
    %mul3A_69 = arith.constant 640 : i32
    %mul3A_70 = arith.muli %arg1, %mul3A_69 : i32
    %add3A_71 = arith.constant 256 : i32
    %add3A_72 = arith.addi %mul3A_70, %add3A_71 : i32
    "tpu.region"() ({
      %run_scoped3A = tpu.sem_alloc : memref<!tpu.dma_semaphore, #tpu.memory_space<semaphore_mem>>
      %dma_start3A = arith.constant 0 : i32
      %dma_start3A_93 = tpu.memref_slice %arg11[%add3A_72, %dma_start3A] : memref<10240x128xf32, #tpu.memory_space<vmem_shared>> -> memref<64x128xf32, #tpu.memory_space<vmem_shared>>
      %dma_start3A_94 = arith.constant 0 : i32
      %dma_start3A_95 = tpu.memref_slice %arg11[%add3A_72, %dma_start3A_94] : memref<10240x128xf32, #tpu.memory_space<vmem_shared>> -> memref<64x128xf32, #tpu.memory_space<vmem_shared>>
      tpu.enqueue_dma source(%dma_start3A_95 : memref<64x128xf32, #tpu.memory_space<vmem_shared>>) target(%arg6 : memref<64x128xf32, #tpu.memory_space<vmem>>) target_semaphore(%run_scoped3A : memref<!tpu.dma_semaphore, #tpu.memory_space<semaphore_mem>>)
      %dma_wait3A = arith.constant 0 : i32
      %dma_wait3A_96 = tpu.memref_slice %arg11[%add3A_72, %dma_wait3A] : memref<10240x128xf32, #tpu.memory_space<vmem_shared>> -> memref<64x128xf32, #tpu.memory_space<vmem_shared>>
      %dma_wait3A_97 = arith.constant 0 : i32
      %dma_wait3A_98 = tpu.memref_slice %arg11[%add3A_72, %dma_wait3A_97] : memref<10240x128xf32, #tpu.memory_space<vmem_shared>> -> memref<64x128xf32, #tpu.memory_space<vmem_shared>>
      tpu.wait_dma2 semaphore(%run_scoped3A : memref<!tpu.dma_semaphore, #tpu.memory_space<semaphore_mem>>) src(%dma_wait3A_98 : memref<64x128xf32, #tpu.memory_space<vmem_shared>>) dst(%arg6 : memref<64x128xf32, #tpu.memory_space<vmem>>)
      tpu.yield
    }) : () -> ()
    "tpu.region"() ({
      %run_scoped3A = tpu.sem_alloc : memref<!tpu.dma_semaphore, #tpu.memory_space<semaphore_mem>>
      %dma_start3A = arith.constant 0 : i32
      %dma_start3A_93 = tpu.memref_slice %arg5[%arg0, %add3A_72, %dma_start3A] : memref<2x10240x128xf32, #tpu.memory_space<hbm>> -> memref<1x64x128xf32, #tpu.memory_space<hbm>>
      %dma_start3A_94 = tpu.memref_squeeze %dma_start3A_93 : memref<1x64x128xf32, #tpu.memory_space<hbm>> -> memref<64x128xf32, #tpu.memory_space<hbm>>
      %dma_start3A_95 = arith.constant 0 : i32
      %dma_start3A_96 = tpu.memref_slice %arg5[%arg0, %add3A_72, %dma_start3A_95] : memref<2x10240x128xf32, #tpu.memory_space<hbm>> -> memref<1x64x128xf32, #tpu.memory_space<hbm>>
      %dma_start3A_97 = tpu.memref_squeeze %dma_start3A_96 : memref<1x64x128xf32, #tpu.memory_space<hbm>> -> memref<64x128xf32, #tpu.memory_space<hbm>>
      tpu.enqueue_dma source(%arg6 : memref<64x128xf32, #tpu.memory_space<vmem>>) target(%dma_start3A_97 : memref<64x128xf32, #tpu.memory_space<hbm>>) target_semaphore(%run_scoped3A : memref<!tpu.dma_semaphore, #tpu.memory_space<semaphore_mem>>)
      %dma_wait3A = arith.constant 0 : i32
      %dma_wait3A_98 = tpu.memref_slice %arg5[%arg0, %add3A_72, %dma_wait3A] : memref<2x10240x128xf32, #tpu.memory_space<hbm>> -> memref<1x64x128xf32, #tpu.memory_space<hbm>>
      %dma_wait3A_99 = tpu.memref_squeeze %dma_wait3A_98 : memref<1x64x128xf32, #tpu.memory_space<hbm>> -> memref<64x128xf32, #tpu.memory_space<hbm>>
      %dma_wait3A_100 = arith.constant 0 : i32
      %dma_wait3A_101 = tpu.memref_slice %arg5[%arg0, %add3A_72, %dma_wait3A_100] : memref<2x10240x128xf32, #tpu.memory_space<hbm>> -> memref<1x64x128xf32, #tpu.memory_space<hbm>>
      %dma_wait3A_102 = tpu.memref_squeeze %dma_wait3A_101 : memref<1x64x128xf32, #tpu.memory_space<hbm>> -> memref<64x128xf32, #tpu.memory_space<hbm>>
      tpu.wait_dma2 semaphore(%run_scoped3A : memref<!tpu.dma_semaphore, #tpu.memory_space<semaphore_mem>>) src(%arg6 : memref<64x128xf32, #tpu.memory_space<vmem>>) dst(%dma_wait3A_102 : memref<64x128xf32, #tpu.memory_space<hbm>>)
      tpu.yield
    }) : () -> ()
    %mul3A_73 = arith.constant 640 : i32
    %mul3A_74 = arith.muli %arg1, %mul3A_73 : i32
    %add3A_75 = arith.constant 320 : i32
    %add3A_76 = arith.addi %mul3A_74, %add3A_75 : i32
    "tpu.region"() ({
      %run_scoped3A = tpu.sem_alloc : memref<!tpu.dma_semaphore, #tpu.memory_space<semaphore_mem>>
      %dma_start3A = arith.constant 0 : i32
      %dma_start3A_93 = tpu.memref_slice %arg11[%add3A_76, %dma_start3A] : memref<10240x128xf32, #tpu.memory_space<vmem_shared>> -> memref<64x128xf32, #tpu.memory_space<vmem_shared>>
      %dma_start3A_94 = arith.constant 0 : i32
      %dma_start3A_95 = tpu.memref_slice %arg11[%add3A_76, %dma_start3A_94] : memref<10240x128xf32, #tpu.memory_space<vmem_shared>> -> memref<64x128xf32, #tpu.memory_space<vmem_shared>>
      tpu.enqueue_dma source(%dma_start3A_95 : memref<64x128xf32, #tpu.memory_space<vmem_shared>>) target(%arg6 : memref<64x128xf32, #tpu.memory_space<vmem>>) target_semaphore(%run_scoped3A : memref<!tpu.dma_semaphore, #tpu.memory_space<semaphore_mem>>)
      %dma_wait3A = arith.constant 0 : i32
      %dma_wait3A_96 = tpu.memref_slice %arg11[%add3A_76, %dma_wait3A] : memref<10240x128xf32, #tpu.memory_space<vmem_shared>> -> memref<64x128xf32, #tpu.memory_space<vmem_shared>>
      %dma_wait3A_97 = arith.constant 0 : i32
      %dma_wait3A_98 = tpu.memref_slice %arg11[%add3A_76, %dma_wait3A_97] : memref<10240x128xf32, #tpu.memory_space<vmem_shared>> -> memref<64x128xf32, #tpu.memory_space<vmem_shared>>
      tpu.wait_dma2 semaphore(%run_scoped3A : memref<!tpu.dma_semaphore, #tpu.memory_space<semaphore_mem>>) src(%dma_wait3A_98 : memref<64x128xf32, #tpu.memory_space<vmem_shared>>) dst(%arg6 : memref<64x128xf32, #tpu.memory_space<vmem>>)
      tpu.yield
    }) : () -> ()
    "tpu.region"() ({
      %run_scoped3A = tpu.sem_alloc : memref<!tpu.dma_semaphore, #tpu.memory_space<semaphore_mem>>
      %dma_start3A = arith.constant 0 : i32
      %dma_start3A_93 = tpu.memref_slice %arg5[%arg0, %add3A_76, %dma_start3A] : memref<2x10240x128xf32, #tpu.memory_space<hbm>> -> memref<1x64x128xf32, #tpu.memory_space<hbm>>
      %dma_start3A_94 = tpu.memref_squeeze %dma_start3A_93 : memref<1x64x128xf32, #tpu.memory_space<hbm>> -> memref<64x128xf32, #tpu.memory_space<hbm>>
      %dma_start3A_95 = arith.constant 0 : i32
      %dma_start3A_96 = tpu.memref_slice %arg5[%arg0, %add3A_76, %dma_start3A_95] : memref<2x10240x128xf32, #tpu.memory_space<hbm>> -> memref<1x64x128xf32, #tpu.memory_space<hbm>>
      %dma_start3A_97 = tpu.memref_squeeze %dma_start3A_96 : memref<1x64x128xf32, #tpu.memory_space<hbm>> -> memref<64x128xf32, #tpu.memory_space<hbm>>
      tpu.enqueue_dma source(%arg6 : memref<64x128xf32, #tpu.memory_space<vmem>>) target(%dma_start3A_97 : memref<64x128xf32, #tpu.memory_space<hbm>>) target_semaphore(%run_scoped3A : memref<!tpu.dma_semaphore, #tpu.memory_space<semaphore_mem>>)
      %dma_wait3A = arith.constant 0 : i32
      %dma_wait3A_98 = tpu.memref_slice %arg5[%arg0, %add3A_76, %dma_wait3A] : memref<2x10240x128xf32, #tpu.memory_space<hbm>> -> memref<1x64x128xf32, #tpu.memory_space<hbm>>
      %dma_wait3A_99 = tpu.memref_squeeze %dma_wait3A_98 : memref<1x64x128xf32, #tpu.memory_space<hbm>> -> memref<64x128xf32, #tpu.memory_space<hbm>>
      %dma_wait3A_100 = arith.constant 0 : i32
      %dma_wait3A_101 = tpu.memref_slice %arg5[%arg0, %add3A_76, %dma_wait3A_100] : memref<2x10240x128xf32, #tpu.memory_space<hbm>> -> memref<1x64x128xf32, #tpu.memory_space<hbm>>
      %dma_wait3A_102 = tpu.memref_squeeze %dma_wait3A_101 : memref<1x64x128xf32, #tpu.memory_space<hbm>> -> memref<64x128xf32, #tpu.memory_space<hbm>>
      tpu.wait_dma2 semaphore(%run_scoped3A : memref<!tpu.dma_semaphore, #tpu.memory_space<semaphore_mem>>) src(%arg6 : memref<64x128xf32, #tpu.memory_space<vmem>>) dst(%dma_wait3A_102 : memref<64x128xf32, #tpu.memory_space<hbm>>)
      tpu.yield
    }) : () -> ()
    %mul3A_77 = arith.constant 640 : i32
    %mul3A_78 = arith.muli %arg1, %mul3A_77 : i32
    %add3A_79 = arith.constant 384 : i32
    %add3A_80 = arith.addi %mul3A_78, %add3A_79 : i32
    "tpu.region"() ({
      %run_scoped3A = tpu.sem_alloc : memref<!tpu.dma_semaphore, #tpu.memory_space<semaphore_mem>>
      %dma_start3A = arith.constant 0 : i32
      %dma_start3A_93 = tpu.memref_slice %arg11[%add3A_80, %dma_start3A] : memref<10240x128xf32, #tpu.memory_space<vmem_shared>> -> memref<64x128xf32, #tpu.memory_space<vmem_shared>>
      %dma_start3A_94 = arith.constant 0 : i32
      %dma_start3A_95 = tpu.memref_slice %arg11[%add3A_80, %dma_start3A_94] : memref<10240x128xf32, #tpu.memory_space<vmem_shared>> -> memref<64x128xf32, #tpu.memory_space<vmem_shared>>
      tpu.enqueue_dma source(%dma_start3A_95 : memref<64x128xf32, #tpu.memory_space<vmem_shared>>) target(%arg6 : memref<64x128xf32, #tpu.memory_space<vmem>>) target_semaphore(%run_scoped3A : memref<!tpu.dma_semaphore, #tpu.memory_space<semaphore_mem>>)
      %dma_wait3A = arith.constant 0 : i32
      %dma_wait3A_96 = tpu.memref_slice %arg11[%add3A_80, %dma_wait3A] : memref<10240x128xf32, #tpu.memory_space<vmem_shared>> -> memref<64x128xf32, #tpu.memory_space<vmem_shared>>
      %dma_wait3A_97 = arith.constant 0 : i32
      %dma_wait3A_98 = tpu.memref_slice %arg11[%add3A_80, %dma_wait3A_97] : memref<10240x128xf32, #tpu.memory_space<vmem_shared>> -> memref<64x128xf32, #tpu.memory_space<vmem_shared>>
      tpu.wait_dma2 semaphore(%run_scoped3A : memref<!tpu.dma_semaphore, #tpu.memory_space<semaphore_mem>>) src(%dma_wait3A_98 : memref<64x128xf32, #tpu.memory_space<vmem_shared>>) dst(%arg6 : memref<64x128xf32, #tpu.memory_space<vmem>>)
      tpu.yield
    }) : () -> ()
    "tpu.region"() ({
      %run_scoped3A = tpu.sem_alloc : memref<!tpu.dma_semaphore, #tpu.memory_space<semaphore_mem>>
      %dma_start3A = arith.constant 0 : i32
      %dma_start3A_93 = tpu.memref_slice %arg5[%arg0, %add3A_80, %dma_start3A] : memref<2x10240x128xf32, #tpu.memory_space<hbm>> -> memref<1x64x128xf32, #tpu.memory_space<hbm>>
      %dma_start3A_94 = tpu.memref_squeeze %dma_start3A_93 : memref<1x64x128xf32, #tpu.memory_space<hbm>> -> memref<64x128xf32, #tpu.memory_space<hbm>>
      %dma_start3A_95 = arith.constant 0 : i32
      %dma_start3A_96 = tpu.memref_slice %arg5[%arg0, %add3A_80, %dma_start3A_95] : memref<2x10240x128xf32, #tpu.memory_space<hbm>> -> memref<1x64x128xf32, #tpu.memory_space<hbm>>
      %dma_start3A_97 = tpu.memref_squeeze %dma_start3A_96 : memref<1x64x128xf32, #tpu.memory_space<hbm>> -> memref<64x128xf32, #tpu.memory_space<hbm>>
      tpu.enqueue_dma source(%arg6 : memref<64x128xf32, #tpu.memory_space<vmem>>) target(%dma_start3A_97 : memref<64x128xf32, #tpu.memory_space<hbm>>) target_semaphore(%run_scoped3A : memref<!tpu.dma_semaphore, #tpu.memory_space<semaphore_mem>>)
      %dma_wait3A = arith.constant 0 : i32
      %dma_wait3A_98 = tpu.memref_slice %arg5[%arg0, %add3A_80, %dma_wait3A] : memref<2x10240x128xf32, #tpu.memory_space<hbm>> -> memref<1x64x128xf32, #tpu.memory_space<hbm>>
      %dma_wait3A_99 = tpu.memref_squeeze %dma_wait3A_98 : memref<1x64x128xf32, #tpu.memory_space<hbm>> -> memref<64x128xf32, #tpu.memory_space<hbm>>
      %dma_wait3A_100 = arith.constant 0 : i32
      %dma_wait3A_101 = tpu.memref_slice %arg5[%arg0, %add3A_80, %dma_wait3A_100] : memref<2x10240x128xf32, #tpu.memory_space<hbm>> -> memref<1x64x128xf32, #tpu.memory_space<hbm>>
      %dma_wait3A_102 = tpu.memref_squeeze %dma_wait3A_101 : memref<1x64x128xf32, #tpu.memory_space<hbm>> -> memref<64x128xf32, #tpu.memory_space<hbm>>
      tpu.wait_dma2 semaphore(%run_scoped3A : memref<!tpu.dma_semaphore, #tpu.memory_space<semaphore_mem>>) src(%arg6 : memref<64x128xf32, #tpu.memory_space<vmem>>) dst(%dma_wait3A_102 : memref<64x128xf32, #tpu.memory_space<hbm>>)
      tpu.yield
    }) : () -> ()
    %mul3A_81 = arith.constant 640 : i32
    %mul3A_82 = arith.muli %arg1, %mul3A_81 : i32
    %add3A_83 = arith.constant 448 : i32
    %add3A_84 = arith.addi %mul3A_82, %add3A_83 : i32
    "tpu.region"() ({
      %run_scoped3A = tpu.sem_alloc : memref<!tpu.dma_semaphore, #tpu.memory_space<semaphore_mem>>
      %dma_start3A = arith.constant 0 : i32
      %dma_start3A_93 = tpu.memref_slice %arg11[%add3A_84, %dma_start3A] : memref<10240x128xf32, #tpu.memory_space<vmem_shared>> -> memref<64x128xf32, #tpu.memory_space<vmem_shared>>
      %dma_start3A_94 = arith.constant 0 : i32
      %dma_start3A_95 = tpu.memref_slice %arg11[%add3A_84, %dma_start3A_94] : memref<10240x128xf32, #tpu.memory_space<vmem_shared>> -> memref<64x128xf32, #tpu.memory_space<vmem_shared>>
      tpu.enqueue_dma source(%dma_start3A_95 : memref<64x128xf32, #tpu.memory_space<vmem_shared>>) target(%arg6 : memref<64x128xf32, #tpu.memory_space<vmem>>) target_semaphore(%run_scoped3A : memref<!tpu.dma_semaphore, #tpu.memory_space<semaphore_mem>>)
      %dma_wait3A = arith.constant 0 : i32
      %dma_wait3A_96 = tpu.memref_slice %arg11[%add3A_84, %dma_wait3A] : memref<10240x128xf32, #tpu.memory_space<vmem_shared>> -> memref<64x128xf32, #tpu.memory_space<vmem_shared>>
      %dma_wait3A_97 = arith.constant 0 : i32
      %dma_wait3A_98 = tpu.memref_slice %arg11[%add3A_84, %dma_wait3A_97] : memref<10240x128xf32, #tpu.memory_space<vmem_shared>> -> memref<64x128xf32, #tpu.memory_space<vmem_shared>>
      tpu.wait_dma2 semaphore(%run_scoped3A : memref<!tpu.dma_semaphore, #tpu.memory_space<semaphore_mem>>) src(%dma_wait3A_98 : memref<64x128xf32, #tpu.memory_space<vmem_shared>>) dst(%arg6 : memref<64x128xf32, #tpu.memory_space<vmem>>)
      tpu.yield
    }) : () -> ()
    "tpu.region"() ({
      %run_scoped3A = tpu.sem_alloc : memref<!tpu.dma_semaphore, #tpu.memory_space<semaphore_mem>>
      %dma_start3A = arith.constant 0 : i32
      %dma_start3A_93 = tpu.memref_slice %arg5[%arg0, %add3A_84, %dma_start3A] : memref<2x10240x128xf32, #tpu.memory_space<hbm>> -> memref<1x64x128xf32, #tpu.memory_space<hbm>>
      %dma_start3A_94 = tpu.memref_squeeze %dma_start3A_93 : memref<1x64x128xf32, #tpu.memory_space<hbm>> -> memref<64x128xf32, #tpu.memory_space<hbm>>
      %dma_start3A_95 = arith.constant 0 : i32
      %dma_start3A_96 = tpu.memref_slice %arg5[%arg0, %add3A_84, %dma_start3A_95] : memref<2x10240x128xf32, #tpu.memory_space<hbm>> -> memref<1x64x128xf32, #tpu.memory_space<hbm>>
      %dma_start3A_97 = tpu.memref_squeeze %dma_start3A_96 : memref<1x64x128xf32, #tpu.memory_space<hbm>> -> memref<64x128xf32, #tpu.memory_space<hbm>>
      tpu.enqueue_dma source(%arg6 : memref<64x128xf32, #tpu.memory_space<vmem>>) target(%dma_start3A_97 : memref<64x128xf32, #tpu.memory_space<hbm>>) target_semaphore(%run_scoped3A : memref<!tpu.dma_semaphore, #tpu.memory_space<semaphore_mem>>)
      %dma_wait3A = arith.constant 0 : i32
      %dma_wait3A_98 = tpu.memref_slice %arg5[%arg0, %add3A_84, %dma_wait3A] : memref<2x10240x128xf32, #tpu.memory_space<hbm>> -> memref<1x64x128xf32, #tpu.memory_space<hbm>>
      %dma_wait3A_99 = tpu.memref_squeeze %dma_wait3A_98 : memref<1x64x128xf32, #tpu.memory_space<hbm>> -> memref<64x128xf32, #tpu.memory_space<hbm>>
      %dma_wait3A_100 = arith.constant 0 : i32
      %dma_wait3A_101 = tpu.memref_slice %arg5[%arg0, %add3A_84, %dma_wait3A_100] : memref<2x10240x128xf32, #tpu.memory_space<hbm>> -> memref<1x64x128xf32, #tpu.memory_space<hbm>>
      %dma_wait3A_102 = tpu.memref_squeeze %dma_wait3A_101 : memref<1x64x128xf32, #tpu.memory_space<hbm>> -> memref<64x128xf32, #tpu.memory_space<hbm>>
      tpu.wait_dma2 semaphore(%run_scoped3A : memref<!tpu.dma_semaphore, #tpu.memory_space<semaphore_mem>>) src(%arg6 : memref<64x128xf32, #tpu.memory_space<vmem>>) dst(%dma_wait3A_102 : memref<64x128xf32, #tpu.memory_space<hbm>>)
      tpu.yield
    }) : () -> ()
    %mul3A_85 = arith.constant 640 : i32
    %mul3A_86 = arith.muli %arg1, %mul3A_85 : i32
    %add3A_87 = arith.constant 512 : i32
    %add3A_88 = arith.addi %mul3A_86, %add3A_87 : i32
    "tpu.region"() ({
      %run_scoped3A = tpu.sem_alloc : memref<!tpu.dma_semaphore, #tpu.memory_space<semaphore_mem>>
      %dma_start3A = arith.constant 0 : i32
      %dma_start3A_93 = tpu.memref_slice %arg11[%add3A_88, %dma_start3A] : memref<10240x128xf32, #tpu.memory_space<vmem_shared>> -> memref<64x128xf32, #tpu.memory_space<vmem_shared>>
      %dma_start3A_94 = arith.constant 0 : i32
      %dma_start3A_95 = tpu.memref_slice %arg11[%add3A_88, %dma_start3A_94] : memref<10240x128xf32, #tpu.memory_space<vmem_shared>> -> memref<64x128xf32, #tpu.memory_space<vmem_shared>>
      tpu.enqueue_dma source(%dma_start3A_95 : memref<64x128xf32, #tpu.memory_space<vmem_shared>>) target(%arg6 : memref<64x128xf32, #tpu.memory_space<vmem>>) target_semaphore(%run_scoped3A : memref<!tpu.dma_semaphore, #tpu.memory_space<semaphore_mem>>)
      %dma_wait3A = arith.constant 0 : i32
      %dma_wait3A_96 = tpu.memref_slice %arg11[%add3A_88, %dma_wait3A] : memref<10240x128xf32, #tpu.memory_space<vmem_shared>> -> memref<64x128xf32, #tpu.memory_space<vmem_shared>>
      %dma_wait3A_97 = arith.constant 0 : i32
      %dma_wait3A_98 = tpu.memref_slice %arg11[%add3A_88, %dma_wait3A_97] : memref<10240x128xf32, #tpu.memory_space<vmem_shared>> -> memref<64x128xf32, #tpu.memory_space<vmem_shared>>
      tpu.wait_dma2 semaphore(%run_scoped3A : memref<!tpu.dma_semaphore, #tpu.memory_space<semaphore_mem>>) src(%dma_wait3A_98 : memref<64x128xf32, #tpu.memory_space<vmem_shared>>) dst(%arg6 : memref<64x128xf32, #tpu.memory_space<vmem>>)
      tpu.yield
    }) : () -> ()
    "tpu.region"() ({
      %run_scoped3A = tpu.sem_alloc : memref<!tpu.dma_semaphore, #tpu.memory_space<semaphore_mem>>
      %dma_start3A = arith.constant 0 : i32
      %dma_start3A_93 = tpu.memref_slice %arg5[%arg0, %add3A_88, %dma_start3A] : memref<2x10240x128xf32, #tpu.memory_space<hbm>> -> memref<1x64x128xf32, #tpu.memory_space<hbm>>
      %dma_start3A_94 = tpu.memref_squeeze %dma_start3A_93 : memref<1x64x128xf32, #tpu.memory_space<hbm>> -> memref<64x128xf32, #tpu.memory_space<hbm>>
      %dma_start3A_95 = arith.constant 0 : i32
      %dma_start3A_96 = tpu.memref_slice %arg5[%arg0, %add3A_88, %dma_start3A_95] : memref<2x10240x128xf32, #tpu.memory_space<hbm>> -> memref<1x64x128xf32, #tpu.memory_space<hbm>>
      %dma_start3A_97 = tpu.memref_squeeze %dma_start3A_96 : memref<1x64x128xf32, #tpu.memory_space<hbm>> -> memref<64x128xf32, #tpu.memory_space<hbm>>
      tpu.enqueue_dma source(%arg6 : memref<64x128xf32, #tpu.memory_space<vmem>>) target(%dma_start3A_97 : memref<64x128xf32, #tpu.memory_space<hbm>>) target_semaphore(%run_scoped3A : memref<!tpu.dma_semaphore, #tpu.memory_space<semaphore_mem>>)
      %dma_wait3A = arith.constant 0 : i32
      %dma_wait3A_98 = tpu.memref_slice %arg5[%arg0, %add3A_88, %dma_wait3A] : memref<2x10240x128xf32, #tpu.memory_space<hbm>> -> memref<1x64x128xf32, #tpu.memory_space<hbm>>
      %dma_wait3A_99 = tpu.memref_squeeze %dma_wait3A_98 : memref<1x64x128xf32, #tpu.memory_space<hbm>> -> memref<64x128xf32, #tpu.memory_space<hbm>>
      %dma_wait3A_100 = arith.constant 0 : i32
      %dma_wait3A_101 = tpu.memref_slice %arg5[%arg0, %add3A_88, %dma_wait3A_100] : memref<2x10240x128xf32, #tpu.memory_space<hbm>> -> memref<1x64x128xf32, #tpu.memory_space<hbm>>
      %dma_wait3A_102 = tpu.memref_squeeze %dma_wait3A_101 : memref<1x64x128xf32, #tpu.memory_space<hbm>> -> memref<64x128xf32, #tpu.memory_space<hbm>>
      tpu.wait_dma2 semaphore(%run_scoped3A : memref<!tpu.dma_semaphore, #tpu.memory_space<semaphore_mem>>) src(%arg6 : memref<64x128xf32, #tpu.memory_space<vmem>>) dst(%dma_wait3A_102 : memref<64x128xf32, #tpu.memory_space<hbm>>)
      tpu.yield
    }) : () -> ()
    %mul3A_89 = arith.constant 640 : i32
    %mul3A_90 = arith.muli %arg1, %mul3A_89 : i32
    %add3A_91 = arith.constant 576 : i32
    %add3A_92 = arith.addi %mul3A_90, %add3A_91 : i32
    "tpu.region"() ({
      %run_scoped3A = tpu.sem_alloc : memref<!tpu.dma_semaphore, #tpu.memory_space<semaphore_mem>>
      %dma_start3A = arith.constant 0 : i32
      %dma_start3A_93 = tpu.memref_slice %arg11[%add3A_92, %dma_start3A] : memref<10240x128xf32, #tpu.memory_space<vmem_shared>> -> memref<64x128xf32, #tpu.memory_space<vmem_shared>>
      %dma_start3A_94 = arith.constant 0 : i32
      %dma_start3A_95 = tpu.memref_slice %arg11[%add3A_92, %dma_start3A_94] : memref<10240x128xf32, #tpu.memory_space<vmem_shared>> -> memref<64x128xf32, #tpu.memory_space<vmem_shared>>
      tpu.enqueue_dma source(%dma_start3A_95 : memref<64x128xf32, #tpu.memory_space<vmem_shared>>) target(%arg6 : memref<64x128xf32, #tpu.memory_space<vmem>>) target_semaphore(%run_scoped3A : memref<!tpu.dma_semaphore, #tpu.memory_space<semaphore_mem>>)
      %dma_wait3A = arith.constant 0 : i32
      %dma_wait3A_96 = tpu.memref_slice %arg11[%add3A_92, %dma_wait3A] : memref<10240x128xf32, #tpu.memory_space<vmem_shared>> -> memref<64x128xf32, #tpu.memory_space<vmem_shared>>
      %dma_wait3A_97 = arith.constant 0 : i32
      %dma_wait3A_98 = tpu.memref_slice %arg11[%add3A_92, %dma_wait3A_97] : memref<10240x128xf32, #tpu.memory_space<vmem_shared>> -> memref<64x128xf32, #tpu.memory_space<vmem_shared>>
      tpu.wait_dma2 semaphore(%run_scoped3A : memref<!tpu.dma_semaphore, #tpu.memory_space<semaphore_mem>>) src(%dma_wait3A_98 : memref<64x128xf32, #tpu.memory_space<vmem_shared>>) dst(%arg6 : memref<64x128xf32, #tpu.memory_space<vmem>>)
      tpu.yield
    }) : () -> ()
    "tpu.region"() ({
      %run_scoped3A = tpu.sem_alloc : memref<!tpu.dma_semaphore, #tpu.memory_space<semaphore_mem>>
      %dma_start3A = arith.constant 0 : i32
      %dma_start3A_93 = tpu.memref_slice %arg5[%arg0, %add3A_92, %dma_start3A] : memref<2x10240x128xf32, #tpu.memory_space<hbm>> -> memref<1x64x128xf32, #tpu.memory_space<hbm>>
      %dma_start3A_94 = tpu.memref_squeeze %dma_start3A_93 : memref<1x64x128xf32, #tpu.memory_space<hbm>> -> memref<64x128xf32, #tpu.memory_space<hbm>>
      %dma_start3A_95 = arith.constant 0 : i32
      %dma_start3A_96 = tpu.memref_slice %arg5[%arg0, %add3A_92, %dma_start3A_95] : memref<2x10240x128xf32, #tpu.memory_space<hbm>> -> memref<1x64x128xf32, #tpu.memory_space<hbm>>
      %dma_start3A_97 = tpu.memref_squeeze %dma_start3A_96 : memref<1x64x128xf32, #tpu.memory_space<hbm>> -> memref<64x128xf32, #tpu.memory_space<hbm>>
      tpu.enqueue_dma source(%arg6 : memref<64x128xf32, #tpu.memory_space<vmem>>) target(%dma_start3A_97 : memref<64x128xf32, #tpu.memory_space<hbm>>) target_semaphore(%run_scoped3A : memref<!tpu.dma_semaphore, #tpu.memory_space<semaphore_mem>>)
      %dma_wait3A = arith.constant 0 : i32
      %dma_wait3A_98 = tpu.memref_slice %arg5[%arg0, %add3A_92, %dma_wait3A] : memref<2x10240x128xf32, #tpu.memory_space<hbm>> -> memref<1x64x128xf32, #tpu.memory_space<hbm>>
      %dma_wait3A_99 = tpu.memref_squeeze %dma_wait3A_98 : memref<1x64x128xf32, #tpu.memory_space<hbm>> -> memref<64x128xf32, #tpu.memory_space<hbm>>
      %dma_wait3A_100 = arith.constant 0 : i32
      %dma_wait3A_101 = tpu.memref_slice %arg5[%arg0, %add3A_92, %dma_wait3A_100] : memref<2x10240x128xf32, #tpu.memory_space<hbm>> -> memref<1x64x128xf32, #tpu.memory_space<hbm>>
      %dma_wait3A_102 = tpu.memref_squeeze %dma_wait3A_101 : memref<1x64x128xf32, #tpu.memory_space<hbm>> -> memref<64x128xf32, #tpu.memory_space<hbm>>
      tpu.wait_dma2 semaphore(%run_scoped3A : memref<!tpu.dma_semaphore, #tpu.memory_space<semaphore_mem>>) src(%arg6 : memref<64x128xf32, #tpu.memory_space<vmem>>) dst(%dma_wait3A_102 : memref<64x128xf32, #tpu.memory_space<hbm>>)
      tpu.yield
    }) : () -> ()
    return
  }
}

#map = affine_map<(d0, d1) -> (0, 0)>
#map1 = affine_map<(d0, d1) -> (0)>
#map2 = affine_map<(d0, d1) -> (0, 0, 0)>
module attributes {stable_mosaic.version = 14 : i64} {
  func.func @_edge_pass(%arg0: i32, %arg1: i32, %arg2: memref<10240x128xf32, #tpu.memory_space<hbm>>, %arg3: memref<327680xi32, #tpu.memory_space<hbm>>, %arg4: memref<327680xi32, #tpu.memory_space<hbm>>, %arg5: memref<2x10240x128xf32, #tpu.memory_space<hbm>>, %arg6: memref<64x128xf32, #tpu.memory_space<vmem>>, %arg7: memref<128xi32, #tpu.memory_space<vmem>>, %arg8: memref<128xi32, #tpu.memory_space<vmem>>, %arg9: memref<128x128xf32, #tpu.memory_space<vmem>>, %arg10: memref<!tpu.dma_semaphore, #tpu.memory_space<semaphore_mem>>, %arg11: memref<10240x128xf32, #tpu.memory_space<vmem_shared>>) attributes {dimension_semantics = [#tpu.dimension_semantics<core_parallel>, #tpu.dimension_semantics<subcore_parallel>], iteration_bounds = array<i64: 2, 16>, scalar_prefetch = 0 : i64, scratch_operands = 6 : i64, tpu.core_type = #tpu.core_type<sc_vector_subcore>, window_params = [{transform_indices = #map}, {transform_indices = #map1}, {transform_indices = #map1}, {transform_indices = #map2}]} {
    %mul3A = arith.constant 16 : i32
    %mul3A_0 = arith.muli %arg0, %mul3A : i32
    %add3A = arith.addi %mul3A_0, %arg1 : i32
    %scan3A = arith.constant 0 : i32
    %scan3A_1 = arith.constant 64 : i32
    %scan3A_2 = arith.addi %scan3A, %scan3A_1 : i32
    %scan3A_3 = arith.constant 1 : i32
    scf.for %scan3A_93 = %scan3A to %scan3A_2 step %scan3A_3  : i32 {
      %broadcast_in_dim3A = arith.constant 0.000000e+00 : f32
      %broadcast_in_dim3A_94 = vector.broadcast %broadcast_in_dim3A : f32 to vector<16xf32>
      %swap3A = arith.index_cast %scan3A_93 : i32 to index
      %swap3A_95 = arith.constant 0 : index
      %swap3A_96 = tpu.vector_load %arg6[%swap3A, %swap3A_95] {strides = array<i32>} : memref<64x128xf32, #tpu.memory_space<vmem>>, vector<16xf32>,
      tpu.vector_store %arg6[%swap3A, %swap3A_95], %broadcast_in_dim3A_94 {strides = array<i32>} : memref<64x128xf32, #tpu.memory_space<vmem>>, vector<16xf32>,
      %broadcast_in_dim3A_97 = arith.constant 0.000000e+00 : f32
      %broadcast_in_dim3A_98 = vector.broadcast %broadcast_in_dim3A_97 : f32 to vector<16xf32>
      %swap3A_99 = arith.index_cast %scan3A_93 : i32 to index
      %swap3A_100 = arith.constant 16 : index
      %swap3A_101 = tpu.vector_load %arg6[%swap3A_99, %swap3A_100] {strides = array<i32>} : memref<64x128xf32, #tpu.memory_space<vmem>>, vector<16xf32>,
      tpu.vector_store %arg6[%swap3A_99, %swap3A_100], %broadcast_in_dim3A_98 {strides = array<i32>} : memref<64x128xf32, #tpu.memory_space<vmem>>, vector<16xf32>,
      %broadcast_in_dim3A_102 = arith.constant 0.000000e+00 : f32
      %broadcast_in_dim3A_103 = vector.broadcast %broadcast_in_dim3A_102 : f32 to vector<16xf32>
      %swap3A_104 = arith.index_cast %scan3A_93 : i32 to index
      %swap3A_105 = arith.constant 32 : index
      %swap3A_106 = tpu.vector_load %arg6[%swap3A_104, %swap3A_105] {strides = array<i32>} : memref<64x128xf32, #tpu.memory_space<vmem>>, vector<16xf32>,
      tpu.vector_store %arg6[%swap3A_104, %swap3A_105], %broadcast_in_dim3A_103 {strides = array<i32>} : memref<64x128xf32, #tpu.memory_space<vmem>>, vector<16xf32>,
      %broadcast_in_dim3A_107 = arith.constant 0.000000e+00 : f32
      %broadcast_in_dim3A_108 = vector.broadcast %broadcast_in_dim3A_107 : f32 to vector<16xf32>
      %swap3A_109 = arith.index_cast %scan3A_93 : i32 to index
      %swap3A_110 = arith.constant 48 : index
      %swap3A_111 = tpu.vector_load %arg6[%swap3A_109, %swap3A_110] {strides = array<i32>} : memref<64x128xf32, #tpu.memory_space<vmem>>, vector<16xf32>,
      tpu.vector_store %arg6[%swap3A_109, %swap3A_110], %broadcast_in_dim3A_108 {strides = array<i32>} : memref<64x128xf32, #tpu.memory_space<vmem>>, vector<16xf32>,
      %broadcast_in_dim3A_112 = arith.constant 0.000000e+00 : f32
      %broadcast_in_dim3A_113 = vector.broadcast %broadcast_in_dim3A_112 : f32 to vector<16xf32>
      %swap3A_114 = arith.index_cast %scan3A_93 : i32 to index
      %swap3A_115 = arith.constant 64 : index
      %swap3A_116 = tpu.vector_load %arg6[%swap3A_114, %swap3A_115] {strides = array<i32>} : memref<64x128xf32, #tpu.memory_space<vmem>>, vector<16xf32>,
      tpu.vector_store %arg6[%swap3A_114, %swap3A_115], %broadcast_in_dim3A_113 {strides = array<i32>} : memref<64x128xf32, #tpu.memory_space<vmem>>, vector<16xf32>,
      %broadcast_in_dim3A_117 = arith.constant 0.000000e+00 : f32
      %broadcast_in_dim3A_118 = vector.broadcast %broadcast_in_dim3A_117 : f32 to vector<16xf32>
      %swap3A_119 = arith.index_cast %scan3A_93 : i32 to index
      %swap3A_120 = arith.constant 80 : index
      %swap3A_121 = tpu.vector_load %arg6[%swap3A_119, %swap3A_120] {strides = array<i32>} : memref<64x128xf32, #tpu.memory_space<vmem>>, vector<16xf32>,
      tpu.vector_store %arg6[%swap3A_119, %swap3A_120], %broadcast_in_dim3A_118 {strides = array<i32>} : memref<64x128xf32, #tpu.memory_space<vmem>>, vector<16xf32>,
      %broadcast_in_dim3A_122 = arith.constant 0.000000e+00 : f32
      %broadcast_in_dim3A_123 = vector.broadcast %broadcast_in_dim3A_122 : f32 to vector<16xf32>
      %swap3A_124 = arith.index_cast %scan3A_93 : i32 to index
      %swap3A_125 = arith.constant 96 : index
      %swap3A_126 = tpu.vector_load %arg6[%swap3A_124, %swap3A_125] {strides = array<i32>} : memref<64x128xf32, #tpu.memory_space<vmem>>, vector<16xf32>,
      tpu.vector_store %arg6[%swap3A_124, %swap3A_125], %broadcast_in_dim3A_123 {strides = array<i32>} : memref<64x128xf32, #tpu.memory_space<vmem>>, vector<16xf32>,
      %broadcast_in_dim3A_127 = arith.constant 0.000000e+00 : f32
      %broadcast_in_dim3A_128 = vector.broadcast %broadcast_in_dim3A_127 : f32 to vector<16xf32>
      %swap3A_129 = arith.index_cast %scan3A_93 : i32 to index
      %swap3A_130 = arith.constant 112 : index
      %swap3A_131 = tpu.vector_load %arg6[%swap3A_129, %swap3A_130] {strides = array<i32>} : memref<64x128xf32, #tpu.memory_space<vmem>>, vector<16xf32>,
      tpu.vector_store %arg6[%swap3A_129, %swap3A_130], %broadcast_in_dim3A_128 {strides = array<i32>} : memref<64x128xf32, #tpu.memory_space<vmem>>, vector<16xf32>,
    }
    %scan3A_4 = arith.constant 64 : i32
    %mul3A_5 = arith.constant 640 : i32
    %mul3A_6 = arith.muli %arg1, %mul3A_5 : i32
    %add3A_7 = arith.constant 0 : i32
    %add3A_8 = arith.addi %mul3A_6, %add3A_7 : i32
    "tpu.region"() ({
      %run_scoped3A = tpu.sem_alloc : memref<!tpu.dma_semaphore, #tpu.memory_space<semaphore_mem>>
      %dma_start3A = arith.constant 0 : i32
      %dma_start3A_93 = tpu.memref_slice %arg11[%add3A_8, %dma_start3A] : memref<10240x128xf32, #tpu.memory_space<vmem_shared>> -> memref<64x128xf32, #tpu.memory_space<vmem_shared>>
      %dma_start3A_94 = arith.constant 0 : i32
      %dma_start3A_95 = tpu.memref_slice %arg11[%add3A_8, %dma_start3A_94] : memref<10240x128xf32, #tpu.memory_space<vmem_shared>> -> memref<64x128xf32, #tpu.memory_space<vmem_shared>>
      tpu.enqueue_dma source(%arg6 : memref<64x128xf32, #tpu.memory_space<vmem>>) target(%dma_start3A_95 : memref<64x128xf32, #tpu.memory_space<vmem_shared>>) target_semaphore(%run_scoped3A : memref<!tpu.dma_semaphore, #tpu.memory_space<semaphore_mem>>)
      %dma_wait3A = arith.constant 0 : i32
      %dma_wait3A_96 = tpu.memref_slice %arg11[%add3A_8, %dma_wait3A] : memref<10240x128xf32, #tpu.memory_space<vmem_shared>> -> memref<64x128xf32, #tpu.memory_space<vmem_shared>>
      %dma_wait3A_97 = arith.constant 0 : i32
      %dma_wait3A_98 = tpu.memref_slice %arg11[%add3A_8, %dma_wait3A_97] : memref<10240x128xf32, #tpu.memory_space<vmem_shared>> -> memref<64x128xf32, #tpu.memory_space<vmem_shared>>
      tpu.wait_dma2 semaphore(%run_scoped3A : memref<!tpu.dma_semaphore, #tpu.memory_space<semaphore_mem>>) src(%arg6 : memref<64x128xf32, #tpu.memory_space<vmem>>) dst(%dma_wait3A_98 : memref<64x128xf32, #tpu.memory_space<vmem_shared>>)
      tpu.yield
    }) : () -> ()
    %mul3A_9 = arith.constant 640 : i32
    %mul3A_10 = arith.muli %arg1, %mul3A_9 : i32
    %add3A_11 = arith.constant 64 : i32
    %add3A_12 = arith.addi %mul3A_10, %add3A_11 : i32
    "tpu.region"() ({
      %run_scoped3A = tpu.sem_alloc : memref<!tpu.dma_semaphore, #tpu.memory_space<semaphore_mem>>
      %dma_start3A = arith.constant 0 : i32
      %dma_start3A_93 = tpu.memref_slice %arg11[%add3A_12, %dma_start3A] : memref<10240x128xf32, #tpu.memory_space<vmem_shared>> -> memref<64x128xf32, #tpu.memory_space<vmem_shared>>
      %dma_start3A_94 = arith.constant 0 : i32
      %dma_start3A_95 = tpu.memref_slice %arg11[%add3A_12, %dma_start3A_94] : memref<10240x128xf32, #tpu.memory_space<vmem_shared>> -> memref<64x128xf32, #tpu.memory_space<vmem_shared>>
      tpu.enqueue_dma source(%arg6 : memref<64x128xf32, #tpu.memory_space<vmem>>) target(%dma_start3A_95 : memref<64x128xf32, #tpu.memory_space<vmem_shared>>) target_semaphore(%run_scoped3A : memref<!tpu.dma_semaphore, #tpu.memory_space<semaphore_mem>>)
      %dma_wait3A = arith.constant 0 : i32
      %dma_wait3A_96 = tpu.memref_slice %arg11[%add3A_12, %dma_wait3A] : memref<10240x128xf32, #tpu.memory_space<vmem_shared>> -> memref<64x128xf32, #tpu.memory_space<vmem_shared>>
      %dma_wait3A_97 = arith.constant 0 : i32
      %dma_wait3A_98 = tpu.memref_slice %arg11[%add3A_12, %dma_wait3A_97] : memref<10240x128xf32, #tpu.memory_space<vmem_shared>> -> memref<64x128xf32, #tpu.memory_space<vmem_shared>>
      tpu.wait_dma2 semaphore(%run_scoped3A : memref<!tpu.dma_semaphore, #tpu.memory_space<semaphore_mem>>) src(%arg6 : memref<64x128xf32, #tpu.memory_space<vmem>>) dst(%dma_wait3A_98 : memref<64x128xf32, #tpu.memory_space<vmem_shared>>)
      tpu.yield
    }) : () -> ()
    %mul3A_13 = arith.constant 640 : i32
    %mul3A_14 = arith.muli %arg1, %mul3A_13 : i32
    %add3A_15 = arith.constant 128 : i32
    %add3A_16 = arith.addi %mul3A_14, %add3A_15 : i32
    "tpu.region"() ({
      %run_scoped3A = tpu.sem_alloc : memref<!tpu.dma_semaphore, #tpu.memory_space<semaphore_mem>>
      %dma_start3A = arith.constant 0 : i32
      %dma_start3A_93 = tpu.memref_slice %arg11[%add3A_16, %dma_start3A] : memref<10240x128xf32, #tpu.memory_space<vmem_shared>> -> memref<64x128xf32, #tpu.memory_space<vmem_shared>>
      %dma_start3A_94 = arith.constant 0 : i32
      %dma_start3A_95 = tpu.memref_slice %arg11[%add3A_16, %dma_start3A_94] : memref<10240x128xf32, #tpu.memory_space<vmem_shared>> -> memref<64x128xf32, #tpu.memory_space<vmem_shared>>
      tpu.enqueue_dma source(%arg6 : memref<64x128xf32, #tpu.memory_space<vmem>>) target(%dma_start3A_95 : memref<64x128xf32, #tpu.memory_space<vmem_shared>>) target_semaphore(%run_scoped3A : memref<!tpu.dma_semaphore, #tpu.memory_space<semaphore_mem>>)
      %dma_wait3A = arith.constant 0 : i32
      %dma_wait3A_96 = tpu.memref_slice %arg11[%add3A_16, %dma_wait3A] : memref<10240x128xf32, #tpu.memory_space<vmem_shared>> -> memref<64x128xf32, #tpu.memory_space<vmem_shared>>
      %dma_wait3A_97 = arith.constant 0 : i32
      %dma_wait3A_98 = tpu.memref_slice %arg11[%add3A_16, %dma_wait3A_97] : memref<10240x128xf32, #tpu.memory_space<vmem_shared>> -> memref<64x128xf32, #tpu.memory_space<vmem_shared>>
      tpu.wait_dma2 semaphore(%run_scoped3A : memref<!tpu.dma_semaphore, #tpu.memory_space<semaphore_mem>>) src(%arg6 : memref<64x128xf32, #tpu.memory_space<vmem>>) dst(%dma_wait3A_98 : memref<64x128xf32, #tpu.memory_space<vmem_shared>>)
      tpu.yield
    }) : () -> ()
    %mul3A_17 = arith.constant 640 : i32
    %mul3A_18 = arith.muli %arg1, %mul3A_17 : i32
    %add3A_19 = arith.constant 192 : i32
    %add3A_20 = arith.addi %mul3A_18, %add3A_19 : i32
    "tpu.region"() ({
      %run_scoped3A = tpu.sem_alloc : memref<!tpu.dma_semaphore, #tpu.memory_space<semaphore_mem>>
      %dma_start3A = arith.constant 0 : i32
      %dma_start3A_93 = tpu.memref_slice %arg11[%add3A_20, %dma_start3A] : memref<10240x128xf32, #tpu.memory_space<vmem_shared>> -> memref<64x128xf32, #tpu.memory_space<vmem_shared>>
      %dma_start3A_94 = arith.constant 0 : i32
      %dma_start3A_95 = tpu.memref_slice %arg11[%add3A_20, %dma_start3A_94] : memref<10240x128xf32, #tpu.memory_space<vmem_shared>> -> memref<64x128xf32, #tpu.memory_space<vmem_shared>>
      tpu.enqueue_dma source(%arg6 : memref<64x128xf32, #tpu.memory_space<vmem>>) target(%dma_start3A_95 : memref<64x128xf32, #tpu.memory_space<vmem_shared>>) target_semaphore(%run_scoped3A : memref<!tpu.dma_semaphore, #tpu.memory_space<semaphore_mem>>)
      %dma_wait3A = arith.constant 0 : i32
      %dma_wait3A_96 = tpu.memref_slice %arg11[%add3A_20, %dma_wait3A] : memref<10240x128xf32, #tpu.memory_space<vmem_shared>> -> memref<64x128xf32, #tpu.memory_space<vmem_shared>>
      %dma_wait3A_97 = arith.constant 0 : i32
      %dma_wait3A_98 = tpu.memref_slice %arg11[%add3A_20, %dma_wait3A_97] : memref<10240x128xf32, #tpu.memory_space<vmem_shared>> -> memref<64x128xf32, #tpu.memory_space<vmem_shared>>
      tpu.wait_dma2 semaphore(%run_scoped3A : memref<!tpu.dma_semaphore, #tpu.memory_space<semaphore_mem>>) src(%arg6 : memref<64x128xf32, #tpu.memory_space<vmem>>) dst(%dma_wait3A_98 : memref<64x128xf32, #tpu.memory_space<vmem_shared>>)
      tpu.yield
    }) : () -> ()
    %mul3A_21 = arith.constant 640 : i32
    %mul3A_22 = arith.muli %arg1, %mul3A_21 : i32
    %add3A_23 = arith.constant 256 : i32
    %add3A_24 = arith.addi %mul3A_22, %add3A_23 : i32
    "tpu.region"() ({
      %run_scoped3A = tpu.sem_alloc : memref<!tpu.dma_semaphore, #tpu.memory_space<semaphore_mem>>
      %dma_start3A = arith.constant 0 : i32
      %dma_start3A_93 = tpu.memref_slice %arg11[%add3A_24, %dma_start3A] : memref<10240x128xf32, #tpu.memory_space<vmem_shared>> -> memref<64x128xf32, #tpu.memory_space<vmem_shared>>
      %dma_start3A_94 = arith.constant 0 : i32
      %dma_start3A_95 = tpu.memref_slice %arg11[%add3A_24, %dma_start3A_94] : memref<10240x128xf32, #tpu.memory_space<vmem_shared>> -> memref<64x128xf32, #tpu.memory_space<vmem_shared>>
      tpu.enqueue_dma source(%arg6 : memref<64x128xf32, #tpu.memory_space<vmem>>) target(%dma_start3A_95 : memref<64x128xf32, #tpu.memory_space<vmem_shared>>) target_semaphore(%run_scoped3A : memref<!tpu.dma_semaphore, #tpu.memory_space<semaphore_mem>>)
      %dma_wait3A = arith.constant 0 : i32
      %dma_wait3A_96 = tpu.memref_slice %arg11[%add3A_24, %dma_wait3A] : memref<10240x128xf32, #tpu.memory_space<vmem_shared>> -> memref<64x128xf32, #tpu.memory_space<vmem_shared>>
      %dma_wait3A_97 = arith.constant 0 : i32
      %dma_wait3A_98 = tpu.memref_slice %arg11[%add3A_24, %dma_wait3A_97] : memref<10240x128xf32, #tpu.memory_space<vmem_shared>> -> memref<64x128xf32, #tpu.memory_space<vmem_shared>>
      tpu.wait_dma2 semaphore(%run_scoped3A : memref<!tpu.dma_semaphore, #tpu.memory_space<semaphore_mem>>) src(%arg6 : memref<64x128xf32, #tpu.memory_space<vmem>>) dst(%dma_wait3A_98 : memref<64x128xf32, #tpu.memory_space<vmem_shared>>)
      tpu.yield
    }) : () -> ()
    %mul3A_25 = arith.constant 640 : i32
    %mul3A_26 = arith.muli %arg1, %mul3A_25 : i32
    %add3A_27 = arith.constant 320 : i32
    %add3A_28 = arith.addi %mul3A_26, %add3A_27 : i32
    "tpu.region"() ({
      %run_scoped3A = tpu.sem_alloc : memref<!tpu.dma_semaphore, #tpu.memory_space<semaphore_mem>>
      %dma_start3A = arith.constant 0 : i32
      %dma_start3A_93 = tpu.memref_slice %arg11[%add3A_28, %dma_start3A] : memref<10240x128xf32, #tpu.memory_space<vmem_shared>> -> memref<64x128xf32, #tpu.memory_space<vmem_shared>>
      %dma_start3A_94 = arith.constant 0 : i32
      %dma_start3A_95 = tpu.memref_slice %arg11[%add3A_28, %dma_start3A_94] : memref<10240x128xf32, #tpu.memory_space<vmem_shared>> -> memref<64x128xf32, #tpu.memory_space<vmem_shared>>
      tpu.enqueue_dma source(%arg6 : memref<64x128xf32, #tpu.memory_space<vmem>>) target(%dma_start3A_95 : memref<64x128xf32, #tpu.memory_space<vmem_shared>>) target_semaphore(%run_scoped3A : memref<!tpu.dma_semaphore, #tpu.memory_space<semaphore_mem>>)
      %dma_wait3A = arith.constant 0 : i32
      %dma_wait3A_96 = tpu.memref_slice %arg11[%add3A_28, %dma_wait3A] : memref<10240x128xf32, #tpu.memory_space<vmem_shared>> -> memref<64x128xf32, #tpu.memory_space<vmem_shared>>
      %dma_wait3A_97 = arith.constant 0 : i32
      %dma_wait3A_98 = tpu.memref_slice %arg11[%add3A_28, %dma_wait3A_97] : memref<10240x128xf32, #tpu.memory_space<vmem_shared>> -> memref<64x128xf32, #tpu.memory_space<vmem_shared>>
      tpu.wait_dma2 semaphore(%run_scoped3A : memref<!tpu.dma_semaphore, #tpu.memory_space<semaphore_mem>>) src(%arg6 : memref<64x128xf32, #tpu.memory_space<vmem>>) dst(%dma_wait3A_98 : memref<64x128xf32, #tpu.memory_space<vmem_shared>>)
      tpu.yield
    }) : () -> ()
    %mul3A_29 = arith.constant 640 : i32
    %mul3A_30 = arith.muli %arg1, %mul3A_29 : i32
    %add3A_31 = arith.constant 384 : i32
    %add3A_32 = arith.addi %mul3A_30, %add3A_31 : i32
    "tpu.region"() ({
      %run_scoped3A = tpu.sem_alloc : memref<!tpu.dma_semaphore, #tpu.memory_space<semaphore_mem>>
      %dma_start3A = arith.constant 0 : i32
      %dma_start3A_93 = tpu.memref_slice %arg11[%add3A_32, %dma_start3A] : memref<10240x128xf32, #tpu.memory_space<vmem_shared>> -> memref<64x128xf32, #tpu.memory_space<vmem_shared>>
      %dma_start3A_94 = arith.constant 0 : i32
      %dma_start3A_95 = tpu.memref_slice %arg11[%add3A_32, %dma_start3A_94] : memref<10240x128xf32, #tpu.memory_space<vmem_shared>> -> memref<64x128xf32, #tpu.memory_space<vmem_shared>>
      tpu.enqueue_dma source(%arg6 : memref<64x128xf32, #tpu.memory_space<vmem>>) target(%dma_start3A_95 : memref<64x128xf32, #tpu.memory_space<vmem_shared>>) target_semaphore(%run_scoped3A : memref<!tpu.dma_semaphore, #tpu.memory_space<semaphore_mem>>)
      %dma_wait3A = arith.constant 0 : i32
      %dma_wait3A_96 = tpu.memref_slice %arg11[%add3A_32, %dma_wait3A] : memref<10240x128xf32, #tpu.memory_space<vmem_shared>> -> memref<64x128xf32, #tpu.memory_space<vmem_shared>>
      %dma_wait3A_97 = arith.constant 0 : i32
      %dma_wait3A_98 = tpu.memref_slice %arg11[%add3A_32, %dma_wait3A_97] : memref<10240x128xf32, #tpu.memory_space<vmem_shared>> -> memref<64x128xf32, #tpu.memory_space<vmem_shared>>
      tpu.wait_dma2 semaphore(%run_scoped3A : memref<!tpu.dma_semaphore, #tpu.memory_space<semaphore_mem>>) src(%arg6 : memref<64x128xf32, #tpu.memory_space<vmem>>) dst(%dma_wait3A_98 : memref<64x128xf32, #tpu.memory_space<vmem_shared>>)
      tpu.yield
    }) : () -> ()
    %mul3A_33 = arith.constant 640 : i32
    %mul3A_34 = arith.muli %arg1, %mul3A_33 : i32
    %add3A_35 = arith.constant 448 : i32
    %add3A_36 = arith.addi %mul3A_34, %add3A_35 : i32
    "tpu.region"() ({
      %run_scoped3A = tpu.sem_alloc : memref<!tpu.dma_semaphore, #tpu.memory_space<semaphore_mem>>
      %dma_start3A = arith.constant 0 : i32
      %dma_start3A_93 = tpu.memref_slice %arg11[%add3A_36, %dma_start3A] : memref<10240x128xf32, #tpu.memory_space<vmem_shared>> -> memref<64x128xf32, #tpu.memory_space<vmem_shared>>
      %dma_start3A_94 = arith.constant 0 : i32
      %dma_start3A_95 = tpu.memref_slice %arg11[%add3A_36, %dma_start3A_94] : memref<10240x128xf32, #tpu.memory_space<vmem_shared>> -> memref<64x128xf32, #tpu.memory_space<vmem_shared>>
      tpu.enqueue_dma source(%arg6 : memref<64x128xf32, #tpu.memory_space<vmem>>) target(%dma_start3A_95 : memref<64x128xf32, #tpu.memory_space<vmem_shared>>) target_semaphore(%run_scoped3A : memref<!tpu.dma_semaphore, #tpu.memory_space<semaphore_mem>>)
      %dma_wait3A = arith.constant 0 : i32
      %dma_wait3A_96 = tpu.memref_slice %arg11[%add3A_36, %dma_wait3A] : memref<10240x128xf32, #tpu.memory_space<vmem_shared>> -> memref<64x128xf32, #tpu.memory_space<vmem_shared>>
      %dma_wait3A_97 = arith.constant 0 : i32
      %dma_wait3A_98 = tpu.memref_slice %arg11[%add3A_36, %dma_wait3A_97] : memref<10240x128xf32, #tpu.memory_space<vmem_shared>> -> memref<64x128xf32, #tpu.memory_space<vmem_shared>>
      tpu.wait_dma2 semaphore(%run_scoped3A : memref<!tpu.dma_semaphore, #tpu.memory_space<semaphore_mem>>) src(%arg6 : memref<64x128xf32, #tpu.memory_space<vmem>>) dst(%dma_wait3A_98 : memref<64x128xf32, #tpu.memory_space<vmem_shared>>)
      tpu.yield
    }) : () -> ()
    %mul3A_37 = arith.constant 640 : i32
    %mul3A_38 = arith.muli %arg1, %mul3A_37 : i32
    %add3A_39 = arith.constant 512 : i32
    %add3A_40 = arith.addi %mul3A_38, %add3A_39 : i32
    "tpu.region"() ({
      %run_scoped3A = tpu.sem_alloc : memref<!tpu.dma_semaphore, #tpu.memory_space<semaphore_mem>>
      %dma_start3A = arith.constant 0 : i32
      %dma_start3A_93 = tpu.memref_slice %arg11[%add3A_40, %dma_start3A] : memref<10240x128xf32, #tpu.memory_space<vmem_shared>> -> memref<64x128xf32, #tpu.memory_space<vmem_shared>>
      %dma_start3A_94 = arith.constant 0 : i32
      %dma_start3A_95 = tpu.memref_slice %arg11[%add3A_40, %dma_start3A_94] : memref<10240x128xf32, #tpu.memory_space<vmem_shared>> -> memref<64x128xf32, #tpu.memory_space<vmem_shared>>
      tpu.enqueue_dma source(%arg6 : memref<64x128xf32, #tpu.memory_space<vmem>>) target(%dma_start3A_95 : memref<64x128xf32, #tpu.memory_space<vmem_shared>>) target_semaphore(%run_scoped3A : memref<!tpu.dma_semaphore, #tpu.memory_space<semaphore_mem>>)
      %dma_wait3A = arith.constant 0 : i32
      %dma_wait3A_96 = tpu.memref_slice %arg11[%add3A_40, %dma_wait3A] : memref<10240x128xf32, #tpu.memory_space<vmem_shared>> -> memref<64x128xf32, #tpu.memory_space<vmem_shared>>
      %dma_wait3A_97 = arith.constant 0 : i32
      %dma_wait3A_98 = tpu.memref_slice %arg11[%add3A_40, %dma_wait3A_97] : memref<10240x128xf32, #tpu.memory_space<vmem_shared>> -> memref<64x128xf32, #tpu.memory_space<vmem_shared>>
      tpu.wait_dma2 semaphore(%run_scoped3A : memref<!tpu.dma_semaphore, #tpu.memory_space<semaphore_mem>>) src(%arg6 : memref<64x128xf32, #tpu.memory_space<vmem>>) dst(%dma_wait3A_98 : memref<64x128xf32, #tpu.memory_space<vmem_shared>>)
      tpu.yield
    }) : () -> ()
    %mul3A_41 = arith.constant 640 : i32
    %mul3A_42 = arith.muli %arg1, %mul3A_41 : i32
    %add3A_43 = arith.constant 576 : i32
    %add3A_44 = arith.addi %mul3A_42, %add3A_43 : i32
    "tpu.region"() ({
      %run_scoped3A = tpu.sem_alloc : memref<!tpu.dma_semaphore, #tpu.memory_space<semaphore_mem>>
      %dma_start3A = arith.constant 0 : i32
      %dma_start3A_93 = tpu.memref_slice %arg11[%add3A_44, %dma_start3A] : memref<10240x128xf32, #tpu.memory_space<vmem_shared>> -> memref<64x128xf32, #tpu.memory_space<vmem_shared>>
      %dma_start3A_94 = arith.constant 0 : i32
      %dma_start3A_95 = tpu.memref_slice %arg11[%add3A_44, %dma_start3A_94] : memref<10240x128xf32, #tpu.memory_space<vmem_shared>> -> memref<64x128xf32, #tpu.memory_space<vmem_shared>>
      tpu.enqueue_dma source(%arg6 : memref<64x128xf32, #tpu.memory_space<vmem>>) target(%dma_start3A_95 : memref<64x128xf32, #tpu.memory_space<vmem_shared>>) target_semaphore(%run_scoped3A : memref<!tpu.dma_semaphore, #tpu.memory_space<semaphore_mem>>)
      %dma_wait3A = arith.constant 0 : i32
      %dma_wait3A_96 = tpu.memref_slice %arg11[%add3A_44, %dma_wait3A] : memref<10240x128xf32, #tpu.memory_space<vmem_shared>> -> memref<64x128xf32, #tpu.memory_space<vmem_shared>>
      %dma_wait3A_97 = arith.constant 0 : i32
      %dma_wait3A_98 = tpu.memref_slice %arg11[%add3A_44, %dma_wait3A_97] : memref<10240x128xf32, #tpu.memory_space<vmem_shared>> -> memref<64x128xf32, #tpu.memory_space<vmem_shared>>
      tpu.wait_dma2 semaphore(%run_scoped3A : memref<!tpu.dma_semaphore, #tpu.memory_space<semaphore_mem>>) src(%arg6 : memref<64x128xf32, #tpu.memory_space<vmem>>) dst(%dma_wait3A_98 : memref<64x128xf32, #tpu.memory_space<vmem_shared>>)
      tpu.yield
    }) : () -> ()
    %barrier3A = arith.constant 0 : index
    tpu.barrier barrier_id(%barrier3A)
    %mul3A_45 = arith.constant 10240 : i32
    %mul3A_46 = arith.muli %add3A, %mul3A_45 : i32
    %scan3A_47 = arith.constant 0 : i32
    %scan3A_48 = arith.constant 80 : i32
    %scan3A_49 = arith.addi %scan3A_47, %scan3A_48 : i32
    %scan3A_50 = arith.constant 1 : i32
    scf.for %scan3A_93 = %scan3A_47 to %scan3A_49 step %scan3A_50  : i32 {
      %mul3A_94 = arith.constant 128 : i32
      %mul3A_95 = arith.muli %scan3A_93, %mul3A_94 : i32
      %add3A_96 = arith.addi %mul3A_46, %mul3A_95 : i32
      "tpu.region"() ({
        %run_scoped3A = tpu.sem_alloc : memref<!tpu.dma_semaphore, #tpu.memory_space<semaphore_mem>>
        %dma_start3A_101 = tpu.memref_slice %arg3[%add3A_96] : memref<327680xi32, #tpu.memory_space<hbm>> -> memref<128xi32, #tpu.memory_space<hbm>>
        %dma_start3A_102 = tpu.memref_slice %arg3[%add3A_96] : memref<327680xi32, #tpu.memory_space<hbm>> -> memref<128xi32, #tpu.memory_space<hbm>>
        tpu.enqueue_dma source(%dma_start3A_102 : memref<128xi32, #tpu.memory_space<hbm>>) target(%arg7 : memref<128xi32, #tpu.memory_space<vmem>>) target_semaphore(%run_scoped3A : memref<!tpu.dma_semaphore, #tpu.memory_space<semaphore_mem>>)
        %dma_wait3A_103 = tpu.memref_slice %arg3[%add3A_96] : memref<327680xi32, #tpu.memory_space<hbm>> -> memref<128xi32, #tpu.memory_space<hbm>>
        %dma_wait3A_104 = tpu.memref_slice %arg3[%add3A_96] : memref<327680xi32, #tpu.memory_space<hbm>> -> memref<128xi32, #tpu.memory_space<hbm>>
        tpu.wait_dma2 semaphore(%run_scoped3A : memref<!tpu.dma_semaphore, #tpu.memory_space<semaphore_mem>>) src(%dma_wait3A_104 : memref<128xi32, #tpu.memory_space<hbm>>) dst(%arg7 : memref<128xi32, #tpu.memory_space<vmem>>)
        tpu.yield
      }) : () -> ()
      "tpu.region"() ({
        %run_scoped3A = tpu.sem_alloc : memref<!tpu.dma_semaphore, #tpu.memory_space<semaphore_mem>>
        %dma_start3A_101 = tpu.memref_slice %arg4[%add3A_96] : memref<327680xi32, #tpu.memory_space<hbm>> -> memref<128xi32, #tpu.memory_space<hbm>>
        %dma_start3A_102 = tpu.memref_slice %arg4[%add3A_96] : memref<327680xi32, #tpu.memory_space<hbm>> -> memref<128xi32, #tpu.memory_space<hbm>>
        tpu.enqueue_dma source(%dma_start3A_102 : memref<128xi32, #tpu.memory_space<hbm>>) target(%arg8 : memref<128xi32, #tpu.memory_space<vmem>>) target_semaphore(%run_scoped3A : memref<!tpu.dma_semaphore, #tpu.memory_space<semaphore_mem>>)
        %dma_wait3A_103 = tpu.memref_slice %arg4[%add3A_96] : memref<327680xi32, #tpu.memory_space<hbm>> -> memref<128xi32, #tpu.memory_space<hbm>>
        %dma_wait3A_104 = tpu.memref_slice %arg4[%add3A_96] : memref<327680xi32, #tpu.memory_space<hbm>> -> memref<128xi32, #tpu.memory_space<hbm>>
        tpu.wait_dma2 semaphore(%run_scoped3A : memref<!tpu.dma_semaphore, #tpu.memory_space<semaphore_mem>>) src(%dma_wait3A_104 : memref<128xi32, #tpu.memory_space<hbm>>) dst(%arg8 : memref<128xi32, #tpu.memory_space<vmem>>)
        tpu.yield
      }) : () -> ()
      %dma_start3A = arith.constant 0 : i32
      %dma_start3A_97 = arith.constant 0 : i32
      %dma_start3A_98 = tpu.memref_slice %arg2[%dma_start3A, %dma_start3A_97] : memref<10240x128xf32, #tpu.memory_space<hbm>> -> memref<10240x128xf32, #tpu.memory_space<hbm>>
      tpu.enqueue_indirect_dma source(%dma_start3A_98 : memref<10240x128xf32, #tpu.memory_space<hbm>>) target(%arg9 : memref<128x128xf32, #tpu.memory_space<vmem>>) offsets(%arg7 : memref<128xi32, #tpu.memory_space<vmem>>) semaphore(%arg10 : memref<!tpu.dma_semaphore, #tpu.memory_space<semaphore_mem>>)
      %dma_wait3A = arith.constant 0 : i32
      %dma_wait3A_99 = arith.constant 0 : i32
      %dma_wait3A_100 = tpu.memref_slice %arg2[%dma_wait3A, %dma_wait3A_99] : memref<10240x128xf32, #tpu.memory_space<hbm>> -> memref<10240x128xf32, #tpu.memory_space<hbm>>
      tpu.wait_indirect_dma semaphore(%arg10 : memref<!tpu.dma_semaphore, #tpu.memory_space<semaphore_mem>>) src(%dma_wait3A_100 : memref<10240x128xf32, #tpu.memory_space<hbm>>) dst(%arg9 : memref<128x128xf32, #tpu.memory_space<vmem>>)
      "tpu.region"() ({
        %run_scoped3A = tpu.sem_alloc : memref<!tpu.dma_semaphore, #tpu.memory_space<semaphore_mem>>
        %dma_start3A_101 = arith.constant 0 : i32
        %dma_start3A_102 = arith.constant 0 : i32
        %dma_start3A_103 = tpu.memref_slice %arg11[%dma_start3A_101, %dma_start3A_102] : memref<10240x128xf32, #tpu.memory_space<vmem_shared>> -> memref<10240x128xf32, #tpu.memory_space<vmem_shared>>
        tpu.enqueue_indirect_dma source(%arg9 : memref<128x128xf32, #tpu.memory_space<vmem>>) target(%dma_start3A_103 : memref<10240x128xf32, #tpu.memory_space<vmem_shared>>) offsets(%arg8 : memref<128xi32, #tpu.memory_space<vmem>>) semaphore(%run_scoped3A : memref<!tpu.dma_semaphore, #tpu.memory_space<semaphore_mem>>) {add = true}
        %dma_wait3A_104 = arith.constant 0 : i32
        %dma_wait3A_105 = arith.constant 0 : i32
        %dma_wait3A_106 = tpu.memref_slice %arg11[%dma_wait3A_104, %dma_wait3A_105] : memref<10240x128xf32, #tpu.memory_space<vmem_shared>> -> memref<10240x128xf32, #tpu.memory_space<vmem_shared>>
        tpu.wait_indirect_dma semaphore(%run_scoped3A : memref<!tpu.dma_semaphore, #tpu.memory_space<semaphore_mem>>) src(%arg9 : memref<128x128xf32, #tpu.memory_space<vmem>>) dst(%dma_wait3A_106 : memref<10240x128xf32, #tpu.memory_space<vmem_shared>>)
        tpu.yield
      }) : () -> ()
    }
    %scan3A_51 = arith.constant 80 : i32
    %barrier3A_52 = arith.constant 0 : index
    tpu.barrier barrier_id(%barrier3A_52)
    %mul3A_53 = arith.constant 640 : i32
    %mul3A_54 = arith.muli %arg1, %mul3A_53 : i32
    %add3A_55 = arith.constant 0 : i32
    %add3A_56 = arith.addi %mul3A_54, %add3A_55 : i32
    "tpu.region"() ({
      %run_scoped3A = tpu.sem_alloc : memref<!tpu.dma_semaphore, #tpu.memory_space<semaphore_mem>>
      %dma_start3A = arith.constant 0 : i32
      %dma_start3A_93 = tpu.memref_slice %arg11[%add3A_56, %dma_start3A] : memref<10240x128xf32, #tpu.memory_space<vmem_shared>> -> memref<64x128xf32, #tpu.memory_space<vmem_shared>>
      %dma_start3A_94 = arith.constant 0 : i32
      %dma_start3A_95 = tpu.memref_slice %arg11[%add3A_56, %dma_start3A_94] : memref<10240x128xf32, #tpu.memory_space<vmem_shared>> -> memref<64x128xf32, #tpu.memory_space<vmem_shared>>
      tpu.enqueue_dma source(%dma_start3A_95 : memref<64x128xf32, #tpu.memory_space<vmem_shared>>) target(%arg6 : memref<64x128xf32, #tpu.memory_space<vmem>>) target_semaphore(%run_scoped3A : memref<!tpu.dma_semaphore, #tpu.memory_space<semaphore_mem>>)
      %dma_wait3A = arith.constant 0 : i32
      %dma_wait3A_96 = tpu.memref_slice %arg11[%add3A_56, %dma_wait3A] : memref<10240x128xf32, #tpu.memory_space<vmem_shared>> -> memref<64x128xf32, #tpu.memory_space<vmem_shared>>
      %dma_wait3A_97 = arith.constant 0 : i32
      %dma_wait3A_98 = tpu.memref_slice %arg11[%add3A_56, %dma_wait3A_97] : memref<10240x128xf32, #tpu.memory_space<vmem_shared>> -> memref<64x128xf32, #tpu.memory_space<vmem_shared>>
      tpu.wait_dma2 semaphore(%run_scoped3A : memref<!tpu.dma_semaphore, #tpu.memory_space<semaphore_mem>>) src(%dma_wait3A_98 : memref<64x128xf32, #tpu.memory_space<vmem_shared>>) dst(%arg6 : memref<64x128xf32, #tpu.memory_space<vmem>>)
      tpu.yield
    }) : () -> ()
    "tpu.region"() ({
      %run_scoped3A = tpu.sem_alloc : memref<!tpu.dma_semaphore, #tpu.memory_space<semaphore_mem>>
      %dma_start3A = arith.constant 0 : i32
      %dma_start3A_93 = tpu.memref_slice %arg5[%arg0, %add3A_56, %dma_start3A] : memref<2x10240x128xf32, #tpu.memory_space<hbm>> -> memref<1x64x128xf32, #tpu.memory_space<hbm>>
      %dma_start3A_94 = tpu.memref_squeeze %dma_start3A_93 : memref<1x64x128xf32, #tpu.memory_space<hbm>> -> memref<64x128xf32, #tpu.memory_space<hbm>>
      %dma_start3A_95 = arith.constant 0 : i32
      %dma_start3A_96 = tpu.memref_slice %arg5[%arg0, %add3A_56, %dma_start3A_95] : memref<2x10240x128xf32, #tpu.memory_space<hbm>> -> memref<1x64x128xf32, #tpu.memory_space<hbm>>
      %dma_start3A_97 = tpu.memref_squeeze %dma_start3A_96 : memref<1x64x128xf32, #tpu.memory_space<hbm>> -> memref<64x128xf32, #tpu.memory_space<hbm>>
      tpu.enqueue_dma source(%arg6 : memref<64x128xf32, #tpu.memory_space<vmem>>) target(%dma_start3A_97 : memref<64x128xf32, #tpu.memory_space<hbm>>) target_semaphore(%run_scoped3A : memref<!tpu.dma_semaphore, #tpu.memory_space<semaphore_mem>>)
      %dma_wait3A = arith.constant 0 : i32
      %dma_wait3A_98 = tpu.memref_slice %arg5[%arg0, %add3A_56, %dma_wait3A] : memref<2x10240x128xf32, #tpu.memory_space<hbm>> -> memref<1x64x128xf32, #tpu.memory_space<hbm>>
      %dma_wait3A_99 = tpu.memref_squeeze %dma_wait3A_98 : memref<1x64x128xf32, #tpu.memory_space<hbm>> -> memref<64x128xf32, #tpu.memory_space<hbm>>
      %dma_wait3A_100 = arith.constant 0 : i32
      %dma_wait3A_101 = tpu.memref_slice %arg5[%arg0, %add3A_56, %dma_wait3A_100] : memref<2x10240x128xf32, #tpu.memory_space<hbm>> -> memref<1x64x128xf32, #tpu.memory_space<hbm>>
      %dma_wait3A_102 = tpu.memref_squeeze %dma_wait3A_101 : memref<1x64x128xf32, #tpu.memory_space<hbm>> -> memref<64x128xf32, #tpu.memory_space<hbm>>
      tpu.wait_dma2 semaphore(%run_scoped3A : memref<!tpu.dma_semaphore, #tpu.memory_space<semaphore_mem>>) src(%arg6 : memref<64x128xf32, #tpu.memory_space<vmem>>) dst(%dma_wait3A_102 : memref<64x128xf32, #tpu.memory_space<hbm>>)
      tpu.yield
    }) : () -> ()
    %mul3A_57 = arith.constant 640 : i32
    %mul3A_58 = arith.muli %arg1, %mul3A_57 : i32
    %add3A_59 = arith.constant 64 : i32
    %add3A_60 = arith.addi %mul3A_58, %add3A_59 : i32
    "tpu.region"() ({
      %run_scoped3A = tpu.sem_alloc : memref<!tpu.dma_semaphore, #tpu.memory_space<semaphore_mem>>
      %dma_start3A = arith.constant 0 : i32
      %dma_start3A_93 = tpu.memref_slice %arg11[%add3A_60, %dma_start3A] : memref<10240x128xf32, #tpu.memory_space<vmem_shared>> -> memref<64x128xf32, #tpu.memory_space<vmem_shared>>
      %dma_start3A_94 = arith.constant 0 : i32
      %dma_start3A_95 = tpu.memref_slice %arg11[%add3A_60, %dma_start3A_94] : memref<10240x128xf32, #tpu.memory_space<vmem_shared>> -> memref<64x128xf32, #tpu.memory_space<vmem_shared>>
      tpu.enqueue_dma source(%dma_start3A_95 : memref<64x128xf32, #tpu.memory_space<vmem_shared>>) target(%arg6 : memref<64x128xf32, #tpu.memory_space<vmem>>) target_semaphore(%run_scoped3A : memref<!tpu.dma_semaphore, #tpu.memory_space<semaphore_mem>>)
      %dma_wait3A = arith.constant 0 : i32
      %dma_wait3A_96 = tpu.memref_slice %arg11[%add3A_60, %dma_wait3A] : memref<10240x128xf32, #tpu.memory_space<vmem_shared>> -> memref<64x128xf32, #tpu.memory_space<vmem_shared>>
      %dma_wait3A_97 = arith.constant 0 : i32
      %dma_wait3A_98 = tpu.memref_slice %arg11[%add3A_60, %dma_wait3A_97] : memref<10240x128xf32, #tpu.memory_space<vmem_shared>> -> memref<64x128xf32, #tpu.memory_space<vmem_shared>>
      tpu.wait_dma2 semaphore(%run_scoped3A : memref<!tpu.dma_semaphore, #tpu.memory_space<semaphore_mem>>) src(%dma_wait3A_98 : memref<64x128xf32, #tpu.memory_space<vmem_shared>>) dst(%arg6 : memref<64x128xf32, #tpu.memory_space<vmem>>)
      tpu.yield
    }) : () -> ()
    "tpu.region"() ({
      %run_scoped3A = tpu.sem_alloc : memref<!tpu.dma_semaphore, #tpu.memory_space<semaphore_mem>>
      %dma_start3A = arith.constant 0 : i32
      %dma_start3A_93 = tpu.memref_slice %arg5[%arg0, %add3A_60, %dma_start3A] : memref<2x10240x128xf32, #tpu.memory_space<hbm>> -> memref<1x64x128xf32, #tpu.memory_space<hbm>>
      %dma_start3A_94 = tpu.memref_squeeze %dma_start3A_93 : memref<1x64x128xf32, #tpu.memory_space<hbm>> -> memref<64x128xf32, #tpu.memory_space<hbm>>
      %dma_start3A_95 = arith.constant 0 : i32
      %dma_start3A_96 = tpu.memref_slice %arg5[%arg0, %add3A_60, %dma_start3A_95] : memref<2x10240x128xf32, #tpu.memory_space<hbm>> -> memref<1x64x128xf32, #tpu.memory_space<hbm>>
      %dma_start3A_97 = tpu.memref_squeeze %dma_start3A_96 : memref<1x64x128xf32, #tpu.memory_space<hbm>> -> memref<64x128xf32, #tpu.memory_space<hbm>>
      tpu.enqueue_dma source(%arg6 : memref<64x128xf32, #tpu.memory_space<vmem>>) target(%dma_start3A_97 : memref<64x128xf32, #tpu.memory_space<hbm>>) target_semaphore(%run_scoped3A : memref<!tpu.dma_semaphore, #tpu.memory_space<semaphore_mem>>)
      %dma_wait3A = arith.constant 0 : i32
      %dma_wait3A_98 = tpu.memref_slice %arg5[%arg0, %add3A_60, %dma_wait3A] : memref<2x10240x128xf32, #tpu.memory_space<hbm>> -> memref<1x64x128xf32, #tpu.memory_space<hbm>>
      %dma_wait3A_99 = tpu.memref_squeeze %dma_wait3A_98 : memref<1x64x128xf32, #tpu.memory_space<hbm>> -> memref<64x128xf32, #tpu.memory_space<hbm>>
      %dma_wait3A_100 = arith.constant 0 : i32
      %dma_wait3A_101 = tpu.memref_slice %arg5[%arg0, %add3A_60, %dma_wait3A_100] : memref<2x10240x128xf32, #tpu.memory_space<hbm>> -> memref<1x64x128xf32, #tpu.memory_space<hbm>>
      %dma_wait3A_102 = tpu.memref_squeeze %dma_wait3A_101 : memref<1x64x128xf32, #tpu.memory_space<hbm>> -> memref<64x128xf32, #tpu.memory_space<hbm>>
      tpu.wait_dma2 semaphore(%run_scoped3A : memref<!tpu.dma_semaphore, #tpu.memory_space<semaphore_mem>>) src(%arg6 : memref<64x128xf32, #tpu.memory_space<vmem>>) dst(%dma_wait3A_102 : memref<64x128xf32, #tpu.memory_space<hbm>>)
      tpu.yield
    }) : () -> ()
    %mul3A_61 = arith.constant 640 : i32
    %mul3A_62 = arith.muli %arg1, %mul3A_61 : i32
    %add3A_63 = arith.constant 128 : i32
    %add3A_64 = arith.addi %mul3A_62, %add3A_63 : i32
    "tpu.region"() ({
      %run_scoped3A = tpu.sem_alloc : memref<!tpu.dma_semaphore, #tpu.memory_space<semaphore_mem>>
      %dma_start3A = arith.constant 0 : i32
      %dma_start3A_93 = tpu.memref_slice %arg11[%add3A_64, %dma_start3A] : memref<10240x128xf32, #tpu.memory_space<vmem_shared>> -> memref<64x128xf32, #tpu.memory_space<vmem_shared>>
      %dma_start3A_94 = arith.constant 0 : i32
      %dma_start3A_95 = tpu.memref_slice %arg11[%add3A_64, %dma_start3A_94] : memref<10240x128xf32, #tpu.memory_space<vmem_shared>> -> memref<64x128xf32, #tpu.memory_space<vmem_shared>>
      tpu.enqueue_dma source(%dma_start3A_95 : memref<64x128xf32, #tpu.memory_space<vmem_shared>>) target(%arg6 : memref<64x128xf32, #tpu.memory_space<vmem>>) target_semaphore(%run_scoped3A : memref<!tpu.dma_semaphore, #tpu.memory_space<semaphore_mem>>)
      %dma_wait3A = arith.constant 0 : i32
      %dma_wait3A_96 = tpu.memref_slice %arg11[%add3A_64, %dma_wait3A] : memref<10240x128xf32, #tpu.memory_space<vmem_shared>> -> memref<64x128xf32, #tpu.memory_space<vmem_shared>>
      %dma_wait3A_97 = arith.constant 0 : i32
      %dma_wait3A_98 = tpu.memref_slice %arg11[%add3A_64, %dma_wait3A_97] : memref<10240x128xf32, #tpu.memory_space<vmem_shared>> -> memref<64x128xf32, #tpu.memory_space<vmem_shared>>
      tpu.wait_dma2 semaphore(%run_scoped3A : memref<!tpu.dma_semaphore, #tpu.memory_space<semaphore_mem>>) src(%dma_wait3A_98 : memref<64x128xf32, #tpu.memory_space<vmem_shared>>) dst(%arg6 : memref<64x128xf32, #tpu.memory_space<vmem>>)
      tpu.yield
    }) : () -> ()
    "tpu.region"() ({
      %run_scoped3A = tpu.sem_alloc : memref<!tpu.dma_semaphore, #tpu.memory_space<semaphore_mem>>
      %dma_start3A = arith.constant 0 : i32
      %dma_start3A_93 = tpu.memref_slice %arg5[%arg0, %add3A_64, %dma_start3A] : memref<2x10240x128xf32, #tpu.memory_space<hbm>> -> memref<1x64x128xf32, #tpu.memory_space<hbm>>
      %dma_start3A_94 = tpu.memref_squeeze %dma_start3A_93 : memref<1x64x128xf32, #tpu.memory_space<hbm>> -> memref<64x128xf32, #tpu.memory_space<hbm>>
      %dma_start3A_95 = arith.constant 0 : i32
      %dma_start3A_96 = tpu.memref_slice %arg5[%arg0, %add3A_64, %dma_start3A_95] : memref<2x10240x128xf32, #tpu.memory_space<hbm>> -> memref<1x64x128xf32, #tpu.memory_space<hbm>>
      %dma_start3A_97 = tpu.memref_squeeze %dma_start3A_96 : memref<1x64x128xf32, #tpu.memory_space<hbm>> -> memref<64x128xf32, #tpu.memory_space<hbm>>
      tpu.enqueue_dma source(%arg6 : memref<64x128xf32, #tpu.memory_space<vmem>>) target(%dma_start3A_97 : memref<64x128xf32, #tpu.memory_space<hbm>>) target_semaphore(%run_scoped3A : memref<!tpu.dma_semaphore, #tpu.memory_space<semaphore_mem>>)
      %dma_wait3A = arith.constant 0 : i32
      %dma_wait3A_98 = tpu.memref_slice %arg5[%arg0, %add3A_64, %dma_wait3A] : memref<2x10240x128xf32, #tpu.memory_space<hbm>> -> memref<1x64x128xf32, #tpu.memory_space<hbm>>
      %dma_wait3A_99 = tpu.memref_squeeze %dma_wait3A_98 : memref<1x64x128xf32, #tpu.memory_space<hbm>> -> memref<64x128xf32, #tpu.memory_space<hbm>>
      %dma_wait3A_100 = arith.constant 0 : i32
      %dma_wait3A_101 = tpu.memref_slice %arg5[%arg0, %add3A_64, %dma_wait3A_100] : memref<2x10240x128xf32, #tpu.memory_space<hbm>> -> memref<1x64x128xf32, #tpu.memory_space<hbm>>
      %dma_wait3A_102 = tpu.memref_squeeze %dma_wait3A_101 : memref<1x64x128xf32, #tpu.memory_space<hbm>> -> memref<64x128xf32, #tpu.memory_space<hbm>>
      tpu.wait_dma2 semaphore(%run_scoped3A : memref<!tpu.dma_semaphore, #tpu.memory_space<semaphore_mem>>) src(%arg6 : memref<64x128xf32, #tpu.memory_space<vmem>>) dst(%dma_wait3A_102 : memref<64x128xf32, #tpu.memory_space<hbm>>)
      tpu.yield
    }) : () -> ()
    %mul3A_65 = arith.constant 640 : i32
    %mul3A_66 = arith.muli %arg1, %mul3A_65 : i32
    %add3A_67 = arith.constant 192 : i32
    %add3A_68 = arith.addi %mul3A_66, %add3A_67 : i32
    "tpu.region"() ({
      %run_scoped3A = tpu.sem_alloc : memref<!tpu.dma_semaphore, #tpu.memory_space<semaphore_mem>>
      %dma_start3A = arith.constant 0 : i32
      %dma_start3A_93 = tpu.memref_slice %arg11[%add3A_68, %dma_start3A] : memref<10240x128xf32, #tpu.memory_space<vmem_shared>> -> memref<64x128xf32, #tpu.memory_space<vmem_shared>>
      %dma_start3A_94 = arith.constant 0 : i32
      %dma_start3A_95 = tpu.memref_slice %arg11[%add3A_68, %dma_start3A_94] : memref<10240x128xf32, #tpu.memory_space<vmem_shared>> -> memref<64x128xf32, #tpu.memory_space<vmem_shared>>
      tpu.enqueue_dma source(%dma_start3A_95 : memref<64x128xf32, #tpu.memory_space<vmem_shared>>) target(%arg6 : memref<64x128xf32, #tpu.memory_space<vmem>>) target_semaphore(%run_scoped3A : memref<!tpu.dma_semaphore, #tpu.memory_space<semaphore_mem>>)
      %dma_wait3A = arith.constant 0 : i32
      %dma_wait3A_96 = tpu.memref_slice %arg11[%add3A_68, %dma_wait3A] : memref<10240x128xf32, #tpu.memory_space<vmem_shared>> -> memref<64x128xf32, #tpu.memory_space<vmem_shared>>
      %dma_wait3A_97 = arith.constant 0 : i32
      %dma_wait3A_98 = tpu.memref_slice %arg11[%add3A_68, %dma_wait3A_97] : memref<10240x128xf32, #tpu.memory_space<vmem_shared>> -> memref<64x128xf32, #tpu.memory_space<vmem_shared>>
      tpu.wait_dma2 semaphore(%run_scoped3A : memref<!tpu.dma_semaphore, #tpu.memory_space<semaphore_mem>>) src(%dma_wait3A_98 : memref<64x128xf32, #tpu.memory_space<vmem_shared>>) dst(%arg6 : memref<64x128xf32, #tpu.memory_space<vmem>>)
      tpu.yield
    }) : () -> ()
    "tpu.region"() ({
      %run_scoped3A = tpu.sem_alloc : memref<!tpu.dma_semaphore, #tpu.memory_space<semaphore_mem>>
      %dma_start3A = arith.constant 0 : i32
      %dma_start3A_93 = tpu.memref_slice %arg5[%arg0, %add3A_68, %dma_start3A] : memref<2x10240x128xf32, #tpu.memory_space<hbm>> -> memref<1x64x128xf32, #tpu.memory_space<hbm>>
      %dma_start3A_94 = tpu.memref_squeeze %dma_start3A_93 : memref<1x64x128xf32, #tpu.memory_space<hbm>> -> memref<64x128xf32, #tpu.memory_space<hbm>>
      %dma_start3A_95 = arith.constant 0 : i32
      %dma_start3A_96 = tpu.memref_slice %arg5[%arg0, %add3A_68, %dma_start3A_95] : memref<2x10240x128xf32, #tpu.memory_space<hbm>> -> memref<1x64x128xf32, #tpu.memory_space<hbm>>
      %dma_start3A_97 = tpu.memref_squeeze %dma_start3A_96 : memref<1x64x128xf32, #tpu.memory_space<hbm>> -> memref<64x128xf32, #tpu.memory_space<hbm>>
      tpu.enqueue_dma source(%arg6 : memref<64x128xf32, #tpu.memory_space<vmem>>) target(%dma_start3A_97 : memref<64x128xf32, #tpu.memory_space<hbm>>) target_semaphore(%run_scoped3A : memref<!tpu.dma_semaphore, #tpu.memory_space<semaphore_mem>>)
      %dma_wait3A = arith.constant 0 : i32
      %dma_wait3A_98 = tpu.memref_slice %arg5[%arg0, %add3A_68, %dma_wait3A] : memref<2x10240x128xf32, #tpu.memory_space<hbm>> -> memref<1x64x128xf32, #tpu.memory_space<hbm>>
      %dma_wait3A_99 = tpu.memref_squeeze %dma_wait3A_98 : memref<1x64x128xf32, #tpu.memory_space<hbm>> -> memref<64x128xf32, #tpu.memory_space<hbm>>
      %dma_wait3A_100 = arith.constant 0 : i32
      %dma_wait3A_101 = tpu.memref_slice %arg5[%arg0, %add3A_68, %dma_wait3A_100] : memref<2x10240x128xf32, #tpu.memory_space<hbm>> -> memref<1x64x128xf32, #tpu.memory_space<hbm>>
      %dma_wait3A_102 = tpu.memref_squeeze %dma_wait3A_101 : memref<1x64x128xf32, #tpu.memory_space<hbm>> -> memref<64x128xf32, #tpu.memory_space<hbm>>
      tpu.wait_dma2 semaphore(%run_scoped3A : memref<!tpu.dma_semaphore, #tpu.memory_space<semaphore_mem>>) src(%arg6 : memref<64x128xf32, #tpu.memory_space<vmem>>) dst(%dma_wait3A_102 : memref<64x128xf32, #tpu.memory_space<hbm>>)
      tpu.yield
    }) : () -> ()
    %mul3A_69 = arith.constant 640 : i32
    %mul3A_70 = arith.muli %arg1, %mul3A_69 : i32
    %add3A_71 = arith.constant 256 : i32
    %add3A_72 = arith.addi %mul3A_70, %add3A_71 : i32
    "tpu.region"() ({
      %run_scoped3A = tpu.sem_alloc : memref<!tpu.dma_semaphore, #tpu.memory_space<semaphore_mem>>
      %dma_start3A = arith.constant 0 : i32
      %dma_start3A_93 = tpu.memref_slice %arg11[%add3A_72, %dma_start3A] : memref<10240x128xf32, #tpu.memory_space<vmem_shared>> -> memref<64x128xf32, #tpu.memory_space<vmem_shared>>
      %dma_start3A_94 = arith.constant 0 : i32
      %dma_start3A_95 = tpu.memref_slice %arg11[%add3A_72, %dma_start3A_94] : memref<10240x128xf32, #tpu.memory_space<vmem_shared>> -> memref<64x128xf32, #tpu.memory_space<vmem_shared>>
      tpu.enqueue_dma source(%dma_start3A_95 : memref<64x128xf32, #tpu.memory_space<vmem_shared>>) target(%arg6 : memref<64x128xf32, #tpu.memory_space<vmem>>) target_semaphore(%run_scoped3A : memref<!tpu.dma_semaphore, #tpu.memory_space<semaphore_mem>>)
      %dma_wait3A = arith.constant 0 : i32
      %dma_wait3A_96 = tpu.memref_slice %arg11[%add3A_72, %dma_wait3A] : memref<10240x128xf32, #tpu.memory_space<vmem_shared>> -> memref<64x128xf32, #tpu.memory_space<vmem_shared>>
      %dma_wait3A_97 = arith.constant 0 : i32
      %dma_wait3A_98 = tpu.memref_slice %arg11[%add3A_72, %dma_wait3A_97] : memref<10240x128xf32, #tpu.memory_space<vmem_shared>> -> memref<64x128xf32, #tpu.memory_space<vmem_shared>>
      tpu.wait_dma2 semaphore(%run_scoped3A : memref<!tpu.dma_semaphore, #tpu.memory_space<semaphore_mem>>) src(%dma_wait3A_98 : memref<64x128xf32, #tpu.memory_space<vmem_shared>>) dst(%arg6 : memref<64x128xf32, #tpu.memory_space<vmem>>)
      tpu.yield
    }) : () -> ()
    "tpu.region"() ({
      %run_scoped3A = tpu.sem_alloc : memref<!tpu.dma_semaphore, #tpu.memory_space<semaphore_mem>>
      %dma_start3A = arith.constant 0 : i32
      %dma_start3A_93 = tpu.memref_slice %arg5[%arg0, %add3A_72, %dma_start3A] : memref<2x10240x128xf32, #tpu.memory_space<hbm>> -> memref<1x64x128xf32, #tpu.memory_space<hbm>>
      %dma_start3A_94 = tpu.memref_squeeze %dma_start3A_93 : memref<1x64x128xf32, #tpu.memory_space<hbm>> -> memref<64x128xf32, #tpu.memory_space<hbm>>
      %dma_start3A_95 = arith.constant 0 : i32
      %dma_start3A_96 = tpu.memref_slice %arg5[%arg0, %add3A_72, %dma_start3A_95] : memref<2x10240x128xf32, #tpu.memory_space<hbm>> -> memref<1x64x128xf32, #tpu.memory_space<hbm>>
      %dma_start3A_97 = tpu.memref_squeeze %dma_start3A_96 : memref<1x64x128xf32, #tpu.memory_space<hbm>> -> memref<64x128xf32, #tpu.memory_space<hbm>>
      tpu.enqueue_dma source(%arg6 : memref<64x128xf32, #tpu.memory_space<vmem>>) target(%dma_start3A_97 : memref<64x128xf32, #tpu.memory_space<hbm>>) target_semaphore(%run_scoped3A : memref<!tpu.dma_semaphore, #tpu.memory_space<semaphore_mem>>)
      %dma_wait3A = arith.constant 0 : i32
      %dma_wait3A_98 = tpu.memref_slice %arg5[%arg0, %add3A_72, %dma_wait3A] : memref<2x10240x128xf32, #tpu.memory_space<hbm>> -> memref<1x64x128xf32, #tpu.memory_space<hbm>>
      %dma_wait3A_99 = tpu.memref_squeeze %dma_wait3A_98 : memref<1x64x128xf32, #tpu.memory_space<hbm>> -> memref<64x128xf32, #tpu.memory_space<hbm>>
      %dma_wait3A_100 = arith.constant 0 : i32
      %dma_wait3A_101 = tpu.memref_slice %arg5[%arg0, %add3A_72, %dma_wait3A_100] : memref<2x10240x128xf32, #tpu.memory_space<hbm>> -> memref<1x64x128xf32, #tpu.memory_space<hbm>>
      %dma_wait3A_102 = tpu.memref_squeeze %dma_wait3A_101 : memref<1x64x128xf32, #tpu.memory_space<hbm>> -> memref<64x128xf32, #tpu.memory_space<hbm>>
      tpu.wait_dma2 semaphore(%run_scoped3A : memref<!tpu.dma_semaphore, #tpu.memory_space<semaphore_mem>>) src(%arg6 : memref<64x128xf32, #tpu.memory_space<vmem>>) dst(%dma_wait3A_102 : memref<64x128xf32, #tpu.memory_space<hbm>>)
      tpu.yield
    }) : () -> ()
    %mul3A_73 = arith.constant 640 : i32
    %mul3A_74 = arith.muli %arg1, %mul3A_73 : i32
    %add3A_75 = arith.constant 320 : i32
    %add3A_76 = arith.addi %mul3A_74, %add3A_75 : i32
    "tpu.region"() ({
      %run_scoped3A = tpu.sem_alloc : memref<!tpu.dma_semaphore, #tpu.memory_space<semaphore_mem>>
      %dma_start3A = arith.constant 0 : i32
      %dma_start3A_93 = tpu.memref_slice %arg11[%add3A_76, %dma_start3A] : memref<10240x128xf32, #tpu.memory_space<vmem_shared>> -> memref<64x128xf32, #tpu.memory_space<vmem_shared>>
      %dma_start3A_94 = arith.constant 0 : i32
      %dma_start3A_95 = tpu.memref_slice %arg11[%add3A_76, %dma_start3A_94] : memref<10240x128xf32, #tpu.memory_space<vmem_shared>> -> memref<64x128xf32, #tpu.memory_space<vmem_shared>>
      tpu.enqueue_dma source(%dma_start3A_95 : memref<64x128xf32, #tpu.memory_space<vmem_shared>>) target(%arg6 : memref<64x128xf32, #tpu.memory_space<vmem>>) target_semaphore(%run_scoped3A : memref<!tpu.dma_semaphore, #tpu.memory_space<semaphore_mem>>)
      %dma_wait3A = arith.constant 0 : i32
      %dma_wait3A_96 = tpu.memref_slice %arg11[%add3A_76, %dma_wait3A] : memref<10240x128xf32, #tpu.memory_space<vmem_shared>> -> memref<64x128xf32, #tpu.memory_space<vmem_shared>>
      %dma_wait3A_97 = arith.constant 0 : i32
      %dma_wait3A_98 = tpu.memref_slice %arg11[%add3A_76, %dma_wait3A_97] : memref<10240x128xf32, #tpu.memory_space<vmem_shared>> -> memref<64x128xf32, #tpu.memory_space<vmem_shared>>
      tpu.wait_dma2 semaphore(%run_scoped3A : memref<!tpu.dma_semaphore, #tpu.memory_space<semaphore_mem>>) src(%dma_wait3A_98 : memref<64x128xf32, #tpu.memory_space<vmem_shared>>) dst(%arg6 : memref<64x128xf32, #tpu.memory_space<vmem>>)
      tpu.yield
    }) : () -> ()
    "tpu.region"() ({
      %run_scoped3A = tpu.sem_alloc : memref<!tpu.dma_semaphore, #tpu.memory_space<semaphore_mem>>
      %dma_start3A = arith.constant 0 : i32
      %dma_start3A_93 = tpu.memref_slice %arg5[%arg0, %add3A_76, %dma_start3A] : memref<2x10240x128xf32, #tpu.memory_space<hbm>> -> memref<1x64x128xf32, #tpu.memory_space<hbm>>
      %dma_start3A_94 = tpu.memref_squeeze %dma_start3A_93 : memref<1x64x128xf32, #tpu.memory_space<hbm>> -> memref<64x128xf32, #tpu.memory_space<hbm>>
      %dma_start3A_95 = arith.constant 0 : i32
      %dma_start3A_96 = tpu.memref_slice %arg5[%arg0, %add3A_76, %dma_start3A_95] : memref<2x10240x128xf32, #tpu.memory_space<hbm>> -> memref<1x64x128xf32, #tpu.memory_space<hbm>>
      %dma_start3A_97 = tpu.memref_squeeze %dma_start3A_96 : memref<1x64x128xf32, #tpu.memory_space<hbm>> -> memref<64x128xf32, #tpu.memory_space<hbm>>
      tpu.enqueue_dma source(%arg6 : memref<64x128xf32, #tpu.memory_space<vmem>>) target(%dma_start3A_97 : memref<64x128xf32, #tpu.memory_space<hbm>>) target_semaphore(%run_scoped3A : memref<!tpu.dma_semaphore, #tpu.memory_space<semaphore_mem>>)
      %dma_wait3A = arith.constant 0 : i32
      %dma_wait3A_98 = tpu.memref_slice %arg5[%arg0, %add3A_76, %dma_wait3A] : memref<2x10240x128xf32, #tpu.memory_space<hbm>> -> memref<1x64x128xf32, #tpu.memory_space<hbm>>
      %dma_wait3A_99 = tpu.memref_squeeze %dma_wait3A_98 : memref<1x64x128xf32, #tpu.memory_space<hbm>> -> memref<64x128xf32, #tpu.memory_space<hbm>>
      %dma_wait3A_100 = arith.constant 0 : i32
      %dma_wait3A_101 = tpu.memref_slice %arg5[%arg0, %add3A_76, %dma_wait3A_100] : memref<2x10240x128xf32, #tpu.memory_space<hbm>> -> memref<1x64x128xf32, #tpu.memory_space<hbm>>
      %dma_wait3A_102 = tpu.memref_squeeze %dma_wait3A_101 : memref<1x64x128xf32, #tpu.memory_space<hbm>> -> memref<64x128xf32, #tpu.memory_space<hbm>>
      tpu.wait_dma2 semaphore(%run_scoped3A : memref<!tpu.dma_semaphore, #tpu.memory_space<semaphore_mem>>) src(%arg6 : memref<64x128xf32, #tpu.memory_space<vmem>>) dst(%dma_wait3A_102 : memref<64x128xf32, #tpu.memory_space<hbm>>)
      tpu.yield
    }) : () -> ()
    %mul3A_77 = arith.constant 640 : i32
    %mul3A_78 = arith.muli %arg1, %mul3A_77 : i32
    %add3A_79 = arith.constant 384 : i32
    %add3A_80 = arith.addi %mul3A_78, %add3A_79 : i32
    "tpu.region"() ({
      %run_scoped3A = tpu.sem_alloc : memref<!tpu.dma_semaphore, #tpu.memory_space<semaphore_mem>>
      %dma_start3A = arith.constant 0 : i32
      %dma_start3A_93 = tpu.memref_slice %arg11[%add3A_80, %dma_start3A] : memref<10240x128xf32, #tpu.memory_space<vmem_shared>> -> memref<64x128xf32, #tpu.memory_space<vmem_shared>>
      %dma_start3A_94 = arith.constant 0 : i32
      %dma_start3A_95 = tpu.memref_slice %arg11[%add3A_80, %dma_start3A_94] : memref<10240x128xf32, #tpu.memory_space<vmem_shared>> -> memref<64x128xf32, #tpu.memory_space<vmem_shared>>
      tpu.enqueue_dma source(%dma_start3A_95 : memref<64x128xf32, #tpu.memory_space<vmem_shared>>) target(%arg6 : memref<64x128xf32, #tpu.memory_space<vmem>>) target_semaphore(%run_scoped3A : memref<!tpu.dma_semaphore, #tpu.memory_space<semaphore_mem>>)
      %dma_wait3A = arith.constant 0 : i32
      %dma_wait3A_96 = tpu.memref_slice %arg11[%add3A_80, %dma_wait3A] : memref<10240x128xf32, #tpu.memory_space<vmem_shared>> -> memref<64x128xf32, #tpu.memory_space<vmem_shared>>
      %dma_wait3A_97 = arith.constant 0 : i32
      %dma_wait3A_98 = tpu.memref_slice %arg11[%add3A_80, %dma_wait3A_97] : memref<10240x128xf32, #tpu.memory_space<vmem_shared>> -> memref<64x128xf32, #tpu.memory_space<vmem_shared>>
      tpu.wait_dma2 semaphore(%run_scoped3A : memref<!tpu.dma_semaphore, #tpu.memory_space<semaphore_mem>>) src(%dma_wait3A_98 : memref<64x128xf32, #tpu.memory_space<vmem_shared>>) dst(%arg6 : memref<64x128xf32, #tpu.memory_space<vmem>>)
      tpu.yield
    }) : () -> ()
    "tpu.region"() ({
      %run_scoped3A = tpu.sem_alloc : memref<!tpu.dma_semaphore, #tpu.memory_space<semaphore_mem>>
      %dma_start3A = arith.constant 0 : i32
      %dma_start3A_93 = tpu.memref_slice %arg5[%arg0, %add3A_80, %dma_start3A] : memref<2x10240x128xf32, #tpu.memory_space<hbm>> -> memref<1x64x128xf32, #tpu.memory_space<hbm>>
      %dma_start3A_94 = tpu.memref_squeeze %dma_start3A_93 : memref<1x64x128xf32, #tpu.memory_space<hbm>> -> memref<64x128xf32, #tpu.memory_space<hbm>>
      %dma_start3A_95 = arith.constant 0 : i32
      %dma_start3A_96 = tpu.memref_slice %arg5[%arg0, %add3A_80, %dma_start3A_95] : memref<2x10240x128xf32, #tpu.memory_space<hbm>> -> memref<1x64x128xf32, #tpu.memory_space<hbm>>
      %dma_start3A_97 = tpu.memref_squeeze %dma_start3A_96 : memref<1x64x128xf32, #tpu.memory_space<hbm>> -> memref<64x128xf32, #tpu.memory_space<hbm>>
      tpu.enqueue_dma source(%arg6 : memref<64x128xf32, #tpu.memory_space<vmem>>) target(%dma_start3A_97 : memref<64x128xf32, #tpu.memory_space<hbm>>) target_semaphore(%run_scoped3A : memref<!tpu.dma_semaphore, #tpu.memory_space<semaphore_mem>>)
      %dma_wait3A = arith.constant 0 : i32
      %dma_wait3A_98 = tpu.memref_slice %arg5[%arg0, %add3A_80, %dma_wait3A] : memref<2x10240x128xf32, #tpu.memory_space<hbm>> -> memref<1x64x128xf32, #tpu.memory_space<hbm>>
      %dma_wait3A_99 = tpu.memref_squeeze %dma_wait3A_98 : memref<1x64x128xf32, #tpu.memory_space<hbm>> -> memref<64x128xf32, #tpu.memory_space<hbm>>
      %dma_wait3A_100 = arith.constant 0 : i32
      %dma_wait3A_101 = tpu.memref_slice %arg5[%arg0, %add3A_80, %dma_wait3A_100] : memref<2x10240x128xf32, #tpu.memory_space<hbm>> -> memref<1x64x128xf32, #tpu.memory_space<hbm>>
      %dma_wait3A_102 = tpu.memref_squeeze %dma_wait3A_101 : memref<1x64x128xf32, #tpu.memory_space<hbm>> -> memref<64x128xf32, #tpu.memory_space<hbm>>
      tpu.wait_dma2 semaphore(%run_scoped3A : memref<!tpu.dma_semaphore, #tpu.memory_space<semaphore_mem>>) src(%arg6 : memref<64x128xf32, #tpu.memory_space<vmem>>) dst(%dma_wait3A_102 : memref<64x128xf32, #tpu.memory_space<hbm>>)
      tpu.yield
    }) : () -> ()
    %mul3A_81 = arith.constant 640 : i32
    %mul3A_82 = arith.muli %arg1, %mul3A_81 : i32
    %add3A_83 = arith.constant 448 : i32
    %add3A_84 = arith.addi %mul3A_82, %add3A_83 : i32
    "tpu.region"() ({
      %run_scoped3A = tpu.sem_alloc : memref<!tpu.dma_semaphore, #tpu.memory_space<semaphore_mem>>
      %dma_start3A = arith.constant 0 : i32
      %dma_start3A_93 = tpu.memref_slice %arg11[%add3A_84, %dma_start3A] : memref<10240x128xf32, #tpu.memory_space<vmem_shared>> -> memref<64x128xf32, #tpu.memory_space<vmem_shared>>
      %dma_start3A_94 = arith.constant 0 : i32
      %dma_start3A_95 = tpu.memref_slice %arg11[%add3A_84, %dma_start3A_94] : memref<10240x128xf32, #tpu.memory_space<vmem_shared>> -> memref<64x128xf32, #tpu.memory_space<vmem_shared>>
      tpu.enqueue_dma source(%dma_start3A_95 : memref<64x128xf32, #tpu.memory_space<vmem_shared>>) target(%arg6 : memref<64x128xf32, #tpu.memory_space<vmem>>) target_semaphore(%run_scoped3A : memref<!tpu.dma_semaphore, #tpu.memory_space<semaphore_mem>>)
      %dma_wait3A = arith.constant 0 : i32
      %dma_wait3A_96 = tpu.memref_slice %arg11[%add3A_84, %dma_wait3A] : memref<10240x128xf32, #tpu.memory_space<vmem_shared>> -> memref<64x128xf32, #tpu.memory_space<vmem_shared>>
      %dma_wait3A_97 = arith.constant 0 : i32
      %dma_wait3A_98 = tpu.memref_slice %arg11[%add3A_84, %dma_wait3A_97] : memref<10240x128xf32, #tpu.memory_space<vmem_shared>> -> memref<64x128xf32, #tpu.memory_space<vmem_shared>>
      tpu.wait_dma2 semaphore(%run_scoped3A : memref<!tpu.dma_semaphore, #tpu.memory_space<semaphore_mem>>) src(%dma_wait3A_98 : memref<64x128xf32, #tpu.memory_space<vmem_shared>>) dst(%arg6 : memref<64x128xf32, #tpu.memory_space<vmem>>)
      tpu.yield
    }) : () -> ()
    "tpu.region"() ({
      %run_scoped3A = tpu.sem_alloc : memref<!tpu.dma_semaphore, #tpu.memory_space<semaphore_mem>>
      %dma_start3A = arith.constant 0 : i32
      %dma_start3A_93 = tpu.memref_slice %arg5[%arg0, %add3A_84, %dma_start3A] : memref<2x10240x128xf32, #tpu.memory_space<hbm>> -> memref<1x64x128xf32, #tpu.memory_space<hbm>>
      %dma_start3A_94 = tpu.memref_squeeze %dma_start3A_93 : memref<1x64x128xf32, #tpu.memory_space<hbm>> -> memref<64x128xf32, #tpu.memory_space<hbm>>
      %dma_start3A_95 = arith.constant 0 : i32
      %dma_start3A_96 = tpu.memref_slice %arg5[%arg0, %add3A_84, %dma_start3A_95] : memref<2x10240x128xf32, #tpu.memory_space<hbm>> -> memref<1x64x128xf32, #tpu.memory_space<hbm>>
      %dma_start3A_97 = tpu.memref_squeeze %dma_start3A_96 : memref<1x64x128xf32, #tpu.memory_space<hbm>> -> memref<64x128xf32, #tpu.memory_space<hbm>>
      tpu.enqueue_dma source(%arg6 : memref<64x128xf32, #tpu.memory_space<vmem>>) target(%dma_start3A_97 : memref<64x128xf32, #tpu.memory_space<hbm>>) target_semaphore(%run_scoped3A : memref<!tpu.dma_semaphore, #tpu.memory_space<semaphore_mem>>)
      %dma_wait3A = arith.constant 0 : i32
      %dma_wait3A_98 = tpu.memref_slice %arg5[%arg0, %add3A_84, %dma_wait3A] : memref<2x10240x128xf32, #tpu.memory_space<hbm>> -> memref<1x64x128xf32, #tpu.memory_space<hbm>>
      %dma_wait3A_99 = tpu.memref_squeeze %dma_wait3A_98 : memref<1x64x128xf32, #tpu.memory_space<hbm>> -> memref<64x128xf32, #tpu.memory_space<hbm>>
      %dma_wait3A_100 = arith.constant 0 : i32
      %dma_wait3A_101 = tpu.memref_slice %arg5[%arg0, %add3A_84, %dma_wait3A_100] : memref<2x10240x128xf32, #tpu.memory_space<hbm>> -> memref<1x64x128xf32, #tpu.memory_space<hbm>>
      %dma_wait3A_102 = tpu.memref_squeeze %dma_wait3A_101 : memref<1x64x128xf32, #tpu.memory_space<hbm>> -> memref<64x128xf32, #tpu.memory_space<hbm>>
      tpu.wait_dma2 semaphore(%run_scoped3A : memref<!tpu.dma_semaphore, #tpu.memory_space<semaphore_mem>>) src(%arg6 : memref<64x128xf32, #tpu.memory_space<vmem>>) dst(%dma_wait3A_102 : memref<64x128xf32, #tpu.memory_space<hbm>>)
      tpu.yield
    }) : () -> ()
    %mul3A_85 = arith.constant 640 : i32
    %mul3A_86 = arith.muli %arg1, %mul3A_85 : i32
    %add3A_87 = arith.constant 512 : i32
    %add3A_88 = arith.addi %mul3A_86, %add3A_87 : i32
    "tpu.region"() ({
      %run_scoped3A = tpu.sem_alloc : memref<!tpu.dma_semaphore, #tpu.memory_space<semaphore_mem>>
      %dma_start3A = arith.constant 0 : i32
      %dma_start3A_93 = tpu.memref_slice %arg11[%add3A_88, %dma_start3A] : memref<10240x128xf32, #tpu.memory_space<vmem_shared>> -> memref<64x128xf32, #tpu.memory_space<vmem_shared>>
      %dma_start3A_94 = arith.constant 0 : i32
      %dma_start3A_95 = tpu.memref_slice %arg11[%add3A_88, %dma_start3A_94] : memref<10240x128xf32, #tpu.memory_space<vmem_shared>> -> memref<64x128xf32, #tpu.memory_space<vmem_shared>>
      tpu.enqueue_dma source(%dma_start3A_95 : memref<64x128xf32, #tpu.memory_space<vmem_shared>>) target(%arg6 : memref<64x128xf32, #tpu.memory_space<vmem>>) target_semaphore(%run_scoped3A : memref<!tpu.dma_semaphore, #tpu.memory_space<semaphore_mem>>)
      %dma_wait3A = arith.constant 0 : i32
      %dma_wait3A_96 = tpu.memref_slice %arg11[%add3A_88, %dma_wait3A] : memref<10240x128xf32, #tpu.memory_space<vmem_shared>> -> memref<64x128xf32, #tpu.memory_space<vmem_shared>>
      %dma_wait3A_97 = arith.constant 0 : i32
      %dma_wait3A_98 = tpu.memref_slice %arg11[%add3A_88, %dma_wait3A_97] : memref<10240x128xf32, #tpu.memory_space<vmem_shared>> -> memref<64x128xf32, #tpu.memory_space<vmem_shared>>
      tpu.wait_dma2 semaphore(%run_scoped3A : memref<!tpu.dma_semaphore, #tpu.memory_space<semaphore_mem>>) src(%dma_wait3A_98 : memref<64x128xf32, #tpu.memory_space<vmem_shared>>) dst(%arg6 : memref<64x128xf32, #tpu.memory_space<vmem>>)
      tpu.yield
    }) : () -> ()
    "tpu.region"() ({
      %run_scoped3A = tpu.sem_alloc : memref<!tpu.dma_semaphore, #tpu.memory_space<semaphore_mem>>
      %dma_start3A = arith.constant 0 : i32
      %dma_start3A_93 = tpu.memref_slice %arg5[%arg0, %add3A_88, %dma_start3A] : memref<2x10240x128xf32, #tpu.memory_space<hbm>> -> memref<1x64x128xf32, #tpu.memory_space<hbm>>
      %dma_start3A_94 = tpu.memref_squeeze %dma_start3A_93 : memref<1x64x128xf32, #tpu.memory_space<hbm>> -> memref<64x128xf32, #tpu.memory_space<hbm>>
      %dma_start3A_95 = arith.constant 0 : i32
      %dma_start3A_96 = tpu.memref_slice %arg5[%arg0, %add3A_88, %dma_start3A_95] : memref<2x10240x128xf32, #tpu.memory_space<hbm>> -> memref<1x64x128xf32, #tpu.memory_space<hbm>>
      %dma_start3A_97 = tpu.memref_squeeze %dma_start3A_96 : memref<1x64x128xf32, #tpu.memory_space<hbm>> -> memref<64x128xf32, #tpu.memory_space<hbm>>
      tpu.enqueue_dma source(%arg6 : memref<64x128xf32, #tpu.memory_space<vmem>>) target(%dma_start3A_97 : memref<64x128xf32, #tpu.memory_space<hbm>>) target_semaphore(%run_scoped3A : memref<!tpu.dma_semaphore, #tpu.memory_space<semaphore_mem>>)
      %dma_wait3A = arith.constant 0 : i32
      %dma_wait3A_98 = tpu.memref_slice %arg5[%arg0, %add3A_88, %dma_wait3A] : memref<2x10240x128xf32, #tpu.memory_space<hbm>> -> memref<1x64x128xf32, #tpu.memory_space<hbm>>
      %dma_wait3A_99 = tpu.memref_squeeze %dma_wait3A_98 : memref<1x64x128xf32, #tpu.memory_space<hbm>> -> memref<64x128xf32, #tpu.memory_space<hbm>>
      %dma_wait3A_100 = arith.constant 0 : i32
      %dma_wait3A_101 = tpu.memref_slice %arg5[%arg0, %add3A_88, %dma_wait3A_100] : memref<2x10240x128xf32, #tpu.memory_space<hbm>> -> memref<1x64x128xf32, #tpu.memory_space<hbm>>
      %dma_wait3A_102 = tpu.memref_squeeze %dma_wait3A_101 : memref<1x64x128xf32, #tpu.memory_space<hbm>> -> memref<64x128xf32, #tpu.memory_space<hbm>>
      tpu.wait_dma2 semaphore(%run_scoped3A : memref<!tpu.dma_semaphore, #tpu.memory_space<semaphore_mem>>) src(%arg6 : memref<64x128xf32, #tpu.memory_space<vmem>>) dst(%dma_wait3A_102 : memref<64x128xf32, #tpu.memory_space<hbm>>)
      tpu.yield
    }) : () -> ()
    %mul3A_89 = arith.constant 640 : i32
    %mul3A_90 = arith.muli %arg1, %mul3A_89 : i32
    %add3A_91 = arith.constant 576 : i32
    %add3A_92 = arith.addi %mul3A_90, %add3A_91 : i32
    "tpu.region"() ({
      %run_scoped3A = tpu.sem_alloc : memref<!tpu.dma_semaphore, #tpu.memory_space<semaphore_mem>>
      %dma_start3A = arith.constant 0 : i32
      %dma_start3A_93 = tpu.memref_slice %arg11[%add3A_92, %dma_start3A] : memref<10240x128xf32, #tpu.memory_space<vmem_shared>> -> memref<64x128xf32, #tpu.memory_space<vmem_shared>>
      %dma_start3A_94 = arith.constant 0 : i32
      %dma_start3A_95 = tpu.memref_slice %arg11[%add3A_92, %dma_start3A_94] : memref<10240x128xf32, #tpu.memory_space<vmem_shared>> -> memref<64x128xf32, #tpu.memory_space<vmem_shared>>
      tpu.enqueue_dma source(%dma_start3A_95 : memref<64x128xf32, #tpu.memory_space<vmem_shared>>) target(%arg6 : memref<64x128xf32, #tpu.memory_space<vmem>>) target_semaphore(%run_scoped3A : memref<!tpu.dma_semaphore, #tpu.memory_space<semaphore_mem>>)
      %dma_wait3A = arith.constant 0 : i32
      %dma_wait3A_96 = tpu.memref_slice %arg11[%add3A_92, %dma_wait3A] : memref<10240x128xf32, #tpu.memory_space<vmem_shared>> -> memref<64x128xf32, #tpu.memory_space<vmem_shared>>
      %dma_wait3A_97 = arith.constant 0 : i32
      %dma_wait3A_98 = tpu.memref_slice %arg11[%add3A_92, %dma_wait3A_97] : memref<10240x128xf32, #tpu.memory_space<vmem_shared>> -> memref<64x128xf32, #tpu.memory_space<vmem_shared>>
      tpu.wait_dma2 semaphore(%run_scoped3A : memref<!tpu.dma_semaphore, #tpu.memory_space<semaphore_mem>>) src(%dma_wait3A_98 : memref<64x128xf32, #tpu.memory_space<vmem_shared>>) dst(%arg6 : memref<64x128xf32, #tpu.memory_space<vmem>>)
      tpu.yield
    }) : () -> ()
    "tpu.region"() ({
      %run_scoped3A = tpu.sem_alloc : memref<!tpu.dma_semaphore, #tpu.memory_space<semaphore_mem>>
      %dma_start3A = arith.constant 0 : i32
      %dma_start3A_93 = tpu.memref_slice %arg5[%arg0, %add3A_92, %dma_start3A] : memref<2x10240x128xf32, #tpu.memory_space<hbm>> -> memref<1x64x128xf32, #tpu.memory_space<hbm>>
      %dma_start3A_94 = tpu.memref_squeeze %dma_start3A_93 : memref<1x64x128xf32, #tpu.memory_space<hbm>> -> memref<64x128xf32, #tpu.memory_space<hbm>>
      %dma_start3A_95 = arith.constant 0 : i32
      %dma_start3A_96 = tpu.memref_slice %arg5[%arg0, %add3A_92, %dma_start3A_95] : memref<2x10240x128xf32, #tpu.memory_space<hbm>> -> memref<1x64x128xf32, #tpu.memory_space<hbm>>
      %dma_start3A_97 = tpu.memref_squeeze %dma_start3A_96 : memref<1x64x128xf32, #tpu.memory_space<hbm>> -> memref<64x128xf32, #tpu.memory_space<hbm>>
      tpu.enqueue_dma source(%arg6 : memref<64x128xf32, #tpu.memory_space<vmem>>) target(%dma_start3A_97 : memref<64x128xf32, #tpu.memory_space<hbm>>) target_semaphore(%run_scoped3A : memref<!tpu.dma_semaphore, #tpu.memory_space<semaphore_mem>>)
      %dma_wait3A = arith.constant 0 : i32
      %dma_wait3A_98 = tpu.memref_slice %arg5[%arg0, %add3A_92, %dma_wait3A] : memref<2x10240x128xf32, #tpu.memory_space<hbm>> -> memref<1x64x128xf32, #tpu.memory_space<hbm>>
      %dma_wait3A_99 = tpu.memref_squeeze %dma_wait3A_98 : memref<1x64x128xf32, #tpu.memory_space<hbm>> -> memref<64x128xf32, #tpu.memory_space<hbm>>
      %dma_wait3A_100 = arith.constant 0 : i32
      %dma_wait3A_101 = tpu.memref_slice %arg5[%arg0, %add3A_92, %dma_wait3A_100] : memref<2x10240x128xf32, #tpu.memory_space<hbm>> -> memref<1x64x128xf32, #tpu.memory_space<hbm>>
      %dma_wait3A_102 = tpu.memref_squeeze %dma_wait3A_101 : memref<1x64x128xf32, #tpu.memory_space<hbm>> -> memref<64x128xf32, #tpu.memory_space<hbm>>
      tpu.wait_dma2 semaphore(%run_scoped3A : memref<!tpu.dma_semaphore, #tpu.memory_space<semaphore_mem>>) src(%arg6 : memref<64x128xf32, #tpu.memory_space<vmem>>) dst(%dma_wait3A_102 : memref<64x128xf32, #tpu.memory_space<hbm>>)
      tpu.yield
    }) : () -> ()
    return
  }
}

#map = affine_map<(d0, d1) -> (0, 0)>
#map1 = affine_map<(d0, d1) -> (0, 0, 0)>
module attributes {stable_mosaic.version = 14 : i64} {
  func.func @_combine1(%arg0: i32, %arg1: i32, %arg2: memref<10240x128xf32, #tpu.memory_space<hbm>>, %arg3: memref<2x10240x128xf32, #tpu.memory_space<hbm>>, %arg4: memref<80x128xf32, #tpu.memory_space<hbm>>, %arg5: memref<10240x128xf32, #tpu.memory_space<hbm>>, %arg6: memref<10240x128xf32, #tpu.memory_space<hbm>>, %arg7: memref<10240x128xf32, #tpu.memory_space<hbm>>, %arg8: memref<64x128xf32, #tpu.memory_space<vmem>>, %arg9: memref<64x128xf32, #tpu.memory_space<vmem>>, %arg10: memref<64x128xf32, #tpu.memory_space<vmem>>, %arg11: memref<64x128xf32, #tpu.memory_space<vmem>>, %arg12: memref<64x128xf32, #tpu.memory_space<vmem>>, %arg13: memref<64x128xf32, #tpu.memory_space<vmem>>, %arg14: memref<80x128xf32, #tpu.memory_space<vmem>>) attributes {dimension_semantics = [#tpu.dimension_semantics<core_parallel>, #tpu.dimension_semantics<subcore_parallel>], iteration_bounds = array<i64: 2, 16>, scalar_prefetch = 0 : i64, scratch_operands = 7 : i64, tpu.core_type = #tpu.core_type<sc_vector_subcore>, window_params = [{transform_indices = #map}, {transform_indices = #map1}, {transform_indices = #map}, {transform_indices = #map}, {transform_indices = #map}, {transform_indices = #map}]} {
    %mul3A = arith.constant 16 : i32
    %mul3A_0 = arith.muli %arg0, %mul3A : i32
    %add3A = arith.addi %mul3A_0, %arg1 : i32
    %mul3A_1 = arith.constant 320 : i32
    %mul3A_2 = arith.muli %add3A, %mul3A_1 : i32
    "tpu.region"() ({
      %run_scoped3A = tpu.sem_alloc : memref<!tpu.dma_semaphore, #tpu.memory_space<semaphore_mem>>
      tpu.enqueue_dma source(%arg4 : memref<80x128xf32, #tpu.memory_space<hbm>>) target(%arg14 : memref<80x128xf32, #tpu.memory_space<vmem>>) target_semaphore(%run_scoped3A : memref<!tpu.dma_semaphore, #tpu.memory_space<semaphore_mem>>)
      tpu.wait_dma2 semaphore(%run_scoped3A : memref<!tpu.dma_semaphore, #tpu.memory_space<semaphore_mem>>) src(%arg4 : memref<80x128xf32, #tpu.memory_space<hbm>>) dst(%arg14 : memref<80x128xf32, #tpu.memory_space<vmem>>)
      tpu.yield
    }) : () -> ()
    %scan3A = arith.constant 0 : i32
    %scan3A_3 = arith.constant 5 : i32
    %scan3A_4 = arith.addi %scan3A, %scan3A_3 : i32
    %scan3A_5 = arith.constant 1 : i32
    scf.for %scan3A_7 = %scan3A to %scan3A_4 step %scan3A_5  : i32 {
      %mul3A_8 = arith.constant 64 : i32
      %mul3A_9 = arith.muli %scan3A_7, %mul3A_8 : i32
      %add3A_10 = arith.addi %mul3A_2, %mul3A_9 : i32
      "tpu.region"() ({
        %run_scoped3A_17 = tpu.sem_alloc : memref<!tpu.dma_semaphore, #tpu.memory_space<semaphore_mem>>
        %dma_start3A = arith.constant 0 : i32
        %dma_start3A_18 = tpu.memref_slice %arg2[%add3A_10, %dma_start3A] : memref<10240x128xf32, #tpu.memory_space<hbm>> -> memref<64x128xf32, #tpu.memory_space<hbm>>
        %dma_start3A_19 = arith.constant 0 : i32
        %dma_start3A_20 = tpu.memref_slice %arg2[%add3A_10, %dma_start3A_19] : memref<10240x128xf32, #tpu.memory_space<hbm>> -> memref<64x128xf32, #tpu.memory_space<hbm>>
        tpu.enqueue_dma source(%dma_start3A_20 : memref<64x128xf32, #tpu.memory_space<hbm>>) target(%arg8 : memref<64x128xf32, #tpu.memory_space<vmem>>) target_semaphore(%run_scoped3A_17 : memref<!tpu.dma_semaphore, #tpu.memory_space<semaphore_mem>>)
        %dma_wait3A = arith.constant 0 : i32
        %dma_wait3A_21 = tpu.memref_slice %arg2[%add3A_10, %dma_wait3A] : memref<10240x128xf32, #tpu.memory_space<hbm>> -> memref<64x128xf32, #tpu.memory_space<hbm>>
        %dma_wait3A_22 = arith.constant 0 : i32
        %dma_wait3A_23 = tpu.memref_slice %arg2[%add3A_10, %dma_wait3A_22] : memref<10240x128xf32, #tpu.memory_space<hbm>> -> memref<64x128xf32, #tpu.memory_space<hbm>>
        tpu.wait_dma2 semaphore(%run_scoped3A_17 : memref<!tpu.dma_semaphore, #tpu.memory_space<semaphore_mem>>) src(%dma_wait3A_23 : memref<64x128xf32, #tpu.memory_space<hbm>>) dst(%arg8 : memref<64x128xf32, #tpu.memory_space<vmem>>)
        tpu.yield
      }) : () -> ()
      %run_scoped3A = arith.constant 0 : i32
      "tpu.region"() ({
        %run_scoped3A_17 = tpu.sem_alloc : memref<!tpu.dma_semaphore, #tpu.memory_space<semaphore_mem>>
        %dma_start3A = arith.constant 0 : i32
        %dma_start3A_18 = tpu.memref_slice %arg3[%run_scoped3A, %add3A_10, %dma_start3A] : memref<2x10240x128xf32, #tpu.memory_space<hbm>> -> memref<1x64x128xf32, #tpu.memory_space<hbm>>
        %dma_start3A_19 = tpu.memref_squeeze %dma_start3A_18 : memref<1x64x128xf32, #tpu.memory_space<hbm>> -> memref<64x128xf32, #tpu.memory_space<hbm>>
        %dma_start3A_20 = arith.constant 0 : i32
        %dma_start3A_21 = tpu.memref_slice %arg3[%run_scoped3A, %add3A_10, %dma_start3A_20] : memref<2x10240x128xf32, #tpu.memory_space<hbm>> -> memref<1x64x128xf32, #tpu.memory_space<hbm>>
        %dma_start3A_22 = tpu.memref_squeeze %dma_start3A_21 : memref<1x64x128xf32, #tpu.memory_space<hbm>> -> memref<64x128xf32, #tpu.memory_space<hbm>>
        tpu.enqueue_dma source(%dma_start3A_22 : memref<64x128xf32, #tpu.memory_space<hbm>>) target(%arg9 : memref<64x128xf32, #tpu.memory_space<vmem>>) target_semaphore(%run_scoped3A_17 : memref<!tpu.dma_semaphore, #tpu.memory_space<semaphore_mem>>)
        %dma_wait3A = arith.constant 0 : i32
        %dma_wait3A_23 = tpu.memref_slice %arg3[%run_scoped3A, %add3A_10, %dma_wait3A] : memref<2x10240x128xf32, #tpu.memory_space<hbm>> -> memref<1x64x128xf32, #tpu.memory_space<hbm>>
        %dma_wait3A_24 = tpu.memref_squeeze %dma_wait3A_23 : memref<1x64x128xf32, #tpu.memory_space<hbm>> -> memref<64x128xf32, #tpu.memory_space<hbm>>
        %dma_wait3A_25 = arith.constant 0 : i32
        %dma_wait3A_26 = tpu.memref_slice %arg3[%run_scoped3A, %add3A_10, %dma_wait3A_25] : memref<2x10240x128xf32, #tpu.memory_space<hbm>> -> memref<1x64x128xf32, #tpu.memory_space<hbm>>
        %dma_wait3A_27 = tpu.memref_squeeze %dma_wait3A_26 : memref<1x64x128xf32, #tpu.memory_space<hbm>> -> memref<64x128xf32, #tpu.memory_space<hbm>>
        tpu.wait_dma2 semaphore(%run_scoped3A_17 : memref<!tpu.dma_semaphore, #tpu.memory_space<semaphore_mem>>) src(%dma_wait3A_27 : memref<64x128xf32, #tpu.memory_space<hbm>>) dst(%arg9 : memref<64x128xf32, #tpu.memory_space<vmem>>)
        tpu.yield
      }) : () -> ()
      %run_scoped3A_11 = arith.constant 1 : i32
      "tpu.region"() ({
        %run_scoped3A_17 = tpu.sem_alloc : memref<!tpu.dma_semaphore, #tpu.memory_space<semaphore_mem>>
        %dma_start3A = arith.constant 0 : i32
        %dma_start3A_18 = tpu.memref_slice %arg3[%run_scoped3A_11, %add3A_10, %dma_start3A] : memref<2x10240x128xf32, #tpu.memory_space<hbm>> -> memref<1x64x128xf32, #tpu.memory_space<hbm>>
        %dma_start3A_19 = tpu.memref_squeeze %dma_start3A_18 : memref<1x64x128xf32, #tpu.memory_space<hbm>> -> memref<64x128xf32, #tpu.memory_space<hbm>>
        %dma_start3A_20 = arith.constant 0 : i32
        %dma_start3A_21 = tpu.memref_slice %arg3[%run_scoped3A_11, %add3A_10, %dma_start3A_20] : memref<2x10240x128xf32, #tpu.memory_space<hbm>> -> memref<1x64x128xf32, #tpu.memory_space<hbm>>
        %dma_start3A_22 = tpu.memref_squeeze %dma_start3A_21 : memref<1x64x128xf32, #tpu.memory_space<hbm>> -> memref<64x128xf32, #tpu.memory_space<hbm>>
        tpu.enqueue_dma source(%dma_start3A_22 : memref<64x128xf32, #tpu.memory_space<hbm>>) target(%arg10 : memref<64x128xf32, #tpu.memory_space<vmem>>) target_semaphore(%run_scoped3A_17 : memref<!tpu.dma_semaphore, #tpu.memory_space<semaphore_mem>>)
        %dma_wait3A = arith.constant 0 : i32
        %dma_wait3A_23 = tpu.memref_slice %arg3[%run_scoped3A_11, %add3A_10, %dma_wait3A] : memref<2x10240x128xf32, #tpu.memory_space<hbm>> -> memref<1x64x128xf32, #tpu.memory_space<hbm>>
        %dma_wait3A_24 = tpu.memref_squeeze %dma_wait3A_23 : memref<1x64x128xf32, #tpu.memory_space<hbm>> -> memref<64x128xf32, #tpu.memory_space<hbm>>
        %dma_wait3A_25 = arith.constant 0 : i32
        %dma_wait3A_26 = tpu.memref_slice %arg3[%run_scoped3A_11, %add3A_10, %dma_wait3A_25] : memref<2x10240x128xf32, #tpu.memory_space<hbm>> -> memref<1x64x128xf32, #tpu.memory_space<hbm>>
        %dma_wait3A_27 = tpu.memref_squeeze %dma_wait3A_26 : memref<1x64x128xf32, #tpu.memory_space<hbm>> -> memref<64x128xf32, #tpu.memory_space<hbm>>
        tpu.wait_dma2 semaphore(%run_scoped3A_17 : memref<!tpu.dma_semaphore, #tpu.memory_space<semaphore_mem>>) src(%dma_wait3A_27 : memref<64x128xf32, #tpu.memory_space<hbm>>) dst(%arg10 : memref<64x128xf32, #tpu.memory_space<vmem>>)
        tpu.yield
      }) : () -> ()
      %scan3A_12 = arith.constant 0 : i32
      %scan3A_13 = arith.constant 64 : i32
      %scan3A_14 = arith.addi %scan3A_12, %scan3A_13 : i32
      %scan3A_15 = arith.constant 1 : i32
      scf.for %scan3A_17 = %scan3A_12 to %scan3A_14 step %scan3A_15  : i32 {
        %add3A_18 = arith.addi %add3A_10, %scan3A_17 : i32
        %shift_right_arithmetic3A = arith.constant 7 : i32
        %shift_right_arithmetic3A_19 = arith.shrsi %add3A_18, %shift_right_arithmetic3A : i32
        %broadcast_in_dim3A = vector.broadcast %shift_right_arithmetic3A_19 : i32 to vector<16xi32>
        %and3A = arith.constant 127 : i32
        %and3A_20 = arith.andi %add3A_18, %and3A : i32
        %broadcast_in_dim3A_21 = vector.broadcast %and3A_20 : i32 to vector<16xi32>
        %gather3A = tpu.vector_load_idx %arg14[%broadcast_in_dim3A, %broadcast_in_dim3A_21] : memref<80x128xf32, #tpu.memory_space<vmem>>[vector<16xi32>, vector<16xi32>], vector<16xf32>,
        %get3A = arith.index_cast %scan3A_17 : i32 to index
        %get3A_22 = arith.constant 0 : index
        %get3A_23 = tpu.vector_load %arg9[%get3A, %get3A_22] {strides = array<i32>} : memref<64x128xf32, #tpu.memory_space<vmem>>, vector<16xf32>,
        %get3A_24 = arith.index_cast %scan3A_17 : i32 to index
        %get3A_25 = arith.constant 0 : index
        %get3A_26 = tpu.vector_load %arg10[%get3A_24, %get3A_25] {strides = array<i32>} : memref<64x128xf32, #tpu.memory_space<vmem>>, vector<16xf32>,
        %add3A_27 = arith.addf %get3A_23, %get3A_26 : vector<16xf32>
        %get3A_28 = arith.index_cast %scan3A_17 : i32 to index
        %get3A_29 = arith.constant 0 : index
        %get3A_30 = tpu.vector_load %arg8[%get3A_28, %get3A_29] {strides = array<i32>} : memref<64x128xf32, #tpu.memory_space<vmem>>, vector<16xf32>,
        %mul3A_31 = arith.mulf %add3A_27, %gather3A : vector<16xf32>
        %sub3A = arith.subf %get3A_30, %mul3A_31 : vector<16xf32>
        %swap3A = arith.index_cast %scan3A_17 : i32 to index
        %swap3A_32 = arith.constant 0 : index
        %swap3A_33 = tpu.vector_load %arg11[%swap3A, %swap3A_32] {strides = array<i32>} : memref<64x128xf32, #tpu.memory_space<vmem>>, vector<16xf32>,
        tpu.vector_store %arg11[%swap3A, %swap3A_32], %sub3A {strides = array<i32>} : memref<64x128xf32, #tpu.memory_space<vmem>>, vector<16xf32>,
        %mul3A_34 = arith.mulf %sub3A, %gather3A : vector<16xf32>
        %swap3A_35 = arith.index_cast %scan3A_17 : i32 to index
        %swap3A_36 = arith.constant 0 : index
        %swap3A_37 = tpu.vector_load %arg12[%swap3A_35, %swap3A_36] {strides = array<i32>} : memref<64x128xf32, #tpu.memory_space<vmem>>, vector<16xf32>,
        tpu.vector_store %arg12[%swap3A_35, %swap3A_36], %mul3A_34 {strides = array<i32>} : memref<64x128xf32, #tpu.memory_space<vmem>>, vector<16xf32>,
        %mul3A_38 = arith.constant 6.000000e-01 : f32
        %mul3A_39 = vector.broadcast %mul3A_38 : f32 to vector<16xf32>
        %mul3A_40 = arith.mulf %mul3A_39, %get3A_30 : vector<16xf32>
        %mul3A_41 = arith.constant -4.000000e-01 : f32
        %mul3A_42 = vector.broadcast %mul3A_41 : f32 to vector<16xf32>
        %mul3A_43 = arith.mulf %mul3A_42, %sub3A : vector<16xf32>
        %add3A_44 = arith.addf %mul3A_40, %mul3A_43 : vector<16xf32>
        %swap3A_45 = arith.index_cast %scan3A_17 : i32 to index
        %swap3A_46 = arith.constant 0 : index
        %swap3A_47 = tpu.vector_load %arg13[%swap3A_45, %swap3A_46] {strides = array<i32>} : memref<64x128xf32, #tpu.memory_space<vmem>>, vector<16xf32>,
        tpu.vector_store %arg13[%swap3A_45, %swap3A_46], %add3A_44 {strides = array<i32>} : memref<64x128xf32, #tpu.memory_space<vmem>>, vector<16xf32>,
        %get3A_48 = arith.index_cast %scan3A_17 : i32 to index
        %get3A_49 = arith.constant 16 : index
        %get3A_50 = tpu.vector_load %arg9[%get3A_48, %get3A_49] {strides = array<i32>} : memref<64x128xf32, #tpu.memory_space<vmem>>, vector<16xf32>,
        %get3A_51 = arith.index_cast %scan3A_17 : i32 to index
        %get3A_52 = arith.constant 16 : index
        %get3A_53 = tpu.vector_load %arg10[%get3A_51, %get3A_52] {strides = array<i32>} : memref<64x128xf32, #tpu.memory_space<vmem>>, vector<16xf32>,
        %add3A_54 = arith.addf %get3A_50, %get3A_53 : vector<16xf32>
        %get3A_55 = arith.index_cast %scan3A_17 : i32 to index
        %get3A_56 = arith.constant 16 : index
        %get3A_57 = tpu.vector_load %arg8[%get3A_55, %get3A_56] {strides = array<i32>} : memref<64x128xf32, #tpu.memory_space<vmem>>, vector<16xf32>,
        %mul3A_58 = arith.mulf %add3A_54, %gather3A : vector<16xf32>
        %sub3A_59 = arith.subf %get3A_57, %mul3A_58 : vector<16xf32>
        %swap3A_60 = arith.index_cast %scan3A_17 : i32 to index
        %swap3A_61 = arith.constant 16 : index
        %swap3A_62 = tpu.vector_load %arg11[%swap3A_60, %swap3A_61] {strides = array<i32>} : memref<64x128xf32, #tpu.memory_space<vmem>>, vector<16xf32>,
        tpu.vector_store %arg11[%swap3A_60, %swap3A_61], %sub3A_59 {strides = array<i32>} : memref<64x128xf32, #tpu.memory_space<vmem>>, vector<16xf32>,
        %mul3A_63 = arith.mulf %sub3A_59, %gather3A : vector<16xf32>
        %swap3A_64 = arith.index_cast %scan3A_17 : i32 to index
        %swap3A_65 = arith.constant 16 : index
        %swap3A_66 = tpu.vector_load %arg12[%swap3A_64, %swap3A_65] {strides = array<i32>} : memref<64x128xf32, #tpu.memory_space<vmem>>, vector<16xf32>,
        tpu.vector_store %arg12[%swap3A_64, %swap3A_65], %mul3A_63 {strides = array<i32>} : memref<64x128xf32, #tpu.memory_space<vmem>>, vector<16xf32>,
        %mul3A_67 = arith.constant 6.000000e-01 : f32
        %mul3A_68 = vector.broadcast %mul3A_67 : f32 to vector<16xf32>
        %mul3A_69 = arith.mulf %mul3A_68, %get3A_57 : vector<16xf32>
        %mul3A_70 = arith.constant -4.000000e-01 : f32
        %mul3A_71 = vector.broadcast %mul3A_70 : f32 to vector<16xf32>
        %mul3A_72 = arith.mulf %mul3A_71, %sub3A_59 : vector<16xf32>
        %add3A_73 = arith.addf %mul3A_69, %mul3A_72 : vector<16xf32>
        %swap3A_74 = arith.index_cast %scan3A_17 : i32 to index
        %swap3A_75 = arith.constant 16 : index
        %swap3A_76 = tpu.vector_load %arg13[%swap3A_74, %swap3A_75] {strides = array<i32>} : memref<64x128xf32, #tpu.memory_space<vmem>>, vector<16xf32>,
        tpu.vector_store %arg13[%swap3A_74, %swap3A_75], %add3A_73 {strides = array<i32>} : memref<64x128xf32, #tpu.memory_space<vmem>>, vector<16xf32>,
        %get3A_77 = arith.index_cast %scan3A_17 : i32 to index
        %get3A_78 = arith.constant 32 : index
        %get3A_79 = tpu.vector_load %arg9[%get3A_77, %get3A_78] {strides = array<i32>} : memref<64x128xf32, #tpu.memory_space<vmem>>, vector<16xf32>,
        %get3A_80 = arith.index_cast %scan3A_17 : i32 to index
        %get3A_81 = arith.constant 32 : index
        %get3A_82 = tpu.vector_load %arg10[%get3A_80, %get3A_81] {strides = array<i32>} : memref<64x128xf32, #tpu.memory_space<vmem>>, vector<16xf32>,
        %add3A_83 = arith.addf %get3A_79, %get3A_82 : vector<16xf32>
        %get3A_84 = arith.index_cast %scan3A_17 : i32 to index
        %get3A_85 = arith.constant 32 : index
        %get3A_86 = tpu.vector_load %arg8[%get3A_84, %get3A_85] {strides = array<i32>} : memref<64x128xf32, #tpu.memory_space<vmem>>, vector<16xf32>,
        %mul3A_87 = arith.mulf %add3A_83, %gather3A : vector<16xf32>
        %sub3A_88 = arith.subf %get3A_86, %mul3A_87 : vector<16xf32>
        %swap3A_89 = arith.index_cast %scan3A_17 : i32 to index
        %swap3A_90 = arith.constant 32 : index
        %swap3A_91 = tpu.vector_load %arg11[%swap3A_89, %swap3A_90] {strides = array<i32>} : memref<64x128xf32, #tpu.memory_space<vmem>>, vector<16xf32>,
        tpu.vector_store %arg11[%swap3A_89, %swap3A_90], %sub3A_88 {strides = array<i32>} : memref<64x128xf32, #tpu.memory_space<vmem>>, vector<16xf32>,
        %mul3A_92 = arith.mulf %sub3A_88, %gather3A : vector<16xf32>
        %swap3A_93 = arith.index_cast %scan3A_17 : i32 to index
        %swap3A_94 = arith.constant 32 : index
        %swap3A_95 = tpu.vector_load %arg12[%swap3A_93, %swap3A_94] {strides = array<i32>} : memref<64x128xf32, #tpu.memory_space<vmem>>, vector<16xf32>,
        tpu.vector_store %arg12[%swap3A_93, %swap3A_94], %mul3A_92 {strides = array<i32>} : memref<64x128xf32, #tpu.memory_space<vmem>>, vector<16xf32>,
        %mul3A_96 = arith.constant 6.000000e-01 : f32
        %mul3A_97 = vector.broadcast %mul3A_96 : f32 to vector<16xf32>
        %mul3A_98 = arith.mulf %mul3A_97, %get3A_86 : vector<16xf32>
        %mul3A_99 = arith.constant -4.000000e-01 : f32
        %mul3A_100 = vector.broadcast %mul3A_99 : f32 to vector<16xf32>
        %mul3A_101 = arith.mulf %mul3A_100, %sub3A_88 : vector<16xf32>
        %add3A_102 = arith.addf %mul3A_98, %mul3A_101 : vector<16xf32>
        %swap3A_103 = arith.index_cast %scan3A_17 : i32 to index
        %swap3A_104 = arith.constant 32 : index
        %swap3A_105 = tpu.vector_load %arg13[%swap3A_103, %swap3A_104] {strides = array<i32>} : memref<64x128xf32, #tpu.memory_space<vmem>>, vector<16xf32>,
        tpu.vector_store %arg13[%swap3A_103, %swap3A_104], %add3A_102 {strides = array<i32>} : memref<64x128xf32, #tpu.memory_space<vmem>>, vector<16xf32>,
        %get3A_106 = arith.index_cast %scan3A_17 : i32 to index
        %get3A_107 = arith.constant 48 : index
        %get3A_108 = tpu.vector_load %arg9[%get3A_106, %get3A_107] {strides = array<i32>} : memref<64x128xf32, #tpu.memory_space<vmem>>, vector<16xf32>,
        %get3A_109 = arith.index_cast %scan3A_17 : i32 to index
        %get3A_110 = arith.constant 48 : index
        %get3A_111 = tpu.vector_load %arg10[%get3A_109, %get3A_110] {strides = array<i32>} : memref<64x128xf32, #tpu.memory_space<vmem>>, vector<16xf32>,
        %add3A_112 = arith.addf %get3A_108, %get3A_111 : vector<16xf32>
        %get3A_113 = arith.index_cast %scan3A_17 : i32 to index
        %get3A_114 = arith.constant 48 : index
        %get3A_115 = tpu.vector_load %arg8[%get3A_113, %get3A_114] {strides = array<i32>} : memref<64x128xf32, #tpu.memory_space<vmem>>, vector<16xf32>,
        %mul3A_116 = arith.mulf %add3A_112, %gather3A : vector<16xf32>
        %sub3A_117 = arith.subf %get3A_115, %mul3A_116 : vector<16xf32>
        %swap3A_118 = arith.index_cast %scan3A_17 : i32 to index
        %swap3A_119 = arith.constant 48 : index
        %swap3A_120 = tpu.vector_load %arg11[%swap3A_118, %swap3A_119] {strides = array<i32>} : memref<64x128xf32, #tpu.memory_space<vmem>>, vector<16xf32>,
        tpu.vector_store %arg11[%swap3A_118, %swap3A_119], %sub3A_117 {strides = array<i32>} : memref<64x128xf32, #tpu.memory_space<vmem>>, vector<16xf32>,
        %mul3A_121 = arith.mulf %sub3A_117, %gather3A : vector<16xf32>
        %swap3A_122 = arith.index_cast %scan3A_17 : i32 to index
        %swap3A_123 = arith.constant 48 : index
        %swap3A_124 = tpu.vector_load %arg12[%swap3A_122, %swap3A_123] {strides = array<i32>} : memref<64x128xf32, #tpu.memory_space<vmem>>, vector<16xf32>,
        tpu.vector_store %arg12[%swap3A_122, %swap3A_123], %mul3A_121 {strides = array<i32>} : memref<64x128xf32, #tpu.memory_space<vmem>>, vector<16xf32>,
        %mul3A_125 = arith.constant 6.000000e-01 : f32
        %mul3A_126 = vector.broadcast %mul3A_125 : f32 to vector<16xf32>
        %mul3A_127 = arith.mulf %mul3A_126, %get3A_115 : vector<16xf32>
        %mul3A_128 = arith.constant -4.000000e-01 : f32
        %mul3A_129 = vector.broadcast %mul3A_128 : f32 to vector<16xf32>
        %mul3A_130 = arith.mulf %mul3A_129, %sub3A_117 : vector<16xf32>
        %add3A_131 = arith.addf %mul3A_127, %mul3A_130 : vector<16xf32>
        %swap3A_132 = arith.index_cast %scan3A_17 : i32 to index
        %swap3A_133 = arith.constant 48 : index
        %swap3A_134 = tpu.vector_load %arg13[%swap3A_132, %swap3A_133] {strides = array<i32>} : memref<64x128xf32, #tpu.memory_space<vmem>>, vector<16xf32>,
        tpu.vector_store %arg13[%swap3A_132, %swap3A_133], %add3A_131 {strides = array<i32>} : memref<64x128xf32, #tpu.memory_space<vmem>>, vector<16xf32>,
        %get3A_135 = arith.index_cast %scan3A_17 : i32 to index
        %get3A_136 = arith.constant 64 : index
        %get3A_137 = tpu.vector_load %arg9[%get3A_135, %get3A_136] {strides = array<i32>} : memref<64x128xf32, #tpu.memory_space<vmem>>, vector<16xf32>,
        %get3A_138 = arith.index_cast %scan3A_17 : i32 to index
        %get3A_139 = arith.constant 64 : index
        %get3A_140 = tpu.vector_load %arg10[%get3A_138, %get3A_139] {strides = array<i32>} : memref<64x128xf32, #tpu.memory_space<vmem>>, vector<16xf32>,
        %add3A_141 = arith.addf %get3A_137, %get3A_140 : vector<16xf32>
        %get3A_142 = arith.index_cast %scan3A_17 : i32 to index
        %get3A_143 = arith.constant 64 : index
        %get3A_144 = tpu.vector_load %arg8[%get3A_142, %get3A_143] {strides = array<i32>} : memref<64x128xf32, #tpu.memory_space<vmem>>, vector<16xf32>,
        %mul3A_145 = arith.mulf %add3A_141, %gather3A : vector<16xf32>
        %sub3A_146 = arith.subf %get3A_144, %mul3A_145 : vector<16xf32>
        %swap3A_147 = arith.index_cast %scan3A_17 : i32 to index
        %swap3A_148 = arith.constant 64 : index
        %swap3A_149 = tpu.vector_load %arg11[%swap3A_147, %swap3A_148] {strides = array<i32>} : memref<64x128xf32, #tpu.memory_space<vmem>>, vector<16xf32>,
        tpu.vector_store %arg11[%swap3A_147, %swap3A_148], %sub3A_146 {strides = array<i32>} : memref<64x128xf32, #tpu.memory_space<vmem>>, vector<16xf32>,
        %mul3A_150 = arith.mulf %sub3A_146, %gather3A : vector<16xf32>
        %swap3A_151 = arith.index_cast %scan3A_17 : i32 to index
        %swap3A_152 = arith.constant 64 : index
        %swap3A_153 = tpu.vector_load %arg12[%swap3A_151, %swap3A_152] {strides = array<i32>} : memref<64x128xf32, #tpu.memory_space<vmem>>, vector<16xf32>,
        tpu.vector_store %arg12[%swap3A_151, %swap3A_152], %mul3A_150 {strides = array<i32>} : memref<64x128xf32, #tpu.memory_space<vmem>>, vector<16xf32>,
        %mul3A_154 = arith.constant 6.000000e-01 : f32
        %mul3A_155 = vector.broadcast %mul3A_154 : f32 to vector<16xf32>
        %mul3A_156 = arith.mulf %mul3A_155, %get3A_144 : vector<16xf32>
        %mul3A_157 = arith.constant -4.000000e-01 : f32
        %mul3A_158 = vector.broadcast %mul3A_157 : f32 to vector<16xf32>
        %mul3A_159 = arith.mulf %mul3A_158, %sub3A_146 : vector<16xf32>
        %add3A_160 = arith.addf %mul3A_156, %mul3A_159 : vector<16xf32>
        %swap3A_161 = arith.index_cast %scan3A_17 : i32 to index
        %swap3A_162 = arith.constant 64 : index
        %swap3A_163 = tpu.vector_load %arg13[%swap3A_161, %swap3A_162] {strides = array<i32>} : memref<64x128xf32, #tpu.memory_space<vmem>>, vector<16xf32>,
        tpu.vector_store %arg13[%swap3A_161, %swap3A_162], %add3A_160 {strides = array<i32>} : memref<64x128xf32, #tpu.memory_space<vmem>>, vector<16xf32>,
        %get3A_164 = arith.index_cast %scan3A_17 : i32 to index
        %get3A_165 = arith.constant 80 : index
        %get3A_166 = tpu.vector_load %arg9[%get3A_164, %get3A_165] {strides = array<i32>} : memref<64x128xf32, #tpu.memory_space<vmem>>, vector<16xf32>,
        %get3A_167 = arith.index_cast %scan3A_17 : i32 to index
        %get3A_168 = arith.constant 80 : index
        %get3A_169 = tpu.vector_load %arg10[%get3A_167, %get3A_168] {strides = array<i32>} : memref<64x128xf32, #tpu.memory_space<vmem>>, vector<16xf32>,
        %add3A_170 = arith.addf %get3A_166, %get3A_169 : vector<16xf32>
        %get3A_171 = arith.index_cast %scan3A_17 : i32 to index
        %get3A_172 = arith.constant 80 : index
        %get3A_173 = tpu.vector_load %arg8[%get3A_171, %get3A_172] {strides = array<i32>} : memref<64x128xf32, #tpu.memory_space<vmem>>, vector<16xf32>,
        %mul3A_174 = arith.mulf %add3A_170, %gather3A : vector<16xf32>
        %sub3A_175 = arith.subf %get3A_173, %mul3A_174 : vector<16xf32>
        %swap3A_176 = arith.index_cast %scan3A_17 : i32 to index
        %swap3A_177 = arith.constant 80 : index
        %swap3A_178 = tpu.vector_load %arg11[%swap3A_176, %swap3A_177] {strides = array<i32>} : memref<64x128xf32, #tpu.memory_space<vmem>>, vector<16xf32>,
        tpu.vector_store %arg11[%swap3A_176, %swap3A_177], %sub3A_175 {strides = array<i32>} : memref<64x128xf32, #tpu.memory_space<vmem>>, vector<16xf32>,
        %mul3A_179 = arith.mulf %sub3A_175, %gather3A : vector<16xf32>
        %swap3A_180 = arith.index_cast %scan3A_17 : i32 to index
        %swap3A_181 = arith.constant 80 : index
        %swap3A_182 = tpu.vector_load %arg12[%swap3A_180, %swap3A_181] {strides = array<i32>} : memref<64x128xf32, #tpu.memory_space<vmem>>, vector<16xf32>,
        tpu.vector_store %arg12[%swap3A_180, %swap3A_181], %mul3A_179 {strides = array<i32>} : memref<64x128xf32, #tpu.memory_space<vmem>>, vector<16xf32>,
        %mul3A_183 = arith.constant 6.000000e-01 : f32
        %mul3A_184 = vector.broadcast %mul3A_183 : f32 to vector<16xf32>
        %mul3A_185 = arith.mulf %mul3A_184, %get3A_173 : vector<16xf32>
        %mul3A_186 = arith.constant -4.000000e-01 : f32
        %mul3A_187 = vector.broadcast %mul3A_186 : f32 to vector<16xf32>
        %mul3A_188 = arith.mulf %mul3A_187, %sub3A_175 : vector<16xf32>
        %add3A_189 = arith.addf %mul3A_185, %mul3A_188 : vector<16xf32>
        %swap3A_190 = arith.index_cast %scan3A_17 : i32 to index
        %swap3A_191 = arith.constant 80 : index
        %swap3A_192 = tpu.vector_load %arg13[%swap3A_190, %swap3A_191] {strides = array<i32>} : memref<64x128xf32, #tpu.memory_space<vmem>>, vector<16xf32>,
        tpu.vector_store %arg13[%swap3A_190, %swap3A_191], %add3A_189 {strides = array<i32>} : memref<64x128xf32, #tpu.memory_space<vmem>>, vector<16xf32>,
        %get3A_193 = arith.index_cast %scan3A_17 : i32 to index
        %get3A_194 = arith.constant 96 : index
        %get3A_195 = tpu.vector_load %arg9[%get3A_193, %get3A_194] {strides = array<i32>} : memref<64x128xf32, #tpu.memory_space<vmem>>, vector<16xf32>,
        %get3A_196 = arith.index_cast %scan3A_17 : i32 to index
        %get3A_197 = arith.constant 96 : index
        %get3A_198 = tpu.vector_load %arg10[%get3A_196, %get3A_197] {strides = array<i32>} : memref<64x128xf32, #tpu.memory_space<vmem>>, vector<16xf32>,
        %add3A_199 = arith.addf %get3A_195, %get3A_198 : vector<16xf32>
        %get3A_200 = arith.index_cast %scan3A_17 : i32 to index
        %get3A_201 = arith.constant 96 : index
        %get3A_202 = tpu.vector_load %arg8[%get3A_200, %get3A_201] {strides = array<i32>} : memref<64x128xf32, #tpu.memory_space<vmem>>, vector<16xf32>,
        %mul3A_203 = arith.mulf %add3A_199, %gather3A : vector<16xf32>
        %sub3A_204 = arith.subf %get3A_202, %mul3A_203 : vector<16xf32>
        %swap3A_205 = arith.index_cast %scan3A_17 : i32 to index
        %swap3A_206 = arith.constant 96 : index
        %swap3A_207 = tpu.vector_load %arg11[%swap3A_205, %swap3A_206] {strides = array<i32>} : memref<64x128xf32, #tpu.memory_space<vmem>>, vector<16xf32>,
        tpu.vector_store %arg11[%swap3A_205, %swap3A_206], %sub3A_204 {strides = array<i32>} : memref<64x128xf32, #tpu.memory_space<vmem>>, vector<16xf32>,
        %mul3A_208 = arith.mulf %sub3A_204, %gather3A : vector<16xf32>
        %swap3A_209 = arith.index_cast %scan3A_17 : i32 to index
        %swap3A_210 = arith.constant 96 : index
        %swap3A_211 = tpu.vector_load %arg12[%swap3A_209, %swap3A_210] {strides = array<i32>} : memref<64x128xf32, #tpu.memory_space<vmem>>, vector<16xf32>,
        tpu.vector_store %arg12[%swap3A_209, %swap3A_210], %mul3A_208 {strides = array<i32>} : memref<64x128xf32, #tpu.memory_space<vmem>>, vector<16xf32>,
        %mul3A_212 = arith.constant 6.000000e-01 : f32
        %mul3A_213 = vector.broadcast %mul3A_212 : f32 to vector<16xf32>
        %mul3A_214 = arith.mulf %mul3A_213, %get3A_202 : vector<16xf32>
        %mul3A_215 = arith.constant -4.000000e-01 : f32
        %mul3A_216 = vector.broadcast %mul3A_215 : f32 to vector<16xf32>
        %mul3A_217 = arith.mulf %mul3A_216, %sub3A_204 : vector<16xf32>
        %add3A_218 = arith.addf %mul3A_214, %mul3A_217 : vector<16xf32>
        %swap3A_219 = arith.index_cast %scan3A_17 : i32 to index
        %swap3A_220 = arith.constant 96 : index
        %swap3A_221 = tpu.vector_load %arg13[%swap3A_219, %swap3A_220] {strides = array<i32>} : memref<64x128xf32, #tpu.memory_space<vmem>>, vector<16xf32>,
        tpu.vector_store %arg13[%swap3A_219, %swap3A_220], %add3A_218 {strides = array<i32>} : memref<64x128xf32, #tpu.memory_space<vmem>>, vector<16xf32>,
        %get3A_222 = arith.index_cast %scan3A_17 : i32 to index
        %get3A_223 = arith.constant 112 : index
        %get3A_224 = tpu.vector_load %arg9[%get3A_222, %get3A_223] {strides = array<i32>} : memref<64x128xf32, #tpu.memory_space<vmem>>, vector<16xf32>,
        %get3A_225 = arith.index_cast %scan3A_17 : i32 to index
        %get3A_226 = arith.constant 112 : index
        %get3A_227 = tpu.vector_load %arg10[%get3A_225, %get3A_226] {strides = array<i32>} : memref<64x128xf32, #tpu.memory_space<vmem>>, vector<16xf32>,
        %add3A_228 = arith.addf %get3A_224, %get3A_227 : vector<16xf32>
        %get3A_229 = arith.index_cast %scan3A_17 : i32 to index
        %get3A_230 = arith.constant 112 : index
        %get3A_231 = tpu.vector_load %arg8[%get3A_229, %get3A_230] {strides = array<i32>} : memref<64x128xf32, #tpu.memory_space<vmem>>, vector<16xf32>,
        %mul3A_232 = arith.mulf %add3A_228, %gather3A : vector<16xf32>
        %sub3A_233 = arith.subf %get3A_231, %mul3A_232 : vector<16xf32>
        %swap3A_234 = arith.index_cast %scan3A_17 : i32 to index
        %swap3A_235 = arith.constant 112 : index
        %swap3A_236 = tpu.vector_load %arg11[%swap3A_234, %swap3A_235] {strides = array<i32>} : memref<64x128xf32, #tpu.memory_space<vmem>>, vector<16xf32>,
        tpu.vector_store %arg11[%swap3A_234, %swap3A_235], %sub3A_233 {strides = array<i32>} : memref<64x128xf32, #tpu.memory_space<vmem>>, vector<16xf32>,
        %mul3A_237 = arith.mulf %sub3A_233, %gather3A : vector<16xf32>
        %swap3A_238 = arith.index_cast %scan3A_17 : i32 to index
        %swap3A_239 = arith.constant 112 : index
        %swap3A_240 = tpu.vector_load %arg12[%swap3A_238, %swap3A_239] {strides = array<i32>} : memref<64x128xf32, #tpu.memory_space<vmem>>, vector<16xf32>,
        tpu.vector_store %arg12[%swap3A_238, %swap3A_239], %mul3A_237 {strides = array<i32>} : memref<64x128xf32, #tpu.memory_space<vmem>>, vector<16xf32>,
        %mul3A_241 = arith.constant 6.000000e-01 : f32
        %mul3A_242 = vector.broadcast %mul3A_241 : f32 to vector<16xf32>
        %mul3A_243 = arith.mulf %mul3A_242, %get3A_231 : vector<16xf32>
        %mul3A_244 = arith.constant -4.000000e-01 : f32
        %mul3A_245 = vector.broadcast %mul3A_244 : f32 to vector<16xf32>
        %mul3A_246 = arith.mulf %mul3A_245, %sub3A_233 : vector<16xf32>
        %add3A_247 = arith.addf %mul3A_243, %mul3A_246 : vector<16xf32>
        %swap3A_248 = arith.index_cast %scan3A_17 : i32 to index
        %swap3A_249 = arith.constant 112 : index
        %swap3A_250 = tpu.vector_load %arg13[%swap3A_248, %swap3A_249] {strides = array<i32>} : memref<64x128xf32, #tpu.memory_space<vmem>>, vector<16xf32>,
        tpu.vector_store %arg13[%swap3A_248, %swap3A_249], %add3A_247 {strides = array<i32>} : memref<64x128xf32, #tpu.memory_space<vmem>>, vector<16xf32>,
      }
      %scan3A_16 = arith.constant 64 : i32
      "tpu.region"() ({
        %run_scoped3A_17 = tpu.sem_alloc : memref<!tpu.dma_semaphore, #tpu.memory_space<semaphore_mem>>
        %dma_start3A = arith.constant 0 : i32
        %dma_start3A_18 = tpu.memref_slice %arg5[%add3A_10, %dma_start3A] : memref<10240x128xf32, #tpu.memory_space<hbm>> -> memref<64x128xf32, #tpu.memory_space<hbm>>
        %dma_start3A_19 = arith.constant 0 : i32
        %dma_start3A_20 = tpu.memref_slice %arg5[%add3A_10, %dma_start3A_19] : memref<10240x128xf32, #tpu.memory_space<hbm>> -> memref<64x128xf32, #tpu.memory_space<hbm>>
        tpu.enqueue_dma source(%arg11 : memref<64x128xf32, #tpu.memory_space<vmem>>) target(%dma_start3A_20 : memref<64x128xf32, #tpu.memory_space<hbm>>) target_semaphore(%run_scoped3A_17 : memref<!tpu.dma_semaphore, #tpu.memory_space<semaphore_mem>>)
        %dma_wait3A = arith.constant 0 : i32
        %dma_wait3A_21 = tpu.memref_slice %arg5[%add3A_10, %dma_wait3A] : memref<10240x128xf32, #tpu.memory_space<hbm>> -> memref<64x128xf32, #tpu.memory_space<hbm>>
        %dma_wait3A_22 = arith.constant 0 : i32
        %dma_wait3A_23 = tpu.memref_slice %arg5[%add3A_10, %dma_wait3A_22] : memref<10240x128xf32, #tpu.memory_space<hbm>> -> memref<64x128xf32, #tpu.memory_space<hbm>>
        tpu.wait_dma2 semaphore(%run_scoped3A_17 : memref<!tpu.dma_semaphore, #tpu.memory_space<semaphore_mem>>) src(%arg11 : memref<64x128xf32, #tpu.memory_space<vmem>>) dst(%dma_wait3A_23 : memref<64x128xf32, #tpu.memory_space<hbm>>)
        tpu.yield
      }) : () -> ()
      "tpu.region"() ({
        %run_scoped3A_17 = tpu.sem_alloc : memref<!tpu.dma_semaphore, #tpu.memory_space<semaphore_mem>>
        %dma_start3A = arith.constant 0 : i32
        %dma_start3A_18 = tpu.memref_slice %arg6[%add3A_10, %dma_start3A] : memref<10240x128xf32, #tpu.memory_space<hbm>> -> memref<64x128xf32, #tpu.memory_space<hbm>>
        %dma_start3A_19 = arith.constant 0 : i32
        %dma_start3A_20 = tpu.memref_slice %arg6[%add3A_10, %dma_start3A_19] : memref<10240x128xf32, #tpu.memory_space<hbm>> -> memref<64x128xf32, #tpu.memory_space<hbm>>
        tpu.enqueue_dma source(%arg12 : memref<64x128xf32, #tpu.memory_space<vmem>>) target(%dma_start3A_20 : memref<64x128xf32, #tpu.memory_space<hbm>>) target_semaphore(%run_scoped3A_17 : memref<!tpu.dma_semaphore, #tpu.memory_space<semaphore_mem>>)
        %dma_wait3A = arith.constant 0 : i32
        %dma_wait3A_21 = tpu.memref_slice %arg6[%add3A_10, %dma_wait3A] : memref<10240x128xf32, #tpu.memory_space<hbm>> -> memref<64x128xf32, #tpu.memory_space<hbm>>
        %dma_wait3A_22 = arith.constant 0 : i32
        %dma_wait3A_23 = tpu.memref_slice %arg6[%add3A_10, %dma_wait3A_22] : memref<10240x128xf32, #tpu.memory_space<hbm>> -> memref<64x128xf32, #tpu.memory_space<hbm>>
        tpu.wait_dma2 semaphore(%run_scoped3A_17 : memref<!tpu.dma_semaphore, #tpu.memory_space<semaphore_mem>>) src(%arg12 : memref<64x128xf32, #tpu.memory_space<vmem>>) dst(%dma_wait3A_23 : memref<64x128xf32, #tpu.memory_space<hbm>>)
        tpu.yield
      }) : () -> ()
      "tpu.region"() ({
        %run_scoped3A_17 = tpu.sem_alloc : memref<!tpu.dma_semaphore, #tpu.memory_space<semaphore_mem>>
        %dma_start3A = arith.constant 0 : i32
        %dma_start3A_18 = tpu.memref_slice %arg7[%add3A_10, %dma_start3A] : memref<10240x128xf32, #tpu.memory_space<hbm>> -> memref<64x128xf32, #tpu.memory_space<hbm>>
        %dma_start3A_19 = arith.constant 0 : i32
        %dma_start3A_20 = tpu.memref_slice %arg7[%add3A_10, %dma_start3A_19] : memref<10240x128xf32, #tpu.memory_space<hbm>> -> memref<64x128xf32, #tpu.memory_space<hbm>>
        tpu.enqueue_dma source(%arg13 : memref<64x128xf32, #tpu.memory_space<vmem>>) target(%dma_start3A_20 : memref<64x128xf32, #tpu.memory_space<hbm>>) target_semaphore(%run_scoped3A_17 : memref<!tpu.dma_semaphore, #tpu.memory_space<semaphore_mem>>)
        %dma_wait3A = arith.constant 0 : i32
        %dma_wait3A_21 = tpu.memref_slice %arg7[%add3A_10, %dma_wait3A] : memref<10240x128xf32, #tpu.memory_space<hbm>> -> memref<64x128xf32, #tpu.memory_space<hbm>>
        %dma_wait3A_22 = arith.constant 0 : i32
        %dma_wait3A_23 = tpu.memref_slice %arg7[%add3A_10, %dma_wait3A_22] : memref<10240x128xf32, #tpu.memory_space<hbm>> -> memref<64x128xf32, #tpu.memory_space<hbm>>
        tpu.wait_dma2 semaphore(%run_scoped3A_17 : memref<!tpu.dma_semaphore, #tpu.memory_space<semaphore_mem>>) src(%arg13 : memref<64x128xf32, #tpu.memory_space<vmem>>) dst(%dma_wait3A_23 : memref<64x128xf32, #tpu.memory_space<hbm>>)
        tpu.yield
      }) : () -> ()
    }
    %scan3A_6 = arith.constant 5 : i32
    return
  }
}

#map = affine_map<(d0, d1) -> (0, 0)>
#map1 = affine_map<(d0, d1) -> (0, 0, 0)>
module attributes {stable_mosaic.version = 14 : i64} {
  func.func @_combine2(%arg0: i32, %arg1: i32, %arg2: memref<10240x128xf32, #tpu.memory_space<hbm>>, %arg3: memref<2x10240x128xf32, #tpu.memory_space<hbm>>, %arg4: memref<80x128xf32, #tpu.memory_space<hbm>>, %arg5: memref<10240x128xf32, #tpu.memory_space<hbm>>, %arg6: memref<10240x128xf32, #tpu.memory_space<hbm>>, %arg7: memref<64x128xf32, #tpu.memory_space<vmem>>, %arg8: memref<64x128xf32, #tpu.memory_space<vmem>>, %arg9: memref<64x128xf32, #tpu.memory_space<vmem>>, %arg10: memref<64x128xf32, #tpu.memory_space<vmem>>, %arg11: memref<80x128xf32, #tpu.memory_space<vmem>>) attributes {dimension_semantics = [#tpu.dimension_semantics<core_parallel>, #tpu.dimension_semantics<subcore_parallel>], iteration_bounds = array<i64: 2, 16>, scalar_prefetch = 0 : i64, scratch_operands = 5 : i64, tpu.core_type = #tpu.core_type<sc_vector_subcore>, window_params = [{transform_indices = #map}, {transform_indices = #map1}, {transform_indices = #map}, {transform_indices = #map}, {transform_indices = #map}]} {
    %mul3A = arith.constant 16 : i32
    %mul3A_0 = arith.muli %arg0, %mul3A : i32
    %add3A = arith.addi %mul3A_0, %arg1 : i32
    %mul3A_1 = arith.constant 320 : i32
    %mul3A_2 = arith.muli %add3A, %mul3A_1 : i32
    "tpu.region"() ({
      %run_scoped3A = tpu.sem_alloc : memref<!tpu.dma_semaphore, #tpu.memory_space<semaphore_mem>>
      tpu.enqueue_dma source(%arg4 : memref<80x128xf32, #tpu.memory_space<hbm>>) target(%arg11 : memref<80x128xf32, #tpu.memory_space<vmem>>) target_semaphore(%run_scoped3A : memref<!tpu.dma_semaphore, #tpu.memory_space<semaphore_mem>>)
      tpu.wait_dma2 semaphore(%run_scoped3A : memref<!tpu.dma_semaphore, #tpu.memory_space<semaphore_mem>>) src(%arg4 : memref<80x128xf32, #tpu.memory_space<hbm>>) dst(%arg11 : memref<80x128xf32, #tpu.memory_space<vmem>>)
      tpu.yield
    }) : () -> ()
    %scan3A = arith.constant 0 : i32
    %scan3A_3 = arith.constant 5 : i32
    %scan3A_4 = arith.addi %scan3A, %scan3A_3 : i32
    %scan3A_5 = arith.constant 1 : i32
    scf.for %scan3A_7 = %scan3A to %scan3A_4 step %scan3A_5  : i32 {
      %mul3A_8 = arith.constant 64 : i32
      %mul3A_9 = arith.muli %scan3A_7, %mul3A_8 : i32
      %add3A_10 = arith.addi %mul3A_2, %mul3A_9 : i32
      "tpu.region"() ({
        %run_scoped3A_17 = tpu.sem_alloc : memref<!tpu.dma_semaphore, #tpu.memory_space<semaphore_mem>>
        %dma_start3A = arith.constant 0 : i32
        %dma_start3A_18 = tpu.memref_slice %arg2[%add3A_10, %dma_start3A] : memref<10240x128xf32, #tpu.memory_space<hbm>> -> memref<64x128xf32, #tpu.memory_space<hbm>>
        %dma_start3A_19 = arith.constant 0 : i32
        %dma_start3A_20 = tpu.memref_slice %arg2[%add3A_10, %dma_start3A_19] : memref<10240x128xf32, #tpu.memory_space<hbm>> -> memref<64x128xf32, #tpu.memory_space<hbm>>
        tpu.enqueue_dma source(%dma_start3A_20 : memref<64x128xf32, #tpu.memory_space<hbm>>) target(%arg7 : memref<64x128xf32, #tpu.memory_space<vmem>>) target_semaphore(%run_scoped3A_17 : memref<!tpu.dma_semaphore, #tpu.memory_space<semaphore_mem>>)
        %dma_wait3A = arith.constant 0 : i32
        %dma_wait3A_21 = tpu.memref_slice %arg2[%add3A_10, %dma_wait3A] : memref<10240x128xf32, #tpu.memory_space<hbm>> -> memref<64x128xf32, #tpu.memory_space<hbm>>
        %dma_wait3A_22 = arith.constant 0 : i32
        %dma_wait3A_23 = tpu.memref_slice %arg2[%add3A_10, %dma_wait3A_22] : memref<10240x128xf32, #tpu.memory_space<hbm>> -> memref<64x128xf32, #tpu.memory_space<hbm>>
        tpu.wait_dma2 semaphore(%run_scoped3A_17 : memref<!tpu.dma_semaphore, #tpu.memory_space<semaphore_mem>>) src(%dma_wait3A_23 : memref<64x128xf32, #tpu.memory_space<hbm>>) dst(%arg7 : memref<64x128xf32, #tpu.memory_space<vmem>>)
        tpu.yield
      }) : () -> ()
      %run_scoped3A = arith.constant 0 : i32
      "tpu.region"() ({
        %run_scoped3A_17 = tpu.sem_alloc : memref<!tpu.dma_semaphore, #tpu.memory_space<semaphore_mem>>
        %dma_start3A = arith.constant 0 : i32
        %dma_start3A_18 = tpu.memref_slice %arg3[%run_scoped3A, %add3A_10, %dma_start3A] : memref<2x10240x128xf32, #tpu.memory_space<hbm>> -> memref<1x64x128xf32, #tpu.memory_space<hbm>>
        %dma_start3A_19 = tpu.memref_squeeze %dma_start3A_18 : memref<1x64x128xf32, #tpu.memory_space<hbm>> -> memref<64x128xf32, #tpu.memory_space<hbm>>
        %dma_start3A_20 = arith.constant 0 : i32
        %dma_start3A_21 = tpu.memref_slice %arg3[%run_scoped3A, %add3A_10, %dma_start3A_20] : memref<2x10240x128xf32, #tpu.memory_space<hbm>> -> memref<1x64x128xf32, #tpu.memory_space<hbm>>
        %dma_start3A_22 = tpu.memref_squeeze %dma_start3A_21 : memref<1x64x128xf32, #tpu.memory_space<hbm>> -> memref<64x128xf32, #tpu.memory_space<hbm>>
        tpu.enqueue_dma source(%dma_start3A_22 : memref<64x128xf32, #tpu.memory_space<hbm>>) target(%arg8 : memref<64x128xf32, #tpu.memory_space<vmem>>) target_semaphore(%run_scoped3A_17 : memref<!tpu.dma_semaphore, #tpu.memory_space<semaphore_mem>>)
        %dma_wait3A = arith.constant 0 : i32
        %dma_wait3A_23 = tpu.memref_slice %arg3[%run_scoped3A, %add3A_10, %dma_wait3A] : memref<2x10240x128xf32, #tpu.memory_space<hbm>> -> memref<1x64x128xf32, #tpu.memory_space<hbm>>
        %dma_wait3A_24 = tpu.memref_squeeze %dma_wait3A_23 : memref<1x64x128xf32, #tpu.memory_space<hbm>> -> memref<64x128xf32, #tpu.memory_space<hbm>>
        %dma_wait3A_25 = arith.constant 0 : i32
        %dma_wait3A_26 = tpu.memref_slice %arg3[%run_scoped3A, %add3A_10, %dma_wait3A_25] : memref<2x10240x128xf32, #tpu.memory_space<hbm>> -> memref<1x64x128xf32, #tpu.memory_space<hbm>>
        %dma_wait3A_27 = tpu.memref_squeeze %dma_wait3A_26 : memref<1x64x128xf32, #tpu.memory_space<hbm>> -> memref<64x128xf32, #tpu.memory_space<hbm>>
        tpu.wait_dma2 semaphore(%run_scoped3A_17 : memref<!tpu.dma_semaphore, #tpu.memory_space<semaphore_mem>>) src(%dma_wait3A_27 : memref<64x128xf32, #tpu.memory_space<hbm>>) dst(%arg8 : memref<64x128xf32, #tpu.memory_space<vmem>>)
        tpu.yield
      }) : () -> ()
      %run_scoped3A_11 = arith.constant 1 : i32
      "tpu.region"() ({
        %run_scoped3A_17 = tpu.sem_alloc : memref<!tpu.dma_semaphore, #tpu.memory_space<semaphore_mem>>
        %dma_start3A = arith.constant 0 : i32
        %dma_start3A_18 = tpu.memref_slice %arg3[%run_scoped3A_11, %add3A_10, %dma_start3A] : memref<2x10240x128xf32, #tpu.memory_space<hbm>> -> memref<1x64x128xf32, #tpu.memory_space<hbm>>
        %dma_start3A_19 = tpu.memref_squeeze %dma_start3A_18 : memref<1x64x128xf32, #tpu.memory_space<hbm>> -> memref<64x128xf32, #tpu.memory_space<hbm>>
        %dma_start3A_20 = arith.constant 0 : i32
        %dma_start3A_21 = tpu.memref_slice %arg3[%run_scoped3A_11, %add3A_10, %dma_start3A_20] : memref<2x10240x128xf32, #tpu.memory_space<hbm>> -> memref<1x64x128xf32, #tpu.memory_space<hbm>>
        %dma_start3A_22 = tpu.memref_squeeze %dma_start3A_21 : memref<1x64x128xf32, #tpu.memory_space<hbm>> -> memref<64x128xf32, #tpu.memory_space<hbm>>
        tpu.enqueue_dma source(%dma_start3A_22 : memref<64x128xf32, #tpu.memory_space<hbm>>) target(%arg9 : memref<64x128xf32, #tpu.memory_space<vmem>>) target_semaphore(%run_scoped3A_17 : memref<!tpu.dma_semaphore, #tpu.memory_space<semaphore_mem>>)
        %dma_wait3A = arith.constant 0 : i32
        %dma_wait3A_23 = tpu.memref_slice %arg3[%run_scoped3A_11, %add3A_10, %dma_wait3A] : memref<2x10240x128xf32, #tpu.memory_space<hbm>> -> memref<1x64x128xf32, #tpu.memory_space<hbm>>
        %dma_wait3A_24 = tpu.memref_squeeze %dma_wait3A_23 : memref<1x64x128xf32, #tpu.memory_space<hbm>> -> memref<64x128xf32, #tpu.memory_space<hbm>>
        %dma_wait3A_25 = arith.constant 0 : i32
        %dma_wait3A_26 = tpu.memref_slice %arg3[%run_scoped3A_11, %add3A_10, %dma_wait3A_25] : memref<2x10240x128xf32, #tpu.memory_space<hbm>> -> memref<1x64x128xf32, #tpu.memory_space<hbm>>
        %dma_wait3A_27 = tpu.memref_squeeze %dma_wait3A_26 : memref<1x64x128xf32, #tpu.memory_space<hbm>> -> memref<64x128xf32, #tpu.memory_space<hbm>>
        tpu.wait_dma2 semaphore(%run_scoped3A_17 : memref<!tpu.dma_semaphore, #tpu.memory_space<semaphore_mem>>) src(%dma_wait3A_27 : memref<64x128xf32, #tpu.memory_space<hbm>>) dst(%arg9 : memref<64x128xf32, #tpu.memory_space<vmem>>)
        tpu.yield
      }) : () -> ()
      "tpu.region"() ({
        %run_scoped3A_17 = tpu.sem_alloc : memref<!tpu.dma_semaphore, #tpu.memory_space<semaphore_mem>>
        %dma_start3A = arith.constant 0 : i32
        %dma_start3A_18 = tpu.memref_slice %arg5[%add3A_10, %dma_start3A] : memref<10240x128xf32, #tpu.memory_space<hbm>> -> memref<64x128xf32, #tpu.memory_space<hbm>>
        %dma_start3A_19 = arith.constant 0 : i32
        %dma_start3A_20 = tpu.memref_slice %arg5[%add3A_10, %dma_start3A_19] : memref<10240x128xf32, #tpu.memory_space<hbm>> -> memref<64x128xf32, #tpu.memory_space<hbm>>
        tpu.enqueue_dma source(%dma_start3A_20 : memref<64x128xf32, #tpu.memory_space<hbm>>) target(%arg10 : memref<64x128xf32, #tpu.memory_space<vmem>>) target_semaphore(%run_scoped3A_17 : memref<!tpu.dma_semaphore, #tpu.memory_space<semaphore_mem>>)
        %dma_wait3A = arith.constant 0 : i32
        %dma_wait3A_21 = tpu.memref_slice %arg5[%add3A_10, %dma_wait3A] : memref<10240x128xf32, #tpu.memory_space<hbm>> -> memref<64x128xf32, #tpu.memory_space<hbm>>
        %dma_wait3A_22 = arith.constant 0 : i32
        %dma_wait3A_23 = tpu.memref_slice %arg5[%add3A_10, %dma_wait3A_22] : memref<10240x128xf32, #tpu.memory_space<hbm>> -> memref<64x128xf32, #tpu.memory_space<hbm>>
        tpu.wait_dma2 semaphore(%run_scoped3A_17 : memref<!tpu.dma_semaphore, #tpu.memory_space<semaphore_mem>>) src(%dma_wait3A_23 : memref<64x128xf32, #tpu.memory_space<hbm>>) dst(%arg10 : memref<64x128xf32, #tpu.memory_space<vmem>>)
        tpu.yield
      }) : () -> ()
      %scan3A_12 = arith.constant 0 : i32
      %scan3A_13 = arith.constant 64 : i32
      %scan3A_14 = arith.addi %scan3A_12, %scan3A_13 : i32
      %scan3A_15 = arith.constant 1 : i32
      scf.for %scan3A_17 = %scan3A_12 to %scan3A_14 step %scan3A_15  : i32 {
        %add3A_18 = arith.addi %add3A_10, %scan3A_17 : i32
        %shift_right_arithmetic3A = arith.constant 7 : i32
        %shift_right_arithmetic3A_19 = arith.shrsi %add3A_18, %shift_right_arithmetic3A : i32
        %broadcast_in_dim3A = vector.broadcast %shift_right_arithmetic3A_19 : i32 to vector<16xi32>
        %and3A = arith.constant 127 : i32
        %and3A_20 = arith.andi %add3A_18, %and3A : i32
        %broadcast_in_dim3A_21 = vector.broadcast %and3A_20 : i32 to vector<16xi32>
        %gather3A = tpu.vector_load_idx %arg11[%broadcast_in_dim3A, %broadcast_in_dim3A_21] : memref<80x128xf32, #tpu.memory_space<vmem>>[vector<16xi32>, vector<16xi32>], vector<16xf32>,
        %get3A = arith.index_cast %scan3A_17 : i32 to index
        %get3A_22 = arith.constant 0 : index
        %get3A_23 = tpu.vector_load %arg8[%get3A, %get3A_22] {strides = array<i32>} : memref<64x128xf32, #tpu.memory_space<vmem>>, vector<16xf32>,
        %get3A_24 = arith.index_cast %scan3A_17 : i32 to index
        %get3A_25 = arith.constant 0 : index
        %get3A_26 = tpu.vector_load %arg9[%get3A_24, %get3A_25] {strides = array<i32>} : memref<64x128xf32, #tpu.memory_space<vmem>>, vector<16xf32>,
        %add3A_27 = arith.addf %get3A_23, %get3A_26 : vector<16xf32>
        %get3A_28 = arith.index_cast %scan3A_17 : i32 to index
        %get3A_29 = arith.constant 0 : index
        %get3A_30 = tpu.vector_load %arg7[%get3A_28, %get3A_29] {strides = array<i32>} : memref<64x128xf32, #tpu.memory_space<vmem>>, vector<16xf32>,
        %mul3A_31 = arith.mulf %add3A_27, %gather3A : vector<16xf32>
        %sub3A = arith.subf %get3A_30, %mul3A_31 : vector<16xf32>
        %get3A_32 = arith.index_cast %scan3A_17 : i32 to index
        %get3A_33 = arith.constant 0 : index
        %get3A_34 = tpu.vector_load %arg10[%get3A_32, %get3A_33] {strides = array<i32>} : memref<64x128xf32, #tpu.memory_space<vmem>>, vector<16xf32>,
        %mul3A_35 = arith.constant 2.000000e-01 : f32
        %mul3A_36 = vector.broadcast %mul3A_35 : f32 to vector<16xf32>
        %mul3A_37 = arith.mulf %mul3A_36, %sub3A : vector<16xf32>
        %add3A_38 = arith.addf %get3A_34, %mul3A_37 : vector<16xf32>
        %swap3A = arith.index_cast %scan3A_17 : i32 to index
        %swap3A_39 = arith.constant 0 : index
        %swap3A_40 = tpu.vector_load %arg10[%swap3A, %swap3A_39] {strides = array<i32>} : memref<64x128xf32, #tpu.memory_space<vmem>>, vector<16xf32>,
        tpu.vector_store %arg10[%swap3A, %swap3A_39], %add3A_38 {strides = array<i32>} : memref<64x128xf32, #tpu.memory_space<vmem>>, vector<16xf32>,
        %get3A_41 = arith.index_cast %scan3A_17 : i32 to index
        %get3A_42 = arith.constant 16 : index
        %get3A_43 = tpu.vector_load %arg8[%get3A_41, %get3A_42] {strides = array<i32>} : memref<64x128xf32, #tpu.memory_space<vmem>>, vector<16xf32>,
        %get3A_44 = arith.index_cast %scan3A_17 : i32 to index
        %get3A_45 = arith.constant 16 : index
        %get3A_46 = tpu.vector_load %arg9[%get3A_44, %get3A_45] {strides = array<i32>} : memref<64x128xf32, #tpu.memory_space<vmem>>, vector<16xf32>,
        %add3A_47 = arith.addf %get3A_43, %get3A_46 : vector<16xf32>
        %get3A_48 = arith.index_cast %scan3A_17 : i32 to index
        %get3A_49 = arith.constant 16 : index
        %get3A_50 = tpu.vector_load %arg7[%get3A_48, %get3A_49] {strides = array<i32>} : memref<64x128xf32, #tpu.memory_space<vmem>>, vector<16xf32>,
        %mul3A_51 = arith.mulf %add3A_47, %gather3A : vector<16xf32>
        %sub3A_52 = arith.subf %get3A_50, %mul3A_51 : vector<16xf32>
        %get3A_53 = arith.index_cast %scan3A_17 : i32 to index
        %get3A_54 = arith.constant 16 : index
        %get3A_55 = tpu.vector_load %arg10[%get3A_53, %get3A_54] {strides = array<i32>} : memref<64x128xf32, #tpu.memory_space<vmem>>, vector<16xf32>,
        %mul3A_56 = arith.constant 2.000000e-01 : f32
        %mul3A_57 = vector.broadcast %mul3A_56 : f32 to vector<16xf32>
        %mul3A_58 = arith.mulf %mul3A_57, %sub3A_52 : vector<16xf32>
        %add3A_59 = arith.addf %get3A_55, %mul3A_58 : vector<16xf32>
        %swap3A_60 = arith.index_cast %scan3A_17 : i32 to index
        %swap3A_61 = arith.constant 16 : index
        %swap3A_62 = tpu.vector_load %arg10[%swap3A_60, %swap3A_61] {strides = array<i32>} : memref<64x128xf32, #tpu.memory_space<vmem>>, vector<16xf32>,
        tpu.vector_store %arg10[%swap3A_60, %swap3A_61], %add3A_59 {strides = array<i32>} : memref<64x128xf32, #tpu.memory_space<vmem>>, vector<16xf32>,
        %get3A_63 = arith.index_cast %scan3A_17 : i32 to index
        %get3A_64 = arith.constant 32 : index
        %get3A_65 = tpu.vector_load %arg8[%get3A_63, %get3A_64] {strides = array<i32>} : memref<64x128xf32, #tpu.memory_space<vmem>>, vector<16xf32>,
        %get3A_66 = arith.index_cast %scan3A_17 : i32 to index
        %get3A_67 = arith.constant 32 : index
        %get3A_68 = tpu.vector_load %arg9[%get3A_66, %get3A_67] {strides = array<i32>} : memref<64x128xf32, #tpu.memory_space<vmem>>, vector<16xf32>,
        %add3A_69 = arith.addf %get3A_65, %get3A_68 : vector<16xf32>
        %get3A_70 = arith.index_cast %scan3A_17 : i32 to index
        %get3A_71 = arith.constant 32 : index
        %get3A_72 = tpu.vector_load %arg7[%get3A_70, %get3A_71] {strides = array<i32>} : memref<64x128xf32, #tpu.memory_space<vmem>>, vector<16xf32>,
        %mul3A_73 = arith.mulf %add3A_69, %gather3A : vector<16xf32>
        %sub3A_74 = arith.subf %get3A_72, %mul3A_73 : vector<16xf32>
        %get3A_75 = arith.index_cast %scan3A_17 : i32 to index
        %get3A_76 = arith.constant 32 : index
        %get3A_77 = tpu.vector_load %arg10[%get3A_75, %get3A_76] {strides = array<i32>} : memref<64x128xf32, #tpu.memory_space<vmem>>, vector<16xf32>,
        %mul3A_78 = arith.constant 2.000000e-01 : f32
        %mul3A_79 = vector.broadcast %mul3A_78 : f32 to vector<16xf32>
        %mul3A_80 = arith.mulf %mul3A_79, %sub3A_74 : vector<16xf32>
        %add3A_81 = arith.addf %get3A_77, %mul3A_80 : vector<16xf32>
        %swap3A_82 = arith.index_cast %scan3A_17 : i32 to index
        %swap3A_83 = arith.constant 32 : index
        %swap3A_84 = tpu.vector_load %arg10[%swap3A_82, %swap3A_83] {strides = array<i32>} : memref<64x128xf32, #tpu.memory_space<vmem>>, vector<16xf32>,
        tpu.vector_store %arg10[%swap3A_82, %swap3A_83], %add3A_81 {strides = array<i32>} : memref<64x128xf32, #tpu.memory_space<vmem>>, vector<16xf32>,
        %get3A_85 = arith.index_cast %scan3A_17 : i32 to index
        %get3A_86 = arith.constant 48 : index
        %get3A_87 = tpu.vector_load %arg8[%get3A_85, %get3A_86] {strides = array<i32>} : memref<64x128xf32, #tpu.memory_space<vmem>>, vector<16xf32>,
        %get3A_88 = arith.index_cast %scan3A_17 : i32 to index
        %get3A_89 = arith.constant 48 : index
        %get3A_90 = tpu.vector_load %arg9[%get3A_88, %get3A_89] {strides = array<i32>} : memref<64x128xf32, #tpu.memory_space<vmem>>, vector<16xf32>,
        %add3A_91 = arith.addf %get3A_87, %get3A_90 : vector<16xf32>
        %get3A_92 = arith.index_cast %scan3A_17 : i32 to index
        %get3A_93 = arith.constant 48 : index
        %get3A_94 = tpu.vector_load %arg7[%get3A_92, %get3A_93] {strides = array<i32>} : memref<64x128xf32, #tpu.memory_space<vmem>>, vector<16xf32>,
        %mul3A_95 = arith.mulf %add3A_91, %gather3A : vector<16xf32>
        %sub3A_96 = arith.subf %get3A_94, %mul3A_95 : vector<16xf32>
        %get3A_97 = arith.index_cast %scan3A_17 : i32 to index
        %get3A_98 = arith.constant 48 : index
        %get3A_99 = tpu.vector_load %arg10[%get3A_97, %get3A_98] {strides = array<i32>} : memref<64x128xf32, #tpu.memory_space<vmem>>, vector<16xf32>,
        %mul3A_100 = arith.constant 2.000000e-01 : f32
        %mul3A_101 = vector.broadcast %mul3A_100 : f32 to vector<16xf32>
        %mul3A_102 = arith.mulf %mul3A_101, %sub3A_96 : vector<16xf32>
        %add3A_103 = arith.addf %get3A_99, %mul3A_102 : vector<16xf32>
        %swap3A_104 = arith.index_cast %scan3A_17 : i32 to index
        %swap3A_105 = arith.constant 48 : index
        %swap3A_106 = tpu.vector_load %arg10[%swap3A_104, %swap3A_105] {strides = array<i32>} : memref<64x128xf32, #tpu.memory_space<vmem>>, vector<16xf32>,
        tpu.vector_store %arg10[%swap3A_104, %swap3A_105], %add3A_103 {strides = array<i32>} : memref<64x128xf32, #tpu.memory_space<vmem>>, vector<16xf32>,
        %get3A_107 = arith.index_cast %scan3A_17 : i32 to index
        %get3A_108 = arith.constant 64 : index
        %get3A_109 = tpu.vector_load %arg8[%get3A_107, %get3A_108] {strides = array<i32>} : memref<64x128xf32, #tpu.memory_space<vmem>>, vector<16xf32>,
        %get3A_110 = arith.index_cast %scan3A_17 : i32 to index
        %get3A_111 = arith.constant 64 : index
        %get3A_112 = tpu.vector_load %arg9[%get3A_110, %get3A_111] {strides = array<i32>} : memref<64x128xf32, #tpu.memory_space<vmem>>, vector<16xf32>,
        %add3A_113 = arith.addf %get3A_109, %get3A_112 : vector<16xf32>
        %get3A_114 = arith.index_cast %scan3A_17 : i32 to index
        %get3A_115 = arith.constant 64 : index
        %get3A_116 = tpu.vector_load %arg7[%get3A_114, %get3A_115] {strides = array<i32>} : memref<64x128xf32, #tpu.memory_space<vmem>>, vector<16xf32>,
        %mul3A_117 = arith.mulf %add3A_113, %gather3A : vector<16xf32>
        %sub3A_118 = arith.subf %get3A_116, %mul3A_117 : vector<16xf32>
        %get3A_119 = arith.index_cast %scan3A_17 : i32 to index
        %get3A_120 = arith.constant 64 : index
        %get3A_121 = tpu.vector_load %arg10[%get3A_119, %get3A_120] {strides = array<i32>} : memref<64x128xf32, #tpu.memory_space<vmem>>, vector<16xf32>,
        %mul3A_122 = arith.constant 2.000000e-01 : f32
        %mul3A_123 = vector.broadcast %mul3A_122 : f32 to vector<16xf32>
        %mul3A_124 = arith.mulf %mul3A_123, %sub3A_118 : vector<16xf32>
        %add3A_125 = arith.addf %get3A_121, %mul3A_124 : vector<16xf32>
        %swap3A_126 = arith.index_cast %scan3A_17 : i32 to index
        %swap3A_127 = arith.constant 64 : index
        %swap3A_128 = tpu.vector_load %arg10[%swap3A_126, %swap3A_127] {strides = array<i32>} : memref<64x128xf32, #tpu.memory_space<vmem>>, vector<16xf32>,
        tpu.vector_store %arg10[%swap3A_126, %swap3A_127], %add3A_125 {strides = array<i32>} : memref<64x128xf32, #tpu.memory_space<vmem>>, vector<16xf32>,
        %get3A_129 = arith.index_cast %scan3A_17 : i32 to index
        %get3A_130 = arith.constant 80 : index
        %get3A_131 = tpu.vector_load %arg8[%get3A_129, %get3A_130] {strides = array<i32>} : memref<64x128xf32, #tpu.memory_space<vmem>>, vector<16xf32>,
        %get3A_132 = arith.index_cast %scan3A_17 : i32 to index
        %get3A_133 = arith.constant 80 : index
        %get3A_134 = tpu.vector_load %arg9[%get3A_132, %get3A_133] {strides = array<i32>} : memref<64x128xf32, #tpu.memory_space<vmem>>, vector<16xf32>,
        %add3A_135 = arith.addf %get3A_131, %get3A_134 : vector<16xf32>
        %get3A_136 = arith.index_cast %scan3A_17 : i32 to index
        %get3A_137 = arith.constant 80 : index
        %get3A_138 = tpu.vector_load %arg7[%get3A_136, %get3A_137] {strides = array<i32>} : memref<64x128xf32, #tpu.memory_space<vmem>>, vector<16xf32>,
        %mul3A_139 = arith.mulf %add3A_135, %gather3A : vector<16xf32>
        %sub3A_140 = arith.subf %get3A_138, %mul3A_139 : vector<16xf32>
        %get3A_141 = arith.index_cast %scan3A_17 : i32 to index
        %get3A_142 = arith.constant 80 : index
        %get3A_143 = tpu.vector_load %arg10[%get3A_141, %get3A_142] {strides = array<i32>} : memref<64x128xf32, #tpu.memory_space<vmem>>, vector<16xf32>,
        %mul3A_144 = arith.constant 2.000000e-01 : f32
        %mul3A_145 = vector.broadcast %mul3A_144 : f32 to vector<16xf32>
        %mul3A_146 = arith.mulf %mul3A_145, %sub3A_140 : vector<16xf32>
        %add3A_147 = arith.addf %get3A_143, %mul3A_146 : vector<16xf32>
        %swap3A_148 = arith.index_cast %scan3A_17 : i32 to index
        %swap3A_149 = arith.constant 80 : index
        %swap3A_150 = tpu.vector_load %arg10[%swap3A_148, %swap3A_149] {strides = array<i32>} : memref<64x128xf32, #tpu.memory_space<vmem>>, vector<16xf32>,
        tpu.vector_store %arg10[%swap3A_148, %swap3A_149], %add3A_147 {strides = array<i32>} : memref<64x128xf32, #tpu.memory_space<vmem>>, vector<16xf32>,
        %get3A_151 = arith.index_cast %scan3A_17 : i32 to index
        %get3A_152 = arith.constant 96 : index
        %get3A_153 = tpu.vector_load %arg8[%get3A_151, %get3A_152] {strides = array<i32>} : memref<64x128xf32, #tpu.memory_space<vmem>>, vector<16xf32>,
        %get3A_154 = arith.index_cast %scan3A_17 : i32 to index
        %get3A_155 = arith.constant 96 : index
        %get3A_156 = tpu.vector_load %arg9[%get3A_154, %get3A_155] {strides = array<i32>} : memref<64x128xf32, #tpu.memory_space<vmem>>, vector<16xf32>,
        %add3A_157 = arith.addf %get3A_153, %get3A_156 : vector<16xf32>
        %get3A_158 = arith.index_cast %scan3A_17 : i32 to index
        %get3A_159 = arith.constant 96 : index
        %get3A_160 = tpu.vector_load %arg7[%get3A_158, %get3A_159] {strides = array<i32>} : memref<64x128xf32, #tpu.memory_space<vmem>>, vector<16xf32>,
        %mul3A_161 = arith.mulf %add3A_157, %gather3A : vector<16xf32>
        %sub3A_162 = arith.subf %get3A_160, %mul3A_161 : vector<16xf32>
        %get3A_163 = arith.index_cast %scan3A_17 : i32 to index
        %get3A_164 = arith.constant 96 : index
        %get3A_165 = tpu.vector_load %arg10[%get3A_163, %get3A_164] {strides = array<i32>} : memref<64x128xf32, #tpu.memory_space<vmem>>, vector<16xf32>,
        %mul3A_166 = arith.constant 2.000000e-01 : f32
        %mul3A_167 = vector.broadcast %mul3A_166 : f32 to vector<16xf32>
        %mul3A_168 = arith.mulf %mul3A_167, %sub3A_162 : vector<16xf32>
        %add3A_169 = arith.addf %get3A_165, %mul3A_168 : vector<16xf32>
        %swap3A_170 = arith.index_cast %scan3A_17 : i32 to index
        %swap3A_171 = arith.constant 96 : index
        %swap3A_172 = tpu.vector_load %arg10[%swap3A_170, %swap3A_171] {strides = array<i32>} : memref<64x128xf32, #tpu.memory_space<vmem>>, vector<16xf32>,
        tpu.vector_store %arg10[%swap3A_170, %swap3A_171], %add3A_169 {strides = array<i32>} : memref<64x128xf32, #tpu.memory_space<vmem>>, vector<16xf32>,
        %get3A_173 = arith.index_cast %scan3A_17 : i32 to index
        %get3A_174 = arith.constant 112 : index
        %get3A_175 = tpu.vector_load %arg8[%get3A_173, %get3A_174] {strides = array<i32>} : memref<64x128xf32, #tpu.memory_space<vmem>>, vector<16xf32>,
        %get3A_176 = arith.index_cast %scan3A_17 : i32 to index
        %get3A_177 = arith.constant 112 : index
        %get3A_178 = tpu.vector_load %arg9[%get3A_176, %get3A_177] {strides = array<i32>} : memref<64x128xf32, #tpu.memory_space<vmem>>, vector<16xf32>,
        %add3A_179 = arith.addf %get3A_175, %get3A_178 : vector<16xf32>
        %get3A_180 = arith.index_cast %scan3A_17 : i32 to index
        %get3A_181 = arith.constant 112 : index
        %get3A_182 = tpu.vector_load %arg7[%get3A_180, %get3A_181] {strides = array<i32>} : memref<64x128xf32, #tpu.memory_space<vmem>>, vector<16xf32>,
        %mul3A_183 = arith.mulf %add3A_179, %gather3A : vector<16xf32>
        %sub3A_184 = arith.subf %get3A_182, %mul3A_183 : vector<16xf32>
        %get3A_185 = arith.index_cast %scan3A_17 : i32 to index
        %get3A_186 = arith.constant 112 : index
        %get3A_187 = tpu.vector_load %arg10[%get3A_185, %get3A_186] {strides = array<i32>} : memref<64x128xf32, #tpu.memory_space<vmem>>, vector<16xf32>,
        %mul3A_188 = arith.constant 2.000000e-01 : f32
        %mul3A_189 = vector.broadcast %mul3A_188 : f32 to vector<16xf32>
        %mul3A_190 = arith.mulf %mul3A_189, %sub3A_184 : vector<16xf32>
        %add3A_191 = arith.addf %get3A_187, %mul3A_190 : vector<16xf32>
        %swap3A_192 = arith.index_cast %scan3A_17 : i32 to index
        %swap3A_193 = arith.constant 112 : index
        %swap3A_194 = tpu.vector_load %arg10[%swap3A_192, %swap3A_193] {strides = array<i32>} : memref<64x128xf32, #tpu.memory_space<vmem>>, vector<16xf32>,
        tpu.vector_store %arg10[%swap3A_192, %swap3A_193], %add3A_191 {strides = array<i32>} : memref<64x128xf32, #tpu.memory_space<vmem>>, vector<16xf32>,
      }
      %scan3A_16 = arith.constant 64 : i32
      "tpu.region"() ({
        %run_scoped3A_17 = tpu.sem_alloc : memref<!tpu.dma_semaphore, #tpu.memory_space<semaphore_mem>>
        %dma_start3A = arith.constant 0 : i32
        %dma_start3A_18 = tpu.memref_slice %arg6[%add3A_10, %dma_start3A] : memref<10240x128xf32, #tpu.memory_space<hbm>> -> memref<64x128xf32, #tpu.memory_space<hbm>>
        %dma_start3A_19 = arith.constant 0 : i32
        %dma_start3A_20 = tpu.memref_slice %arg6[%add3A_10, %dma_start3A_19] : memref<10240x128xf32, #tpu.memory_space<hbm>> -> memref<64x128xf32, #tpu.memory_space<hbm>>
        tpu.enqueue_dma source(%arg10 : memref<64x128xf32, #tpu.memory_space<vmem>>) target(%dma_start3A_20 : memref<64x128xf32, #tpu.memory_space<hbm>>) target_semaphore(%run_scoped3A_17 : memref<!tpu.dma_semaphore, #tpu.memory_space<semaphore_mem>>)
        %dma_wait3A = arith.constant 0 : i32
        %dma_wait3A_21 = tpu.memref_slice %arg6[%add3A_10, %dma_wait3A] : memref<10240x128xf32, #tpu.memory_space<hbm>> -> memref<64x128xf32, #tpu.memory_space<hbm>>
        %dma_wait3A_22 = arith.constant 0 : i32
        %dma_wait3A_23 = tpu.memref_slice %arg6[%add3A_10, %dma_wait3A_22] : memref<10240x128xf32, #tpu.memory_space<hbm>> -> memref<64x128xf32, #tpu.memory_space<hbm>>
        tpu.wait_dma2 semaphore(%run_scoped3A_17 : memref<!tpu.dma_semaphore, #tpu.memory_space<semaphore_mem>>) src(%arg10 : memref<64x128xf32, #tpu.memory_space<vmem>>) dst(%dma_wait3A_23 : memref<64x128xf32, #tpu.memory_space<hbm>>)
        tpu.yield
      }) : () -> ()
    }
    %scan3A_6 = arith.constant 5 : i32
    return
  }
}

</mosaic_0001>

<sc_bundles>
// kernel: kernel.10.cloned.1.call-start
scs
__scs_entry_jumppad:
0x0: {  	(pc) =	sbr.rel $0x88, $3  }
0x1: {  	(tag) =	ssettag $0x0;
	lr =	simm.s32 $0x1  }
0x2: {  	[smem:$0x3F9F] =	sst lr;
	_ =	strace $0xD0000000  }
0x3: {  	_ = 	snop  }
0x4: {  	_ = 	snop  }
0x5: {  	_ = 	snop  }
0x6: {  	_ = 	snop  }
0x7: {  	_ = 	snop  }
__scs_overlays_trampoline_lowered:
0x8: {  	[smem:$0x3FAE] =	sst s0  }
0x9: {  	[smem:$0x3FAF] =	sst s1  }
0xa: {  	[smem:$0x3FB0] =	sst s2  }
0xb: {  	[smem:$0x3FB1] =	sst s3  }
0xc: {  	[smem:$0x3FB2] =	sst s4  }
0xd: {  	[smem:$0x3FB3] =	sst s5  }
0xe: {  	[smem:$0x3FB4] =	sst s6  }
0xf: {  	[smem:$0x3FB5] =	sst s7  }
0x10: {  	[smem:$0x3FB6] =	sst s8  }
0x11: {  	[smem:$0x3FB7] =	sst s9;
	s0 =	simm.s32 @!p0 $0x0  }
0x12: {  	s1 =	sld [smem:$0x3F9D];
	s0 =	simm.s32 @p0 $0x1  }
0x13: {  	[smem:$0x3FB8] =	sst s0;
	s0 =	simm.s32 @!p1 $0x0  }
0x14: {  	s2 =	sld [smem:$0x3F9C];
	s0 =	simm.s32 @p1 $0x1  }
0x15: {  	[smem:$0x3FB9] =	sst s0;
	s0 =	simm.s32 @!p2 $0x0  }
0x16: {  	s3 =	sld [smem:$0x3FDB];
	s0 =	simm.s32 @p2 $0x1  }
0x17: {  	s4 =	simm.s32 $0x1BF5;
	[smem:$0x3FBB] =	sst s0  }
0x18: {  	s0 =	sld [smem:$0x3F9E];
	_ =	swait.ge [sflag:s4], $0x0  }
0x19: {  	s7 =	sld [smem:$0x3F9F]  }
0x1a: {  	s8 =	sadd.s32 $0xFFFFE003, lr  }
0x1b: {  	s9 =	sadd.s32 $0xFFFFFEF7, lr;
	s5 =	simm.s32 $0xFFFFFFFF;
	p2 =	slt.u32 s8, $0xFFFFF086  }
0x1c: {  	p1 =	slt.u32 s9, $0xF7A;
	s5 =	simm.s32 @!p2 $0x0  }
0x1d: {  	s5 =	simm.s32 @p1 $0x1;
	p0 =	seq.s32 s7, s2  }
0x1e: {  	s7 =	smul.u32 @!p0 $0xF7A, s2;
	p2 =	seq.s32 @!p0 s5, $0x0  }
0x1f: {  	s9 =	smul.u32 $0xF7A, s1;
	s8 =	simm.s32 @!p0 $0x1BF5;
	p2 =	por !p2, p0  }
0x20: {  	[sflag:s8] =	ssyncset.s32 @!p0 $0xFFFFF086;
	s6 =	sadd.s32 @!p0 s3, s7;
	s7 =	simm.s32 @!p0 $0x108  }
0x21: {  	s3 =	sadd.s32 s3, s9;
	s6 =	sadd.s32 @!p0 $0x88, s6;
	s7 =	simm.s32 @p2 $0x1082  }
0x22: {  	[simem:s7], [sflag:s8] =	dma.local @!p0 [hbm:s6], $0xF7A  }
0x23: {  	s9 =	sor.u32 $0xD0000000, s2;
	s6 =	simm.s32 $0x108;
	_ =	swait.ge @!p0 [sflag:s8], $0x0  }
0x24: {  	s3 =	sadd.s32 $0x88, s3;
	s6 =	simm.s32 @!p1 $0x1082;
	[sflag:s4] =	ssyncset.s32 $0xFFFFF086  }
0x25: {  	[simem:s6], [sflag:s4] =	dma.local [hbm:s3], $0xF7A  }
0x26: {  	[smem:$0x3F9F] =	sst s1;
	(tag) =	ssettag s2;
	_ =	strace s9  }
0x27: {  	s1 =	sld [smem:$0x3FAF]  }
0x28: {  	s2 =	sld [smem:$0x3FB0]  }
0x29: {  	s4 =	sld [smem:$0x3FB2]  }
0x2a: {  	p0 =	seq.s32 s5, $0x0;
	s5 =	sld [smem:$0x3FB3]  }
0x2b: {  	s6 =	sld [smem:$0x3FB4]  }
0x2c: {  	s7 =	sld [smem:$0x3FB5]  }
0x2d: {  	s3 =	simm.s32 $0x108;
	s8 =	sld [smem:$0x3FB6]  }
0x2e: {  	s3 =	simm.s32 @!p0 $0x1082;
	s9 =	sld [smem:$0x3FB7]  }
0x2f: {  	lr =	sadd.s32 s0, s3;
	s0 =	sld [smem:$0x3FAE]  }
0x30: {  	s3 =	sld [smem:$0x3FB1]  }
0x31: {  	[smem:$0x3FBA] =	sst s10  }
0x32: {  	s10 =	sld [smem:$0x3FB8];
	_ =	sdelay $0x3  }
0x33: {  	p0 =	seq.s32 s10, $0x1;
	s10 =	sld [smem:$0x3FBA];
	_ =	sdelay $0x3  }
0x34: {  	[smem:$0x3FBA] =	sst s10  }
0x35: {  	s10 =	sld [smem:$0x3FB9];
	_ =	sdelay $0x3  }
0x36: {  	p1 =	seq.s32 s10, $0x1;
	s10 =	sld [smem:$0x3FBA];
	_ =	sdelay $0x3  }
0x37: {  	[smem:$0x3FBA] =	sst s10  }
0x38: {  	s10 =	sld [smem:$0x3FBB]  }
0x39: {  	_ = 	snop;
	(pc) =	sbr.ind lr, $3  }
0x3a: {  	_ = 	snop  }
0x3b: {  	_ = 	snop  }
0x3c: {  	p2 =	seq.s32 s10, $0x1;
	s10 =	sld [smem:$0x3FBA]  }
0x3d: {  	_ =	shalt  }
0x3e: {  	_ =	shalt  }
0x3f: {  	_ =	shalt  }
0x40: {  	_ =	shalt  }
0x41: {  	_ =	shalt  }
0x42: {  	_ =	shalt  }
0x43: {  	_ =	shalt  }
0x44: {  	_ =	shalt  }
0x45: {  	_ =	shalt  }
0x46: {  	_ =	shalt  }
0x47: {  	_ =	shalt  }
0x48: {  	_ =	shalt  }
0x49: {  	_ =	shalt  }
0x4a: {  	_ =	shalt  }
0x4b: {  	_ =	shalt  }
0x4c: {  	_ =	shalt  }
0x4d: {  	_ =	shalt  }
0x4e: {  	_ =	shalt  }
0x4f: {  	_ =	shalt  }
0x50: {  	_ =	shalt  }
0x51: {  	_ =	shalt  }
0x52: {  	_ =	shalt  }
0x53: {  	_ =	shalt  }
0x54: {  	_ =	shalt  }
0x55: {  	_ =	shalt  }
0x56: {  	_ =	shalt  }
0x57: {  	_ =	shalt  }
0x58: {  	_ =	shalt  }
0x59: {  	_ =	shalt  }
0x5a: {  	_ =	shalt  }
0x5b: {  	_ =	shalt  }
0x5c: {  	_ =	shalt  }
0x5d: {  	_ =	shalt  }
0x5e: {  	_ =	shalt  }
0x5f: {  	_ =	shalt  }
0x60: {  	_ =	shalt  }
0x61: {  	_ =	shalt  }
0x62: {  	_ =	shalt  }
0x63: {  	_ =	shalt  }
0x64: {  	_ =	shalt  }
0x65: {  	_ =	shalt  }
0x66: {  	_ =	shalt  }
0x67: {  	_ =	shalt  }
0x68: {  	_ =	shalt  }
0x69: {  	_ =	shalt  }
0x6a: {  	_ =	shalt  }
0x6b: {  	_ =	shalt  }
0x6c: {  	_ =	shalt  }
0x6d: {  	_ =	shalt  }
0x6e: {  	_ =	shalt  }
0x6f: {  	_ =	shalt  }
0x70: {  	_ =	shalt  }
0x71: {  	_ =	shalt  }
0x72: {  	_ =	shalt  }
0x73: {  	_ =	shalt  }
0x74: {  	_ =	shalt  }
0x75: {  	_ =	shalt  }
0x76: {  	_ =	shalt  }
0x77: {  	_ =	shalt  }
0x78: {  	_ =	shalt  }
0x79: {  	_ =	shalt  }
0x7a: {  	_ =	shalt  }
0x7b: {  	_ =	shalt  }
0x7c: {  	_ =	shalt  }
0x7d: {  	_ =	shalt  }
0x7e: {  	_ =	shalt  }
0x7f: {  	_ =	shalt  }
0x80: {  	_ =	shalt  }
0x81: {  	_ =	shalt  }
0x82: {  	_ =	shalt  }
0x83: {  	_ =	shalt  }
0x84: {  	_ =	shalt  }
0x85: {  	_ =	shalt  }
0x86: {  	_ =	shalt  }
0x87: {  	_ =	shalt  }
.Lfunc_end0:
.L_simem_size_0:
called_computation.1_lowered:
.L_overlay_start_0:
0x88: {  	s2 =	sld [smem:$0x3FD9]  }
0x89: {  	s3 =	sld [smem:$0x3FFE];
	_ =	sdelay $0x1  }
0x8a: {  	s1 =	srdreg.scid  }
0x8b: {  	s0 =	sand.u32 $0x1, s1  }
0x8c: {  	s17 =	sshll.u32 s0, $0xA;
	s2 =	sadd.s32 s3, s2  }
0x8d: {  	s2 =	sadd.s32 s2, s17  }
0x8e: {  	[smem:$0x3FC6] =	sst s2  }
0x8f: {  	_ = 	snop  }
0x90: {  	s2 =	sld [smem:$0x3FD0];
	(tm) =	ssettm $0x1  }
0x91: {  	s18 =	sld [smem:$0x3FFB];
	_ =	sdelay $0x3  }
0x92: {  	_ =	strace s18  }
0x93: {  	s3 =	sld [smem:$0x3FFC];
	_ =	sdelay $0x3  }
0x94: {  	_ =	strace s3  }
0x95: {  	s3 =	sld [smem:$0x3FFD];
	_ =	sdelay $0x3  }
0x96: {  	_ =	strace s3  }
0x97: {  	_ =	strace $0x8FFFFFFF  }
0x98: {  	s19 =	sld [smem:$0x3FDB];
	_ =	sdelay $0x1  }
0x99: {  	s4 =	simm.s32 $_scs_section_size  }
0x9a: {  	s5 =	simm.s32 $_size__tile_overlayer_lowered;
	s6 =	simm.s32 $_tile_overlayer_lowered  }
0x9b: {  	s22 =	simm.s32 $0x1BFF;
	s21 =	sshll.u32 s6, $0x1;
	s3 =	sadd.s32 s4, s19  }
0x9c: {  	s7 =	simm.s32 $0x0;
	s20 =	sshll.u32 s5, $0x1;
	s5 =	sadd.s32 s21, s3  }
0x9d: {  	[timem:s7], [sflag:s22] =	dma.local [hbm:s5], s20  }
0x9e: {  	_ =	swait.ge [sflag:s22], s20  }
0x9f: {  	s4 =	ssub.s32 $0x0, s20;
	[sflag:s22] =	ssyncset.done $0x0  }
0xa0: {  	[sflag:s22] =	ssyncadd.s32 s4;
	_ =	sdelay $0x1  }
0xa1: {  	s23 =	simm.s32 $0x1B8B  }
0xa2: {  	_ =	swait.ge [sflag:s23], $0x1  }
0xa3: {  	[sflag:s23] =	ssyncset.done $0x0  }
0xa4: {  	s25 =	simm.s32 $0x1B8E;
	s24 =	sld [smem:$0x3FFE];
	[sflag:s23] =	ssyncadd.s32 $0xFFFFFFFF  }
0xa5: {  	s26 =	simm.s32 $execute0_lowered;
	[smem:$0x3FD2] =	sst s25  }
0xa6: {  	s5 =	sshll.u32 s26, $0x1;
	_ =	strace $0x80000049;
	[dreg:$0x1] =	wrdreg $0xFFFFFFFF  }
0xa7: {  	s28 =	simm.s32 $_size_execute0_lowered;
	s3 =	sadd.s32 s3, s5;
	[dreg:$0x0] =	wrdreg $0x0  }
0xa8: {  	s5 =	sshll.u32 s28, $0x1;
	[dreg:$0x2] =	wrdreg s3  }
0xa9: {  	[dreg:$0x3] =	wrdreg s5  }
0xaa: {  	[dreg:$0x4] =	wrdreg $0xC0  }
0xab: {  	_ =	task [dreg:s7], $0x5FFFF  }
0xac: {  	[dreg:$0x1] =	wrdreg $0xFFFFFFFF  }
0xad: {  	[dreg:$0x0] =	wrdreg $0x60  }
0xae: {  	[dreg:$0x2] =	wrdreg s24  }
0xaf: {  	[dreg:$0x3] =	wrdreg s2  }
0xb0: {  	[dreg:$0x4] =	wrdreg $0x61000  }
0xb1: {  	[dreg:$0x5] =	wrdreg $0x9  }
0xb2: {  	_ =	task.clear_ibuf [dreg:s7], $0x6FFFF;
	_ =	strace $0x90000049  }
0xb3: {  	s29 =	simm.s32 $0x9;
	_ =	strace $0x8000004B  }
0xb4: {  	_ =	swait.ge [sflag:s29], $0x1  }
0xb5: {  	[sflag:s29] =	ssyncadd.s32 $0xFFFFFFFF  }
0xb6: {  	_ =	strace $0x9000004B  }
0xb7: {  	_ =	sfence  }
0xb8: {  	s30 =	sld [smem:$0x0];
	_ =	sdelay $0x2  }
0xb9: {  	s31 =	sshll.u32 s1, $0xD;
	s1 =	sshrl.u32 s1, $0x2  }
0xba: {  	s3 =	sand.u32 $0x4000, s31;
	s1 =	sadd.s32 s1, s30  }
0xbb: {  	s0 =	sor.u32 s3, s0;
	s1 =	sshll.u32 s1, $0x11  }
0xbc: {  	s0 =	sor.u32 s1, s0  }
0xbd: {  	s0 =	sadd.s32 $0x8F2B, s0  }
0xbe: {  	[sflag:s0] =	ssyncadd.remote.s32 $0x1  }
0xbf: {  	_ =	sfence.sel $0xFFFF  }
0xc0: {  	[dreg:$0x0] =	wrdreg $0xFFFFFFFF;
	(pc) =	sbr.abs _section_cstart, $3  }
0xc1: {  	[dreg:$0x1] =	wrdreg $0xFFFFFFFF  }
0xc2: {  	_ =	task.clear_ibuf [dreg:s7], $0x2FFFF;
	_ =	strace $0x9FFFFFFF  }
0xc3: {  	(tm) =	ssettm $0x7FFFFFFF  }
tec
execute0_lowered:
.L_overlay_start_1:
0x0: {  	(tag) =	ssettag $0x1  }
0x1: {  	s0 =	rddreg [dreg:$0x0];
	s1 =	srdreg.scid  }
0x2: {  	s3 =	rddreg [dreg:$0x1];
	s14 =	stileid.u32;
	s29 =	simm.s32 $0x2  }
0x3: {  	s30 =	simm.s32 $0x2000;
	s4 =	sand.u32 $0x1, s1;
	s5 =	smul.u32 $0x14000, s14  }
0x4: {  	s31 =	simm.s32 $0x2080;
	s1 =	simm.s32 $0x0;
	s12 =	smul.u32 $0x5000, s4  }
0x5: {  	s11 =	sadd.s32 $0x5BC00, s0;
	s2 =	ssub.s32 $0x2, s4;
	s4 =	smul.u32 $0x140000, s4  }
0x6: {  	[smem:$0x7FF] =	sst s1;
	s6 =	sshrl.u32 s2, $0x1;
	s17 =	sor.u32 $0x2000, s5  }
0x7: {  	s18 =	sadd.s32 $0x4000, s5;
	s19 =	sadd.s32 $0x6000, s5;
	s20 =	sadd.s32 $0x8000, s5  }
0x8: {  	s21 =	sadd.s32 $0xA000, s5;
	s22 =	sadd.s32 $0xC000, s5;
	s23 =	sadd.s32 $0xE000, s5  }
0x9: {  	s24 =	sadd.s32 $0x10000, s5;
	s2 =	ssub.s32 s2, s6;
	s25 =	sadd.s32 s5, s4  }
0xa: {  	s5 =	sadd.s32 $0x12000, s5;
	s26 =	sadd.s32 s4, s17;
	s7 =	sadd.s32 s4, s18  }
0xb: {  	s8 =	sadd.s32 s4, s19;
	s13 =	sadd.s32 s4, s20;
	s15 =	sadd.s32 s4, s21  }
0xc: {  	s16 =	sadd.s32 s4, s22;
	s3 =	sadd.s32 s12, s3;
	s6 =	sshrl.u32 s25, $0x3  }
0xd: {  	s7 =	sshrl.u32 s7, $0x3;
	s9 =	sshrl.u32 s8, $0x3;
	s6 =	sadd.s32 s11, s6  }
0xe: {  	s8 =	sshrl.u32 s16, $0x3;
	s10 =	sadd.s32 s11, s9;
	[dreg:$0x4] =	wrdreg s6  }
0xf: {  	s9 =	sadd.s32 s4, s23;
	s6 =	sshrl.u32 s26, $0x3;
	[dreg:$0x7] =	wrdreg s10  }
0x10: {  	s26 =	sadd.s32 s11, s8;
	s9 =	sshrl.u32 s9, $0x3;
	s10 =	sadd.s32 s4, s24  }
0x11: {  	s4 =	sadd.s32 s4, s5;
	s6 =	sadd.s32 s11, s6;
	[dreg:$0xa] =	wrdreg s26  }
0x12: {  	s9 =	sadd.s32 s11, s9;
	s10 =	sshrl.u32 s10, $0x3;
	s4 =	sshrl.u32 s4, $0x3  }
0x13: {  	[dreg:$0x5] =	wrdreg s6;
	s6 =	sadd.s32 s11, s7;
	s7 =	sshrl.u32 s15, $0x3  }
0x14: {  	s10 =	sadd.s32 s11, s10;
	s15 =	smul.u32 $0x50000, s14;
	[dreg:$0x6] =	wrdreg s6  }
0x15: {  	s6 =	sshrl.u32 s13, $0x3;
	s25 =	sadd.s32 s11, s7;
	s7 =	smul.u32 $0x500, s14  }
0x16: {  	s13 =	sadd.s32 s12, s0;
	s12 =	simm.s32 $0x80;
	s6 =	sadd.s32 s11, s6  }
0x17: {  	[dreg:$0x9] =	wrdreg s25;
	s11 =	sadd.s32 s11, s4;
	s26 =	sshrl.u32 s15, $0x2  }
0x18: {  	s15 =	sadd.s32 $0x29600, s0;
	s0 =	simm.s32 $0x2100;
	[dreg:$0x8] =	wrdreg s6  }
0x19: {  	s8 =	sadd.s32 s7, s13;
	s13 =	rddreg [dreg:$0x2];
	s14 =	sadd.s32 s7, s3  }
0x1a: {  	s3 =	simm.s32 $0x0;
	_ =	strace $0x8000004A;
	s16 =	sadd.s32 s26, s13  }
0x1b: {  	s17 =	sadd.s32 s17, s13;
	s18 =	sadd.s32 s18, s13;
	s19 =	sadd.s32 s19, s13  }
0x1c: {  	s20 =	sadd.s32 s20, s13;
	s21 =	sadd.s32 s21, s13;
	s22 =	sadd.s32 s22, s13  }
0x1d: {  	s23 =	sadd.s32 s23, s13;
	s24 =	sadd.s32 s24, s13;
	s25 =	sadd.s32 s5, s13  }
0x1e: {  	v0 =	vimm.f32 $0.0e+00;
	s26 =	smax.u32 s2, $0x1;
	s28 =	sadd.s32 $0x51C00, s8;
	s2 =	simm.s32 $0x1  }
.LBB2_1:
0x1f: {  	s4 =	simm.s32 $0x0;
	s5 =	simm.s32 $0x200  }
.LBB2_2:
0x20: {  	p0 =	sne.s32 s5, $0x7E00;
	[tilespmem:s4+$0x70] =	vst v0  }
0x21: {  	[tilespmem:s4+$0x0] =	vst v0  }
0x22: {  	[tilespmem:s4+$0x10] =	vst v0  }
.Ltmp0:
0x23: {  	[tilespmem:s4+$0x20] =	vst v0;
	(pc) =	sbr.rel @p0 .LBB2_2-.Ltmp0, $4  }
0x24: {  	[tilespmem:s4+$0x30] =	vst v0  }
0x25: {  	[tilespmem:s4+$0x40] =	vst v0  }
0x26: {  	[tilespmem:s4+$0x50] =	vst v0  }
0x27: {  	[tilespmem:s4+$0x60] =	vst v0;
	s4 =	sshra.s32 s5, $0x2;
	s5 =	sadd.s32 $0x200, s5  }
0x28: {  	[tilespmem:s4+$0x70] =	vst v0  }
0x29: {  	[tilespmem:s4+$0x0] =	vst v0  }
0x2a: {  	[tilespmem:s4+$0x10] =	vst v0  }
0x2b: {  	[tilespmem:s4+$0x20] =	vst v0  }
0x2c: {  	[tilespmem:s4+$0x30] =	vst v0  }
0x2d: {  	[tilespmem:s4+$0x40] =	vst v0  }
0x2e: {  	[tilespmem:s4+$0x50] =	vst v0  }
0x2f: {  	[tilespmem:s4+$0x60] =	vst v0;
	s6 =	simm.s32 $0x0  }
0x30: {  	[spmem:s16] =	stream.linear.scatter [tilespmem:s6], [sflag:$0x2], $0x2000, $0x38;
	[tilespmem:$0x1A100] =	vst v63  }
0x31: {  	_ =	swait.ge [sflag:s29], $0x2000  }
0x32: {  	[sflag:s29] =	ssyncset.done $0x0  }
0x33: {  	[sflag:s29] =	ssyncadd.s32 $0xFFFFE000  }
0x34: {  	[spmem:s17] =	stream.linear.scatter [tilespmem:s6], [sflag:$0x2], $0x2000, $0x38;
	[tilespmem:$0x1A100] =	vst v63  }
0x35: {  	_ =	swait.ge [sflag:s29], $0x2000  }
0x36: {  	[sflag:s29] =	ssyncset.done $0x0  }
0x37: {  	[sflag:s29] =	ssyncadd.s32 $0xFFFFE000  }
0x38: {  	[spmem:s18] =	stream.linear.scatter [tilespmem:s6], [sflag:$0x2], $0x2000, $0x38;
	[tilespmem:$0x1A100] =	vst v63  }
0x39: {  	_ =	swait.ge [sflag:s29], $0x2000  }
0x3a: {  	[sflag:s29] =	ssyncset.done $0x0  }
0x3b: {  	[sflag:s29] =	ssyncadd.s32 $0xFFFFE000  }
0x3c: {  	[spmem:s19] =	stream.linear.scatter [tilespmem:s6], [sflag:$0x2], $0x2000, $0x38;
	[tilespmem:$0x1A100] =	vst v63  }
0x3d: {  	_ =	swait.ge [sflag:s29], $0x2000  }
0x3e: {  	[sflag:s29] =	ssyncset.done $0x0  }
0x3f: {  	[sflag:s29] =	ssyncadd.s32 $0xFFFFE000  }
0x40: {  	[spmem:s20] =	stream.linear.scatter [tilespmem:s6], [sflag:$0x2], $0x2000, $0x38;
	[tilespmem:$0x1A100] =	vst v63  }
0x41: {  	_ =	swait.ge [sflag:s29], $0x2000  }
0x42: {  	[sflag:s29] =	ssyncset.done $0x0  }
0x43: {  	[sflag:s29] =	ssyncadd.s32 $0xFFFFE000  }
0x44: {  	[spmem:s21] =	stream.linear.scatter [tilespmem:s6], [sflag:$0x2], $0x2000, $0x38;
	[tilespmem:$0x1A100] =	vst v63  }
0x45: {  	_ =	swait.ge [sflag:s29], $0x2000  }
0x46: {  	[sflag:s29] =	ssyncset.done $0x0  }
0x47: {  	[sflag:s29] =	ssyncadd.s32 $0xFFFFE000  }
0x48: {  	[spmem:s22] =	stream.linear.scatter [tilespmem:s6], [sflag:$0x2], $0x2000, $0x38;
	[tilespmem:$0x1A100] =	vst v63  }
0x49: {  	_ =	swait.ge [sflag:s29], $0x2000  }
0x4a: {  	[sflag:s29] =	ssyncset.done $0x0  }
0x4b: {  	[sflag:s29] =	ssyncadd.s32 $0xFFFFE000  }
0x4c: {  	[spmem:s23] =	stream.linear.scatter [tilespmem:s6], [sflag:$0x2], $0x2000, $0x38;
	[tilespmem:$0x1A100] =	vst v63  }
0x4d: {  	_ =	swait.ge [sflag:s29], $0x2000  }
0x4e: {  	[sflag:s29] =	ssyncset.done $0x0  }
0x4f: {  	[sflag:s29] =	ssyncadd.s32 $0xFFFFE000  }
0x50: {  	[spmem:s24] =	stream.linear.scatter [tilespmem:s6], [sflag:$0x2], $0x2000, $0x38;
	[tilespmem:$0x1A100] =	vst v63  }
0x51: {  	_ =	swait.ge [sflag:s29], $0x2000  }
0x52: {  	[sflag:s29] =	ssyncset.done $0x0  }
0x53: {  	[sflag:s29] =	ssyncadd.s32 $0xFFFFE000  }
0x54: {  	[spmem:s25] =	stream.linear.scatter [tilespmem:s6], [sflag:$0x2], $0x2000, $0x38;
	[tilespmem:$0x1A100] =	vst v63  }
0x55: {  	_ =	swait.ge [sflag:s29], $0x2000  }
0x56: {  	[sflag:s29] =	ssyncset.done $0x0  }
0x57: {  	[sflag:s29] =	ssyncadd.s32 $0xFFFFE000  }
0x58: {  	s7 =	sadd.s32 $0x0, s14;
	[bflag:$0x0] =	sbarrier.arrive $0xFFFF  }
0x59: {  	[tilespmem:s30], [sflag:$0x2] =	stream.linear.gather [hbm4b:s7+s1], $0x80, $0x38;
	[tilespmem:$0x1A100] =	vst v63  }
0x5a: {  	_ =	swait.ge [sflag:s29], $0x80  }
0x5b: {  	[sflag:s29] =	ssyncset.done $0x0  }
0x5c: {  	s8 =	sadd.s32 $0x0, s28;
	[sflag:s29] =	ssyncadd.s32 $0xFFFFFF80  }
0x5d: {  	[tilespmem:s31], [sflag:$0x2] =	stream.linear.gather [hbm4b:s8+s1], $0x80, $0x38;
	[tilespmem:$0x1A100] =	vst v63  }
0x5e: {  	_ =	swait.ge [sflag:s29], $0x80  }
0x5f: {  	[sflag:s29] =	ssyncset.done $0x0  }
0x60: {  	[sflag:s29] =	ssyncadd.s32 $0xFFFFFF80  }
0x61: {  	[tilespmem:s0], [sflag:$0x1] =	stream.indirect.gather [hbm4b:s15+s12], $0x80, s30, s12, $0xb8;
	[tilespmem:$0x1A100] =	vst v63  }
0x62: {  	_ =	swait.ge [sflag:s2], $0x4000  }
0x63: {  	[sflag:s2] =	ssyncset.done $0x0  }
0x64: {  	[sflag:s2] =	ssyncadd.s32 $0xFFFFC000  }
0x65: {  	[spmem:s13] =	stream.indirect.scatter.add.f32 [tilespmem:s0], [sflag:$0x2], $0x80, s31, s12, $0xb8;
	[tilespmem:$0x1A100] =	vst v63  }
0x66: {  	_ =	swait.ge [sflag:s29], $0x4000  }
0x67: {  	s4 =	simm.s32 $0x10;
	s5 =	simm.s32 $0x20;
	[sflag:s29] =	ssyncset.done $0x0  }
.LBB2_4:
0x68: {  	s6 =	sadd.s32 s4, s14  }
0x69: {  	[sflag:s29] =	ssyncadd.s32 $0xFFFFC000;
	s7 =	smov.u32 s5;
	s8 =	sadd.s32 $0x10, s5  }
0x6a: {  	[tilespmem:s30], [sflag:$0x2] =	stream.linear.gather [hbm4b:s6+s1], $0x80, $0x38;
	[tilespmem:$0x1A100] =	vst v63  }
0x6b: {  	p0 =	sne.s32 s5, $0x4F0;
	_ =	swait.ge [sflag:s29], $0x80  }
0x6c: {  	[sflag:s29] =	ssyncset.done $0x0  }
0x6d: {  	s5 =	sadd.s32 s4, s28;
	s4 =	smov.u32 s7;
	[sflag:s29] =	ssyncadd.s32 $0xFFFFFF80  }
0x6e: {  	[tilespmem:s31], [sflag:$0x2] =	stream.linear.gather [hbm4b:s5+s1], $0x80, $0x38;
	[tilespmem:$0x1A100] =	vst v63  }
0x6f: {  	_ =	swait.ge [sflag:s29], $0x80  }
0x70: {  	[sflag:s29] =	ssyncset.done $0x0  }
0x71: {  	[sflag:s29] =	ssyncadd.s32 $0xFFFFFF80  }
0x72: {  	[tilespmem:s0], [sflag:$0x1] =	stream.indirect.gather [hbm4b:s15+s12], $0x80, s30, s12, $0xb8;
	[tilespmem:$0x1A100] =	vst v63  }
0x73: {  	_ =	swait.ge [sflag:s2], $0x4000  }
.Ltmp1:
0x74: {  	[sflag:s2] =	ssyncset.done $0x0;
	(pc) =	sbr.rel @p0 .LBB2_4-.Ltmp1, $4  }
0x75: {  	[sflag:s2] =	ssyncadd.s32 $0xFFFFC000  }
0x76: {  	[spmem:s13] =	stream.indirect.scatter.add.f32 [tilespmem:s0], [sflag:$0x2], $0x80, s31, s12, $0xb8;
	[tilespmem:$0x1A100] =	vst v63  }
0x77: {  	_ =	swait.ge [sflag:s29], $0x4000  }
0x78: {  	s5 =	smov.u32 s8;
	[sflag:s29] =	ssyncset.done $0x0  }
0x79: {  	s5 =	sadd.s32 s4, s14;
	[sflag:s29] =	ssyncadd.s32 $0xFFFFC000  }
0x7a: {  	[tilespmem:s30], [sflag:$0x2] =	stream.linear.gather [hbm4b:s5+s1], $0x80, $0x38;
	[tilespmem:$0x1A100] =	vst v63  }
0x7b: {  	_ =	swait.ge [sflag:s29], $0x80  }
0x7c: {  	[sflag:s29] =	ssyncset.done $0x0  }
0x7d: {  	s5 =	sadd.s32 s4, s28;
	[sflag:s29] =	ssyncadd.s32 $0xFFFFFF80  }
0x7e: {  	[tilespmem:s31], [sflag:$0x2] =	stream.linear.gather [hbm4b:s5+s1], $0x80, $0x38;
	[tilespmem:$0x1A100] =	vst v63  }
0x7f: {  	_ =	swait.ge [sflag:s29], $0x80  }
0x80: {  	[sflag:s29] =	ssyncset.done $0x0  }
0x81: {  	[sflag:s29] =	ssyncadd.s32 $0xFFFFFF80  }
0x82: {  	[tilespmem:s0], [sflag:$0x1] =	stream.indirect.gather [hbm4b:s15+s12], $0x80, s30, s12, $0xb8;
	[tilespmem:$0x1A100] =	vst v63  }
0x83: {  	_ =	swait.ge [sflag:s2], $0x4000  }
0x84: {  	[sflag:s2] =	ssyncset.done $0x0  }
0x85: {  	[sflag:s2] =	ssyncadd.s32 $0xFFFFC000  }
0x86: {  	[spmem:s13] =	stream.indirect.scatter.add.f32 [tilespmem:s0], [sflag:$0x2], $0x80, s31, s12, $0xb8;
	[tilespmem:$0x1A100] =	vst v63  }
0x87: {  	_ =	swait.ge [sflag:s29], $0x4000  }
0x88: {  	[sflag:s29] =	ssyncset.done $0x0  }
0x89: {  	[sflag:s29] =	ssyncadd.s32 $0xFFFFC000  }
0x8a: {  	[bflag:$0x0] =	sbarrier.arrive $0xFFFF  }
0x8b: {  	[tilespmem:s1], [sflag:$0x2] =	stream.linear.gather [spmem:s16], $0x2000, $0x38;
	[tilespmem:$0x1A100] =	vst v63  }
0x8c: {  	_ =	swait.ge [sflag:s29], $0x2000  }
0x8d: {  	[sflag:s29] =	ssyncset.done $0x0  }
0x8e: {  	s6 =	rddreg [dreg:$0x4];
	[sflag:s29] =	ssyncadd.s32 $0xFFFFE000  }
0x8f: {  	[hbm4b:s6+s1] =	stream.linear.scatter [tilespmem:s1], [sflag:$0x2], $0x2000, $0x38;
	[tilespmem:$0x1A100] =	vst v63  }
0x90: {  	_ =	swait.ge [sflag:s29], $0x2000  }
0x91: {  	[sflag:s29] =	ssyncset.done $0x0  }
0x92: {  	[sflag:s29] =	ssyncadd.s32 $0xFFFFE000  }
0x93: {  	[tilespmem:s1], [sflag:$0x2] =	stream.linear.gather [spmem:s17], $0x2000, $0x38;
	[tilespmem:$0x1A100] =	vst v63  }
0x94: {  	_ =	swait.ge [sflag:s29], $0x2000  }
0x95: {  	[sflag:s29] =	ssyncset.done $0x0  }
0x96: {  	s7 =	rddreg [dreg:$0x5];
	[sflag:s29] =	ssyncadd.s32 $0xFFFFE000  }
0x97: {  	[hbm4b:s7+s1] =	stream.linear.scatter [tilespmem:s1], [sflag:$0x2], $0x2000, $0x38;
	[tilespmem:$0x1A100] =	vst v63  }
0x98: {  	_ =	swait.ge [sflag:s29], $0x2000  }
0x99: {  	[sflag:s29] =	ssyncset.done $0x0  }
0x9a: {  	[sflag:s29] =	ssyncadd.s32 $0xFFFFE000  }
0x9b: {  	[tilespmem:s1], [sflag:$0x2] =	stream.linear.gather [spmem:s18], $0x2000, $0x38;
	[tilespmem:$0x1A100] =	vst v63  }
0x9c: {  	_ =	swait.ge [sflag:s29], $0x2000  }
0x9d: {  	[sflag:s29] =	ssyncset.done $0x0  }
0x9e: {  	s8 =	rddreg [dreg:$0x6];
	[sflag:s29] =	ssyncadd.s32 $0xFFFFE000  }
0x9f: {  	[hbm4b:s8+s1] =	stream.linear.scatter [tilespmem:s1], [sflag:$0x2], $0x2000, $0x38;
	[tilespmem:$0x1A100] =	vst v63  }
0xa0: {  	_ =	swait.ge [sflag:s29], $0x2000  }
0xa1: {  	[sflag:s29] =	ssyncset.done $0x0  }
0xa2: {  	[sflag:s29] =	ssyncadd.s32 $0xFFFFE000  }
0xa3: {  	[tilespmem:s1], [sflag:$0x2] =	stream.linear.gather [spmem:s19], $0x2000, $0x38;
	[tilespmem:$0x1A100] =	vst v63  }
0xa4: {  	_ =	swait.ge [sflag:s29], $0x2000  }
0xa5: {  	[sflag:s29] =	ssyncset.done $0x0  }
0xa6: {  	s5 =	rddreg [dreg:$0x7];
	[sflag:s29] =	ssyncadd.s32 $0xFFFFE000  }
0xa7: {  	[hbm4b:s5+s1] =	stream.linear.scatter [tilespmem:s1], [sflag:$0x2], $0x2000, $0x38;
	[tilespmem:$0x1A100] =	vst v63  }
0xa8: {  	_ =	swait.ge [sflag:s29], $0x2000  }
0xa9: {  	[sflag:s29] =	ssyncset.done $0x0  }
0xaa: {  	[sflag:s29] =	ssyncadd.s32 $0xFFFFE000  }
0xab: {  	[tilespmem:s1], [sflag:$0x2] =	stream.linear.gather [spmem:s20], $0x2000, $0x38;
	[tilespmem:$0x1A100] =	vst v63  }
0xac: {  	_ =	swait.ge [sflag:s29], $0x2000  }
0xad: {  	[sflag:s29] =	ssyncset.done $0x0  }
0xae: {  	s6 =	rddreg [dreg:$0x8];
	[sflag:s29] =	ssyncadd.s32 $0xFFFFE000  }
0xaf: {  	[hbm4b:s6+s1] =	stream.linear.scatter [tilespmem:s1], [sflag:$0x2], $0x2000, $0x38;
	[tilespmem:$0x1A100] =	vst v63  }
0xb0: {  	_ =	swait.ge [sflag:s29], $0x2000  }
0xb1: {  	[sflag:s29] =	ssyncset.done $0x0  }
0xb2: {  	[sflag:s29] =	ssyncadd.s32 $0xFFFFE000  }
0xb3: {  	[tilespmem:s1], [sflag:$0x2] =	stream.linear.gather [spmem:s21], $0x2000, $0x38;
	[tilespmem:$0x1A100] =	vst v63  }
0xb4: {  	_ =	swait.ge [sflag:s29], $0x2000  }
0xb5: {  	[sflag:s29] =	ssyncset.done $0x0  }
0xb6: {  	s7 =	rddreg [dreg:$0x9];
	[sflag:s29] =	ssyncadd.s32 $0xFFFFE000  }
0xb7: {  	[hbm4b:s7+s1] =	stream.linear.scatter [tilespmem:s1], [sflag:$0x2], $0x2000, $0x38;
	[tilespmem:$0x1A100] =	vst v63  }
0xb8: {  	_ =	swait.ge [sflag:s29], $0x2000  }
0xb9: {  	[sflag:s29] =	ssyncset.done $0x0  }
0xba: {  	[sflag:s29] =	ssyncadd.s32 $0xFFFFE000  }
0xbb: {  	[tilespmem:s1], [sflag:$0x2] =	stream.linear.gather [spmem:s22], $0x2000, $0x38;
	[tilespmem:$0x1A100] =	vst v63  }
0xbc: {  	_ =	swait.ge [sflag:s29], $0x2000  }
0xbd: {  	[sflag:s29] =	ssyncset.done $0x0  }
0xbe: {  	s8 =	rddreg [dreg:$0xa];
	[sflag:s29] =	ssyncadd.s32 $0xFFFFE000  }
0xbf: {  	[hbm4b:s8+s1] =	stream.linear.scatter [tilespmem:s1], [sflag:$0x2], $0x2000, $0x38;
	[tilespmem:$0x1A100] =	vst v63  }
0xc0: {  	_ =	swait.ge [sflag:s29], $0x2000  }
0xc1: {  	[sflag:s29] =	ssyncset.done $0x0  }
0xc2: {  	[sflag:s29] =	ssyncadd.s32 $0xFFFFE000  }
0xc3: {  	[tilespmem:s1], [sflag:$0x2] =	stream.linear.gather [spmem:s23], $0x2000, $0x38;
	[tilespmem:$0x1A100] =	vst v63  }
0xc4: {  	_ =	swait.ge [sflag:s29], $0x2000  }
0xc5: {  	[sflag:s29] =	ssyncset.done $0x0  }
0xc6: {  	[sflag:s29] =	ssyncadd.s32 $0xFFFFE000  }
0xc7: {  	[hbm4b:s9+s1] =	stream.linear.scatter [tilespmem:s1], [sflag:$0x2], $0x2000, $0x38;
	[tilespmem:$0x1A100] =	vst v63  }
0xc8: {  	_ =	swait.ge [sflag:s29], $0x2000  }
0xc9: {  	[sflag:s29] =	ssyncset.done $0x0  }
0xca: {  	[sflag:s29] =	ssyncadd.s32 $0xFFFFE000  }
0xcb: {  	[tilespmem:s1], [sflag:$0x2] =	stream.linear.gather [spmem:s24], $0x2000, $0x38;
	[tilespmem:$0x1A100] =	vst v63  }
0xcc: {  	_ =	swait.ge [sflag:s29], $0x2000  }
0xcd: {  	[sflag:s29] =	ssyncset.done $0x0  }
0xce: {  	[sflag:s29] =	ssyncadd.s32 $0xFFFFE000  }
0xcf: {  	[hbm4b:s10+s1] =	stream.linear.scatter [tilespmem:s1], [sflag:$0x2], $0x2000, $0x38;
	[tilespmem:$0x1A100] =	vst v63  }
0xd0: {  	_ =	swait.ge [sflag:s29], $0x2000  }
0xd1: {  	[sflag:s29] =	ssyncset.done $0x0  }
0xd2: {  	[sflag:s29] =	ssyncadd.s32 $0xFFFFE000  }
0xd3: {  	[tilespmem:s1], [sflag:$0x2] =	stream.linear.gather [spmem:s25], $0x2000, $0x38;
	[tilespmem:$0x1A100] =	vst v63  }
0xd4: {  	s3 =	sadd.s32 $0x1, s3;
	_ =	swait.ge [sflag:s29], $0x2000  }
0xd5: {  	p0 =	sne.s32 s3, s26;
	[sflag:s29] =	ssyncset.done $0x0  }
.Ltmp2:
0xd6: {  	[sflag:s29] =	ssyncadd.s32 $0xFFFFE000;
	(pc) =	sbr.rel @p0 .LBB2_1-.Ltmp2, $4  }
0xd7: {  	[hbm4b:s11+s1] =	stream.linear.scatter [tilespmem:s1], [sflag:$0x2], $0x2000, $0x38;
	[tilespmem:$0x1A100] =	vst v63  }
0xd8: {  	_ =	swait.ge [sflag:s29], $0x2000  }
0xd9: {  	[sflag:s29] =	ssyncset.done $0x0  }
0xda: {  	[sflag:s29] =	ssyncadd.s32 $0xFFFFE000  }
0xdb: {  	_ =	sfence.sel $0x180000  }
0xdc: {  	[bflag:$0x0] =	sbarrier.arrive $0xFFFF  }
0xdd: {  	_ =	strace $0x9000004A  }
0xde: {  	s0 =	stileid.u32;
	[bflag:$0x2] =	sbarrier.arrive $0xFFFF  }
0xdf: {  	p0 =	sne.s32 s0, $0x0;
	s0 =	rddreg [dreg:$0x3]  }
0xe0: {  	s0 =	sadd.s32 @!p0 $0x100000, s0  }
0xe1: {  	[sflag:s0] =	ssyncadd.tile.s32 @!p0 $0x1;
	_ =	shalt  }
.Lfunc_end2:
_tile_overlayer_lowered:
.L_overlay_start_2:
0xe2: {  	(tag) =	ssettag $0x2  }
0xe3: {  	s0 =	rddreg [dreg:$0x0];
	s2 =	stileid.u32  }
0xe4: {  	s1 =	rddreg [dreg:$0x1];
	p0 =	sne.s32 s2, $0x0  }
0xe5: {  	s3 =	rddreg [dreg:$0x2];
	[bflag:$0x3] =	sbarrier.arrive $0xFFFF;
	s2 =	simm.s32 @!p0 $0x1C02  }
0xe6: {  	[timem:s3], [sflag:s2] =	dma.local @!p0 [hbm:s0], s1  }
0xe7: {  	s0 =	simm.s32 @!p0 $0x2  }
0xe8: {  	_ =	swait.ge @!p0 [sflag:s0], s1  }
0xe9: {  	s1 =	ssub.s32 @!p0 $0x0, s1;
	[sflag:s0] =	ssyncset.done @!p0 $0x0  }
0xea: {  	[sflag:s0] =	ssyncadd.s32 @!p0 s1  }
0xeb: {  	[bflag:$0x3] =	sbarrier.arrive $0xFFFF  }
0xec: {  	_ =	shalt  }

// kernel: kernel.13.cloned.1.call-start
scs
__scs_entry_jumppad:
0x0: {  	(pc) =	sbr.rel $0x88, $3  }
0x1: {  	(tag) =	ssettag $0x0;
	lr =	simm.s32 $0x1  }
0x2: {  	[smem:$0x3F9F] =	sst lr;
	_ =	strace $0xD0000000  }
0x3: {  	_ = 	snop  }
0x4: {  	_ = 	snop  }
0x5: {  	_ = 	snop  }
0x6: {  	_ = 	snop  }
0x7: {  	_ = 	snop  }
__scs_overlays_trampoline_lowered:
0x8: {  	[smem:$0x3FAE] =	sst s0  }
0x9: {  	[smem:$0x3FAF] =	sst s1  }
0xa: {  	[smem:$0x3FB0] =	sst s2  }
0xb: {  	[smem:$0x3FB1] =	sst s3  }
0xc: {  	[smem:$0x3FB2] =	sst s4  }
0xd: {  	[smem:$0x3FB3] =	sst s5  }
0xe: {  	[smem:$0x3FB4] =	sst s6  }
0xf: {  	[smem:$0x3FB5] =	sst s7  }
0x10: {  	[smem:$0x3FB6] =	sst s8  }
0x11: {  	[smem:$0x3FB7] =	sst s9;
	s0 =	simm.s32 @!p0 $0x0  }
0x12: {  	s1 =	sld [smem:$0x3F9D];
	s0 =	simm.s32 @p0 $0x1  }
0x13: {  	[smem:$0x3FB8] =	sst s0;
	s0 =	simm.s32 @!p1 $0x0  }
0x14: {  	s2 =	sld [smem:$0x3F9C];
	s0 =	simm.s32 @p1 $0x1  }
0x15: {  	[smem:$0x3FB9] =	sst s0;
	s0 =	simm.s32 @!p2 $0x0  }
0x16: {  	s3 =	sld [smem:$0x3FDB];
	s0 =	simm.s32 @p2 $0x1  }
0x17: {  	s4 =	simm.s32 $0x1BF5;
	[smem:$0x3FBB] =	sst s0  }
0x18: {  	s0 =	sld [smem:$0x3F9E];
	_ =	swait.ge [sflag:s4], $0x0  }
0x19: {  	s7 =	sld [smem:$0x3F9F]  }
0x1a: {  	s8 =	sadd.s32 $0xFFFFE003, lr  }
0x1b: {  	s9 =	sadd.s32 $0xFFFFFEF7, lr;
	s5 =	simm.s32 $0xFFFFFFFF;
	p2 =	slt.u32 s8, $0xFFFFF086  }
0x1c: {  	p1 =	slt.u32 s9, $0xF7A;
	s5 =	simm.s32 @!p2 $0x0  }
0x1d: {  	s5 =	simm.s32 @p1 $0x1;
	p0 =	seq.s32 s7, s2  }
0x1e: {  	s7 =	smul.u32 @!p0 $0xF7A, s2;
	p2 =	seq.s32 @!p0 s5, $0x0  }
0x1f: {  	s9 =	smul.u32 $0xF7A, s1;
	s8 =	simm.s32 @!p0 $0x1BF5;
	p2 =	por !p2, p0  }
0x20: {  	[sflag:s8] =	ssyncset.s32 @!p0 $0xFFFFF086;
	s6 =	sadd.s32 @!p0 s3, s7;
	s7 =	simm.s32 @!p0 $0x108  }
0x21: {  	s3 =	sadd.s32 s3, s9;
	s6 =	sadd.s32 @!p0 $0x88, s6;
	s7 =	simm.s32 @p2 $0x1082  }
0x22: {  	[simem:s7], [sflag:s8] =	dma.local @!p0 [hbm:s6], $0xF7A  }
0x23: {  	s9 =	sor.u32 $0xD0000000, s2;
	s6 =	simm.s32 $0x108;
	_ =	swait.ge @!p0 [sflag:s8], $0x0  }
0x24: {  	s3 =	sadd.s32 $0x88, s3;
	s6 =	simm.s32 @!p1 $0x1082;
	[sflag:s4] =	ssyncset.s32 $0xFFFFF086  }
0x25: {  	[simem:s6], [sflag:s4] =	dma.local [hbm:s3], $0xF7A  }
0x26: {  	[smem:$0x3F9F] =	sst s1;
	(tag) =	ssettag s2;
	_ =	strace s9  }
0x27: {  	s1 =	sld [smem:$0x3FAF]  }
0x28: {  	s2 =	sld [smem:$0x3FB0]  }
0x29: {  	s4 =	sld [smem:$0x3FB2]  }
0x2a: {  	p0 =	seq.s32 s5, $0x0;
	s5 =	sld [smem:$0x3FB3]  }
0x2b: {  	s6 =	sld [smem:$0x3FB4]  }
0x2c: {  	s7 =	sld [smem:$0x3FB5]  }
0x2d: {  	s3 =	simm.s32 $0x108;
	s8 =	sld [smem:$0x3FB6]  }
0x2e: {  	s3 =	simm.s32 @!p0 $0x1082;
	s9 =	sld [smem:$0x3FB7]  }
0x2f: {  	lr =	sadd.s32 s0, s3;
	s0 =	sld [smem:$0x3FAE]  }
0x30: {  	s3 =	sld [smem:$0x3FB1]  }
0x31: {  	[smem:$0x3FBA] =	sst s10  }
0x32: {  	s10 =	sld [smem:$0x3FB8];
	_ =	sdelay $0x3  }
0x33: {  	p0 =	seq.s32 s10, $0x1;
	s10 =	sld [smem:$0x3FBA];
	_ =	sdelay $0x3  }
0x34: {  	[smem:$0x3FBA] =	sst s10  }
0x35: {  	s10 =	sld [smem:$0x3FB9];
	_ =	sdelay $0x3  }
0x36: {  	p1 =	seq.s32 s10, $0x1;
	s10 =	sld [smem:$0x3FBA];
	_ =	sdelay $0x3  }
0x37: {  	[smem:$0x3FBA] =	sst s10  }
0x38: {  	s10 =	sld [smem:$0x3FBB]  }
0x39: {  	_ = 	snop;
	(pc) =	sbr.ind lr, $3  }
0x3a: {  	_ = 	snop  }
0x3b: {  	_ = 	snop  }
0x3c: {  	p2 =	seq.s32 s10, $0x1;
	s10 =	sld [smem:$0x3FBA]  }
0x3d: {  	_ =	shalt  }
0x3e: {  	_ =	shalt  }
0x3f: {  	_ =	shalt  }
0x40: {  	_ =	shalt  }
0x41: {  	_ =	shalt  }
0x42: {  	_ =	shalt  }
0x43: {  	_ =	shalt  }
0x44: {  	_ =	shalt  }
0x45: {  	_ =	shalt  }
0x46: {  	_ =	shalt  }
0x47: {  	_ =	shalt  }
0x48: {  	_ =	shalt  }
0x49: {  	_ =	shalt  }
0x4a: {  	_ =	shalt  }
0x4b: {  	_ =	shalt  }
0x4c: {  	_ =	shalt  }
0x4d: {  	_ =	shalt  }
0x4e: {  	_ =	shalt  }
0x4f: {  	_ =	shalt  }
0x50: {  	_ =	shalt  }
0x51: {  	_ =	shalt  }
0x52: {  	_ =	shalt  }
0x53: {  	_ =	shalt  }
0x54: {  	_ =	shalt  }
0x55: {  	_ =	shalt  }
0x56: {  	_ =	shalt  }
0x57: {  	_ =	shalt  }
0x58: {  	_ =	shalt  }
0x59: {  	_ =	shalt  }
0x5a: {  	_ =	shalt  }
0x5b: {  	_ =	shalt  }
0x5c: {  	_ =	shalt  }
0x5d: {  	_ =	shalt  }
0x5e: {  	_ =	shalt  }
0x5f: {  	_ =	shalt  }
0x60: {  	_ =	shalt  }
0x61: {  	_ =	shalt  }
0x62: {  	_ =	shalt  }
0x63: {  	_ =	shalt  }
0x64: {  	_ =	shalt  }
0x65: {  	_ =	shalt  }
0x66: {  	_ =	shalt  }
0x67: {  	_ =	shalt  }
0x68: {  	_ =	shalt  }
0x69: {  	_ =	shalt  }
0x6a: {  	_ =	shalt  }
0x6b: {  	_ =	shalt  }
0x6c: {  	_ =	shalt  }
0x6d: {  	_ =	shalt  }
0x6e: {  	_ =	shalt  }
0x6f: {  	_ =	shalt  }
0x70: {  	_ =	shalt  }
0x71: {  	_ =	shalt  }
0x72: {  	_ =	shalt  }
0x73: {  	_ =	shalt  }
0x74: {  	_ =	shalt  }
0x75: {  	_ =	shalt  }
0x76: {  	_ =	shalt  }
0x77: {  	_ =	shalt  }
0x78: {  	_ =	shalt  }
0x79: {  	_ =	shalt  }
0x7a: {  	_ =	shalt  }
0x7b: {  	_ =	shalt  }
0x7c: {  	_ =	shalt  }
0x7d: {  	_ =	shalt  }
0x7e: {  	_ =	shalt  }
0x7f: {  	_ =	shalt  }
0x80: {  	_ =	shalt  }
0x81: {  	_ =	shalt  }
0x82: {  	_ =	shalt  }
0x83: {  	_ =	shalt  }
0x84: {  	_ =	shalt  }
0x85: {  	_ =	shalt  }
0x86: {  	_ =	shalt  }
0x87: {  	_ =	shalt  }
.Lfunc_end0:
.L_simem_size_0:
called_computation.2_lowered:
.L_overlay_start_0:
0x88: {  	s2 =	sld [smem:$0x3FD9]  }
0x89: {  	s3 =	sld [smem:$0x3FFE];
	_ =	sdelay $0x1  }
0x8a: {  	s1 =	srdreg.scid  }
0x8b: {  	s0 =	sand.u32 $0x1, s1  }
0x8c: {  	s16 =	sshll.u32 s0, $0xA;
	s2 =	sadd.s32 s3, s2  }
0x8d: {  	s2 =	sadd.s32 s2, s16  }
0x8e: {  	[smem:$0x3FC6] =	sst s2  }
0x8f: {  	_ = 	snop  }
0x90: {  	(tm) =	ssettm $0x1  }
0x91: {  	s17 =	sld [smem:$0x3FFB];
	_ =	sdelay $0x3  }
0x92: {  	_ =	strace s17  }
0x93: {  	s2 =	sld [smem:$0x3FFC];
	_ =	sdelay $0x3  }
0x94: {  	_ =	strace s2  }
0x95: {  	s2 =	sld [smem:$0x3FFD];
	_ =	sdelay $0x3  }
0x96: {  	_ =	strace s2  }
0x97: {  	_ =	strace $0x8FFFFFFF  }
0x98: {  	s18 =	sld [smem:$0x3FDB];
	_ =	sdelay $0x1  }
0x99: {  	s19 =	simm.s32 $_scs_section_size  }
0x9a: {  	s4 =	simm.s32 $_size__tile_overlayer_lowered;
	s5 =	simm.s32 $_tile_overlayer_lowered  }
0x9b: {  	s22 =	simm.s32 $0x1BFF;
	s21 =	sshll.u32 s5, $0x1;
	s2 =	sadd.s32 s19, s18  }
0x9c: {  	s6 =	simm.s32 $0x0;
	s20 =	sshll.u32 s4, $0x1;
	s4 =	sadd.s32 s21, s2  }
0x9d: {  	[timem:s6], [sflag:s22] =	dma.local [hbm:s4], s20  }
0x9e: {  	_ =	swait.ge [sflag:s22], s20  }
0x9f: {  	s3 =	ssub.s32 $0x0, s20;
	[sflag:s22] =	ssyncset.done $0x0  }
0xa0: {  	[sflag:s22] =	ssyncadd.s32 s3;
	_ =	sdelay $0x1  }
0xa1: {  	s23 =	simm.s32 $0x1B8B  }
0xa2: {  	_ =	swait.ge [sflag:s23], $0x1  }
0xa3: {  	[sflag:s23] =	ssyncset.done $0x0  }
0xa4: {  	s25 =	simm.s32 $0x1B8E;
	s24 =	sld [smem:$0x3FFE];
	[sflag:s23] =	ssyncadd.s32 $0xFFFFFFFF  }
0xa5: {  	s26 =	simm.s32 $execute0_lowered;
	[smem:$0x3FD2] =	sst s25  }
0xa6: {  	s4 =	sshll.u32 s26, $0x1;
	_ =	strace $0x8000004C;
	[dreg:$0x1] =	wrdreg $0xFFFFFFFF  }
0xa7: {  	s28 =	simm.s32 $_size_execute0_lowered;
	s2 =	sadd.s32 s2, s4;
	[dreg:$0x0] =	wrdreg $0x0  }
0xa8: {  	s4 =	sshll.u32 s28, $0x1;
	[dreg:$0x2] =	wrdreg s2  }
0xa9: {  	[dreg:$0x3] =	wrdreg s4  }
0xaa: {  	[dreg:$0x4] =	wrdreg $0xC0  }
0xab: {  	_ =	task [dreg:s6], $0x5FFFF  }
0xac: {  	[dreg:$0x1] =	wrdreg $0xFFFFFFFF  }
0xad: {  	[dreg:$0x0] =	wrdreg $0x60  }
0xae: {  	[dreg:$0x2] =	wrdreg s24  }
0xaf: {  	[dreg:$0x3] =	wrdreg $0x9  }
0xb0: {  	_ =	task.clear_ibuf [dreg:s6], $0x4FFFF;
	_ =	strace $0x9000004C  }
0xb1: {  	s29 =	simm.s32 $0x9;
	_ =	strace $0x8000004E  }
0xb2: {  	_ =	swait.ge [sflag:s29], $0x1  }
0xb3: {  	[sflag:s29] =	ssyncadd.s32 $0xFFFFFFFF  }
0xb4: {  	_ =	strace $0x9000004E  }
0xb5: {  	_ =	sfence  }
0xb6: {  	s30 =	sld [smem:$0x0];
	_ =	sdelay $0x2  }
0xb7: {  	s31 =	sshll.u32 s1, $0xD;
	s1 =	sshrl.u32 s1, $0x2  }
0xb8: {  	s3 =	sand.u32 $0x4000, s31;
	s1 =	sadd.s32 s1, s30  }
0xb9: {  	s0 =	sor.u32 s3, s0;
	s1 =	sshll.u32 s1, $0x11  }
0xba: {  	s0 =	sor.u32 s1, s0  }
0xbb: {  	s0 =	sadd.s32 $0x8F2B, s0  }
0xbc: {  	[sflag:s0] =	ssyncadd.remote.s32 $0x1  }
0xbd: {  	_ =	sfence.sel $0xFFFF  }
0xbe: {  	[dreg:$0x0] =	wrdreg $0xFFFFFFFF;
	(pc) =	sbr.abs _section_cstart, $3  }
0xbf: {  	[dreg:$0x1] =	wrdreg $0xFFFFFFFF  }
0xc0: {  	_ =	task.clear_ibuf [dreg:s6], $0x2FFFF;
	_ =	strace $0x9FFFFFFF  }
0xc1: {  	(tm) =	ssettm $0x7FFFFFFF  }
tec
execute0_lowered:
.L_overlay_start_1:
0x0: {  	(tag) =	ssettag $0x1  }
0x1: {  	s10 =	rddreg [dreg:$0x0]  }
0x2: {  	s0 =	rddreg [dreg:$0x1]  }
0x3: {  	s1 =	simm.s32 $0x0;
	s9 =	srdreg.scid;
	s5 =	stileid.u32  }
0x4: {  	s14 =	simm.s32 $0x2000;
	s15 =	simm.s32 $0x4000;
	s16 =	simm.s32 $0x6000  }
0x5: {  	s17 =	simm.s32 $0x8000;
	s18 =	simm.s32 $0xA000;
	s19 =	simm.s32 $0x0  }
0x6: {  	[smem:$0x7FF] =	sst s1;
	s2 =	sadd.s32 $0x1600, s10;
	s3 =	sadd.s32 $0x5BC00, s10  }
0x7: {  	s4 =	sadd.s32 $0x51600, s10;
	s6 =	sadd.s32 $0xABC00, s10;
	s7 =	sadd.s32 $0x29600, s10  }
0x8: {  	s8 =	sadd.s32 $0xD3C00, s10;
	s9 =	sand.u32 $0x1, s9;
	s12 =	sshll.u32 s5, $0x6  }
0x9: {  	s10 =	sadd.s32 $0x83C00, s10;
	_ =	strace $0x8000004D;
	s11 =	ssub.s32 $0x2, s9  }
0xa: {  	s9 =	sshll.u32 s9, $0x4;
	s12 =	ssub.s32 $0x0, s12;
	s13 =	sshrl.u32 s11, $0x1  }
0xb: {  	s9 =	sor.u32 s5, s9;
	s12 =	sshrl.u32 s12, $0x6;
	s11 =	ssub.s32 s11, s13  }
0xc: {  	s9 =	smul.u32 $0x140, s9;
	s12 =	sand.u32 $0x1, s12;
	s13 =	simm.s32 $0x1  }
0xd: {  	s11 =	smax.u32 s11, $0x1;
	p0 =	seq.s32 s12, $0x1;
	s12 =	simm.s32 $0xC000  }
.LBB2_1:
0xe: {  	[tilespmem:s12], [sflag:$0x1] =	stream.linear.gather [hbm4b:s4+s1], $0x2800, $0x38;
	[tilespmem:$0xE800] =	vst v63  }
0xf: {  	_ =	swait.ge [sflag:s13], $0x2800  }
0x10: {  	[sflag:s13] =	ssyncset.done $0x0  }
0x11: {  	p1 =	por p0, p0;
	s20 =	simm.s32 $0x0;
	[sflag:s13] =	ssyncadd.s32 $0xFFFFD800  }
.LBB2_2:
0x12: {  	s21 =	sshll.u32 s20, $0x6  }
0x13: {  	s23 =	sadd.s32 s9, s21  }
0x14: {  	s21 =	sshll.u32 s23, $0x4  }
0x15: {  	s24 =	simm.s32 $0x0;
	s22 =	sadd.s32 s2, s21  }
0x16: {  	[tilespmem:s24], [sflag:$0x1] =	stream.linear.gather [hbm4b:s22+s24], $0x2000, $0x38;
	[tilespmem:$0xE800] =	vst v63  }
0x17: {  	_ =	swait.ge [sflag:s13], $0x2000  }
0x18: {  	[sflag:s13] =	ssyncset.done $0x0  }
0x19: {  	s30 =	sadd.s32 s3, s21;
	[sflag:s13] =	ssyncadd.s32 $0xFFFFE000  }
0x1a: {  	[tilespmem:s14], [sflag:$0x1] =	stream.linear.gather [hbm4b:s30+s24], $0x2000, $0x38;
	[tilespmem:$0xE800] =	vst v63  }
0x1b: {  	_ =	swait.ge [sflag:s13], $0x2000  }
0x1c: {  	[sflag:s13] =	ssyncset.done $0x0  }
0x1d: {  	s31 =	sadd.s32 s21, s10;
	[sflag:s13] =	ssyncadd.s32 $0xFFFFE000  }
0x1e: {  	[tilespmem:s15], [sflag:$0x1] =	stream.linear.gather [hbm4b:s31+s24], $0x2000, $0x38;
	[tilespmem:$0xE800] =	vst v63  }
0x1f: {  	_ =	swait.ge [sflag:s13], $0x2000  }
0x20: {  	[sflag:s13] =	ssyncset.done $0x0  }
0x21: {  	s22 =	simm.s32 $0x0;
	[sflag:s13] =	ssyncadd.s32 $0xFFFFE000  }
0x22: {  	v0 =	vld [tilespmem:s22+$0x0]  }
0x23: {  	v2 =	vld [tilespmem:s22+$0x10]  }
0x24: {  	s24 =	simm.s32 $0x1;
	v4 =	vld [tilespmem:s22+$0x20]  }
0x25: {  	s24 =	simm.s32 @!p1 $0x0;
	v5 =	vld [tilespmem:s22+$0x30]  }
0x26: {  	s25 =	sshll.u32 s24, $0x6;
	s24 =	sand.u32 $0x7FFFFF80, s23;
	v6 =	vld [tilespmem:s22+$0x40]  }
0x27: {  	s23 =	sadd.s32 s24, s25;
	v1 =	vld [tilespmem:s22+$0x2000]  }
0x28: {  	v3 =	vld [tilespmem:s22+$0x4000];
	v11 =	vmov s23  }
0x29: {  	v8 =	vld [tilespmem:s22+$0x2010]  }
0x2a: {  	v9 =	vld [tilespmem:s22+$0x4010]  }
0x2b: {  	v12 =	vld [tilespmem:s22+$0x2020]  }
0x2c: {  	v13 =	vld [tilespmem:s22+$0x4020]  }
0x2d: {  	v21 =	vld.idx.msk [tilespmem:v11+s12+$0x0], $0xffff  }
0x2e: {  	v15 =	vld [tilespmem:s22+$0x2030]  }
0x2f: {  	v16 =	vld [tilespmem:s22+$0x4030]  }
0x30: {  	v17 =	vld [tilespmem:s22+$0x4040];
	v1 =	vadd.f32 v3, v1  }
0x31: {  	v11 =	vld [tilespmem:s22+$0x2040]  }
0x32: {  	v7 =	vld [tilespmem:s22+$0x50];
	v3 =	vadd.f32 v9, v8;
	v1 =	vmul.f32 v1, v21  }
0x33: {  	v18 =	vld [tilespmem:s22+$0x2050];
	v8 =	vadd.f32 v13, v12  }
0x34: {  	v19 =	vld [tilespmem:s22+$0x4050];
	v3 =	vmul.f32 v3, v21;
	v13 =	vsub.f32 v0, v1;
	v1 =	vadd.f32 v16, v15  }
0x35: {  	v10 =	vld [tilespmem:s22+$0x60];
	v8 =	vmul.f32 v8, v21  }
0x36: {  	v20 =	vld [tilespmem:s22+$0x2060];
	v9 =	vadd.f32 v17, v11;
	v15 =	vsub.f32 v2, v3;
	v3 =	vmul.f32 v1, v21  }
0x37: {  	v22 =	vld [tilespmem:s22+$0x4060];
	v16 =	vsub.f32 v4, v8;
	v0 =	vmul.f32 $6.000000240e-01, v0;
	v8 =	vmul.f32 $4.000000060e-01, v13  }
0x38: {  	v23 =	vld [tilespmem:s22+$0x4070];
	v2 =	vmul.f32 $6.000000240e-01, v2;
	v9 =	vmul.f32 v9, v21;
	[tilespmem:s22+$0x6000] =	vst v13;
	v24 =	vsub.f32 v5, v3  }
0x39: {  	s23 =	simm.s32 $0x80;
	v12 =	vld [tilespmem:s22+$0x2070];
	[tilespmem:s22+$0x6010] =	vst v15;
	v11 =	vmul.f32 $4.000000060e-01, v15;
	v0 =	vsub.f32 v0, v8;
	v8 =	vadd.f32 v19, v18  }
0x3a: {  	v17 =	vmul.f32 $6.000000240e-01, v4;
	v1 =	vld [tilespmem:s23+$0x0];
	[tilespmem:s22+$0x6020] =	vst v16;
	v18 =	vmul.f32 $4.000000060e-01, v16  }
0x3b: {  	v3 =	vld [tilespmem:s23+$0x10];
	v2 =	vsub.f32 v2, v11;
	[tilespmem:s22+$0x6030] =	vst v24;
	v11 =	vmul.f32 v8, v21;
	v8 =	vsub.f32 v6, v9  }
0x3c: {  	v17 =	vsub.f32 v17, v18;
	v4 =	vld [tilespmem:s23+$0x20];
	[tilespmem:s22+$0xA000] =	vst v0;
	v0 =	vmul.f32 $6.000000240e-01, v5  }
0x3d: {  	v5 =	vld [tilespmem:s23+$0x30];
	[tilespmem:s22+$0xA010] =	vst v2;
	v2 =	vmul.f32 $6.000000240e-01, v6;
	v9 =	vsub.f32 v7, v11;
	v11 =	vmul.f32 $4.000000060e-01, v8  }
0x3e: {  	v14 =	vld [tilespmem:s22+$0x70];
	v19 =	vmul.f32 $4.000000060e-01, v24;
	v18 =	vadd.f32 v22, v20  }
0x3f: {  	v6 =	vld [tilespmem:s23+$0x40];
	[tilespmem:s22+$0xA020] =	vst v17;
	v17 =	vmul.f32 $6.000000240e-01, v7;
	v2 =	vsub.f32 v2, v11;
	v11 =	vadd.f32 v23, v12  }
0x40: {  	v0 =	vsub.f32 v0, v19;
	v19 =	vmul.f32 $4.000000060e-01, v9;
	v12 =	vmul.f32 v18, v21  }
0x41: {  	v18 =	vmul.f32 v11, v21  }
0x42: {  	v7 =	vld [tilespmem:s23+$0x50];
	[tilespmem:s22+$0xA030] =	vst v0;
	v17 =	vsub.f32 v17, v19;
	v11 =	vsub.f32 v10, v12  }
0x43: {  	v13 =	vmul.f32 v13, v21;
	v15 =	vmul.f32 v15, v21;
	v0 =	vld [tilespmem:s23+$0x60];
	[tilespmem:s22+$0xA040] =	vst v2;
	v12 =	vsub.f32 v14, v18  }
0x44: {  	v2 =	vld [tilespmem:s23+$0x70];
	[tilespmem:s22+$0xA050] =	vst v17;
	v17 =	vmul.f32 $6.000000240e-01, v10;
	v18 =	vmul.f32 $4.000000060e-01, v11  }
0x45: {  	v19 =	vmul.f32 $6.000000240e-01, v14;
	v20 =	vmul.f32 $4.000000060e-01, v12  }
0x46: {  	v10 =	vld [tilespmem:s23+$0x2000];
	[tilespmem:s22+$0x8000] =	vst v13;
	v17 =	vsub.f32 v17, v18  }
0x47: {  	v13 =	vld [tilespmem:s23+$0x4000];
	[tilespmem:s22+$0x8010] =	vst v15;
	v18 =	vsub.f32 v19, v20  }
0x48: {  	v14 =	vld [tilespmem:s23+$0x2010];
	[tilespmem:s22+$0xA060] =	vst v17;
	v17 =	vmul.f32 v16, v21  }
0x49: {  	v15 =	vld [tilespmem:s23+$0x4010];
	[tilespmem:s22+$0xA070] =	vst v18;
	v18 =	vmul.f32 v24, v21  }
0x4a: {  	v19 =	vmul.f32 v8, v21;
	v16 =	vld [tilespmem:s23+$0x2020];
	[tilespmem:s22+$0x8020] =	vst v17  }
0x4b: {  	v20 =	vmul.f32 v9, v21;
	v17 =	vld [tilespmem:s23+$0x4020];
	[tilespmem:s22+$0x8030] =	vst v18  }
0x4c: {  	v22 =	vmul.f32 v11, v21;
	v18 =	vld [tilespmem:s23+$0x2030];
	[tilespmem:s22+$0x8040] =	vst v19  }
0x4d: {  	s25 =	sadd.s32 $0x1, s25;
	v21 =	vmul.f32 v12, v21;
	v19 =	vld [tilespmem:s23+$0x4030];
	[tilespmem:s22+$0x8050] =	vst v20  }
0x4e: {  	s26 =	simm.s32 $0x400;
	s28 =	sadd.s32 s24, s25;
	v20 =	vld [tilespmem:s23+$0x2040];
	[tilespmem:s22+$0x8060] =	vst v22  }
.LBB2_3:
0x4f: {  	p2 =	sne.s32 s26, $0x7E00;
	v22 =	vmov s28;
	v23 =	vld [tilespmem:s23+$0x4040];
	[tilespmem:s22+$0x8070] =	vst v21  }
0x50: {  	v21 =	vld [tilespmem:s23+$0x2050];
	[tilespmem:s22+$0x6040] =	vst v8  }
0x51: {  	v8 =	vld [tilespmem:s23+$0x4050];
	[tilespmem:s22+$0x6050] =	vst v9  }
0x52: {  	v9 =	vld [tilespmem:s23+$0x2060];
	[tilespmem:s22+$0x6060] =	vst v11  }
0x53: {  	v11 =	vld [tilespmem:s23+$0x4060];
	[tilespmem:s22+$0x6070] =	vst v12;
	s22 =	smov.u32 s23  }
0x54: {  	v12 =	vmul.f32 $6.000000240e-01, v1;
	v22 =	vld.idx.msk [tilespmem:v22+s12+$0x0], $0xffff  }
0x55: {  	v24 =	vmul.f32 $6.000000240e-01, v3;
	v25 =	vmul.f32 $6.000000240e-01, v4;
	v26 =	vld [tilespmem:s22+$0x2070]  }
0x56: {  	v27 =	vmul.f32 $6.000000240e-01, v5;
	v28 =	vmul.f32 $6.000000240e-01, v6;
	v29 =	vld [tilespmem:s22+$0x4070]  }
0x57: {  	v10 =	vadd.f32 v13, v10;
	v13 =	vadd.f32 v15, v14;
	v14 =	vmul.f32 $6.000000240e-01, v7  }
0x58: {  	v15 =	vadd.f32 v17, v16;
	v17 =	vmul.f32 $6.000000240e-01, v0;
	v16 =	vadd.f32 v19, v18  }
0x59: {  	v19 =	vmul.f32 $6.000000240e-01, v2;
	v18 =	vadd.f32 v23, v20;
	v8 =	vadd.f32 v8, v21  }
0x5a: {  	v11 =	vadd.f32 v11, v9;
	v10 =	vmul.f32 v10, v22;
	v13 =	vmul.f32 v13, v22  }
0x5b: {  	v9 =	vmul.f32 v15, v22;
	v15 =	vmul.f32 v16, v22;
	v16 =	vadd.f32 v29, v26  }
0x5c: {  	v10 =	vsub.f32 v1, v10;
	v13 =	vsub.f32 v3, v13;
	v1 =	vmul.f32 v18, v22  }
0x5d: {  	v18 =	vsub.f32 v4, v9;
	v15 =	vsub.f32 v5, v15;
	v3 =	vmul.f32 v8, v22  }
0x5e: {  	v4 =	vmul.f32 $4.000000060e-01, v10;
	v5 =	vmul.f32 $4.000000060e-01, v13;
	v8 =	vsub.f32 v6, v1;
	[tilespmem:s22+$0x6000] =	vst v10  }
0x5f: {  	s23 =	sshra.s32 s26, $0x2;
	v6 =	vmul.f32 $4.000000060e-01, v18;
	v20 =	vmul.f32 $4.000000060e-01, v15;
	v9 =	vsub.f32 v7, v3;
	[tilespmem:s22+$0x6010] =	vst v13  }
0x60: {  	v7 =	vsub.f32 v12, v4;
	v12 =	vsub.f32 v24, v5;
	v5 =	vmul.f32 $4.000000060e-01, v8;
	v1 =	vld [tilespmem:s23+$0x0];
	[tilespmem:s22+$0x6020] =	vst v18  }
0x61: {  	v21 =	vsub.f32 v25, v6;
	v20 =	vsub.f32 v27, v20;
	v6 =	vmul.f32 $4.000000060e-01, v9;
	v3 =	vld [tilespmem:s23+$0x10];
	[tilespmem:s22+$0x6030] =	vst v15  }
0x62: {  	v16 =	vmul.f32 v16, v22;
	v23 =	vsub.f32 v28, v5;
	v4 =	vld [tilespmem:s23+$0x20];
	[tilespmem:s22+$0xA000] =	vst v7;
	v7 =	vmul.f32 v11, v22  }
0x63: {  	v24 =	vmul.f32 v10, v22;
	v25 =	vmul.f32 v13, v22;
	v10 =	vsub.f32 v14, v6;
	v5 =	vld [tilespmem:s23+$0x30];
	[tilespmem:s22+$0xA010] =	vst v12  }
0x64: {  	v18 =	vmul.f32 v18, v22;
	v12 =	vsub.f32 v2, v16;
	v6 =	vld [tilespmem:s23+$0x40];
	[tilespmem:s22+$0xA020] =	vst v21;
	v11 =	vsub.f32 v0, v7  }
0x65: {  	v26 =	vmul.f32 v15, v22;
	v7 =	vld [tilespmem:s23+$0x50];
	[tilespmem:s22+$0xA030] =	vst v20;
	v20 =	vmul.f32 v8, v22  }
0x66: {  	v14 =	vmul.f32 $4.000000060e-01, v12;
	v0 =	vld [tilespmem:s23+$0x60];
	[tilespmem:s22+$0xA040] =	vst v23;
	v13 =	vmul.f32 $4.000000060e-01, v11  }
0x67: {  	v23 =	vmul.f32 v9, v22;
	v27 =	vmul.f32 v11, v22;
	v2 =	vld [tilespmem:s23+$0x70];
	[tilespmem:s22+$0xA050] =	vst v10  }
0x68: {  	v21 =	vmul.f32 v12, v22;
	v16 =	vsub.f32 v19, v14;
	v10 =	vld [tilespmem:s23+$0x2000];
	[tilespmem:s22+$0x8000] =	vst v24;
	v15 =	vsub.f32 v17, v13  }
0x69: {  	v13 =	vld [tilespmem:s23+$0x4000];
	[tilespmem:s22+$0x8010] =	vst v25  }
0x6a: {  	v14 =	vld [tilespmem:s23+$0x2010];
	[tilespmem:s22+$0xA060] =	vst v15  }
0x6b: {  	v15 =	vld [tilespmem:s23+$0x4010];
	[tilespmem:s22+$0xA070] =	vst v16  }
.Ltmp0:
0x6c: {  	v16 =	vld [tilespmem:s23+$0x2020];
	[tilespmem:s22+$0x8020] =	vst v18;
	(pc) =	sbr.rel @p2 .LBB2_3-.Ltmp0, $4  }
0x6d: {  	v17 =	vld [tilespmem:s23+$0x4020];
	[tilespmem:s22+$0x8030] =	vst v26  }
0x6e: {  	v18 =	vld [tilespmem:s23+$0x2030];
	[tilespmem:s22+$0x8040] =	vst v20  }
0x6f: {  	s25 =	sadd.s32 $0x1, s25;
	v19 =	vld [tilespmem:s23+$0x4030];
	[tilespmem:s22+$0x8050] =	vst v23  }
0x70: {  	s28 =	sadd.s32 s24, s25;
	s26 =	sadd.s32 $0x200, s26;
	v20 =	vld [tilespmem:s23+$0x2040];
	[tilespmem:s22+$0x8060] =	vst v27  }
0x71: {  	v22 =	vld [tilespmem:s23+$0x4040];
	[tilespmem:s22+$0x8070] =	vst v21;
	v23 =	vmov s28  }
0x72: {  	v21 =	vld [tilespmem:s23+$0x2050];
	[tilespmem:s22+$0x6040] =	vst v8  }
0x73: {  	v8 =	vld [tilespmem:s23+$0x4050];
	[tilespmem:s22+$0x6050] =	vst v9  }
0x74: {  	v9 =	vld [tilespmem:s23+$0x2060];
	[tilespmem:s22+$0x6060] =	vst v11  }
0x75: {  	v11 =	vld [tilespmem:s23+$0x4060];
	[tilespmem:s22+$0x6070] =	vst v12  }
0x76: {  	v12 =	vld.idx.msk [tilespmem:v23+s12+$0x0], $0xffff;
	_ =	sdelay $0x2  }
0x77: {  	v10 =	vadd.f32 v13, v10  }
0x78: {  	v14 =	vadd.f32 v15, v14  }
0x79: {  	v16 =	vadd.f32 v17, v16;
	v10 =	vmul.f32 v10, v12  }
0x7a: {  	v29 =	vadd.f32 v19, v18;
	v14 =	vmul.f32 v14, v12  }
0x7b: {  	v30 =	vadd.f32 v22, v20;
	v31 =	vmul.f32 v16, v12;
	v32 =	vsub.f32 v1, v10  }
0x7c: {  	v8 =	vadd.f32 v8, v21;
	v33 =	vmul.f32 v29, v12;
	v35 =	vsub.f32 v3, v14  }
0x7d: {  	v25 =	vld [tilespmem:s23+$0x2070];
	v9 =	vadd.f32 v11, v9;
	v36 =	vmul.f32 v30, v12;
	v37 =	vsub.f32 v4, v31;
	[tilespmem:s23+$0x6000] =	vst v32  }
0x7e: {  	v28 =	vld [tilespmem:s23+$0x4070];
	v8 =	vmul.f32 v8, v12;
	v39 =	vsub.f32 v5, v33;
	[tilespmem:s23+$0x6010] =	vst v35  }
0x7f: {  	v9 =	vmul.f32 v9, v12;
	v41 =	vsub.f32 v6, v36;
	[tilespmem:s23+$0x6020] =	vst v37  }
0x80: {  	v44 =	vsub.f32 v7, v8;
	[tilespmem:s23+$0x6030] =	vst v39  }
0x81: {  	v50 =	vsub.f32 v0, v9;
	[tilespmem:s23+$0x6040] =	vst v41  }
0x82: {  	v61 =	vmul.f32 $6.000000240e-01, v1;
	v1 =	vmul.f32 v32, v12;
	[tilespmem:s23+$0x6050] =	vst v44  }
0x83: {  	v24 =	vmul.f32 $6.000000240e-01, v3;
	v34 =	vadd.f32 v28, v25;
	v3 =	vmul.f32 v35, v12;
	[tilespmem:s23+$0x6060] =	vst v50  }
0x84: {  	v58 =	vmul.f32 v37, v12;
	[tilespmem:s23+$0x8000] =	vst v1  }
0x85: {  	v16 =	vmul.f32 v34, v12;
	v59 =	vmul.f32 v39, v12;
	[tilespmem:s23+$0x8010] =	vst v3  }
0x86: {  	v38 =	vmul.f32 $4.000000060e-01, v32;
	v60 =	vmul.f32 v41, v12;
	[tilespmem:s23+$0x8020] =	vst v58  }
0x87: {  	v40 =	vmul.f32 $4.000000060e-01, v35;
	v53 =	vsub.f32 v2, v16;
	[tilespmem:s23+$0x8030] =	vst v59  }
0x88: {  	v26 =	vmul.f32 $6.000000240e-01, v4;
	v42 =	vmul.f32 $4.000000060e-01, v37;
	v11 =	vsub.f32 v61, v38;
	[tilespmem:s23+$0x8040] =	vst v60  }
0x89: {  	v27 =	vmul.f32 $6.000000240e-01, v5;
	v43 =	vmul.f32 $4.000000060e-01, v39;
	v45 =	vsub.f32 v24, v40;
	[tilespmem:s23+$0x6070] =	vst v53  }
0x8a: {  	v62 =	vmul.f32 $6.000000240e-01, v6;
	v46 =	vmul.f32 $4.000000060e-01, v41;
	v14 =	vsub.f32 v26, v42;
	[tilespmem:s23+$0xA000] =	vst v11  }
0x8b: {  	v63 =	vmul.f32 $6.000000240e-01, v7;
	v48 =	vmul.f32 $4.000000060e-01, v44;
	v47 =	vsub.f32 v27, v43;
	[tilespmem:s23+$0xA010] =	vst v45  }
0x8c: {  	v10 =	vsub.f32 v62, v46;
	[tilespmem:s23+$0xA020] =	vst v14  }
0x8d: {  	v49 =	vmul.f32 $6.000000240e-01, v0;
	v52 =	vsub.f32 v63, v48;
	[tilespmem:s23+$0xA030] =	vst v47  }
0x8e: {  	v51 =	vmul.f32 $6.000000240e-01, v2;
	v61 =	vmul.f32 v44, v12;
	[tilespmem:s23+$0xA040] =	vst v10  }
0x8f: {  	v54 =	vmul.f32 $4.000000060e-01, v50;
	v62 =	vmul.f32 v50, v12;
	[tilespmem:s23+$0xA050] =	vst v52  }
0x90: {  	v55 =	vmul.f32 $4.000000060e-01, v53;
	v63 =	vmul.f32 v53, v12;
	[tilespmem:s23+$0x8050] =	vst v61  }
0x91: {  	v56 =	vsub.f32 v49, v54;
	[tilespmem:s23+$0x8060] =	vst v62  }
0x92: {  	v57 =	vsub.f32 v51, v55;
	[tilespmem:s23+$0x8070] =	vst v63  }
0x93: {  	[tilespmem:s23+$0xA060] =	vst v56  }
0x94: {  	s29 =	sadd.s32 s6, s21;
	[tilespmem:s23+$0xA070] =	vst v57  }
0x95: {  	[hbm4b:s29+s1] =	stream.linear.scatter [tilespmem:s16], [sflag:$0x1], $0x2000, $0x38;
	[tilespmem:$0xE800] =	vst v63  }
0x96: {  	_ =	swait.ge [sflag:s13], $0x2000  }
0x97: {  	[sflag:s13] =	ssyncset.done $0x0  }
0x98: {  	s30 =	sadd.s32 s7, s21;
	[sflag:s13] =	ssyncadd.s32 $0xFFFFE000  }
0x99: {  	[hbm4b:s30+s1] =	stream.linear.scatter [tilespmem:s17], [sflag:$0x1], $0x2000, $0x38;
	[tilespmem:$0xE800] =	vst v63  }
0x9a: {  	s20 =	sadd.s32 $0x1, s20;
	_ =	swait.ge [sflag:s13], $0x2000  }
0x9b: {  	p2 =	sne.s32 s20, $0x5;
	[sflag:s13] =	ssyncset.done $0x0  }
.Ltmp1:
0x9c: {  	s31 =	sadd.s32 s8, s21;
	[sflag:s13] =	ssyncadd.s32 $0xFFFFE000;
	(pc) =	sbr.rel @p2 .LBB2_2-.Ltmp1, $4  }
0x9d: {  	[hbm4b:s31+s1] =	stream.linear.scatter [tilespmem:s18], [sflag:$0x1], $0x2000, $0x38;
	[tilespmem:$0xE800] =	vst v63  }
0x9e: {  	_ =	swait.ge [sflag:s13], $0x2000  }
0x9f: {  	[sflag:s13] =	ssyncset.done $0x0  }
0xa0: {  	p1 =	por !p1, !p1;
	[sflag:s13] =	ssyncadd.s32 $0xFFFFE000  }
0xa1: {  	s19 =	sadd.s32 $0x1, s19  }
0xa2: {  	p1 =	sne.s32 s19, s11  }
.Ltmp2:
0xa3: {  	_ = 	snop;
	(pc) =	sbr.rel @p1 .LBB2_1-.Ltmp2, $1  }
0xa4: {  	_ =	sdelay $0x3  }
0xa5: {  	_ =	sfence.sel $0x180000  }
0xa6: {  	[bflag:$0x0] =	sbarrier.arrive $0xFFFF  }
0xa7: {  	p0 =	sne.s32 s5, $0x0;
	_ =	strace $0x9000004D  }
0xa8: {  	s0 =	sadd.s32 @!p0 $0x100000, s0;
	[bflag:$0x2] =	sbarrier.arrive $0xFFFF  }
0xa9: {  	[sflag:s0] =	ssyncadd.tile.s32 @!p0 $0x1;
	_ =	shalt  }
.Lfunc_end2:
_tile_overlayer_lowered:
.L_overlay_start_2:
0xaa: {  	(tag) =	ssettag $0x2  }
0xab: {  	s0 =	rddreg [dreg:$0x0];
	s2 =	stileid.u32  }
0xac: {  	s1 =	rddreg [dreg:$0x1];
	p0 =	sne.s32 s2, $0x0  }
0xad: {  	s3 =	rddreg [dreg:$0x2];
	[bflag:$0x3] =	sbarrier.arrive $0xFFFF;
	s2 =	simm.s32 @!p0 $0x1C01  }
0xae: {  	[timem:s3], [sflag:s2] =	dma.local @!p0 [hbm:s0], s1  }
0xaf: {  	s0 =	simm.s32 @!p0 $0x1  }
0xb0: {  	_ =	swait.ge @!p0 [sflag:s0], s1  }
0xb1: {  	s1 =	ssub.s32 @!p0 $0x0, s1;
	[sflag:s0] =	ssyncset.done @!p0 $0x0  }
0xb2: {  	[sflag:s0] =	ssyncadd.s32 @!p0 s1  }
0xb3: {  	[bflag:$0x3] =	sbarrier.arrive $0xFFFF  }
0xb4: {  	_ =	shalt  }

// kernel: kernel.16.cloned.1.call-start
scs
__scs_entry_jumppad:
0x0: {  	(pc) =	sbr.rel $0x88, $3  }
0x1: {  	(tag) =	ssettag $0x0;
	lr =	simm.s32 $0x1  }
0x2: {  	[smem:$0x3F9F] =	sst lr;
	_ =	strace $0xD0000000  }
0x3: {  	_ = 	snop  }
0x4: {  	_ = 	snop  }
0x5: {  	_ = 	snop  }
0x6: {  	_ = 	snop  }
0x7: {  	_ = 	snop  }
__scs_overlays_trampoline_lowered:
0x8: {  	[smem:$0x3FAE] =	sst s0  }
0x9: {  	[smem:$0x3FAF] =	sst s1  }
0xa: {  	[smem:$0x3FB0] =	sst s2  }
0xb: {  	[smem:$0x3FB1] =	sst s3  }
0xc: {  	[smem:$0x3FB2] =	sst s4  }
0xd: {  	[smem:$0x3FB3] =	sst s5  }
0xe: {  	[smem:$0x3FB4] =	sst s6  }
0xf: {  	[smem:$0x3FB5] =	sst s7  }
0x10: {  	[smem:$0x3FB6] =	sst s8  }
0x11: {  	[smem:$0x3FB7] =	sst s9;
	s0 =	simm.s32 @!p0 $0x0  }
0x12: {  	s1 =	sld [smem:$0x3F9D];
	s0 =	simm.s32 @p0 $0x1  }
0x13: {  	[smem:$0x3FB8] =	sst s0;
	s0 =	simm.s32 @!p1 $0x0  }
0x14: {  	s2 =	sld [smem:$0x3F9C];
	s0 =	simm.s32 @p1 $0x1  }
0x15: {  	[smem:$0x3FB9] =	sst s0;
	s0 =	simm.s32 @!p2 $0x0  }
0x16: {  	s3 =	sld [smem:$0x3FDB];
	s0 =	simm.s32 @p2 $0x1  }
0x17: {  	s4 =	simm.s32 $0x1BF5;
	[smem:$0x3FBB] =	sst s0  }
0x18: {  	s0 =	sld [smem:$0x3F9E];
	_ =	swait.ge [sflag:s4], $0x0  }
0x19: {  	s7 =	sld [smem:$0x3F9F]  }
0x1a: {  	s8 =	sadd.s32 $0xFFFFE003, lr  }
0x1b: {  	s9 =	sadd.s32 $0xFFFFFEF7, lr;
	s5 =	simm.s32 $0xFFFFFFFF;
	p2 =	slt.u32 s8, $0xFFFFF086  }
0x1c: {  	p1 =	slt.u32 s9, $0xF7A;
	s5 =	simm.s32 @!p2 $0x0  }
0x1d: {  	s5 =	simm.s32 @p1 $0x1;
	p0 =	seq.s32 s7, s2  }
0x1e: {  	s7 =	smul.u32 @!p0 $0xF7A, s2;
	p2 =	seq.s32 @!p0 s5, $0x0  }
0x1f: {  	s9 =	smul.u32 $0xF7A, s1;
	s8 =	simm.s32 @!p0 $0x1BF5;
	p2 =	por !p2, p0  }
0x20: {  	[sflag:s8] =	ssyncset.s32 @!p0 $0xFFFFF086;
	s6 =	sadd.s32 @!p0 s3, s7;
	s7 =	simm.s32 @!p0 $0x108  }
0x21: {  	s3 =	sadd.s32 s3, s9;
	s6 =	sadd.s32 @!p0 $0x88, s6;
	s7 =	simm.s32 @p2 $0x1082  }
0x22: {  	[simem:s7], [sflag:s8] =	dma.local @!p0 [hbm:s6], $0xF7A  }
0x23: {  	s9 =	sor.u32 $0xD0000000, s2;
	s6 =	simm.s32 $0x108;
	_ =	swait.ge @!p0 [sflag:s8], $0x0  }
0x24: {  	s3 =	sadd.s32 $0x88, s3;
	s6 =	simm.s32 @!p1 $0x1082;
	[sflag:s4] =	ssyncset.s32 $0xFFFFF086  }
0x25: {  	[simem:s6], [sflag:s4] =	dma.local [hbm:s3], $0xF7A  }
0x26: {  	[smem:$0x3F9F] =	sst s1;
	(tag) =	ssettag s2;
	_ =	strace s9  }
0x27: {  	s1 =	sld [smem:$0x3FAF]  }
0x28: {  	s2 =	sld [smem:$0x3FB0]  }
0x29: {  	s4 =	sld [smem:$0x3FB2]  }
0x2a: {  	p0 =	seq.s32 s5, $0x0;
	s5 =	sld [smem:$0x3FB3]  }
0x2b: {  	s6 =	sld [smem:$0x3FB4]  }
0x2c: {  	s7 =	sld [smem:$0x3FB5]  }
0x2d: {  	s3 =	simm.s32 $0x108;
	s8 =	sld [smem:$0x3FB6]  }
0x2e: {  	s3 =	simm.s32 @!p0 $0x1082;
	s9 =	sld [smem:$0x3FB7]  }
0x2f: {  	lr =	sadd.s32 s0, s3;
	s0 =	sld [smem:$0x3FAE]  }
0x30: {  	s3 =	sld [smem:$0x3FB1]  }
0x31: {  	[smem:$0x3FBA] =	sst s10  }
0x32: {  	s10 =	sld [smem:$0x3FB8];
	_ =	sdelay $0x3  }
0x33: {  	p0 =	seq.s32 s10, $0x1;
	s10 =	sld [smem:$0x3FBA];
	_ =	sdelay $0x3  }
0x34: {  	[smem:$0x3FBA] =	sst s10  }
0x35: {  	s10 =	sld [smem:$0x3FB9];
	_ =	sdelay $0x3  }
0x36: {  	p1 =	seq.s32 s10, $0x1;
	s10 =	sld [smem:$0x3FBA];
	_ =	sdelay $0x3  }
0x37: {  	[smem:$0x3FBA] =	sst s10  }
0x38: {  	s10 =	sld [smem:$0x3FBB]  }
0x39: {  	_ = 	snop;
	(pc) =	sbr.ind lr, $3  }
0x3a: {  	_ = 	snop  }
0x3b: {  	_ = 	snop  }
0x3c: {  	p2 =	seq.s32 s10, $0x1;
	s10 =	sld [smem:$0x3FBA]  }
0x3d: {  	_ =	shalt  }
0x3e: {  	_ =	shalt  }
0x3f: {  	_ =	shalt  }
0x40: {  	_ =	shalt  }
0x41: {  	_ =	shalt  }
0x42: {  	_ =	shalt  }
0x43: {  	_ =	shalt  }
0x44: {  	_ =	shalt  }
0x45: {  	_ =	shalt  }
0x46: {  	_ =	shalt  }
0x47: {  	_ =	shalt  }
0x48: {  	_ =	shalt  }
0x49: {  	_ =	shalt  }
0x4a: {  	_ =	shalt  }
0x4b: {  	_ =	shalt  }
0x4c: {  	_ =	shalt  }
0x4d: {  	_ =	shalt  }
0x4e: {  	_ =	shalt  }
0x4f: {  	_ =	shalt  }
0x50: {  	_ =	shalt  }
0x51: {  	_ =	shalt  }
0x52: {  	_ =	shalt  }
0x53: {  	_ =	shalt  }
0x54: {  	_ =	shalt  }
0x55: {  	_ =	shalt  }
0x56: {  	_ =	shalt  }
0x57: {  	_ =	shalt  }
0x58: {  	_ =	shalt  }
0x59: {  	_ =	shalt  }
0x5a: {  	_ =	shalt  }
0x5b: {  	_ =	shalt  }
0x5c: {  	_ =	shalt  }
0x5d: {  	_ =	shalt  }
0x5e: {  	_ =	shalt  }
0x5f: {  	_ =	shalt  }
0x60: {  	_ =	shalt  }
0x61: {  	_ =	shalt  }
0x62: {  	_ =	shalt  }
0x63: {  	_ =	shalt  }
0x64: {  	_ =	shalt  }
0x65: {  	_ =	shalt  }
0x66: {  	_ =	shalt  }
0x67: {  	_ =	shalt  }
0x68: {  	_ =	shalt  }
0x69: {  	_ =	shalt  }
0x6a: {  	_ =	shalt  }
0x6b: {  	_ =	shalt  }
0x6c: {  	_ =	shalt  }
0x6d: {  	_ =	shalt  }
0x6e: {  	_ =	shalt  }
0x6f: {  	_ =	shalt  }
0x70: {  	_ =	shalt  }
0x71: {  	_ =	shalt  }
0x72: {  	_ =	shalt  }
0x73: {  	_ =	shalt  }
0x74: {  	_ =	shalt  }
0x75: {  	_ =	shalt  }
0x76: {  	_ =	shalt  }
0x77: {  	_ =	shalt  }
0x78: {  	_ =	shalt  }
0x79: {  	_ =	shalt  }
0x7a: {  	_ =	shalt  }
0x7b: {  	_ =	shalt  }
0x7c: {  	_ =	shalt  }
0x7d: {  	_ =	shalt  }
0x7e: {  	_ =	shalt  }
0x7f: {  	_ =	shalt  }
0x80: {  	_ =	shalt  }
0x81: {  	_ =	shalt  }
0x82: {  	_ =	shalt  }
0x83: {  	_ =	shalt  }
0x84: {  	_ =	shalt  }
0x85: {  	_ =	shalt  }
0x86: {  	_ =	shalt  }
0x87: {  	_ =	shalt  }
.Lfunc_end0:
.L_simem_size_0:
called_computation.3_lowered:
.L_overlay_start_0:
0x88: {  	s2 =	sld [smem:$0x3FD9]  }
0x89: {  	s3 =	sld [smem:$0x3FFE];
	_ =	sdelay $0x1  }
0x8a: {  	s1 =	srdreg.scid  }
0x8b: {  	s0 =	sand.u32 $0x1, s1  }
0x8c: {  	s17 =	sshll.u32 s0, $0xA;
	s2 =	sadd.s32 s3, s2  }
0x8d: {  	s2 =	sadd.s32 s2, s17  }
0x8e: {  	[smem:$0x3FC6] =	sst s2  }
0x8f: {  	_ = 	snop  }
0x90: {  	s2 =	sld [smem:$0x3FD0];
	(tm) =	ssettm $0x1  }
0x91: {  	s18 =	sld [smem:$0x3FFB];
	_ =	sdelay $0x3  }
0x92: {  	_ =	strace s18  }
0x93: {  	s3 =	sld [smem:$0x3FFC];
	_ =	sdelay $0x3  }
0x94: {  	_ =	strace s3  }
0x95: {  	s3 =	sld [smem:$0x3FFD];
	_ =	sdelay $0x3  }
0x96: {  	_ =	strace s3  }
0x97: {  	_ =	strace $0x8FFFFFFF  }
0x98: {  	s19 =	sld [smem:$0x3FDB];
	_ =	sdelay $0x1  }
0x99: {  	s4 =	simm.s32 $_scs_section_size  }
0x9a: {  	s5 =	simm.s32 $_size__tile_overlayer_lowered;
	s6 =	simm.s32 $_tile_overlayer_lowered  }
0x9b: {  	s22 =	simm.s32 $0x1BFF;
	s21 =	sshll.u32 s6, $0x1;
	s3 =	sadd.s32 s4, s19  }
0x9c: {  	s7 =	simm.s32 $0x0;
	s20 =	sshll.u32 s5, $0x1;
	s5 =	sadd.s32 s21, s3  }
0x9d: {  	[timem:s7], [sflag:s22] =	dma.local [hbm:s5], s20  }
0x9e: {  	_ =	swait.ge [sflag:s22], s20  }
0x9f: {  	s4 =	ssub.s32 $0x0, s20;
	[sflag:s22] =	ssyncset.done $0x0  }
0xa0: {  	[sflag:s22] =	ssyncadd.s32 s4;
	_ =	sdelay $0x1  }
0xa1: {  	s23 =	simm.s32 $0x1B8B  }
0xa2: {  	_ =	swait.ge [sflag:s23], $0x1  }
0xa3: {  	[sflag:s23] =	ssyncset.done $0x0  }
0xa4: {  	s25 =	simm.s32 $0x1B8E;
	s24 =	sld [smem:$0x3FFE];
	[sflag:s23] =	ssyncadd.s32 $0xFFFFFFFF  }
0xa5: {  	s26 =	simm.s32 $execute0_lowered;
	[smem:$0x3FD2] =	sst s25  }
0xa6: {  	s5 =	sshll.u32 s26, $0x1;
	_ =	strace $0x8000004F;
	[dreg:$0x1] =	wrdreg $0xFFFFFFFF  }
0xa7: {  	s28 =	simm.s32 $_size_execute0_lowered;
	s3 =	sadd.s32 s3, s5;
	[dreg:$0x0] =	wrdreg $0x0  }
0xa8: {  	s5 =	sshll.u32 s28, $0x1;
	[dreg:$0x2] =	wrdreg s3  }
0xa9: {  	[dreg:$0x3] =	wrdreg s5  }
0xaa: {  	[dreg:$0x4] =	wrdreg $0xC0  }
0xab: {  	_ =	task [dreg:s7], $0x5FFFF  }
0xac: {  	[dreg:$0x1] =	wrdreg $0xFFFFFFFF  }
0xad: {  	[dreg:$0x0] =	wrdreg $0x60  }
0xae: {  	[dreg:$0x2] =	wrdreg s24  }
0xaf: {  	[dreg:$0x3] =	wrdreg s2  }
0xb0: {  	[dreg:$0x4] =	wrdreg $0x61000  }
0xb1: {  	[dreg:$0x5] =	wrdreg $0x9  }
0xb2: {  	_ =	task.clear_ibuf [dreg:s7], $0x6FFFF;
	_ =	strace $0x9000004F  }
0xb3: {  	s29 =	simm.s32 $0x9;
	_ =	strace $0x80000051  }
0xb4: {  	_ =	swait.ge [sflag:s29], $0x1  }
0xb5: {  	[sflag:s29] =	ssyncadd.s32 $0xFFFFFFFF  }
0xb6: {  	_ =	strace $0x90000051  }
0xb7: {  	_ =	sfence  }
0xb8: {  	s30 =	sld [smem:$0x0];
	_ =	sdelay $0x2  }
0xb9: {  	s31 =	sshll.u32 s1, $0xD;
	s1 =	sshrl.u32 s1, $0x2  }
0xba: {  	s3 =	sand.u32 $0x4000, s31;
	s1 =	sadd.s32 s1, s30  }
0xbb: {  	s0 =	sor.u32 s3, s0;
	s1 =	sshll.u32 s1, $0x11  }
0xbc: {  	s0 =	sor.u32 s1, s0  }
0xbd: {  	s0 =	sadd.s32 $0x8F2B, s0  }
0xbe: {  	[sflag:s0] =	ssyncadd.remote.s32 $0x1  }
0xbf: {  	_ =	sfence.sel $0xFFFF  }
0xc0: {  	[dreg:$0x0] =	wrdreg $0xFFFFFFFF;
	(pc) =	sbr.abs _section_cstart, $3  }
0xc1: {  	[dreg:$0x1] =	wrdreg $0xFFFFFFFF  }
0xc2: {  	_ =	task.clear_ibuf [dreg:s7], $0x2FFFF;
	_ =	strace $0x9FFFFFFF  }
0xc3: {  	(tm) =	ssettm $0x7FFFFFFF  }
tec
execute0_lowered:
.L_overlay_start_1:
0x0: {  	(tag) =	ssettag $0x1  }
0x1: {  	s0 =	rddreg [dreg:$0x0];
	s1 =	srdreg.scid  }
0x2: {  	s3 =	rddreg [dreg:$0x1];
	s14 =	stileid.u32;
	s29 =	simm.s32 $0x2  }
0x3: {  	s30 =	simm.s32 $0x2000;
	s4 =	sand.u32 $0x1, s1;
	s5 =	smul.u32 $0x14000, s14  }
0x4: {  	s31 =	simm.s32 $0x2080;
	s1 =	simm.s32 $0x0;
	s12 =	smul.u32 $0x5000, s4  }
0x5: {  	s11 =	sadd.s32 $0x5BC00, s0;
	s2 =	ssub.s32 $0x2, s4;
	s4 =	smul.u32 $0x140000, s4  }
0x6: {  	[smem:$0x7FF] =	sst s1;
	s6 =	sshrl.u32 s2, $0x1;
	s17 =	sor.u32 $0x2000, s5  }
0x7: {  	s18 =	sadd.s32 $0x4000, s5;
	s19 =	sadd.s32 $0x6000, s5;
	s20 =	sadd.s32 $0x8000, s5  }
0x8: {  	s21 =	sadd.s32 $0xA000, s5;
	s22 =	sadd.s32 $0xC000, s5;
	s23 =	sadd.s32 $0xE000, s5  }
0x9: {  	s24 =	sadd.s32 $0x10000, s5;
	s2 =	ssub.s32 s2, s6;
	s25 =	sadd.s32 s5, s4  }
0xa: {  	s5 =	sadd.s32 $0x12000, s5;
	s26 =	sadd.s32 s4, s17;
	s7 =	sadd.s32 s4, s18  }
0xb: {  	s8 =	sadd.s32 s4, s19;
	s13 =	sadd.s32 s4, s20;
	s15 =	sadd.s32 s4, s21  }
0xc: {  	s16 =	sadd.s32 s4, s22;
	s3 =	sadd.s32 s12, s3;
	s6 =	sshrl.u32 s25, $0x3  }
0xd: {  	s7 =	sshrl.u32 s7, $0x3;
	s9 =	sshrl.u32 s8, $0x3;
	s6 =	sadd.s32 s11, s6  }
0xe: {  	s8 =	sshrl.u32 s16, $0x3;
	s10 =	sadd.s32 s11, s9;
	[dreg:$0x4] =	wrdreg s6  }
0xf: {  	s9 =	sadd.s32 s4, s23;
	s6 =	sshrl.u32 s26, $0x3;
	[dreg:$0x7] =	wrdreg s10  }
0x10: {  	s26 =	sadd.s32 s11, s8;
	s9 =	sshrl.u32 s9, $0x3;
	s10 =	sadd.s32 s4, s24  }
0x11: {  	s4 =	sadd.s32 s4, s5;
	s6 =	sadd.s32 s11, s6;
	[dreg:$0xa] =	wrdreg s26  }
0x12: {  	s9 =	sadd.s32 s11, s9;
	s10 =	sshrl.u32 s10, $0x3;
	s4 =	sshrl.u32 s4, $0x3  }
0x13: {  	[dreg:$0x5] =	wrdreg s6;
	s6 =	sadd.s32 s11, s7;
	s7 =	sshrl.u32 s15, $0x3  }
0x14: {  	s10 =	sadd.s32 s11, s10;
	s15 =	smul.u32 $0x50000, s14;
	[dreg:$0x6] =	wrdreg s6  }
0x15: {  	s6 =	sshrl.u32 s13, $0x3;
	s25 =	sadd.s32 s11, s7;
	s7 =	smul.u32 $0x500, s14  }
0x16: {  	s13 =	sadd.s32 s12, s0;
	s12 =	simm.s32 $0x80;
	s6 =	sadd.s32 s11, s6  }
0x17: {  	[dreg:$0x9] =	wrdreg s25;
	s11 =	sadd.s32 s11, s4;
	s26 =	sshrl.u32 s15, $0x2  }
0x18: {  	s15 =	sadd.s32 $0x29600, s0;
	s0 =	simm.s32 $0x2100;
	[dreg:$0x8] =	wrdreg s6  }
0x19: {  	s8 =	sadd.s32 s7, s13;
	s13 =	rddreg [dreg:$0x2];
	s14 =	sadd.s32 s7, s3  }
0x1a: {  	s3 =	simm.s32 $0x0;
	_ =	strace $0x80000050;
	s16 =	sadd.s32 s26, s13  }
0x1b: {  	s17 =	sadd.s32 s17, s13;
	s18 =	sadd.s32 s18, s13;
	s19 =	sadd.s32 s19, s13  }
0x1c: {  	s20 =	sadd.s32 s20, s13;
	s21 =	sadd.s32 s21, s13;
	s22 =	sadd.s32 s22, s13  }
0x1d: {  	s23 =	sadd.s32 s23, s13;
	s24 =	sadd.s32 s24, s13;
	s25 =	sadd.s32 s5, s13  }
0x1e: {  	v0 =	vimm.f32 $0.0e+00;
	s26 =	smax.u32 s2, $0x1;
	s28 =	sadd.s32 $0x51C00, s8;
	s2 =	simm.s32 $0x1  }
.LBB2_1:
0x1f: {  	s4 =	simm.s32 $0x0;
	s5 =	simm.s32 $0x200  }
.LBB2_2:
0x20: {  	p0 =	sne.s32 s5, $0x7E00;
	[tilespmem:s4+$0x70] =	vst v0  }
0x21: {  	[tilespmem:s4+$0x0] =	vst v0  }
0x22: {  	[tilespmem:s4+$0x10] =	vst v0  }
.Ltmp0:
0x23: {  	[tilespmem:s4+$0x20] =	vst v0;
	(pc) =	sbr.rel @p0 .LBB2_2-.Ltmp0, $4  }
0x24: {  	[tilespmem:s4+$0x30] =	vst v0  }
0x25: {  	[tilespmem:s4+$0x40] =	vst v0  }
0x26: {  	[tilespmem:s4+$0x50] =	vst v0  }
0x27: {  	[tilespmem:s4+$0x60] =	vst v0;
	s4 =	sshra.s32 s5, $0x2;
	s5 =	sadd.s32 $0x200, s5  }
0x28: {  	[tilespmem:s4+$0x70] =	vst v0  }
0x29: {  	[tilespmem:s4+$0x0] =	vst v0  }
0x2a: {  	[tilespmem:s4+$0x10] =	vst v0  }
0x2b: {  	[tilespmem:s4+$0x20] =	vst v0  }
0x2c: {  	[tilespmem:s4+$0x30] =	vst v0  }
0x2d: {  	[tilespmem:s4+$0x40] =	vst v0  }
0x2e: {  	[tilespmem:s4+$0x50] =	vst v0  }
0x2f: {  	[tilespmem:s4+$0x60] =	vst v0;
	s6 =	simm.s32 $0x0  }
0x30: {  	[spmem:s16] =	stream.linear.scatter [tilespmem:s6], [sflag:$0x2], $0x2000, $0x38;
	[tilespmem:$0x1A100] =	vst v63  }
0x31: {  	_ =	swait.ge [sflag:s29], $0x2000  }
0x32: {  	[sflag:s29] =	ssyncset.done $0x0  }
0x33: {  	[sflag:s29] =	ssyncadd.s32 $0xFFFFE000  }
0x34: {  	[spmem:s17] =	stream.linear.scatter [tilespmem:s6], [sflag:$0x2], $0x2000, $0x38;
	[tilespmem:$0x1A100] =	vst v63  }
0x35: {  	_ =	swait.ge [sflag:s29], $0x2000  }
0x36: {  	[sflag:s29] =	ssyncset.done $0x0  }
0x37: {  	[sflag:s29] =	ssyncadd.s32 $0xFFFFE000  }
0x38: {  	[spmem:s18] =	stream.linear.scatter [tilespmem:s6], [sflag:$0x2], $0x2000, $0x38;
	[tilespmem:$0x1A100] =	vst v63  }
0x39: {  	_ =	swait.ge [sflag:s29], $0x2000  }
0x3a: {  	[sflag:s29] =	ssyncset.done $0x0  }
0x3b: {  	[sflag:s29] =	ssyncadd.s32 $0xFFFFE000  }
0x3c: {  	[spmem:s19] =	stream.linear.scatter [tilespmem:s6], [sflag:$0x2], $0x2000, $0x38;
	[tilespmem:$0x1A100] =	vst v63  }
0x3d: {  	_ =	swait.ge [sflag:s29], $0x2000  }
0x3e: {  	[sflag:s29] =	ssyncset.done $0x0  }
0x3f: {  	[sflag:s29] =	ssyncadd.s32 $0xFFFFE000  }
0x40: {  	[spmem:s20] =	stream.linear.scatter [tilespmem:s6], [sflag:$0x2], $0x2000, $0x38;
	[tilespmem:$0x1A100] =	vst v63  }
0x41: {  	_ =	swait.ge [sflag:s29], $0x2000  }
0x42: {  	[sflag:s29] =	ssyncset.done $0x0  }
0x43: {  	[sflag:s29] =	ssyncadd.s32 $0xFFFFE000  }
0x44: {  	[spmem:s21] =	stream.linear.scatter [tilespmem:s6], [sflag:$0x2], $0x2000, $0x38;
	[tilespmem:$0x1A100] =	vst v63  }
0x45: {  	_ =	swait.ge [sflag:s29], $0x2000  }
0x46: {  	[sflag:s29] =	ssyncset.done $0x0  }
0x47: {  	[sflag:s29] =	ssyncadd.s32 $0xFFFFE000  }
0x48: {  	[spmem:s22] =	stream.linear.scatter [tilespmem:s6], [sflag:$0x2], $0x2000, $0x38;
	[tilespmem:$0x1A100] =	vst v63  }
0x49: {  	_ =	swait.ge [sflag:s29], $0x2000  }
0x4a: {  	[sflag:s29] =	ssyncset.done $0x0  }
0x4b: {  	[sflag:s29] =	ssyncadd.s32 $0xFFFFE000  }
0x4c: {  	[spmem:s23] =	stream.linear.scatter [tilespmem:s6], [sflag:$0x2], $0x2000, $0x38;
	[tilespmem:$0x1A100] =	vst v63  }
0x4d: {  	_ =	swait.ge [sflag:s29], $0x2000  }
0x4e: {  	[sflag:s29] =	ssyncset.done $0x0  }
0x4f: {  	[sflag:s29] =	ssyncadd.s32 $0xFFFFE000  }
0x50: {  	[spmem:s24] =	stream.linear.scatter [tilespmem:s6], [sflag:$0x2], $0x2000, $0x38;
	[tilespmem:$0x1A100] =	vst v63  }
0x51: {  	_ =	swait.ge [sflag:s29], $0x2000  }
0x52: {  	[sflag:s29] =	ssyncset.done $0x0  }
0x53: {  	[sflag:s29] =	ssyncadd.s32 $0xFFFFE000  }
0x54: {  	[spmem:s25] =	stream.linear.scatter [tilespmem:s6], [sflag:$0x2], $0x2000, $0x38;
	[tilespmem:$0x1A100] =	vst v63  }
0x55: {  	_ =	swait.ge [sflag:s29], $0x2000  }
0x56: {  	[sflag:s29] =	ssyncset.done $0x0  }
0x57: {  	[sflag:s29] =	ssyncadd.s32 $0xFFFFE000  }
0x58: {  	s7 =	sadd.s32 $0x0, s14;
	[bflag:$0x0] =	sbarrier.arrive $0xFFFF  }
0x59: {  	[tilespmem:s30], [sflag:$0x2] =	stream.linear.gather [hbm4b:s7+s1], $0x80, $0x38;
	[tilespmem:$0x1A100] =	vst v63  }
0x5a: {  	_ =	swait.ge [sflag:s29], $0x80  }
0x5b: {  	[sflag:s29] =	ssyncset.done $0x0  }
0x5c: {  	s8 =	sadd.s32 $0x0, s28;
	[sflag:s29] =	ssyncadd.s32 $0xFFFFFF80  }
0x5d: {  	[tilespmem:s31], [sflag:$0x2] =	stream.linear.gather [hbm4b:s8+s1], $0x80, $0x38;
	[tilespmem:$0x1A100] =	vst v63  }
0x5e: {  	_ =	swait.ge [sflag:s29], $0x80  }
0x5f: {  	[sflag:s29] =	ssyncset.done $0x0  }
0x60: {  	[sflag:s29] =	ssyncadd.s32 $0xFFFFFF80  }
0x61: {  	[tilespmem:s0], [sflag:$0x1] =	stream.indirect.gather [hbm4b:s15+s12], $0x80, s30, s12, $0xb8;
	[tilespmem:$0x1A100] =	vst v63  }
0x62: {  	_ =	swait.ge [sflag:s2], $0x4000  }
0x63: {  	[sflag:s2] =	ssyncset.done $0x0  }
0x64: {  	[sflag:s2] =	ssyncadd.s32 $0xFFFFC000  }
0x65: {  	[spmem:s13] =	stream.indirect.scatter.add.f32 [tilespmem:s0], [sflag:$0x2], $0x80, s31, s12, $0xb8;
	[tilespmem:$0x1A100] =	vst v63  }
0x66: {  	_ =	swait.ge [sflag:s29], $0x4000  }
0x67: {  	s4 =	simm.s32 $0x10;
	s5 =	simm.s32 $0x20;
	[sflag:s29] =	ssyncset.done $0x0  }
.LBB2_4:
0x68: {  	s6 =	sadd.s32 s4, s14  }
0x69: {  	[sflag:s29] =	ssyncadd.s32 $0xFFFFC000;
	s7 =	smov.u32 s5;
	s8 =	sadd.s32 $0x10, s5  }
0x6a: {  	[tilespmem:s30], [sflag:$0x2] =	stream.linear.gather [hbm4b:s6+s1], $0x80, $0x38;
	[tilespmem:$0x1A100] =	vst v63  }
0x6b: {  	p0 =	sne.s32 s5, $0x4F0;
	_ =	swait.ge [sflag:s29], $0x80  }
0x6c: {  	[sflag:s29] =	ssyncset.done $0x0  }
0x6d: {  	s5 =	sadd.s32 s4, s28;
	s4 =	smov.u32 s7;
	[sflag:s29] =	ssyncadd.s32 $0xFFFFFF80  }
0x6e: {  	[tilespmem:s31], [sflag:$0x2] =	stream.linear.gather [hbm4b:s5+s1], $0x80, $0x38;
	[tilespmem:$0x1A100] =	vst v63  }
0x6f: {  	_ =	swait.ge [sflag:s29], $0x80  }
0x70: {  	[sflag:s29] =	ssyncset.done $0x0  }
0x71: {  	[sflag:s29] =	ssyncadd.s32 $0xFFFFFF80  }
0x72: {  	[tilespmem:s0], [sflag:$0x1] =	stream.indirect.gather [hbm4b:s15+s12], $0x80, s30, s12, $0xb8;
	[tilespmem:$0x1A100] =	vst v63  }
0x73: {  	_ =	swait.ge [sflag:s2], $0x4000  }
.Ltmp1:
0x74: {  	[sflag:s2] =	ssyncset.done $0x0;
	(pc) =	sbr.rel @p0 .LBB2_4-.Ltmp1, $4  }
0x75: {  	[sflag:s2] =	ssyncadd.s32 $0xFFFFC000  }
0x76: {  	[spmem:s13] =	stream.indirect.scatter.add.f32 [tilespmem:s0], [sflag:$0x2], $0x80, s31, s12, $0xb8;
	[tilespmem:$0x1A100] =	vst v63  }
0x77: {  	_ =	swait.ge [sflag:s29], $0x4000  }
0x78: {  	s5 =	smov.u32 s8;
	[sflag:s29] =	ssyncset.done $0x0  }
0x79: {  	s5 =	sadd.s32 s4, s14;
	[sflag:s29] =	ssyncadd.s32 $0xFFFFC000  }
0x7a: {  	[tilespmem:s30], [sflag:$0x2] =	stream.linear.gather [hbm4b:s5+s1], $0x80, $0x38;
	[tilespmem:$0x1A100] =	vst v63  }
0x7b: {  	_ =	swait.ge [sflag:s29], $0x80  }
0x7c: {  	[sflag:s29] =	ssyncset.done $0x0  }
0x7d: {  	s5 =	sadd.s32 s4, s28;
	[sflag:s29] =	ssyncadd.s32 $0xFFFFFF80  }
0x7e: {  	[tilespmem:s31], [sflag:$0x2] =	stream.linear.gather [hbm4b:s5+s1], $0x80, $0x38;
	[tilespmem:$0x1A100] =	vst v63  }
0x7f: {  	_ =	swait.ge [sflag:s29], $0x80  }
0x80: {  	[sflag:s29] =	ssyncset.done $0x0  }
0x81: {  	[sflag:s29] =	ssyncadd.s32 $0xFFFFFF80  }
0x82: {  	[tilespmem:s0], [sflag:$0x1] =	stream.indirect.gather [hbm4b:s15+s12], $0x80, s30, s12, $0xb8;
	[tilespmem:$0x1A100] =	vst v63  }
0x83: {  	_ =	swait.ge [sflag:s2], $0x4000  }
0x84: {  	[sflag:s2] =	ssyncset.done $0x0  }
0x85: {  	[sflag:s2] =	ssyncadd.s32 $0xFFFFC000  }
0x86: {  	[spmem:s13] =	stream.indirect.scatter.add.f32 [tilespmem:s0], [sflag:$0x2], $0x80, s31, s12, $0xb8;
	[tilespmem:$0x1A100] =	vst v63  }
0x87: {  	_ =	swait.ge [sflag:s29], $0x4000  }
0x88: {  	[sflag:s29] =	ssyncset.done $0x0  }
0x89: {  	[sflag:s29] =	ssyncadd.s32 $0xFFFFC000  }
0x8a: {  	[bflag:$0x0] =	sbarrier.arrive $0xFFFF  }
0x8b: {  	[tilespmem:s1], [sflag:$0x2] =	stream.linear.gather [spmem:s16], $0x2000, $0x38;
	[tilespmem:$0x1A100] =	vst v63  }
0x8c: {  	_ =	swait.ge [sflag:s29], $0x2000  }
0x8d: {  	[sflag:s29] =	ssyncset.done $0x0  }
0x8e: {  	s6 =	rddreg [dreg:$0x4];
	[sflag:s29] =	ssyncadd.s32 $0xFFFFE000  }
0x8f: {  	[hbm4b:s6+s1] =	stream.linear.scatter [tilespmem:s1], [sflag:$0x2], $0x2000, $0x38;
	[tilespmem:$0x1A100] =	vst v63  }
0x90: {  	_ =	swait.ge [sflag:s29], $0x2000  }
0x91: {  	[sflag:s29] =	ssyncset.done $0x0  }
0x92: {  	[sflag:s29] =	ssyncadd.s32 $0xFFFFE000  }
0x93: {  	[tilespmem:s1], [sflag:$0x2] =	stream.linear.gather [spmem:s17], $0x2000, $0x38;
	[tilespmem:$0x1A100] =	vst v63  }
0x94: {  	_ =	swait.ge [sflag:s29], $0x2000  }
0x95: {  	[sflag:s29] =	ssyncset.done $0x0  }
0x96: {  	s7 =	rddreg [dreg:$0x5];
	[sflag:s29] =	ssyncadd.s32 $0xFFFFE000  }
0x97: {  	[hbm4b:s7+s1] =	stream.linear.scatter [tilespmem:s1], [sflag:$0x2], $0x2000, $0x38;
	[tilespmem:$0x1A100] =	vst v63  }
0x98: {  	_ =	swait.ge [sflag:s29], $0x2000  }
0x99: {  	[sflag:s29] =	ssyncset.done $0x0  }
0x9a: {  	[sflag:s29] =	ssyncadd.s32 $0xFFFFE000  }
0x9b: {  	[tilespmem:s1], [sflag:$0x2] =	stream.linear.gather [spmem:s18], $0x2000, $0x38;
	[tilespmem:$0x1A100] =	vst v63  }
0x9c: {  	_ =	swait.ge [sflag:s29], $0x2000  }
0x9d: {  	[sflag:s29] =	ssyncset.done $0x0  }
0x9e: {  	s8 =	rddreg [dreg:$0x6];
	[sflag:s29] =	ssyncadd.s32 $0xFFFFE000  }
0x9f: {  	[hbm4b:s8+s1] =	stream.linear.scatter [tilespmem:s1], [sflag:$0x2], $0x2000, $0x38;
	[tilespmem:$0x1A100] =	vst v63  }
0xa0: {  	_ =	swait.ge [sflag:s29], $0x2000  }
0xa1: {  	[sflag:s29] =	ssyncset.done $0x0  }
0xa2: {  	[sflag:s29] =	ssyncadd.s32 $0xFFFFE000  }
0xa3: {  	[tilespmem:s1], [sflag:$0x2] =	stream.linear.gather [spmem:s19], $0x2000, $0x38;
	[tilespmem:$0x1A100] =	vst v63  }
0xa4: {  	_ =	swait.ge [sflag:s29], $0x2000  }
0xa5: {  	[sflag:s29] =	ssyncset.done $0x0  }
0xa6: {  	s5 =	rddreg [dreg:$0x7];
	[sflag:s29] =	ssyncadd.s32 $0xFFFFE000  }
0xa7: {  	[hbm4b:s5+s1] =	stream.linear.scatter [tilespmem:s1], [sflag:$0x2], $0x2000, $0x38;
	[tilespmem:$0x1A100] =	vst v63  }
0xa8: {  	_ =	swait.ge [sflag:s29], $0x2000  }
0xa9: {  	[sflag:s29] =	ssyncset.done $0x0  }
0xaa: {  	[sflag:s29] =	ssyncadd.s32 $0xFFFFE000  }
0xab: {  	[tilespmem:s1], [sflag:$0x2] =	stream.linear.gather [spmem:s20], $0x2000, $0x38;
	[tilespmem:$0x1A100] =	vst v63  }
0xac: {  	_ =	swait.ge [sflag:s29], $0x2000  }
0xad: {  	[sflag:s29] =	ssyncset.done $0x0  }
0xae: {  	s6 =	rddreg [dreg:$0x8];
	[sflag:s29] =	ssyncadd.s32 $0xFFFFE000  }
0xaf: {  	[hbm4b:s6+s1] =	stream.linear.scatter [tilespmem:s1], [sflag:$0x2], $0x2000, $0x38;
	[tilespmem:$0x1A100] =	vst v63  }
0xb0: {  	_ =	swait.ge [sflag:s29], $0x2000  }
0xb1: {  	[sflag:s29] =	ssyncset.done $0x0  }
0xb2: {  	[sflag:s29] =	ssyncadd.s32 $0xFFFFE000  }
0xb3: {  	[tilespmem:s1], [sflag:$0x2] =	stream.linear.gather [spmem:s21], $0x2000, $0x38;
	[tilespmem:$0x1A100] =	vst v63  }
0xb4: {  	_ =	swait.ge [sflag:s29], $0x2000  }
0xb5: {  	[sflag:s29] =	ssyncset.done $0x0  }
0xb6: {  	s7 =	rddreg [dreg:$0x9];
	[sflag:s29] =	ssyncadd.s32 $0xFFFFE000  }
0xb7: {  	[hbm4b:s7+s1] =	stream.linear.scatter [tilespmem:s1], [sflag:$0x2], $0x2000, $0x38;
	[tilespmem:$0x1A100] =	vst v63  }
0xb8: {  	_ =	swait.ge [sflag:s29], $0x2000  }
0xb9: {  	[sflag:s29] =	ssyncset.done $0x0  }
0xba: {  	[sflag:s29] =	ssyncadd.s32 $0xFFFFE000  }
0xbb: {  	[tilespmem:s1], [sflag:$0x2] =	stream.linear.gather [spmem:s22], $0x2000, $0x38;
	[tilespmem:$0x1A100] =	vst v63  }
0xbc: {  	_ =	swait.ge [sflag:s29], $0x2000  }
0xbd: {  	[sflag:s29] =	ssyncset.done $0x0  }
0xbe: {  	s8 =	rddreg [dreg:$0xa];
	[sflag:s29] =	ssyncadd.s32 $0xFFFFE000  }
0xbf: {  	[hbm4b:s8+s1] =	stream.linear.scatter [tilespmem:s1], [sflag:$0x2], $0x2000, $0x38;
	[tilespmem:$0x1A100] =	vst v63  }
0xc0: {  	_ =	swait.ge [sflag:s29], $0x2000  }
0xc1: {  	[sflag:s29] =	ssyncset.done $0x0  }
0xc2: {  	[sflag:s29] =	ssyncadd.s32 $0xFFFFE000  }
0xc3: {  	[tilespmem:s1], [sflag:$0x2] =	stream.linear.gather [spmem:s23], $0x2000, $0x38;
	[tilespmem:$0x1A100] =	vst v63  }
0xc4: {  	_ =	swait.ge [sflag:s29], $0x2000  }
0xc5: {  	[sflag:s29] =	ssyncset.done $0x0  }
0xc6: {  	[sflag:s29] =	ssyncadd.s32 $0xFFFFE000  }
0xc7: {  	[hbm4b:s9+s1] =	stream.linear.scatter [tilespmem:s1], [sflag:$0x2], $0x2000, $0x38;
	[tilespmem:$0x1A100] =	vst v63  }
0xc8: {  	_ =	swait.ge [sflag:s29], $0x2000  }
0xc9: {  	[sflag:s29] =	ssyncset.done $0x0  }
0xca: {  	[sflag:s29] =	ssyncadd.s32 $0xFFFFE000  }
0xcb: {  	[tilespmem:s1], [sflag:$0x2] =	stream.linear.gather [spmem:s24], $0x2000, $0x38;
	[tilespmem:$0x1A100] =	vst v63  }
0xcc: {  	_ =	swait.ge [sflag:s29], $0x2000  }
0xcd: {  	[sflag:s29] =	ssyncset.done $0x0  }
0xce: {  	[sflag:s29] =	ssyncadd.s32 $0xFFFFE000  }
0xcf: {  	[hbm4b:s10+s1] =	stream.linear.scatter [tilespmem:s1], [sflag:$0x2], $0x2000, $0x38;
	[tilespmem:$0x1A100] =	vst v63  }
0xd0: {  	_ =	swait.ge [sflag:s29], $0x2000  }
0xd1: {  	[sflag:s29] =	ssyncset.done $0x0  }
0xd2: {  	[sflag:s29] =	ssyncadd.s32 $0xFFFFE000  }
0xd3: {  	[tilespmem:s1], [sflag:$0x2] =	stream.linear.gather [spmem:s25], $0x2000, $0x38;
	[tilespmem:$0x1A100] =	vst v63  }
0xd4: {  	s3 =	sadd.s32 $0x1, s3;
	_ =	swait.ge [sflag:s29], $0x2000  }
0xd5: {  	p0 =	sne.s32 s3, s26;
	[sflag:s29] =	ssyncset.done $0x0  }
.Ltmp2:
0xd6: {  	[sflag:s29] =	ssyncadd.s32 $0xFFFFE000;
	(pc) =	sbr.rel @p0 .LBB2_1-.Ltmp2, $4  }
0xd7: {  	[hbm4b:s11+s1] =	stream.linear.scatter [tilespmem:s1], [sflag:$0x2], $0x2000, $0x38;
	[tilespmem:$0x1A100] =	vst v63  }
0xd8: {  	_ =	swait.ge [sflag:s29], $0x2000  }
0xd9: {  	[sflag:s29] =	ssyncset.done $0x0  }
0xda: {  	[sflag:s29] =	ssyncadd.s32 $0xFFFFE000  }
0xdb: {  	_ =	sfence.sel $0x180000  }
0xdc: {  	[bflag:$0x0] =	sbarrier.arrive $0xFFFF  }
0xdd: {  	_ =	strace $0x90000050  }
0xde: {  	s0 =	stileid.u32;
	[bflag:$0x2] =	sbarrier.arrive $0xFFFF  }
0xdf: {  	p0 =	sne.s32 s0, $0x0;
	s0 =	rddreg [dreg:$0x3]  }
0xe0: {  	s0 =	sadd.s32 @!p0 $0x100000, s0  }
0xe1: {  	[sflag:s0] =	ssyncadd.tile.s32 @!p0 $0x1;
	_ =	shalt  }
.Lfunc_end2:
_tile_overlayer_lowered:
.L_overlay_start_2:
0xe2: {  	(tag) =	ssettag $0x2  }
0xe3: {  	s0 =	rddreg [dreg:$0x0];
	s2 =	stileid.u32  }
0xe4: {  	s1 =	rddreg [dreg:$0x1];
	p0 =	sne.s32 s2, $0x0  }
0xe5: {  	s3 =	rddreg [dreg:$0x2];
	[bflag:$0x3] =	sbarrier.arrive $0xFFFF;
	s2 =	simm.s32 @!p0 $0x1C02  }
0xe6: {  	[timem:s3], [sflag:s2] =	dma.local @!p0 [hbm:s0], s1  }
0xe7: {  	s0 =	simm.s32 @!p0 $0x2  }
0xe8: {  	_ =	swait.ge @!p0 [sflag:s0], s1  }
0xe9: {  	s1 =	ssub.s32 @!p0 $0x0, s1;
	[sflag:s0] =	ssyncset.done @!p0 $0x0  }
0xea: {  	[sflag:s0] =	ssyncadd.s32 @!p0 s1  }
0xeb: {  	[bflag:$0x3] =	sbarrier.arrive $0xFFFF  }
0xec: {  	_ =	shalt  }

// kernel: kernel.19.cloned.1.call-start
scs
__scs_entry_jumppad:
0x0: {  	(pc) =	sbr.rel $0x88, $3  }
0x1: {  	(tag) =	ssettag $0x0;
	lr =	simm.s32 $0x1  }
0x2: {  	[smem:$0x3F9F] =	sst lr;
	_ =	strace $0xD0000000  }
0x3: {  	_ = 	snop  }
0x4: {  	_ = 	snop  }
0x5: {  	_ = 	snop  }
0x6: {  	_ = 	snop  }
0x7: {  	_ = 	snop  }
__scs_overlays_trampoline_lowered:
0x8: {  	[smem:$0x3FAE] =	sst s0  }
0x9: {  	[smem:$0x3FAF] =	sst s1  }
0xa: {  	[smem:$0x3FB0] =	sst s2  }
0xb: {  	[smem:$0x3FB1] =	sst s3  }
0xc: {  	[smem:$0x3FB2] =	sst s4  }
0xd: {  	[smem:$0x3FB3] =	sst s5  }
0xe: {  	[smem:$0x3FB4] =	sst s6  }
0xf: {  	[smem:$0x3FB5] =	sst s7  }
0x10: {  	[smem:$0x3FB6] =	sst s8  }
0x11: {  	[smem:$0x3FB7] =	sst s9;
	s0 =	simm.s32 @!p0 $0x0  }
0x12: {  	s1 =	sld [smem:$0x3F9D];
	s0 =	simm.s32 @p0 $0x1  }
0x13: {  	[smem:$0x3FB8] =	sst s0;
	s0 =	simm.s32 @!p1 $0x0  }
0x14: {  	s2 =	sld [smem:$0x3F9C];
	s0 =	simm.s32 @p1 $0x1  }
0x15: {  	[smem:$0x3FB9] =	sst s0;
	s0 =	simm.s32 @!p2 $0x0  }
0x16: {  	s3 =	sld [smem:$0x3FDB];
	s0 =	simm.s32 @p2 $0x1  }
0x17: {  	s4 =	simm.s32 $0x1BF5;
	[smem:$0x3FBB] =	sst s0  }
0x18: {  	s0 =	sld [smem:$0x3F9E];
	_ =	swait.ge [sflag:s4], $0x0  }
0x19: {  	s7 =	sld [smem:$0x3F9F]  }
0x1a: {  	s8 =	sadd.s32 $0xFFFFE003, lr  }
0x1b: {  	s9 =	sadd.s32 $0xFFFFFEF7, lr;
	s5 =	simm.s32 $0xFFFFFFFF;
	p2 =	slt.u32 s8, $0xFFFFF086  }
0x1c: {  	p1 =	slt.u32 s9, $0xF7A;
	s5 =	simm.s32 @!p2 $0x0  }
0x1d: {  	s5 =	simm.s32 @p1 $0x1;
	p0 =	seq.s32 s7, s2  }
0x1e: {  	s7 =	smul.u32 @!p0 $0xF7A, s2;
	p2 =	seq.s32 @!p0 s5, $0x0  }
0x1f: {  	s9 =	smul.u32 $0xF7A, s1;
	s8 =	simm.s32 @!p0 $0x1BF5;
	p2 =	por !p2, p0  }
0x20: {  	[sflag:s8] =	ssyncset.s32 @!p0 $0xFFFFF086;
	s6 =	sadd.s32 @!p0 s3, s7;
	s7 =	simm.s32 @!p0 $0x108  }
0x21: {  	s3 =	sadd.s32 s3, s9;
	s6 =	sadd.s32 @!p0 $0x88, s6;
	s7 =	simm.s32 @p2 $0x1082  }
0x22: {  	[simem:s7], [sflag:s8] =	dma.local @!p0 [hbm:s6], $0xF7A  }
0x23: {  	s9 =	sor.u32 $0xD0000000, s2;
	s6 =	simm.s32 $0x108;
	_ =	swait.ge @!p0 [sflag:s8], $0x0  }
0x24: {  	s3 =	sadd.s32 $0x88, s3;
	s6 =	simm.s32 @!p1 $0x1082;
	[sflag:s4] =	ssyncset.s32 $0xFFFFF086  }
0x25: {  	[simem:s6], [sflag:s4] =	dma.local [hbm:s3], $0xF7A  }
0x26: {  	[smem:$0x3F9F] =	sst s1;
	(tag) =	ssettag s2;
	_ =	strace s9  }
0x27: {  	s1 =	sld [smem:$0x3FAF]  }
0x28: {  	s2 =	sld [smem:$0x3FB0]  }
0x29: {  	s4 =	sld [smem:$0x3FB2]  }
0x2a: {  	p0 =	seq.s32 s5, $0x0;
	s5 =	sld [smem:$0x3FB3]  }
0x2b: {  	s6 =	sld [smem:$0x3FB4]  }
0x2c: {  	s7 =	sld [smem:$0x3FB5]  }
0x2d: {  	s3 =	simm.s32 $0x108;
	s8 =	sld [smem:$0x3FB6]  }
0x2e: {  	s3 =	simm.s32 @!p0 $0x1082;
	s9 =	sld [smem:$0x3FB7]  }
0x2f: {  	lr =	sadd.s32 s0, s3;
	s0 =	sld [smem:$0x3FAE]  }
0x30: {  	s3 =	sld [smem:$0x3FB1]  }
0x31: {  	[smem:$0x3FBA] =	sst s10  }
0x32: {  	s10 =	sld [smem:$0x3FB8];
	_ =	sdelay $0x3  }
0x33: {  	p0 =	seq.s32 s10, $0x1;
	s10 =	sld [smem:$0x3FBA];
	_ =	sdelay $0x3  }
0x34: {  	[smem:$0x3FBA] =	sst s10  }
0x35: {  	s10 =	sld [smem:$0x3FB9];
	_ =	sdelay $0x3  }
0x36: {  	p1 =	seq.s32 s10, $0x1;
	s10 =	sld [smem:$0x3FBA];
	_ =	sdelay $0x3  }
0x37: {  	[smem:$0x3FBA] =	sst s10  }
0x38: {  	s10 =	sld [smem:$0x3FBB]  }
0x39: {  	_ = 	snop;
	(pc) =	sbr.ind lr, $3  }
0x3a: {  	_ = 	snop  }
0x3b: {  	_ = 	snop  }
0x3c: {  	p2 =	seq.s32 s10, $0x1;
	s10 =	sld [smem:$0x3FBA]  }
0x3d: {  	_ =	shalt  }
0x3e: {  	_ =	shalt  }
0x3f: {  	_ =	shalt  }
0x40: {  	_ =	shalt  }
0x41: {  	_ =	shalt  }
0x42: {  	_ =	shalt  }
0x43: {  	_ =	shalt  }
0x44: {  	_ =	shalt  }
0x45: {  	_ =	shalt  }
0x46: {  	_ =	shalt  }
0x47: {  	_ =	shalt  }
0x48: {  	_ =	shalt  }
0x49: {  	_ =	shalt  }
0x4a: {  	_ =	shalt  }
0x4b: {  	_ =	shalt  }
0x4c: {  	_ =	shalt  }
0x4d: {  	_ =	shalt  }
0x4e: {  	_ =	shalt  }
0x4f: {  	_ =	shalt  }
0x50: {  	_ =	shalt  }
0x51: {  	_ =	shalt  }
0x52: {  	_ =	shalt  }
0x53: {  	_ =	shalt  }
0x54: {  	_ =	shalt  }
0x55: {  	_ =	shalt  }
0x56: {  	_ =	shalt  }
0x57: {  	_ =	shalt  }
0x58: {  	_ =	shalt  }
0x59: {  	_ =	shalt  }
0x5a: {  	_ =	shalt  }
0x5b: {  	_ =	shalt  }
0x5c: {  	_ =	shalt  }
0x5d: {  	_ =	shalt  }
0x5e: {  	_ =	shalt  }
0x5f: {  	_ =	shalt  }
0x60: {  	_ =	shalt  }
0x61: {  	_ =	shalt  }
0x62: {  	_ =	shalt  }
0x63: {  	_ =	shalt  }
0x64: {  	_ =	shalt  }
0x65: {  	_ =	shalt  }
0x66: {  	_ =	shalt  }
0x67: {  	_ =	shalt  }
0x68: {  	_ =	shalt  }
0x69: {  	_ =	shalt  }
0x6a: {  	_ =	shalt  }
0x6b: {  	_ =	shalt  }
0x6c: {  	_ =	shalt  }
0x6d: {  	_ =	shalt  }
0x6e: {  	_ =	shalt  }
0x6f: {  	_ =	shalt  }
0x70: {  	_ =	shalt  }
0x71: {  	_ =	shalt  }
0x72: {  	_ =	shalt  }
0x73: {  	_ =	shalt  }
0x74: {  	_ =	shalt  }
0x75: {  	_ =	shalt  }
0x76: {  	_ =	shalt  }
0x77: {  	_ =	shalt  }
0x78: {  	_ =	shalt  }
0x79: {  	_ =	shalt  }
0x7a: {  	_ =	shalt  }
0x7b: {  	_ =	shalt  }
0x7c: {  	_ =	shalt  }
0x7d: {  	_ =	shalt  }
0x7e: {  	_ =	shalt  }
0x7f: {  	_ =	shalt  }
0x80: {  	_ =	shalt  }
0x81: {  	_ =	shalt  }
0x82: {  	_ =	shalt  }
0x83: {  	_ =	shalt  }
0x84: {  	_ =	shalt  }
0x85: {  	_ =	shalt  }
0x86: {  	_ =	shalt  }
0x87: {  	_ =	shalt  }
.Lfunc_end0:
.L_simem_size_0:
called_computation.4_lowered:
.L_overlay_start_0:
0x88: {  	s2 =	sld [smem:$0x3FD9]  }
0x89: {  	s3 =	sld [smem:$0x3FFE];
	_ =	sdelay $0x1  }
0x8a: {  	s1 =	srdreg.scid  }
0x8b: {  	s0 =	sand.u32 $0x1, s1  }
0x8c: {  	s16 =	sshll.u32 s0, $0xA;
	s2 =	sadd.s32 s3, s2  }
0x8d: {  	s2 =	sadd.s32 s2, s16  }
0x8e: {  	[smem:$0x3FC6] =	sst s2  }
0x8f: {  	_ = 	snop  }
0x90: {  	(tm) =	ssettm $0x1  }
0x91: {  	s17 =	sld [smem:$0x3FFB];
	_ =	sdelay $0x3  }
0x92: {  	_ =	strace s17  }
0x93: {  	s2 =	sld [smem:$0x3FFC];
	_ =	sdelay $0x3  }
0x94: {  	_ =	strace s2  }
0x95: {  	s2 =	sld [smem:$0x3FFD];
	_ =	sdelay $0x3  }
0x96: {  	_ =	strace s2  }
0x97: {  	_ =	strace $0x8FFFFFFF  }
0x98: {  	s18 =	sld [smem:$0x3FDB];
	_ =	sdelay $0x1  }
0x99: {  	s19 =	simm.s32 $_scs_section_size  }
0x9a: {  	s4 =	simm.s32 $_size__tile_overlayer_lowered;
	s5 =	simm.s32 $_tile_overlayer_lowered  }
0x9b: {  	s22 =	simm.s32 $0x1BFF;
	s21 =	sshll.u32 s5, $0x1;
	s2 =	sadd.s32 s19, s18  }
0x9c: {  	s6 =	simm.s32 $0x0;
	s20 =	sshll.u32 s4, $0x1;
	s4 =	sadd.s32 s21, s2  }
0x9d: {  	[timem:s6], [sflag:s22] =	dma.local [hbm:s4], s20  }
0x9e: {  	_ =	swait.ge [sflag:s22], s20  }
0x9f: {  	s3 =	ssub.s32 $0x0, s20;
	[sflag:s22] =	ssyncset.done $0x0  }
0xa0: {  	[sflag:s22] =	ssyncadd.s32 s3;
	_ =	sdelay $0x1  }
0xa1: {  	s23 =	simm.s32 $0x1B8B  }
0xa2: {  	_ =	swait.ge [sflag:s23], $0x1  }
0xa3: {  	[sflag:s23] =	ssyncset.done $0x0  }
0xa4: {  	s25 =	simm.s32 $0x1B8E;
	s24 =	sld [smem:$0x3FFE];
	[sflag:s23] =	ssyncadd.s32 $0xFFFFFFFF  }
0xa5: {  	s26 =	simm.s32 $execute0_lowered;
	[smem:$0x3FD2] =	sst s25  }
0xa6: {  	s4 =	sshll.u32 s26, $0x1;
	_ =	strace $0x80000052;
	[dreg:$0x1] =	wrdreg $0xFFFFFFFF  }
0xa7: {  	s28 =	simm.s32 $_size_execute0_lowered;
	s2 =	sadd.s32 s2, s4;
	[dreg:$0x0] =	wrdreg $0x0  }
0xa8: {  	s4 =	sshll.u32 s28, $0x1;
	[dreg:$0x2] =	wrdreg s2  }
0xa9: {  	[dreg:$0x3] =	wrdreg s4  }
0xaa: {  	[dreg:$0x4] =	wrdreg $0xC0  }
0xab: {  	_ =	task [dreg:s6], $0x5FFFF  }
0xac: {  	[dreg:$0x1] =	wrdreg $0xFFFFFFFF  }
0xad: {  	[dreg:$0x0] =	wrdreg $0x60  }
0xae: {  	[dreg:$0x2] =	wrdreg s24  }
0xaf: {  	[dreg:$0x3] =	wrdreg $0x9  }
0xb0: {  	_ =	task.clear_ibuf [dreg:s6], $0x4FFFF;
	_ =	strace $0x90000052  }
0xb1: {  	s29 =	simm.s32 $0x9;
	_ =	strace $0x80000054  }
0xb2: {  	_ =	swait.ge [sflag:s29], $0x1  }
0xb3: {  	[sflag:s29] =	ssyncadd.s32 $0xFFFFFFFF  }
0xb4: {  	_ =	strace $0x90000054  }
0xb5: {  	_ =	sfence  }
0xb6: {  	s30 =	sld [smem:$0x0];
	_ =	sdelay $0x2  }
0xb7: {  	s31 =	sshll.u32 s1, $0xD;
	s1 =	sshrl.u32 s1, $0x2  }
0xb8: {  	s3 =	sand.u32 $0x4000, s31;
	s1 =	sadd.s32 s1, s30  }
0xb9: {  	s0 =	sor.u32 s3, s0;
	s1 =	sshll.u32 s1, $0x11  }
0xba: {  	s0 =	sor.u32 s1, s0  }
0xbb: {  	s0 =	sadd.s32 $0x8F2B, s0  }
0xbc: {  	[sflag:s0] =	ssyncadd.remote.s32 $0x1  }
0xbd: {  	_ =	sfence.sel $0xFFFF  }
0xbe: {  	[dreg:$0x0] =	wrdreg $0xFFFFFFFF;
	(pc) =	sbr.abs _section_cstart, $3  }
0xbf: {  	[dreg:$0x1] =	wrdreg $0xFFFFFFFF  }
0xc0: {  	_ =	task.clear_ibuf [dreg:s6], $0x2FFFF;
	_ =	strace $0x9FFFFFFF  }
0xc1: {  	(tm) =	ssettm $0x7FFFFFFF  }
tec
execute0_lowered:
.L_overlay_start_1:
0x0: {  	(tag) =	ssettag $0x1  }
0x1: {  	s9 =	rddreg [dreg:$0x0]  }
0x2: {  	s0 =	rddreg [dreg:$0x1]  }
0x3: {  	s1 =	simm.s32 $0x0;
	s8 =	srdreg.scid;
	s3 =	stileid.u32  }
0x4: {  	s13 =	simm.s32 $0x2000;
	s14 =	simm.s32 $0x4000;
	s15 =	simm.s32 $0x6000  }
0x5: {  	s16 =	simm.s32 $0x0;
	[smem:$0x7FF] =	sst s1;
	s2 =	sadd.s32 $0xABC00, s9  }
0x6: {  	s4 =	sadd.s32 $0x5BC00, s9;
	s5 =	sadd.s32 $0x51600, s9;
	s6 =	sadd.s32 $0xD3C00, s9  }
0x7: {  	s7 =	sadd.s32 $0x1600, s9;
	s8 =	sand.u32 $0x1, s8;
	s10 =	sshll.u32 s3, $0x6  }
0x8: {  	s9 =	sadd.s32 $0x83C00, s9;
	_ =	strace $0x80000053;
	s11 =	ssub.s32 $0x2, s8  }
0x9: {  	s8 =	sshll.u32 s8, $0x4;
	s10 =	ssub.s32 $0x0, s10;
	s12 =	sshrl.u32 s11, $0x1  }
0xa: {  	s8 =	sor.u32 s3, s8;
	s10 =	sshrl.u32 s10, $0x6;
	s11 =	ssub.s32 s11, s12  }
0xb: {  	s8 =	smul.u32 $0x140, s8;
	s31 =	sand.u32 $0x1, s10;
	s12 =	simm.s32 $0x1  }
0xc: {  	s10 =	smax.u32 s11, $0x1;
	p0 =	seq.s32 s31, $0x1;
	s11 =	simm.s32 $0x8000  }
.LBB2_1:
0xd: {  	[tilespmem:s11], [sflag:$0x1] =	stream.linear.gather [hbm4b:s5+s1], $0x2800, $0x38;
	[tilespmem:$0xA800] =	vst v63  }
0xe: {  	_ =	swait.ge [sflag:s12], $0x2800  }
0xf: {  	[sflag:s12] =	ssyncset.done $0x0  }
0x10: {  	p1 =	por p0, p0;
	s17 =	simm.s32 $0x0;
	[sflag:s12] =	ssyncadd.s32 $0xFFFFD800  }
.LBB2_2:
0x11: {  	s18 =	sshll.u32 s17, $0x6  }
0x12: {  	s21 =	sadd.s32 s8, s18  }
0x13: {  	s18 =	sshll.u32 s21, $0x4  }
0x14: {  	s20 =	simm.s32 $0x0;
	s19 =	sadd.s32 s2, s18  }
0x15: {  	[tilespmem:s20], [sflag:$0x1] =	stream.linear.gather [hbm4b:s19+s20], $0x2000, $0x38;
	[tilespmem:$0xA800] =	vst v63  }
0x16: {  	_ =	swait.ge [sflag:s12], $0x2000  }
0x17: {  	[sflag:s12] =	ssyncset.done $0x0  }
0x18: {  	s29 =	sadd.s32 s4, s18;
	[sflag:s12] =	ssyncadd.s32 $0xFFFFE000  }
0x19: {  	[tilespmem:s13], [sflag:$0x1] =	stream.linear.gather [hbm4b:s29+s20], $0x2000, $0x38;
	[tilespmem:$0xA800] =	vst v63  }
0x1a: {  	_ =	swait.ge [sflag:s12], $0x2000  }
0x1b: {  	[sflag:s12] =	ssyncset.done $0x0  }
0x1c: {  	s30 =	sadd.s32 s18, s9;
	[sflag:s12] =	ssyncadd.s32 $0xFFFFE000  }
0x1d: {  	[tilespmem:s14], [sflag:$0x1] =	stream.linear.gather [hbm4b:s30+s20], $0x2000, $0x38;
	[tilespmem:$0xA800] =	vst v63  }
0x1e: {  	_ =	swait.ge [sflag:s12], $0x2000  }
0x1f: {  	[sflag:s12] =	ssyncset.done $0x0  }
0x20: {  	s31 =	sadd.s32 s6, s18;
	[sflag:s12] =	ssyncadd.s32 $0xFFFFE000  }
0x21: {  	[tilespmem:s15], [sflag:$0x1] =	stream.linear.gather [hbm4b:s31+s20], $0x2000, $0x38;
	[tilespmem:$0xA800] =	vst v63  }
0x22: {  	_ =	swait.ge [sflag:s12], $0x2000  }
0x23: {  	[sflag:s12] =	ssyncset.done $0x0  }
0x24: {  	s19 =	simm.s32 $0x0;
	[sflag:s12] =	ssyncadd.s32 $0xFFFFE000  }
0x25: {  	v2 =	vld [tilespmem:s19+$0x0]  }
0x26: {  	v4 =	vld [tilespmem:s19+$0x10]  }
0x27: {  	v1 =	vld [tilespmem:s19+$0x20]  }
0x28: {  	v3 =	vld [tilespmem:s19+$0x30]  }
0x29: {  	v0 =	vld [tilespmem:s19+$0x40]  }
0x2a: {  	v5 =	vld [tilespmem:s19+$0x2000]  }
0x2b: {  	v7 =	vld [tilespmem:s19+$0x4000]  }
0x2c: {  	v8 =	vld [tilespmem:s19+$0x2010]  }
0x2d: {  	v11 =	vld [tilespmem:s19+$0x4010]  }
0x2e: {  	v6 =	vld [tilespmem:s19+$0x2020]  }
0x2f: {  	s20 =	simm.s32 $0x1;
	v10 =	vld [tilespmem:s19+$0x4020]  }
0x30: {  	s20 =	simm.s32 @!p1 $0x0;
	v9 =	vld [tilespmem:s19+$0x2030]  }
0x31: {  	s21 =	sand.u32 $0x7FFFFF80, s21;
	s20 =	sshll.u32 s20, $0x6;
	v12 =	vld [tilespmem:s19+$0x4030]  }
0x32: {  	s22 =	simm.s32 $0x200;
	s23 =	sadd.s32 s21, s20;
	v13 =	vld [tilespmem:s19+$0x2040]  }
.LBB2_3:
0x33: {  	p2 =	sne.s32 s22, $0x7E00;
	v14 =	vmov s23;
	v15 =	vld [tilespmem:s19+$0x4040]  }
0x34: {  	v16 =	vld [tilespmem:s19+$0x2050]  }
0x35: {  	v17 =	vld [tilespmem:s19+$0x4050]  }
0x36: {  	v18 =	vld [tilespmem:s19+$0x2060]  }
0x37: {  	v19 =	vld [tilespmem:s19+$0x4060]  }
0x38: {  	v14 =	vld.idx.msk [tilespmem:v14+s11+$0x0], $0xffff  }
0x39: {  	v20 =	vld [tilespmem:s19+$0x2070]  }
0x3a: {  	v21 =	vld [tilespmem:s19+$0x4070]  }
0x3b: {  	v5 =	vadd.f32 v7, v5;
	v7 =	vadd.f32 v11, v8;
	v8 =	vld [tilespmem:s19+$0x50]  }
0x3c: {  	v6 =	vadd.f32 v10, v6;
	v9 =	vadd.f32 v12, v9;
	v10 =	vld [tilespmem:s19+$0x60]  }
0x3d: {  	v12 =	vadd.f32 v15, v13;
	v13 =	vadd.f32 v17, v16;
	v11 =	vld [tilespmem:s19+$0x6030]  }
0x3e: {  	v16 =	vadd.f32 v19, v18;
	v5 =	vmul.f32 v5, v14;
	v7 =	vmul.f32 v7, v14;
	v15 =	vld [tilespmem:s19+$0x6010]  }
0x3f: {  	v6 =	vmul.f32 v6, v14;
	v9 =	vmul.f32 v9, v14;
	v17 =	vld [tilespmem:s19+$0x6000];
	v18 =	vadd.f32 v21, v20  }
0x40: {  	v2 =	vsub.f32 v2, v5;
	v4 =	vsub.f32 v4, v7;
	v7 =	vmul.f32 v12, v14;
	v5 =	vld [tilespmem:s19+$0x6020]  }
0x41: {  	v1 =	vsub.f32 v1, v6;
	v3 =	vsub.f32 v3, v9;
	v9 =	vmul.f32 v13, v14;
	v6 =	vld [tilespmem:s19+$0x6040]  }
0x42: {  	v12 =	vmul.f32 $2.000000030e-01, v2;
	v4 =	vmul.f32 $2.000000030e-01, v4;
	v0 =	vsub.f32 v0, v7;
	v7 =	vld [tilespmem:s19+$0x6050]  }
0x43: {  	s23 =	sshra.s32 s22, $0x2;
	v1 =	vmul.f32 $2.000000030e-01, v1;
	v3 =	vmul.f32 $2.000000030e-01, v3;
	v8 =	vsub.f32 v8, v9;
	v9 =	vld [tilespmem:s19+$0x70]  }
0x44: {  	v13 =	vadd.f32 v4, v15;
	v0 =	vmul.f32 $2.000000030e-01, v0;
	v2 =	vld [tilespmem:s23+$0x0];
	v12 =	vadd.f32 v12, v17  }
0x45: {  	v11 =	vadd.f32 v3, v11;
	v4 =	vld [tilespmem:s23+$0x10];
	v5 =	vadd.f32 v1, v5;
	v1 =	vmul.f32 $2.000000030e-01, v8  }
0x46: {  	v3 =	vmul.f32 v18, v14;
	[tilespmem:s19+$0x6000] =	vst v12;
	v6 =	vadd.f32 v0, v6;
	v0 =	vmul.f32 v16, v14;
	v8 =	vld [tilespmem:s19+$0x6070]  }
0x47: {  	[tilespmem:s19+$0x6010] =	vst v13;
	v7 =	vadd.f32 v1, v7;
	v12 =	vld [tilespmem:s19+$0x6060]  }
0x48: {  	v1 =	vld [tilespmem:s23+$0x20];
	[tilespmem:s19+$0x6020] =	vst v5;
	v5 =	vsub.f32 v10, v0;
	v9 =	vsub.f32 v9, v3  }
0x49: {  	v3 =	vld [tilespmem:s23+$0x30];
	[tilespmem:s19+$0x6030] =	vst v11  }
0x4a: {  	v0 =	vld [tilespmem:s23+$0x40];
	[tilespmem:s19+$0x6040] =	vst v6;
	v6 =	vmul.f32 $2.000000030e-01, v5;
	v9 =	vmul.f32 $2.000000030e-01, v9  }
0x4b: {  	v5 =	vld [tilespmem:s23+$0x2000];
	[tilespmem:s19+$0x6050] =	vst v7  }
0x4c: {  	v7 =	vld [tilespmem:s23+$0x4000];
	v6 =	vadd.f32 v6, v12;
	v9 =	vadd.f32 v9, v8  }
0x4d: {  	v8 =	vld [tilespmem:s23+$0x2010]  }
0x4e: {  	v11 =	vld [tilespmem:s23+$0x4010];
	[tilespmem:s19+$0x6060] =	vst v6  }
.Ltmp0:
0x4f: {  	v6 =	vld [tilespmem:s23+$0x2020];
	[tilespmem:s19+$0x6070] =	vst v9;
	s19 =	smov.u32 s23;
	(pc) =	sbr.rel @p2 .LBB2_3-.Ltmp0, $4  }
0x50: {  	v10 =	vld [tilespmem:s19+$0x4020]  }
0x51: {  	v9 =	vld [tilespmem:s19+$0x2030]  }
0x52: {  	s20 =	sadd.s32 $0x1, s20;
	v12 =	vld [tilespmem:s19+$0x4030]  }
0x53: {  	s22 =	sadd.s32 $0x200, s22;
	s23 =	sadd.s32 s21, s20;
	v13 =	vld [tilespmem:s19+$0x2040]  }
0x54: {  	v14 =	vmov s23  }
0x55: {  	v15 =	vld [tilespmem:s19+$0x4040]  }
0x56: {  	v16 =	vld [tilespmem:s19+$0x2050]  }
0x57: {  	v17 =	vld [tilespmem:s19+$0x4050]  }
0x58: {  	v18 =	vld [tilespmem:s19+$0x2060]  }
0x59: {  	v14 =	vld.idx.msk [tilespmem:v14+s11+$0x0], $0xffff  }
0x5a: {  	v19 =	vld [tilespmem:s19+$0x4060]  }
0x5b: {  	v20 =	vld [tilespmem:s19+$0x2070]  }
0x5c: {  	v21 =	vld [tilespmem:s19+$0x4070];
	v5 =	vadd.f32 v7, v5  }
0x5d: {  	v44 =	vld [tilespmem:s19+$0x50];
	v8 =	vadd.f32 v11, v8  }
0x5e: {  	v45 =	vld [tilespmem:s19+$0x60];
	v6 =	vadd.f32 v10, v6;
	v9 =	vadd.f32 v12, v9;
	v5 =	vmul.f32 v5, v14  }
0x5f: {  	v22 =	vld [tilespmem:s19+$0x6000];
	v48 =	vadd.f32 v15, v13;
	v51 =	vadd.f32 v17, v16  }
0x60: {  	v23 =	vld [tilespmem:s19+$0x6030];
	v52 =	vadd.f32 v19, v18;
	v8 =	vmul.f32 v8, v14;
	v2 =	vsub.f32 v2, v5  }
0x61: {  	v46 =	vld [tilespmem:s19+$0x6010];
	v54 =	vadd.f32 v21, v20;
	v6 =	vmul.f32 v6, v14;
	v9 =	vmul.f32 v9, v14  }
0x62: {  	v47 =	vld [tilespmem:s19+$0x6020];
	v10 =	vmul.f32 v48, v14;
	v4 =	vsub.f32 v4, v8;
	v2 =	vmul.f32 $2.000000030e-01, v2  }
0x63: {  	v53 =	vld [tilespmem:s19+$0x70];
	v55 =	vmul.f32 v51, v14;
	v57 =	vmul.f32 v52, v14;
	v1 =	vsub.f32 v1, v6  }
0x64: {  	v49 =	vld [tilespmem:s19+$0x6040];
	v3 =	vsub.f32 v3, v9;
	v4 =	vmul.f32 $2.000000030e-01, v4;
	v2 =	vadd.f32 v2, v22  }
0x65: {  	v59 =	vld [tilespmem:s19+$0x6060];
	v0 =	vsub.f32 v0, v10;
	v60 =	vsub.f32 v45, v57;
	v1 =	vmul.f32 $2.000000030e-01, v1  }
0x66: {  	v50 =	vld [tilespmem:s19+$0x6050];
	v3 =	vmul.f32 $2.000000030e-01, v3;
	v4 =	vadd.f32 v4, v46;
	[tilespmem:s19+$0x6000] =	vst v2;
	v2 =	vmul.f32 v54, v14  }
0x67: {  	v56 =	vld [tilespmem:s19+$0x6070];
	v58 =	vsub.f32 v44, v55;
	v0 =	vmul.f32 $2.000000030e-01, v0;
	v1 =	vadd.f32 v1, v47  }
0x68: {  	v61 =	vmul.f32 $2.000000030e-01, v60;
	v3 =	vadd.f32 v3, v23;
	[tilespmem:s19+$0x6010] =	vst v4;
	v2 =	vsub.f32 v53, v2  }
0x69: {  	v0 =	vadd.f32 v0, v49;
	v4 =	vmul.f32 $2.000000030e-01, v58;
	[tilespmem:s19+$0x6020] =	vst v1  }
0x6a: {  	v62 =	vadd.f32 v61, v59;
	[tilespmem:s19+$0x6030] =	vst v3;
	v2 =	vmul.f32 $2.000000030e-01, v2  }
0x6b: {  	[tilespmem:s19+$0x6040] =	vst v0;
	v4 =	vadd.f32 v4, v50  }
0x6c: {  	s17 =	sadd.s32 $0x1, s17;
	[tilespmem:s19+$0x6060] =	vst v62;
	v63 =	vadd.f32 v2, v56  }
0x6d: {  	p2 =	sne.s32 s17, $0x5;
	[tilespmem:s19+$0x6050] =	vst v4  }
.Ltmp1:
0x6e: {  	s18 =	sadd.s32 s7, s18;
	[tilespmem:s19+$0x6070] =	vst v63;
	(pc) =	sbr.rel @p2 .LBB2_2-.Ltmp1, $4  }
0x6f: {  	[hbm4b:s18+s1] =	stream.linear.scatter [tilespmem:s15], [sflag:$0x1], $0x2000, $0x38;
	[tilespmem:$0xA800] =	vst v63  }
0x70: {  	_ =	swait.ge [sflag:s12], $0x2000  }
0x71: {  	[sflag:s12] =	ssyncset.done $0x0  }
0x72: {  	p1 =	por !p1, !p1;
	[sflag:s12] =	ssyncadd.s32 $0xFFFFE000  }
0x73: {  	s16 =	sadd.s32 $0x1, s16  }
0x74: {  	p1 =	sne.s32 s16, s10  }
.Ltmp2:
0x75: {  	_ = 	snop;
	(pc) =	sbr.rel @p1 .LBB2_1-.Ltmp2, $1  }
0x76: {  	_ =	sdelay $0x3  }
0x77: {  	_ =	sfence.sel $0x180000  }
0x78: {  	[bflag:$0x0] =	sbarrier.arrive $0xFFFF  }
0x79: {  	p0 =	sne.s32 s3, $0x0;
	_ =	strace $0x90000053  }
0x7a: {  	s0 =	sadd.s32 @!p0 $0x100000, s0;
	[bflag:$0x2] =	sbarrier.arrive $0xFFFF  }
0x7b: {  	[sflag:s0] =	ssyncadd.tile.s32 @!p0 $0x1;
	_ =	shalt  }
.Lfunc_end2:
_tile_overlayer_lowered:
.L_overlay_start_2:
0x7c: {  	(tag) =	ssettag $0x2  }
0x7d: {  	s0 =	rddreg [dreg:$0x0];
	s2 =	stileid.u32  }
0x7e: {  	s1 =	rddreg [dreg:$0x1];
	p0 =	sne.s32 s2, $0x0  }
0x7f: {  	s3 =	rddreg [dreg:$0x2];
	[bflag:$0x3] =	sbarrier.arrive $0xFFFF;
	s2 =	simm.s32 @!p0 $0x1C01  }
0x80: {  	[timem:s3], [sflag:s2] =	dma.local @!p0 [hbm:s0], s1  }
0x81: {  	s0 =	simm.s32 @!p0 $0x1  }
0x82: {  	_ =	swait.ge @!p0 [sflag:s0], s1  }
0x83: {  	s1 =	ssub.s32 @!p0 $0x0, s1;
	[sflag:s0] =	ssyncset.done @!p0 $0x0  }
0x84: {  	[sflag:s0] =	ssyncadd.s32 @!p0 s1  }
0x85: {  	[bflag:$0x3] =	sbarrier.arrive $0xFFFF  }
0x86: {  	_ =	shalt  }

// kernel: kernel.7.cloned.1.call-start
scs
__scs_entry_jumppad:
0x0: {  	(pc) =	sbr.rel $0x88, $3  }
0x1: {  	(tag) =	ssettag $0x0;
	lr =	simm.s32 $0x1  }
0x2: {  	[smem:$0x3F9F] =	sst lr;
	_ =	strace $0xD0000000  }
0x3: {  	_ = 	snop  }
0x4: {  	_ = 	snop  }
0x5: {  	_ = 	snop  }
0x6: {  	_ = 	snop  }
0x7: {  	_ = 	snop  }
__scs_overlays_trampoline_lowered:
0x8: {  	[smem:$0x3FAE] =	sst s0  }
0x9: {  	[smem:$0x3FAF] =	sst s1  }
0xa: {  	[smem:$0x3FB0] =	sst s2  }
0xb: {  	[smem:$0x3FB1] =	sst s3  }
0xc: {  	[smem:$0x3FB2] =	sst s4  }
0xd: {  	[smem:$0x3FB3] =	sst s5  }
0xe: {  	[smem:$0x3FB4] =	sst s6  }
0xf: {  	[smem:$0x3FB5] =	sst s7  }
0x10: {  	[smem:$0x3FB6] =	sst s8  }
0x11: {  	[smem:$0x3FB7] =	sst s9;
	s0 =	simm.s32 @!p0 $0x0  }
0x12: {  	s1 =	sld [smem:$0x3F9D];
	s0 =	simm.s32 @p0 $0x1  }
0x13: {  	[smem:$0x3FB8] =	sst s0;
	s0 =	simm.s32 @!p1 $0x0  }
0x14: {  	s2 =	sld [smem:$0x3F9C];
	s0 =	simm.s32 @p1 $0x1  }
0x15: {  	[smem:$0x3FB9] =	sst s0;
	s0 =	simm.s32 @!p2 $0x0  }
0x16: {  	s3 =	sld [smem:$0x3FDB];
	s0 =	simm.s32 @p2 $0x1  }
0x17: {  	s4 =	simm.s32 $0x1BF5;
	[smem:$0x3FBB] =	sst s0  }
0x18: {  	s0 =	sld [smem:$0x3F9E];
	_ =	swait.ge [sflag:s4], $0x0  }
0x19: {  	s7 =	sld [smem:$0x3F9F]  }
0x1a: {  	s8 =	sadd.s32 $0xFFFFE003, lr  }
0x1b: {  	s9 =	sadd.s32 $0xFFFFFEF7, lr;
	s5 =	simm.s32 $0xFFFFFFFF;
	p2 =	slt.u32 s8, $0xFFFFF086  }
0x1c: {  	p1 =	slt.u32 s9, $0xF7A;
	s5 =	simm.s32 @!p2 $0x0  }
0x1d: {  	s5 =	simm.s32 @p1 $0x1;
	p0 =	seq.s32 s7, s2  }
0x1e: {  	s7 =	smul.u32 @!p0 $0xF7A, s2;
	p2 =	seq.s32 @!p0 s5, $0x0  }
0x1f: {  	s9 =	smul.u32 $0xF7A, s1;
	s8 =	simm.s32 @!p0 $0x1BF5;
	p2 =	por !p2, p0  }
0x20: {  	[sflag:s8] =	ssyncset.s32 @!p0 $0xFFFFF086;
	s6 =	sadd.s32 @!p0 s3, s7;
	s7 =	simm.s32 @!p0 $0x108  }
0x21: {  	s3 =	sadd.s32 s3, s9;
	s6 =	sadd.s32 @!p0 $0x88, s6;
	s7 =	simm.s32 @p2 $0x1082  }
0x22: {  	[simem:s7], [sflag:s8] =	dma.local @!p0 [hbm:s6], $0xF7A  }
0x23: {  	s9 =	sor.u32 $0xD0000000, s2;
	s6 =	simm.s32 $0x108;
	_ =	swait.ge @!p0 [sflag:s8], $0x0  }
0x24: {  	s3 =	sadd.s32 $0x88, s3;
	s6 =	simm.s32 @!p1 $0x1082;
	[sflag:s4] =	ssyncset.s32 $0xFFFFF086  }
0x25: {  	[simem:s6], [sflag:s4] =	dma.local [hbm:s3], $0xF7A  }
0x26: {  	[smem:$0x3F9F] =	sst s1;
	(tag) =	ssettag s2;
	_ =	strace s9  }
0x27: {  	s1 =	sld [smem:$0x3FAF]  }
0x28: {  	s2 =	sld [smem:$0x3FB0]  }
0x29: {  	s4 =	sld [smem:$0x3FB2]  }
0x2a: {  	p0 =	seq.s32 s5, $0x0;
	s5 =	sld [smem:$0x3FB3]  }
0x2b: {  	s6 =	sld [smem:$0x3FB4]  }
0x2c: {  	s7 =	sld [smem:$0x3FB5]  }
0x2d: {  	s3 =	simm.s32 $0x108;
	s8 =	sld [smem:$0x3FB6]  }
0x2e: {  	s3 =	simm.s32 @!p0 $0x1082;
	s9 =	sld [smem:$0x3FB7]  }
0x2f: {  	lr =	sadd.s32 s0, s3;
	s0 =	sld [smem:$0x3FAE]  }
0x30: {  	s3 =	sld [smem:$0x3FB1]  }
0x31: {  	[smem:$0x3FBA] =	sst s10  }
0x32: {  	s10 =	sld [smem:$0x3FB8];
	_ =	sdelay $0x3  }
0x33: {  	p0 =	seq.s32 s10, $0x1;
	s10 =	sld [smem:$0x3FBA];
	_ =	sdelay $0x3  }
0x34: {  	[smem:$0x3FBA] =	sst s10  }
0x35: {  	s10 =	sld [smem:$0x3FB9];
	_ =	sdelay $0x3  }
0x36: {  	p1 =	seq.s32 s10, $0x1;
	s10 =	sld [smem:$0x3FBA];
	_ =	sdelay $0x3  }
0x37: {  	[smem:$0x3FBA] =	sst s10  }
0x38: {  	s10 =	sld [smem:$0x3FBB]  }
0x39: {  	_ = 	snop;
	(pc) =	sbr.ind lr, $3  }
0x3a: {  	_ = 	snop  }
0x3b: {  	_ = 	snop  }
0x3c: {  	p2 =	seq.s32 s10, $0x1;
	s10 =	sld [smem:$0x3FBA]  }
0x3d: {  	_ =	shalt  }
0x3e: {  	_ =	shalt  }
0x3f: {  	_ =	shalt  }
0x40: {  	_ =	shalt  }
0x41: {  	_ =	shalt  }
0x42: {  	_ =	shalt  }
0x43: {  	_ =	shalt  }
0x44: {  	_ =	shalt  }
0x45: {  	_ =	shalt  }
0x46: {  	_ =	shalt  }
0x47: {  	_ =	shalt  }
0x48: {  	_ =	shalt  }
0x49: {  	_ =	shalt  }
0x4a: {  	_ =	shalt  }
0x4b: {  	_ =	shalt  }
0x4c: {  	_ =	shalt  }
0x4d: {  	_ =	shalt  }
0x4e: {  	_ =	shalt  }
0x4f: {  	_ =	shalt  }
0x50: {  	_ =	shalt  }
0x51: {  	_ =	shalt  }
0x52: {  	_ =	shalt  }
0x53: {  	_ =	shalt  }
0x54: {  	_ =	shalt  }
0x55: {  	_ =	shalt  }
0x56: {  	_ =	shalt  }
0x57: {  	_ =	shalt  }
0x58: {  	_ =	shalt  }
0x59: {  	_ =	shalt  }
0x5a: {  	_ =	shalt  }
0x5b: {  	_ =	shalt  }
0x5c: {  	_ =	shalt  }
0x5d: {  	_ =	shalt  }
0x5e: {  	_ =	shalt  }
0x5f: {  	_ =	shalt  }
0x60: {  	_ =	shalt  }
0x61: {  	_ =	shalt  }
0x62: {  	_ =	shalt  }
0x63: {  	_ =	shalt  }
0x64: {  	_ =	shalt  }
0x65: {  	_ =	shalt  }
0x66: {  	_ =	shalt  }
0x67: {  	_ =	shalt  }
0x68: {  	_ =	shalt  }
0x69: {  	_ =	shalt  }
0x6a: {  	_ =	shalt  }
0x6b: {  	_ =	shalt  }
0x6c: {  	_ =	shalt  }
0x6d: {  	_ =	shalt  }
0x6e: {  	_ =	shalt  }
0x6f: {  	_ =	shalt  }
0x70: {  	_ =	shalt  }
0x71: {  	_ =	shalt  }
0x72: {  	_ =	shalt  }
0x73: {  	_ =	shalt  }
0x74: {  	_ =	shalt  }
0x75: {  	_ =	shalt  }
0x76: {  	_ =	shalt  }
0x77: {  	_ =	shalt  }
0x78: {  	_ =	shalt  }
0x79: {  	_ =	shalt  }
0x7a: {  	_ =	shalt  }
0x7b: {  	_ =	shalt  }
0x7c: {  	_ =	shalt  }
0x7d: {  	_ =	shalt  }
0x7e: {  	_ =	shalt  }
0x7f: {  	_ =	shalt  }
0x80: {  	_ =	shalt  }
0x81: {  	_ =	shalt  }
0x82: {  	_ =	shalt  }
0x83: {  	_ =	shalt  }
0x84: {  	_ =	shalt  }
0x85: {  	_ =	shalt  }
0x86: {  	_ =	shalt  }
0x87: {  	_ =	shalt  }
.Lfunc_end0:
.L_simem_size_0:
called_computation_lowered:
.L_overlay_start_0:
0x88: {  	s2 =	sld [smem:$0x3FD9]  }
0x89: {  	s3 =	sld [smem:$0x3FFE];
	_ =	sdelay $0x1  }
0x8a: {  	s1 =	srdreg.scid  }
0x8b: {  	s0 =	sand.u32 $0x1, s1  }
0x8c: {  	s17 =	sshll.u32 s0, $0xA;
	s2 =	sadd.s32 s3, s2  }
0x8d: {  	s2 =	sadd.s32 s2, s17  }
0x8e: {  	[smem:$0x3FC6] =	sst s2  }
0x8f: {  	_ = 	snop  }
0x90: {  	s2 =	sld [smem:$0x3FD0];
	(tm) =	ssettm $0x1  }
0x91: {  	s18 =	sld [smem:$0x3FFB];
	_ =	sdelay $0x3  }
0x92: {  	_ =	strace s18  }
0x93: {  	s3 =	sld [smem:$0x3FFC];
	_ =	sdelay $0x3  }
0x94: {  	_ =	strace s3  }
0x95: {  	s3 =	sld [smem:$0x3FFD];
	_ =	sdelay $0x3  }
0x96: {  	_ =	strace s3  }
0x97: {  	_ =	strace $0x8FFFFFFF  }
0x98: {  	s19 =	sld [smem:$0x3FDB];
	_ =	sdelay $0x1  }
0x99: {  	s4 =	simm.s32 $_scs_section_size  }
0x9a: {  	s5 =	simm.s32 $_size__tile_overlayer_lowered;
	s6 =	simm.s32 $_tile_overlayer_lowered  }
0x9b: {  	s22 =	simm.s32 $0x1BFF;
	s21 =	sshll.u32 s6, $0x1;
	s3 =	sadd.s32 s4, s19  }
0x9c: {  	s7 =	simm.s32 $0x0;
	s20 =	sshll.u32 s5, $0x1;
	s5 =	sadd.s32 s21, s3  }
0x9d: {  	[timem:s7], [sflag:s22] =	dma.local [hbm:s5], s20  }
0x9e: {  	_ =	swait.ge [sflag:s22], s20  }
0x9f: {  	s4 =	ssub.s32 $0x0, s20;
	[sflag:s22] =	ssyncset.done $0x0  }
0xa0: {  	[sflag:s22] =	ssyncadd.s32 s4;
	_ =	sdelay $0x1  }
0xa1: {  	s23 =	simm.s32 $0x1B8B  }
0xa2: {  	_ =	swait.ge [sflag:s23], $0x1  }
0xa3: {  	[sflag:s23] =	ssyncset.done $0x0  }
0xa4: {  	s25 =	simm.s32 $0x1B8E;
	s24 =	sld [smem:$0x3FFE];
	[sflag:s23] =	ssyncadd.s32 $0xFFFFFFFF  }
0xa5: {  	s26 =	simm.s32 $execute0_lowered;
	[smem:$0x3FD2] =	sst s25  }
0xa6: {  	s5 =	sshll.u32 s26, $0x1;
	_ =	strace $0x80000046;
	[dreg:$0x1] =	wrdreg $0xFFFFFFFF  }
0xa7: {  	s28 =	simm.s32 $_size_execute0_lowered;
	s3 =	sadd.s32 s3, s5;
	[dreg:$0x0] =	wrdreg $0x0  }
0xa8: {  	s5 =	sshll.u32 s28, $0x1;
	[dreg:$0x2] =	wrdreg s3  }
0xa9: {  	[dreg:$0x3] =	wrdreg s5  }
0xaa: {  	[dreg:$0x4] =	wrdreg $0xC0  }
0xab: {  	_ =	task [dreg:s7], $0x5FFFF  }
0xac: {  	[dreg:$0x1] =	wrdreg $0xFFFFFFFF  }
0xad: {  	[dreg:$0x0] =	wrdreg $0x60  }
0xae: {  	[dreg:$0x2] =	wrdreg s24  }
0xaf: {  	[dreg:$0x3] =	wrdreg s2  }
0xb0: {  	[dreg:$0x4] =	wrdreg $0x95000  }
0xb1: {  	[dreg:$0x5] =	wrdreg $0x9  }
0xb2: {  	_ =	task.clear_ibuf [dreg:s7], $0x6FFFF;
	_ =	strace $0x90000046  }
0xb3: {  	s29 =	simm.s32 $0x9;
	_ =	strace $0x80000048  }
0xb4: {  	_ =	swait.ge [sflag:s29], $0x1  }
0xb5: {  	[sflag:s29] =	ssyncadd.s32 $0xFFFFFFFF  }
0xb6: {  	_ =	strace $0x90000048  }
0xb7: {  	_ =	sfence  }
0xb8: {  	s30 =	sld [smem:$0x0];
	_ =	sdelay $0x2  }
0xb9: {  	s31 =	sshll.u32 s1, $0xD;
	s1 =	sshrl.u32 s1, $0x2  }
0xba: {  	s3 =	sand.u32 $0x4000, s31;
	s1 =	sadd.s32 s1, s30  }
0xbb: {  	s0 =	sor.u32 s3, s0;
	s1 =	sshll.u32 s1, $0x11  }
0xbc: {  	s0 =	sor.u32 s1, s0  }
0xbd: {  	s0 =	sadd.s32 $0x8F2B, s0  }
0xbe: {  	[sflag:s0] =	ssyncadd.remote.s32 $0x1  }
0xbf: {  	_ =	sfence.sel $0xFFFF  }
0xc0: {  	[dreg:$0x0] =	wrdreg $0xFFFFFFFF;
	(pc) =	sbr.abs _section_cstart, $3  }
0xc1: {  	[dreg:$0x1] =	wrdreg $0xFFFFFFFF  }
0xc2: {  	_ =	task.clear_ibuf [dreg:s7], $0x2FFFF;
	_ =	strace $0x9FFFFFFF  }
0xc3: {  	(tm) =	ssettm $0x7FFFFFFF  }
tec
execute0_lowered:
.L_overlay_start_1:
0x0: {  	(tag) =	ssettag $0x1  }
0x1: {  	s5 =	rddreg [dreg:$0x0]  }
0x2: {  	s10 =	rddreg [dreg:$0x1]  }
0x3: {  	s1 =	rddreg [dreg:$0x2]  }
0x4: {  	s0 =	rddreg [dreg:$0x3];
	s3 =	simm.s32 $0x0;
	s4 =	srdreg.scid  }
0x5: {  	s2 =	stileid.u32;
	s14 =	simm.s32 $0x2880;
	s15 =	simm.s32 $0x2900  }
0x6: {  	s17 =	simm.s32 $0x5500;
	s18 =	simm.s32 $0x7500;
	s19 =	simm.s32 $0x0  }
0x7: {  	[smem:$0x7FF] =	sst s3;
	s16 =	sand.u32 $0x1, s4;
	s6 =	sshll.u32 s2, $0x7  }
0x8: {  	s4 =	sadd.s32 $0x1600, s5;
	s29 =	sshll.u32 s2, $0xA;
	s30 =	sshll.u32 s2, $0x6  }
0x9: {  	s12 =	smul.u32 $0xA00, s2;
	p1 =	sgt.u32 s2, $0x9;
	_ =	strace $0x80000047  }
0xa: {  	s7 =	ssub.s32 $0x2, s16;
	s8 =	sadd.s32 s6, s5;
	s5 =	sadd.s32 $0x29600, s5  }
0xb: {  	s28 =	sshll.u32 s16, $0x4;
	s6 =	sadd.s32 s29, s1;
	s13 =	ssub.s32 $0x0, s30  }
0xc: {  	p2 =	sne.s32 s16, $0x0;
	s16 =	simm.s32 $0x2D00;
	s26 =	sshrl.u32 s7, $0x1  }
0xd: {  	s11 =	sor.u32 s2, s28;
	s31 =	sshrl.u32 s13, $0x6;
	s10 =	sadd.s32 s12, s10  }
0xe: {  	v0 =	vlaneseq.u32;
	s12 =	simm.s32 $0x1;
	s13 =	simm.s32 $0x50;
	s9 =	ssub.s32 s7, s26  }
0xf: {  	v1 =	vimm.f32 $0.0e+00;
	v2 =	vimm.f32 $1.000000000e+00;
	v3 =	vor.u32 $0x10, v0;
	s7 =	sadd.s32 $0x51600, s8;
	s8 =	smul.u32 $0x140, s11;
	s11 =	sand.u32 $0x1, s31  }
0x10: {  	v4 =	vor.u32 $0x20, v0;
	v5 =	vor.u32 $0x30, v0;
	v6 =	vor.u32 $0x40, v0;
	s9 =	smax.u32 s9, $0x1;
	p0 =	seq.s32 s11, $0x1;
	s11 =	simm.s32 $0x2800  }
.LBB2_1:
0x11: {  	s20 =	simm.s32 $0x0;
	s21 =	simm.s32 $0x200  }
.LBB2_2:
0x12: {  	p3 =	sne.s32 s21, $0x9E00;
	[tilespmem:s20+$0x70] =	vst v1  }
0x13: {  	[tilespmem:s20+$0x0] =	vst v1  }
0x14: {  	[tilespmem:s20+$0x10] =	vst v1  }
.Ltmp0:
0x15: {  	[tilespmem:s20+$0x20] =	vst v1;
	(pc) =	sbr.rel @p3 .LBB2_2-.Ltmp0, $4  }
0x16: {  	[tilespmem:s20+$0x30] =	vst v1  }
0x17: {  	[tilespmem:s20+$0x40] =	vst v1  }
0x18: {  	[tilespmem:s20+$0x50] =	vst v1  }
0x19: {  	[tilespmem:s20+$0x60] =	vst v1;
	s20 =	sshra.s32 s21, $0x2;
	s21 =	sadd.s32 $0x200, s21  }
0x1a: {  	[tilespmem:s20+$0x70] =	vst v1  }
0x1b: {  	[tilespmem:s20+$0x0] =	vst v1  }
0x1c: {  	[tilespmem:s20+$0x10] =	vst v1  }
0x1d: {  	[tilespmem:s20+$0x20] =	vst v1  }
0x1e: {  	[tilespmem:s20+$0x30] =	vst v1  }
0x1f: {  	[tilespmem:s20+$0x40] =	vst v1  }
0x20: {  	[tilespmem:s20+$0x50] =	vst v1  }
0x21: {  	[tilespmem:s20+$0x60] =	vst v1  }
0x22: {  	[tilespmem:$0x2900] =	vst v1  }
0x23: {  	[tilespmem:$0x2910] =	vst v1  }
0x24: {  	[tilespmem:$0x2920] =	vst v1  }
0x25: {  	[tilespmem:$0x2930] =	vst v1  }
0x26: {  	[tilespmem:$0x2940] =	vst v1  }
0x27: {  	[tilespmem:$0x2950] =	vst v1  }
0x28: {  	[tilespmem:$0x2960] =	vst v1  }
0x29: {  	[tilespmem:$0x2970] =	vst v1  }
0x2a: {  	[tilespmem:$0x2980] =	vst v1  }
0x2b: {  	[tilespmem:$0x2990] =	vst v1  }
0x2c: {  	[tilespmem:$0x29A0] =	vst v1  }
0x2d: {  	[tilespmem:$0x29B0] =	vst v1  }
0x2e: {  	[tilespmem:$0x29C0] =	vst v1  }
0x2f: {  	[tilespmem:$0x29D0] =	vst v1  }
0x30: {  	[tilespmem:$0x29E0] =	vst v1  }
0x31: {  	[tilespmem:$0x29F0] =	vst v1  }
0x32: {  	[tilespmem:$0x2A00] =	vst v1  }
0x33: {  	[tilespmem:$0x2A10] =	vst v1  }
0x34: {  	[tilespmem:$0x2A20] =	vst v1  }
0x35: {  	[tilespmem:$0x2A30] =	vst v1  }
0x36: {  	[tilespmem:$0x2A40] =	vst v1  }
0x37: {  	[tilespmem:$0x2A50] =	vst v1  }
0x38: {  	[tilespmem:$0x2A60] =	vst v1  }
0x39: {  	[tilespmem:$0x2A70] =	vst v1  }
0x3a: {  	[tilespmem:$0x2A80] =	vst v1  }
0x3b: {  	[tilespmem:$0x2A90] =	vst v1  }
0x3c: {  	[tilespmem:$0x2AA0] =	vst v1  }
0x3d: {  	[tilespmem:$0x2AB0] =	vst v1  }
0x3e: {  	[tilespmem:$0x2AC0] =	vst v1  }
0x3f: {  	[tilespmem:$0x2AD0] =	vst v1  }
0x40: {  	[tilespmem:$0x2AE0] =	vst v1  }
0x41: {  	[tilespmem:$0x2AF0] =	vst v1  }
0x42: {  	[tilespmem:$0x2B00] =	vst v1  }
0x43: {  	[tilespmem:$0x2B10] =	vst v1  }
0x44: {  	[tilespmem:$0x2B20] =	vst v1  }
0x45: {  	[tilespmem:$0x2B30] =	vst v1  }
0x46: {  	[tilespmem:$0x2B40] =	vst v1  }
0x47: {  	[tilespmem:$0x2B50] =	vst v1  }
0x48: {  	[tilespmem:$0x2B60] =	vst v1  }
0x49: {  	[tilespmem:$0x2B70] =	vst v1  }
0x4a: {  	[tilespmem:$0x2B80] =	vst v1  }
0x4b: {  	[tilespmem:$0x2B90] =	vst v1  }
0x4c: {  	[tilespmem:$0x2BA0] =	vst v1  }
0x4d: {  	[tilespmem:$0x2BB0] =	vst v1  }
0x4e: {  	[tilespmem:$0x2BC0] =	vst v1  }
0x4f: {  	[tilespmem:$0x2BD0] =	vst v1  }
0x50: {  	[tilespmem:$0x2BE0] =	vst v1  }
0x51: {  	[tilespmem:$0x2BF0] =	vst v1  }
0x52: {  	[tilespmem:$0x2C00] =	vst v1  }
0x53: {  	[tilespmem:$0x2C10] =	vst v1  }
0x54: {  	[tilespmem:$0x2C20] =	vst v1  }
0x55: {  	[tilespmem:$0x2C30] =	vst v1  }
0x56: {  	[tilespmem:$0x2C40] =	vst v1  }
0x57: {  	[tilespmem:$0x2C50] =	vst v1  }
0x58: {  	[tilespmem:$0x2C60] =	vst v1  }
0x59: {  	[tilespmem:$0x2C70] =	vst v1  }
0x5a: {  	[tilespmem:$0x2C80] =	vst v1  }
0x5b: {  	[tilespmem:$0x2C90] =	vst v1  }
0x5c: {  	[tilespmem:$0x2CA0] =	vst v1  }
0x5d: {  	[tilespmem:$0x2CB0] =	vst v1  }
0x5e: {  	[tilespmem:$0x2CC0] =	vst v1  }
0x5f: {  	[tilespmem:$0x2CD0] =	vst v1  }
0x60: {  	[tilespmem:$0x2CE0] =	vst v1  }
0x61: {  	s20 =	simm.s32 @!p1 $0x2900;
	[tilespmem:$0x2CF0] =	vst v1  }
0x62: {  	[spmem:s6] =	stream.linear.scatter @!p1 [tilespmem:s20], [sflag:$0x1], $0x400, $0x38;
	[tilespmem:$0x9780] =	vst v63  }
0x63: {  	s20 =	simm.s32 @!p1 $0x1  }
0x64: {  	_ =	swait.ge @!p1 [sflag:s20], $0x400  }
0x65: {  	[sflag:s20] =	ssyncset.done @!p1 $0x0  }
0x66: {  	[sflag:s20] =	ssyncadd.s32 @!p1 $0xFFFFFC00  }
0x67: {  	s20 =	simm.s32 $0x0;
	[bflag:$0x0] =	sbarrier.arrive $0xFFFF  }
.LBB2_4:
0x68: {  	s21 =	sadd.s32 s20, s10  }
0x69: {  	[tilespmem:s11], [sflag:$0x1] =	stream.linear.gather [hbm4b:s21+s3], $0x80, $0x38;
	[tilespmem:$0x9780] =	vst v63  }
0x6a: {  	_ =	swait.ge [sflag:s12], $0x80  }
0x6b: {  	[sflag:s12] =	ssyncset.done $0x0  }
0x6c: {  	[sflag:s12] =	ssyncadd.s32 $0xFFFFFF80  }
0x6d: {  	v7 =	vld [tilespmem:$0x2800];
	_ =	sdelay $0x7  }
0x6e: {  	[tilespmem:v7+s3+$0x0] =	vst.idx.add.f32.msk $0xffff, v2  }
0x6f: {  	v7 =	vld [tilespmem:$0x2810];
	_ =	sdelay $0x7  }
0x70: {  	[tilespmem:v7+s3+$0x0] =	vst.idx.add.f32.msk $0xffff, v2  }
0x71: {  	v7 =	vld [tilespmem:$0x2820];
	_ =	sdelay $0x7  }
0x72: {  	[tilespmem:v7+s3+$0x0] =	vst.idx.add.f32.msk $0xffff, v2  }
0x73: {  	v7 =	vld [tilespmem:$0x2830];
	_ =	sdelay $0x7  }
0x74: {  	[tilespmem:v7+s3+$0x0] =	vst.idx.add.f32.msk $0xffff, v2  }
0x75: {  	v7 =	vld [tilespmem:$0x2840];
	_ =	sdelay $0x7  }
0x76: {  	[tilespmem:v7+s3+$0x0] =	vst.idx.add.f32.msk $0xffff, v2  }
0x77: {  	v7 =	vld [tilespmem:$0x2850];
	_ =	sdelay $0x7  }
0x78: {  	[tilespmem:v7+s3+$0x0] =	vst.idx.add.f32.msk $0xffff, v2  }
0x79: {  	v7 =	vld [tilespmem:$0x2860];
	_ =	sdelay $0x7  }
0x7a: {  	[tilespmem:v7+s3+$0x0] =	vst.idx.add.f32.msk $0xffff, v2  }
0x7b: {  	v7 =	vld [tilespmem:$0x2870];
	_ =	sdelay $0x2  }
0x7c: {  	p3 =	sne.s32 s20, $0x9F0  }
.Ltmp1:
0x7d: {  	_ = 	snop;
	(pc) =	sbr.rel @p3 .LBB2_4-.Ltmp1, $2  }
0x7e: {  	_ =	sdelay $0x2  }
0x7f: {  	s20 =	sadd.s32 $0x10, s20;
	[tilespmem:v7+s3+$0x0] =	vst.idx.add.f32.msk $0xffff, v2  }
0x80: {  	[tilespmem:$0x2880] =	vst v0  }
0x81: {  	[tilespmem:$0x2890] =	vst v3  }
0x82: {  	[tilespmem:$0x28A0] =	vst v4  }
0x83: {  	[tilespmem:$0x28B0] =	vst v5  }
0x84: {  	[tilespmem:$0x28C0] =	vst v6  }
0x85: {  	[spmem:s1] =	stream.indirect.scatter.add.f32 [tilespmem:s3], [sflag:$0x1], $0x80, s14, s13, $0xb8;
	[tilespmem:$0x9780] =	vst v63  }
.Ltmp2:
0x86: {  	_ =	swait.ge [sflag:s12], $0x2800;
	(pc) =	sbr.rel @p1 .LBB2_9-.Ltmp2, $3  }
0x87: {  	[sflag:s12] =	ssyncset.done $0x0  }
0x88: {  	[sflag:s12] =	ssyncadd.s32 $0xFFFFD800  }
0x89: {  	[bflag:$0x0] =	sbarrier.arrive $0xFFFF;
	_ =	sdelay $0x1  }
0x8a: {  	[tilespmem:s15], [sflag:$0x1] =	stream.linear.gather [spmem:s6], $0x400, $0x38;
	[tilespmem:$0x9780] =	vst v63  }
0x8b: {  	_ =	swait.ge [sflag:s12], $0x400  }
0x8c: {  	[sflag:s12] =	ssyncset.done $0x0  }
0x8d: {  	s20 =	simm.s32 $0x0;
	[sflag:s12] =	ssyncadd.s32 $0xFFFFFC00  }
0x8e: {  	v7 =	vld [tilespmem:s20+$0x2970];
	_ =	sdelay $0x4  }
0x8f: {  	v7 =	vmax.f32 v7, $1.000000000e+00  }
0x90: {  	v8 =	vshra.s32 v7, $0x1;
	v7 =	vmul.f32 $5.000000000e-01, v7  }
0x91: {  	v8 =	vsub.s32 $0x5F3759DF, v8  }
0x92: {  	v9 =	vmul.f32 v8, v7;
	_ =	sdelay $0x1  }
0x93: {  	v10 =	vld [tilespmem:s20+$0x2960];
	v9 =	vmul.f32 v8, v9  }
0x94: {  	v11 =	vld [tilespmem:s20+$0x2950]  }
0x95: {  	v9 =	vsub.f32 $1.500000000e+00, v9;
	_ =	sdelay $0x1  }
0x96: {  	v8 =	vmul.f32 v8, v9  }
0x97: {  	v15 =	vld [tilespmem:s20+$0x2930]  }
0x98: {  	v21 =	vld [tilespmem:s20+$0x2910];
	v11 =	vmax.f32 v11, $1.000000000e+00;
	v9 =	vmax.f32 v10, $1.000000000e+00;
	v13 =	vmul.f32 v8, v7  }
0x99: {  	v17 =	vshra.s32 v11, $0x1;
	v10 =	vld [tilespmem:s20+$0x2920];
	v12 =	vshra.s32 v9, $0x1;
	v14 =	vmul.f32 $5.000000000e-01, v9  }
0x9a: {  	v19 =	vmul.f32 $5.000000000e-01, v11;
	v9 =	vld [tilespmem:s20+$0x2900];
	v12 =	vsub.s32 $0x5F3759DF, v12;
	v13 =	vmul.f32 v13, v8  }
0x9b: {  	v17 =	vsub.s32 $0x5F3759DF, v17;
	v16 =	vmul.f32 v12, v14  }
0x9c: {  	v15 =	vmax.f32 v15, $1.000000000e+00;
	v23 =	vmul.f32 v17, v19;
	v13 =	vsub.f32 $1.500000000e+00, v13  }
0x9d: {  	v21 =	vmax.f32 v21, $1.000000000e+00;
	v20 =	vshra.s32 v15, $0x1;
	v11 =	vmul.f32 v12, v16;
	v16 =	vld [tilespmem:s20+$0x2940]  }
0x9e: {  	v23 =	vmul.f32 v17, v23;
	v10 =	vmax.f32 v10, $1.000000000e+00;
	v13 =	vmul.f32 v13, v8  }
0x9f: {  	v9 =	vmax.f32 v9, $1.000000000e+00;
	v18 =	vshra.s32 v10, $0x1;
	v10 =	vmul.f32 $5.000000000e-01, v10  }
0xa0: {  	v18 =	vsub.s32 $0x5F3759DF, v18;
	v8 =	vshra.s32 v9, $0x1;
	v7 =	vmul.f32 v13, v7  }
0xa1: {  	v11 =	vsub.f32 $1.500000000e+00, v11;
	v22 =	vmul.f32 v18, v10;
	v24 =	vsub.s32 $0x5F3759DF, v8  }
0xa2: {  	v8 =	vmul.f32 $5.000000000e-01, v15;
	v15 =	vmax.f32 v16, $1.000000000e+00;
	v16 =	vmul.f32 v7, v13  }
0xa3: {  	v20 =	vsub.s32 $0x5F3759DF, v20;
	v9 =	vmul.f32 $5.000000000e-01, v9;
	v12 =	vmul.f32 v12, v11  }
0xa4: {  	v11 =	vmul.f32 $5.000000000e-01, v21;
	v22 =	vmul.f32 v18, v22;
	v16 =	vsub.f32 $1.500000000e+00, v16  }
0xa5: {  	v23 =	vsub.f32 $1.500000000e+00, v23;
	v25 =	vmul.f32 v20, v8;
	v26 =	vmul.f32 v12, v14  }
0xa6: {  	v7 =	vmul.f32 $5.000000000e-01, v15;
	v27 =	vmul.f32 v16, v13  }
0xa7: {  	v13 =	vshra.s32 v21, $0x1;
	v16 =	vmul.f32 v17, v23;
	v17 =	vmul.f32 v26, v12  }
0xa8: {  	v15 =	vshra.s32 v15, $0x1;
	v21 =	vsub.s32 $0x5F3759DF, v13;
	v13 =	vmul.f32 v24, v9  }
0xa9: {  	v23 =	vmul.f32 v20, v25;
	v59 =	vmul.f32 v16, v19;
	v17 =	vsub.f32 $1.500000000e+00, v17  }
0xaa: {  	v60 =	vsub.s32 $0x5F3759DF, v15;
	v15 =	vmul.f32 v21, v11;
	v28 =	vmul.f32 v24, v13  }
0xab: {  	v22 =	vsub.f32 $1.500000000e+00, v22;
	v25 =	vmul.f32 v59, v16;
	v13 =	vmul.f32 v17, v12  }
0xac: {  	v12 =	vmul.f32 v60, v7;
	v15 =	vmul.f32 v21, v15  }
0xad: {  	v18 =	vmul.f32 v18, v22;
	v17 =	vsub.f32 $1.500000000e+00, v28;
	v22 =	vsub.f32 $1.500000000e+00, v25  }
0xae: {  	v15 =	vsub.f32 $1.500000000e+00, v15;
	v61 =	vmul.f32 v60, v12;
	v62 =	vmul.f32 v13, v14  }
0xaf: {  	v23 =	vsub.f32 $1.500000000e+00, v23;
	v14 =	vmul.f32 v24, v17;
	v17 =	vmul.f32 v18, v10  }
0xb0: {  	v12 =	vmul.f32 v21, v15;
	v15 =	vmul.f32 v22, v16  }
0xb1: {  	v63 =	vsub.f32 $1.500000000e+00, v61;
	v16 =	vmul.f32 v20, v23;
	v17 =	vmul.f32 v17, v18  }
0xb2: {  	v20 =	vmul.f32 v14, v9;
	v21 =	vmul.f32 v15, v19  }
0xb3: {  	s21 =	simm.s32 $0x200;
	[tilespmem:s20+$0x2970] =	vst v27;
	v19 =	vmul.f32 v62, v13;
	v22 =	vsub.f32 $1.500000000e+00, v17;
	v17 =	vmul.f32 v60, v63  }
.LBB2_7:
0xb4: {  	s22 =	sshra.s32 s21, $0x2;
	p3 =	sne.s32 s21, $0xE00;
	s21 =	sadd.s32 $0x200, s21;
	v20 =	vmul.f32 v20, v14;
	v21 =	vmul.f32 v21, v15  }
0xb5: {  	v23 =	vld [tilespmem:s22+$0x2970];
	v18 =	vmul.f32 v22, v18;
	v22 =	vmul.f32 v16, v8;
	v19 =	vsub.f32 $1.500000000e+00, v19  }
0xb6: {  	v24 =	vmul.f32 v12, v11;
	v25 =	vmul.f32 v17, v7;
	v21 =	vsub.f32 $1.500000000e+00, v21  }
0xb7: {  	v20 =	vsub.f32 $1.500000000e+00, v20;
	v22 =	vmul.f32 v22, v16;
	v13 =	vmul.f32 v19, v13  }
0xb8: {  	v10 =	vmul.f32 v18, v10;
	v15 =	vmul.f32 v21, v15  }
0xb9: {  	v19 =	vmul.f32 v24, v12;
	v21 =	vsub.f32 $1.500000000e+00, v22;
	v22 =	vmul.f32 v25, v17;
	[tilespmem:s20+$0x2960] =	vst v13  }
0xba: {  	v14 =	vmul.f32 v20, v14;
	v10 =	vmul.f32 v10, v18;
	v13 =	vld [tilespmem:s22+$0x2960];
	[tilespmem:s20+$0x2950] =	vst v15  }
0xbb: {  	v15 =	vsub.f32 $1.500000000e+00, v19;
	v16 =	vmul.f32 v21, v16;
	v19 =	vsub.f32 $1.500000000e+00, v22  }
0xbc: {  	v20 =	vmax.f32 v23, $1.000000000e+00;
	v9 =	vmul.f32 v14, v9;
	v10 =	vsub.f32 $1.500000000e+00, v10  }
0xbd: {  	v22 =	vshra.s32 v20, $0x1;
	v20 =	vmul.f32 $5.000000000e-01, v20;
	v21 =	vld [tilespmem:s22+$0x2950];
	v17 =	vmul.f32 v19, v17  }
0xbe: {  	v9 =	vmul.f32 v9, v14;
	v19 =	vsub.s32 $0x5F3759DF, v22;
	v8 =	vmul.f32 v16, v8  }
0xbf: {  	v10 =	vmul.f32 v10, v18;
	v22 =	vmul.f32 v19, v20;
	v13 =	vmax.f32 v13, $1.000000000e+00  }
0xc0: {  	v12 =	vmul.f32 v15, v12;
	v9 =	vsub.f32 $1.500000000e+00, v9;
	v8 =	vmul.f32 v8, v16  }
0xc1: {  	v7 =	vmul.f32 v17, v7;
	v15 =	vshra.s32 v13, $0x1;
	v18 =	vmul.f32 v19, v22;
	[tilespmem:s20+$0x2920] =	vst v10  }
0xc2: {  	v22 =	vmul.f32 $5.000000000e-01, v13;
	v10 =	vmul.f32 v12, v11;
	v8 =	vsub.f32 $1.500000000e+00, v8  }
0xc3: {  	v9 =	vmul.f32 v9, v14;
	v7 =	vmul.f32 v7, v17;
	v13 =	vsub.f32 $1.500000000e+00, v18;
	v11 =	vld [tilespmem:s22+$0x2920]  }
0xc4: {  	v14 =	vmax.f32 v21, $1.000000000e+00;
	v10 =	vmul.f32 v10, v12;
	v8 =	vmul.f32 v8, v16  }
0xc5: {  	v7 =	vsub.f32 $1.500000000e+00, v7;
	v13 =	vmul.f32 v19, v13;
	[tilespmem:s20+$0x2900] =	vst v9  }
0xc6: {  	v15 =	vsub.s32 $0x5F3759DF, v15;
	v10 =	vsub.f32 $1.500000000e+00, v10;
	v9 =	vld [tilespmem:s22+$0x2900];
	[tilespmem:s20+$0x2930] =	vst v8  }
0xc7: {  	v7 =	vmul.f32 v7, v17;
	v16 =	vmul.f32 v13, v20;
	v8 =	vld [tilespmem:s22+$0x2930]  }
0xc8: {  	v17 =	vmul.f32 v15, v22;
	v10 =	vmul.f32 v10, v12  }
0xc9: {  	v19 =	vmul.f32 $5.000000000e-01, v14;
	v12 =	vshra.s32 v14, $0x1;
	v14 =	vmul.f32 v16, v13;
	[tilespmem:s20+$0x2940] =	vst v7  }
0xca: {  	v16 =	vmul.f32 v15, v17;
	v7 =	vmax.f32 v11, $1.000000000e+00;
	v11 =	vld [tilespmem:s22+$0x2940];
	[tilespmem:s20+$0x2910] =	vst v10;
	s20 =	smov.u32 s22  }
0xcb: {  	v12 =	vsub.s32 $0x5F3759DF, v12;
	v14 =	vsub.f32 $1.500000000e+00, v14;
	v9 =	vmax.f32 v9, $1.000000000e+00  }
0xcc: {  	v17 =	vshra.s32 v7, $0x1;
	v10 =	vmul.f32 $5.000000000e-01, v7;
	v7 =	vmax.f32 v8, $1.000000000e+00  }
0xcd: {  	v17 =	vsub.s32 $0x5F3759DF, v17;
	v13 =	vmul.f32 v14, v13;
	v18 =	vshra.s32 v7, $0x1  }
0xce: {  	v23 =	vmul.f32 v12, v19;
	v8 =	vshra.s32 v9, $0x1;
	v21 =	vmul.f32 v17, v10;
	v14 =	vld [tilespmem:s20+$0x2910]  }
0xcf: {  	v9 =	vmul.f32 $5.000000000e-01, v9;
	v24 =	vsub.s32 $0x5F3759DF, v8;
	v20 =	vmul.f32 v13, v20  }
0xd0: {  	v16 =	vsub.f32 $1.500000000e+00, v16;
	v8 =	vmul.f32 $5.000000000e-01, v7;
	v11 =	vmax.f32 v11, $1.000000000e+00  }
0xd1: {  	v25 =	vsub.s32 $0x5F3759DF, v18;
	v7 =	vmul.f32 $5.000000000e-01, v11;
	v18 =	vmul.f32 v20, v13  }
0xd2: {  	v15 =	vmul.f32 v15, v16;
	v11 =	vshra.s32 v11, $0x1;
	v20 =	vmul.f32 v12, v23  }
0xd3: {  	v23 =	vsub.s32 $0x5F3759DF, v11;
	v16 =	vsub.f32 $1.500000000e+00, v18;
	v14 =	vmax.f32 v14, $1.000000000e+00  }
0xd4: {  	v26 =	vmul.f32 v15, v22;
	v18 =	vmul.f32 v25, v8;
	v20 =	vsub.f32 $1.500000000e+00, v20  }
0xd5: {  	v27 =	vshra.s32 v14, $0x1;
	v11 =	vmul.f32 $5.000000000e-01, v14;
	v13 =	vmul.f32 v16, v13  }
0xd6: {  	v14 =	vmul.f32 v25, v18;
	v20 =	vmul.f32 v12, v20;
	v16 =	vsub.s32 $0x5F3759DF, v27  }
0xd7: {  	v12 =	vmul.f32 v17, v21;
	v18 =	vmul.f32 v26, v15;
	[tilespmem:s20+$0x2970] =	vst v13  }
0xd8: {  	v21 =	vsub.f32 $1.500000000e+00, v14;
	v14 =	vmul.f32 v20, v19;
	v13 =	vmul.f32 v24, v9  }
0xd9: {  	v27 =	vmul.f32 v23, v7;
	v26 =	vmul.f32 v16, v11;
	v18 =	vsub.f32 $1.500000000e+00, v18  }
0xda: {  	v12 =	vsub.f32 $1.500000000e+00, v12;
	v14 =	vmul.f32 v14, v20;
	v28 =	vmul.f32 v24, v13  }
0xdb: {  	v26 =	vmul.f32 v16, v26;
	v13 =	vmul.f32 v18, v15  }
0xdc: {  	v18 =	vmul.f32 v17, v12;
	v17 =	vsub.f32 $1.500000000e+00, v14;
	v15 =	vsub.f32 $1.500000000e+00, v28  }
0xdd: {  	v12 =	vsub.f32 $1.500000000e+00, v26;
	v26 =	vmul.f32 v23, v27;
	v27 =	vmul.f32 v13, v22  }
.Ltmp3:
0xde: {  	v22 =	vmul.f32 v18, v10;
	v14 =	vmul.f32 v24, v15;
	(pc) =	sbr.rel @p3 .LBB2_7-.Ltmp3, $4  }
0xdf: {  	v12 =	vmul.f32 v16, v12;
	v24 =	vsub.f32 $1.500000000e+00, v26;
	v15 =	vmul.f32 v17, v20  }
0xe0: {  	v16 =	vmul.f32 v25, v21;
	v17 =	vmul.f32 v22, v18  }
0xe1: {  	v20 =	vmul.f32 v14, v9;
	v21 =	vmul.f32 v15, v19  }
0xe2: {  	v22 =	vsub.f32 $1.500000000e+00, v17;
	v17 =	vmul.f32 v23, v24;
	v19 =	vmul.f32 v27, v13  }
0xe3: {  	v20 =	vmul.f32 v20, v14  }
0xe4: {  	v21 =	vmul.f32 v21, v15;
	v23 =	vmul.f32 v16, v8  }
0xe5: {  	v24 =	vmul.f32 v12, v11;
	v53 =	vmul.f32 v17, v7  }
0xe6: {  	v18 =	vmul.f32 v22, v18;
	v23 =	vmul.f32 v23, v16  }
0xe7: {  	v19 =	vsub.f32 $1.500000000e+00, v19;
	v20 =	vsub.f32 $1.500000000e+00, v20;
	v22 =	vmul.f32 v53, v17  }
0xe8: {  	v24 =	vmul.f32 v24, v12;
	v10 =	vmul.f32 v18, v10;
	v23 =	vsub.f32 $1.500000000e+00, v23  }
0xe9: {  	v13 =	vmul.f32 v19, v13;
	v54 =	vmul.f32 v20, v14;
	v55 =	vsub.f32 $1.500000000e+00, v22  }
0xea: {  	v56 =	vsub.f32 $1.500000000e+00, v24;
	v10 =	vmul.f32 v10, v18;
	v57 =	vmul.f32 v23, v16  }
0xeb: {  	v9 =	vmul.f32 v54, v9;
	v58 =	vmul.f32 v55, v17  }
0xec: {  	v59 =	vmul.f32 v56, v12;
	v8 =	vmul.f32 v57, v8  }
0xed: {  	v60 =	vsub.f32 $1.500000000e+00, v21;
	v9 =	vmul.f32 v9, v54;
	v7 =	vmul.f32 v58, v7  }
0xee: {  	v10 =	vsub.f32 $1.500000000e+00, v10;
	v61 =	vmul.f32 v59, v11;
	v8 =	vmul.f32 v8, v57  }
0xef: {  	v62 =	vmul.f32 v60, v15;
	v9 =	vsub.f32 $1.500000000e+00, v9;
	v7 =	vmul.f32 v7, v58  }
0xf0: {  	[tilespmem:s20+$0x2960] =	vst v13;
	v10 =	vmul.f32 v10, v18;
	v11 =	vmul.f32 v61, v59;
	v8 =	vsub.f32 $1.500000000e+00, v8  }
0xf1: {  	[tilespmem:s20+$0x2950] =	vst v62;
	v9 =	vmul.f32 v9, v54;
	v7 =	vsub.f32 $1.500000000e+00, v7  }
0xf2: {  	[tilespmem:s20+$0x2920] =	vst v10;
	v63 =	vsub.f32 $1.500000000e+00, v11;
	v8 =	vmul.f32 v8, v57  }
0xf3: {  	[tilespmem:s20+$0x2900] =	vst v9;
	v7 =	vmul.f32 v7, v58  }
0xf4: {  	[tilespmem:s20+$0x2930] =	vst v8;
	v8 =	vmul.f32 v63, v59  }
0xf5: {  	[tilespmem:s20+$0x2940] =	vst v7  }
0xf6: {  	[tilespmem:s20+$0x2910] =	vst v8  }
0xf7: {  	[spmem:s6] =	stream.linear.scatter [tilespmem:s15], [sflag:$0x1], $0x400, $0x38;
	[tilespmem:$0x9780] =	vst v63  }
0xf8: {  	_ =	swait.ge [sflag:s12], $0x400  }
0xf9: {  	[sflag:s12] =	ssyncset.done $0x0  }
0xfa: {  	s21 =	simm.s32 @!p2 $0x2900;
	s20 =	simm.s32 @!p2 $0x0;
	[sflag:s12] =	ssyncadd.s32 $0xFFFFFC00  }
0xfb: {  	[hbm4b:s7+s20] =	stream.linear.scatter @!p2 [tilespmem:s21], [sflag:$0x1], $0x400, $0x38;
	[tilespmem:$0x9780] =	vst v63  }
0xfc: {  	s20 =	simm.s32 @!p2 $0x1  }
0xfd: {  	_ =	swait.ge @!p2 [sflag:s20], $0x400  }
0xfe: {  	[sflag:s20] =	ssyncset.done @!p2 $0x0  }
0xff: {  	[sflag:s20] =	ssyncadd.s32 @!p2 $0xFFFFFC00  }
.LBB2_9:
0x100: {  	[bflag:$0x0] =	sbarrier.arrive $0xFFFF  }
0x101: {  	[tilespmem:s16], [sflag:$0x1] =	stream.linear.gather [spmem:s1], $0x2800, $0x38;
	[tilespmem:$0x9780] =	vst v63  }
0x102: {  	_ =	swait.ge [sflag:s12], $0x2800  }
0x103: {  	s20 =	simm.s32 $0x0;
	[sflag:s12] =	ssyncset.done $0x0  }
0x104: {  	p3 =	por p0, p0;
	s21 =	simm.s32 $0x0;
	[sflag:s12] =	ssyncadd.s32 $0xFFFFD800  }
.LBB2_10:
0x105: {  	s22 =	sshll.u32 s21, $0x6  }
0x106: {  	s23 =	sadd.s32 s8, s22  }
0x107: {  	s24 =	simm.s32 $0x1;
	s22 =	sshll.u32 s23, $0x4  }
0x108: {  	s24 =	simm.s32 @!p3 $0x0;
	s25 =	sadd.s32 s4, s22  }
0x109: {  	[tilespmem:s17], [sflag:$0x1] =	stream.linear.gather [hbm4b:s25+s20], $0x2000, $0x38;
	[tilespmem:$0x9780] =	vst v63  }
0x10a: {  	s31 =	sshll.u32 s24, $0x6;
	s24 =	sand.u32 $0x7FFFFF80, s23;
	_ =	swait.ge [sflag:s12], $0x2000  }
0x10b: {  	s23 =	sadd.s32 s24, s31;
	[sflag:s12] =	ssyncset.done $0x0  }
0x10c: {  	v7 =	vmov s23;
	s23 =	simm.s32 $0x0;
	[sflag:s12] =	ssyncadd.s32 $0xFFFFE000  }
0x10d: {  	v8 =	vld [tilespmem:s23+$0x5500]  }
0x10e: {  	v9 =	vld [tilespmem:s23+$0x5510]  }
0x10f: {  	v10 =	vld [tilespmem:s23+$0x5520]  }
0x110: {  	v11 =	vld [tilespmem:s23+$0x5530]  }
0x111: {  	v7 =	vld.idx.msk [tilespmem:v7+s16+$0x0], $0xffff  }
0x112: {  	v12 =	vld [tilespmem:s23+$0x5540]  }
0x113: {  	v13 =	vld [tilespmem:s23+$0x5550]  }
0x114: {  	v14 =	vld [tilespmem:s23+$0x5560]  }
0x115: {  	v15 =	vld [tilespmem:s23+$0x5570]  }
0x116: {  	v8 =	vmul.f32 v8, v7  }
0x117: {  	v9 =	vmul.f32 v9, v7  }
0x118: {  	v16 =	vmul.f32 v10, v7;
	v11 =	vmul.f32 v11, v7;
	[tilespmem:s23+$0x7500] =	vst v8  }
0x119: {  	s25 =	sadd.s32 $0x1, s31;
	v10 =	vmul.f32 v12, v7;
	v8 =	vmul.f32 v13, v7;
	[tilespmem:s23+$0x7510] =	vst v9  }
0x11a: {  	s26 =	simm.s32 $0x200;
	s28 =	simm.s32 $0x400;
	s29 =	sadd.s32 s24, s25;
	v9 =	vmul.f32 v14, v7;
	v7 =	vmul.f32 v15, v7;
	[tilespmem:s23+$0x7520] =	vst v16  }
.LBB2_11:
0x11b: {  	p4 =	sne.s32 s28, $0x7E00;
	v12 =	vmov s29;
	s29 =	sshra.s32 s26, $0x2;
	[tilespmem:s23+$0x7530] =	vst v11;
	s26 =	smov.u32 s28  }
0x11c: {  	v11 =	vld [tilespmem:s29+$0x5500];
	[tilespmem:s23+$0x7540] =	vst v10  }
0x11d: {  	v10 =	vld [tilespmem:s29+$0x5510];
	[tilespmem:s23+$0x7550] =	vst v8  }
0x11e: {  	v8 =	vld [tilespmem:s29+$0x5520];
	[tilespmem:s23+$0x7560] =	vst v9  }
0x11f: {  	v9 =	vld [tilespmem:s29+$0x5530];
	[tilespmem:s23+$0x7570] =	vst v7;
	s23 =	smov.u32 s29  }
0x120: {  	v7 =	vld.idx.msk [tilespmem:v12+s16+$0x0], $0xffff  }
0x121: {  	v12 =	vld [tilespmem:s23+$0x5540]  }
0x122: {  	v13 =	vld [tilespmem:s23+$0x5550]  }
0x123: {  	v14 =	vld [tilespmem:s23+$0x5560]  }
0x124: {  	v15 =	vld [tilespmem:s23+$0x5570];
	_ =	sdelay $0x1  }
.Ltmp4:
0x125: {  	v16 =	vmul.f32 v11, v7;
	v17 =	vmul.f32 v10, v7;
	(pc) =	sbr.rel @p4 .LBB2_11-.Ltmp4, $4  }
0x126: {  	v18 =	vmul.f32 v8, v7;
	v11 =	vmul.f32 v9, v7  }
0x127: {  	v10 =	vmul.f32 v12, v7;
	v8 =	vmul.f32 v13, v7;
	[tilespmem:s23+$0x7500] =	vst v16  }
0x128: {  	s25 =	sadd.s32 $0x1, s25;
	v9 =	vmul.f32 v14, v7;
	[tilespmem:s23+$0x7510] =	vst v17;
	v7 =	vmul.f32 v15, v7  }
0x129: {  	s28 =	sadd.s32 $0x200, s28;
	s29 =	sadd.s32 s24, s25;
	[tilespmem:s23+$0x7520] =	vst v18  }
0x12a: {  	s24 =	sshra.s32 s26, $0x2;
	[tilespmem:s23+$0x7530] =	vst v11;
	v12 =	vmov s29  }
0x12b: {  	v11 =	vld [tilespmem:s24+$0x5500];
	[tilespmem:s23+$0x7540] =	vst v10  }
0x12c: {  	v10 =	vld [tilespmem:s24+$0x5510];
	[tilespmem:s23+$0x7550] =	vst v8  }
0x12d: {  	v8 =	vld [tilespmem:s24+$0x5520];
	[tilespmem:s23+$0x7560] =	vst v9  }
0x12e: {  	v9 =	vld [tilespmem:s24+$0x5530];
	[tilespmem:s23+$0x7570] =	vst v7  }
0x12f: {  	v7 =	vld.idx.msk [tilespmem:v12+s16+$0x0], $0xffff;
	_ =	sdelay $0x3  }
0x130: {  	v61 =	vld [tilespmem:s24+$0x5540]  }
0x131: {  	v14 =	vld [tilespmem:s24+$0x5560];
	v11 =	vmul.f32 v11, v7  }
0x132: {  	v13 =	vld [tilespmem:s24+$0x5550];
	v10 =	vmul.f32 v10, v7  }
0x133: {  	v15 =	vld [tilespmem:s24+$0x5570];
	v8 =	vmul.f32 v8, v7;
	[tilespmem:s24+$0x7500] =	vst v11  }
0x134: {  	v9 =	vmul.f32 v9, v7;
	[tilespmem:s24+$0x7510] =	vst v10  }
0x135: {  	v62 =	vmul.f32 v61, v7;
	[tilespmem:s24+$0x7520] =	vst v8  }
0x136: {  	v63 =	vmul.f32 v14, v7;
	[tilespmem:s24+$0x7530] =	vst v9  }
0x137: {  	v8 =	vmul.f32 v13, v7;
	[tilespmem:s24+$0x7540] =	vst v62  }
0x138: {  	s21 =	sadd.s32 $0x1, s21;
	v7 =	vmul.f32 v15, v7;
	[tilespmem:s24+$0x7560] =	vst v63  }
0x139: {  	p4 =	sne.s32 s21, $0x5;
	[tilespmem:s24+$0x7550] =	vst v8  }
.Ltmp5:
0x13a: {  	s22 =	sadd.s32 s5, s22;
	[tilespmem:s24+$0x7570] =	vst v7;
	(pc) =	sbr.rel @p4 .LBB2_10-.Ltmp5, $4  }
0x13b: {  	[hbm4b:s22+s3] =	stream.linear.scatter [tilespmem:s18], [sflag:$0x1], $0x2000, $0x38;
	[tilespmem:$0x9780] =	vst v63  }
0x13c: {  	_ =	swait.ge [sflag:s12], $0x2000  }
0x13d: {  	[sflag:s12] =	ssyncset.done $0x0  }
0x13e: {  	p3 =	por !p3, !p3;
	[sflag:s12] =	ssyncadd.s32 $0xFFFFE000  }
0x13f: {  	s19 =	sadd.s32 $0x1, s19  }
0x140: {  	p3 =	sne.s32 s19, s9  }
.Ltmp6:
0x141: {  	_ = 	snop;
	(pc) =	sbr.rel @p3 .LBB2_1-.Ltmp6, $1  }
0x142: {  	_ =	sdelay $0x3  }
0x143: {  	_ =	sfence.sel $0x180000  }
0x144: {  	[bflag:$0x0] =	sbarrier.arrive $0xFFFF  }
0x145: {  	p0 =	sne.s32 s2, $0x0;
	_ =	strace $0x90000047  }
0x146: {  	s0 =	sadd.s32 @!p0 $0x100000, s0;
	[bflag:$0x2] =	sbarrier.arrive $0xFFFF  }
0x147: {  	[sflag:s0] =	ssyncadd.tile.s32 @!p0 $0x1;
	_ =	shalt  }
.Lfunc_end2:
_tile_overlayer_lowered:
.L_overlay_start_2:
0x148: {  	(tag) =	ssettag $0x2  }
0x149: {  	s0 =	rddreg [dreg:$0x0];
	s2 =	stileid.u32  }
0x14a: {  	s1 =	rddreg [dreg:$0x1];
	p0 =	sne.s32 s2, $0x0  }
0x14b: {  	s3 =	rddreg [dreg:$0x2];
	[bflag:$0x3] =	sbarrier.arrive $0xFFFF;
	s2 =	simm.s32 @!p0 $0x1C01  }
0x14c: {  	[timem:s3], [sflag:s2] =	dma.local @!p0 [hbm:s0], s1  }
0x14d: {  	s0 =	simm.s32 @!p0 $0x1  }
0x14e: {  	_ =	swait.ge @!p0 [sflag:s0], s1  }
0x14f: {  	s1 =	ssub.s32 @!p0 $0x0, s1;
	[sflag:s0] =	ssyncset.done @!p0 $0x0  }
0x150: {  	[sflag:s0] =	ssyncadd.s32 @!p0 s1  }
0x151: {  	[bflag:$0x3] =	sbarrier.arrive $0xFFFF  }
0x152: {  	_ =	shalt  }

</sc_bundles>
